<compile_context>
chip_gen: v7x
topology: tpu7x:2x2x1
jax: 0.10.2.dev20260603
libtpu: 0.0.44.dev20260713+nightly
codegen_flags: <defaults>
</compile_context>

<pallas_src>
import functools

import jax
import jax.numpy as jnp
from jax import lax
from jax.experimental import pallas as pl
from jax.experimental.pallas import tpu as pltpu
from jax.experimental.pallas import tpu_sc as plsc

N = 10000
E = 320000
F = 128
FH = 64
P = 12

NC = 2
NS = 16
L = 16

NP = 10240
EPAD = 327680
EROWS = EPAD // 128
ROWS64 = EPAD // 64
ROWS_K1 = EROWS // (NC * NS)
ROWS_K3 = EROWS // NS
SLICE = NP // NS
PHALF = P // NC

_mesh = plsc.VectorSubcoreMesh(
    core_axis_name="c", subcore_axis_name="s", num_cores=NC, num_subcores=NS)

def _splat_lane(vec, lane):
    idx = jax.lax.broadcast_in_dim(lane.astype(jnp.int32), (L, 1), ())
    return jax.lax.gather(
        vec, idx,
        dimension_numbers=jax.lax.GatherDimensionNumbers(
            offset_dims=(), collapsed_slice_dims=(0,), start_index_map=(0,)),
        slice_sizes=(1,),
        mode=jax.lax.GatherScatterMode.PROMISE_IN_BOUNDS)


@functools.partial(
    pl.kernel,
    out_type=jax.ShapeDtypeStruct((NC, NP), jnp.float32),
    mesh=_mesh,
    scratch_types=[
        pltpu.VMEM((ROWS_K1, 128), jnp.int32),
        pltpu.VMEM((ROWS_K1, 128), jnp.float32),
        pltpu.VMEM((SLICE,), jnp.float32),
        pltpu.VMEM_SHARED((NP,), jnp.float32),
    ],
)
def _k1_degree(dst_hbm, w_hbm, out_hbm, dstb, wb, zb, acc):
    c = lax.axis_index("c")
    s = lax.axis_index("s")
    row0 = c * (EROWS // NC) + s * ROWS_K1
    pltpu.sync_copy(dst_hbm.at[pl.ds(row0, ROWS_K1)], dstb)
    pltpu.sync_copy(w_hbm.at[pl.ds(row0, ROWS_K1)], wb)

    z16 = jnp.zeros((L,), jnp.float32)

    def zrow(i, _):
        zb[pl.ds(i * L, L)] = z16
        return 0
    lax.fori_loop(0, SLICE // L, zrow, 0)
    pltpu.sync_copy(zb, acc.at[pl.ds(s * SLICE, SLICE)])
    plsc.subcore_barrier()

    def body(j, _):
        pltpu.sync_copy(wb.at[j], acc.at[dstb.at[j]], add=True)
        return 0
    lax.fori_loop(0, ROWS_K1, body, 0)
    plsc.subcore_barrier()
    pltpu.sync_copy(acc.at[pl.ds(s * SLICE, SLICE)],
                    out_hbm.at[c, pl.ds(s * SLICE, SLICE)])


@functools.partial(
    pl.kernel,
    out_type=jax.ShapeDtypeStruct((EROWS, 128), jnp.float32),
    mesh=_mesh,
    compiler_params=pltpu.CompilerParams(needs_layout_passes=False),
    scratch_types=[
        pltpu.VMEM((EROWS // 32, 128), jnp.int32),
        pltpu.VMEM((EROWS // 32, 128), jnp.float32),
        pltpu.VMEM((NP,), jnp.float32),
    ],
)
def _k2_coeff(src_hbm, w_hbm, dinv_hbm, out_hbm, srcb, wb, dinvb):
    c = lax.axis_index("c")
    s = lax.axis_index("s")
    nrows = EROWS // 32
    row0 = (c * NS + s) * nrows
    pltpu.sync_copy(src_hbm.at[pl.ds(row0, nrows)], srcb)
    pltpu.sync_copy(w_hbm.at[pl.ds(row0, nrows)], wb)
    pltpu.sync_copy(dinv_hbm, dinvb)

    def crow(j, _):
        for k in range(128 // L):
            sl = pl.ds(k * L, L)
            gv = plsc.load_gather(dinvb, [srcb[j, sl]])
            wb[j, sl] = wb[j, sl] * gv
        return 0
    lax.fori_loop(0, nrows, crow, 0)
    pltpu.sync_copy(wb, out_hbm.at[pl.ds(row0, nrows)])


@functools.partial(
    pl.kernel,
    out_type=jax.ShapeDtypeStruct((P, NP, F), jnp.float32),
    mesh=_mesh,
    compiler_params=pltpu.CompilerParams(needs_layout_passes=False),
    scratch_types=[
        pltpu.VMEM((32, 128), jnp.int32),
        pltpu.VMEM((32, 128), jnp.int32),
        pltpu.VMEM((32, 128), jnp.float32),
        pltpu.VMEM((16, F), jnp.float32),
        pltpu.VMEM((2, 128, F), jnp.float32),
        pltpu.VMEM_SHARED((NP, F), jnp.float32),
        [pltpu.SemaphoreType.DMA] * 8,
        [pltpu.SemaphoreType.DMA] * 2,
    ],
)
def _k3_aggregate(xt_hbm, src_hbm, dst_hbm, c_hbm, out_hbm,
                  srcb, dstb, cb, zb, rowb, acc, sg, ss):
    c = lax.axis_index("c")
    s = lax.axis_index("s")
    GR = 32
    NG = ROWS_K3 // GR
    NST = 4
    SW = 128 // NST

    z16 = jnp.zeros((L,), jnp.float32)

    def zrow(a, _):
        for k in range(F // L):
            zb[a, pl.ds(k * L, L)] = z16
        return 0
    lax.fori_loop(0, 16, zrow, 0)

    def gather_batch(j, b):
        for h in range(NST):
            pltpu.async_copy(
                xt_hbm.at[srcb.at[j, pl.ds(h * SW, SW)]],
                rowb.at[b, pl.ds(h * SW, SW)], sg[b * NST + h])

    def wait_gathers(j, b):
        for h in range(NST):
            pltpu.make_async_copy(
                xt_hbm.at[srcb.at[j, pl.ds(h * SW, SW)]],
                rowb.at[b, pl.ds(h * SW, SW)], sg[b * NST + h]).wait()

    def scale_batch(j, b):
        def srow(rb, _):
            cvec = cb[j, pl.ds(rb * L, L)]
            for lane in range(L):
                sp = _splat_lane(cvec, jnp.int32(lane))
                r = rb * L + lane
                for k in range(F // L):
                    sl = pl.ds(k * L, L)
                    rowb[b, r, sl] = rowb[b, r, sl] * sp
            return 0
        lax.fori_loop(0, 128 // L, srow, 0)

    def period(ip, _):
        pg = c * PHALF + ip

        def zslice(u, _):
            pltpu.sync_copy(zb, acc.at[pl.ds(s * SLICE + u * 16, 16)])
            return 0
        lax.fori_loop(0, SLICE // 16, zslice, 0)
        plsc.subcore_barrier()

        def group(g, _):
            row0 = s * ROWS_K3 + g * GR
            pltpu.sync_copy(src_hbm.at[pg, pl.ds(row0, GR)], srcb)
            pltpu.sync_copy(dst_hbm.at[pl.ds(row0, GR)], dstb)
            pltpu.sync_copy(c_hbm.at[pl.ds(row0, GR)], cb)
            gather_batch(0, 0)

            def pairbody(pair, _):
                for b in range(2):
                    j = pair * 2 + b
                    wait_gathers(j, b)
                    if b == 0:
                        @pl.when(pair > 0)
                        def _():
                            pltpu.make_async_copy(
                                rowb.at[1], acc.at[dstb.at[j - 1]],
                                ss[1]).wait()
                        gather_batch(j + 1, 1)
                    else:
                        pltpu.make_async_copy(
                            rowb.at[0], acc.at[dstb.at[j - 1]], ss[0]).wait()

                        @pl.when(pair < GR // 2 - 1)
                        def _():
                            gather_batch(j + 1, 0)
                    scale_batch(j, b)
                    pltpu.async_copy(
                        rowb.at[b], acc.at[dstb.at[j]], ss[b], add=True)
                return 0
            lax.fori_loop(0, GR // 2, pairbody, 0)
            pltpu.make_async_copy(
                rowb.at[1], acc.at[dstb.at[GR - 1]], ss[1]).wait()
            return 0
        lax.fori_loop(0, NG, group, 0)
        plsc.subcore_barrier()

        def dump(u, _):
            sl = pl.ds(s * SLICE + u * 128, 128)
            pltpu.sync_copy(acc.at[sl], out_hbm.at[pg, sl])
            return 0
        lax.fori_loop(0, SLICE // 128, dump, 0)
        return 0
    lax.fori_loop(0, PHALF, period, 0)


def _k4_body(eagg, xt, dinv, att, Wz, Wh, Wlz, Wlh, bz, bh, blz, blh,
             Wfc, bfc, out):
    probs = jax.nn.softmax(att[0, :])
    Mz = jnp.dot(Wz[...], Wlz[0:FH, :], preferred_element_type=jnp.float32)
    Mh = jnp.dot(Wh[...], Wlh[0:FH, :], preferred_element_type=jnp.float32)
    cbz = jnp.dot(bz[...], Wlz[0:FH, :],
                  preferred_element_type=jnp.float32) + blz[...]
    cbh = jnp.dot(bh[...], Wlh[0:FH, :],
                  preferred_element_type=jnp.float32) + blh[...]
    dv = dinv[...]
    acc = jnp.zeros((eagg.shape[1], FH), jnp.float32)
    for p in range(P):
        agg = dv * (eagg[p] + dv * xt[p])
        Z = jax.nn.sigmoid(
            jnp.dot(agg, Mz, preferred_element_type=jnp.float32) + cbz)
        Ht = jnp.tanh(
            jnp.dot(agg, Mh, preferred_element_type=jnp.float32) + cbh)
        acc = acc + probs[p] * (1.0 - Z) * Ht
    h = jax.nn.relu(acc)
    out[...] = jnp.dot(h, Wfc[...], preferred_element_type=jnp.float32) \
        + bfc[...]


_BLK = 1000

_k4 = pl.pallas_call(
    _k4_body,
    grid=(N // _BLK,),
    in_specs=[
        pl.BlockSpec((P, _BLK, F), lambda i: (0, i, 0)),
        pl.BlockSpec((P, _BLK, F), lambda i: (0, i, 0)),
        pl.BlockSpec((_BLK, 1), lambda i: (i, 0)),
        pl.BlockSpec((1, P), lambda i: (0, 0)),
        pl.BlockSpec((F, FH), lambda i: (0, 0)),
        pl.BlockSpec((F, FH), lambda i: (0, 0)),
        pl.BlockSpec((2 * FH, FH), lambda i: (0, 0)),
        pl.BlockSpec((2 * FH, FH), lambda i: (0, 0)),
        pl.BlockSpec((1, FH), lambda i: (0, 0)),
        pl.BlockSpec((1, FH), lambda i: (0, 0)),
        pl.BlockSpec((1, FH), lambda i: (0, 0)),
        pl.BlockSpec((1, FH), lambda i: (0, 0)),
        pl.BlockSpec((FH, 1), lambda i: (0, 0)),
        pl.BlockSpec((1, 1), lambda i: (0, 0)),
    ],
    out_specs=pl.BlockSpec((_BLK, 1), lambda i: (i, 0)),
    out_shape=jax.ShapeDtypeStruct((N, 1), jnp.float32),
)


def kernel(X, edge_index, edge_weight, attention, Wz, bz, Wr, br, Wh, bh,
           Wlz, blz, Wlr, blr, Wlh, blh, W_fc, b_fc):
    src = edge_index[0]
    dst = edge_index[1]
    pad = EPAD - E
    src2d = jnp.concatenate(
        [src, jnp.zeros((pad,), src.dtype)]).reshape(EROWS, 128)
    dst2d = jnp.concatenate(
        [dst, jnp.zeros((pad,), dst.dtype)]).reshape(EROWS, 128)
    w2d = jnp.concatenate(
        [edge_weight, jnp.zeros((pad,), edge_weight.dtype)]
    ).reshape(EROWS, 128)

    xt = jnp.transpose(X, (2, 0, 1))
    xt2 = xt.reshape(P * N, F)

    degp = _k1_degree(dst2d, w2d)
    deg = degp[0, :N] + degp[1, :N] + 1.0
    dinv = jnp.where(deg > 0,
                     jax.lax.rsqrt(jnp.maximum(deg, 1e-12)),
                     0.0)

    dinv_pad = jnp.concatenate([dinv, jnp.zeros((NP - N,), jnp.float32)])
    c2d = _k2_coeff(src2d, w2d, dinv_pad)
    src_off = src2d[None, :, :] + (
        jnp.arange(P, dtype=jnp.int32) * N)[:, None, None]
    eagg = _k3_aggregate(xt2, src_off, dst2d, c2d)

    out = _k4(
        eagg[:, :N, :], xt, dinv.reshape(N, 1), attention.reshape(1, P),
        Wz, Wh, Wlz, Wlh,
        bz.reshape(1, FH), bh.reshape(1, FH),
        blz.reshape(1, FH), blh.reshape(1, FH),
        W_fc, b_fc.reshape(1, 1))
    return out

# --- scband reference (transcript-rebuilt; emitter-appended) ---
"""Pipeline reference for scband-attention-gnn-78666620993886 (READ-ONLY COPY).

The authoritative reference and input builder live on the scoring server;
editing this copy changes nothing except your own understanding.
"""

import jax, jax.numpy as jnp
import numpy as np

N = 10000
E = 320000
F_IN = 128
F_H = 64
P = 12

def _glorot(k, shape):
    lim = float(np.sqrt(6.0 / (shape[0] + shape[1])))
    return jax.random.uniform(k, shape, minval=-lim, maxval=lim, dtype=jnp.float32)

def setup_inputs(seed: int = 0) -> dict:
    key = jax.random.key(seed)
    ks = jax.random.split(key, 16)
    inp = {}
    inp['X'] = jax.random.normal(ks[0], (N, F_IN, P), dtype=jnp.float32)
    inp['edge_index'] = jax.random.randint(ks[1], (2, E), 0, N, dtype=jnp.int32)
    inp['edge_weight'] = jax.random.uniform(ks[2], (E,), dtype=jnp.float32)
    inp['attention'] = jax.random.uniform(ks[3], (P,), dtype=jnp.float32)
    inp['Wz'] = _glorot(ks[4], (F_IN, F_H)); inp['bz'] = jnp.zeros((F_H,), jnp.float32)
    inp['Wr'] = _glorot(ks[5], (F_IN, F_H)); inp['br'] = jnp.zeros((F_H,), jnp.float32)
    inp['Wh'] = _glorot(ks[6], (F_IN, F_H)); inp['bh'] = jnp.zeros((F_H,), jnp.float32)
    inp['Wlz'] = _glorot(ks[7], (2 * F_H, F_H)); inp['blz'] = jnp.zeros((F_H,), jnp.float32)
    inp['Wlr'] = _glorot(ks[8], (2 * F_H, F_H)); inp['blr'] = jnp.zeros((F_H,), jnp.float32)
    inp['Wlh'] = _glorot(ks[9], (2 * F_H, F_H)); inp['blh'] = jnp.zeros((F_H,), jnp.float32)
    inp['W_fc'] = _glorot(ks[10], (F_H, 1)); inp['b_fc'] = jnp.zeros((1,), jnp.float32)
    return inp

def _gcn(xw, src, dst, norm, b):
    msg = xw[src] * norm[:, None]
    return jax.ops.segment_sum(msg, dst, num_segments=N) + b

def reference(X, edge_index, edge_weight, attention, Wz, bz, Wr, br, Wh, bh, Wlz, blz, Wlr, blr, Wlh, blh, W_fc, b_fc):
    src = edge_index[0]
    dst = edge_index[1]
    loop = jnp.arange(N, dtype=src.dtype)
    src2 = jnp.concatenate([src, loop])
    dst2 = jnp.concatenate([dst, loop])
    w2 = jnp.concatenate([edge_weight, jnp.ones((N,), dtype=edge_weight.dtype)])
    deg = jax.ops.segment_sum(w2, dst2, num_segments=N)
    dinv = jnp.where(deg > 0, jax.lax.rsqrt(jnp.maximum(deg, 1e-12)), 0.0)
    norm = dinv[src2] * w2 * dinv[dst2]
    probs = jax.nn.softmax(attention, axis=0)
    H_accum = jnp.zeros((N, F_H), dtype=X.dtype)
    H0 = jnp.zeros((N, F_H), dtype=X.dtype)
    for p in range(P):
        x = X[:, :, p]
        cz = _gcn(x @ Wz, src2, dst2, norm, bz)
        Z = jax.nn.sigmoid(jnp.concatenate([cz, H0], axis=1) @ Wlz + blz)
        cr = _gcn(x @ Wr, src2, dst2, norm, br)
        R = jax.nn.sigmoid(jnp.concatenate([cr, H0], axis=1) @ Wlr + blr)
        ch = _gcn(x @ Wh, src2, dst2, norm, bh)
        Ht = jnp.tanh(jnp.concatenate([ch, R * H0], axis=1) @ Wlh + blh)
        Hn = Z * H0 + (1.0 - Z) * Ht
        H_accum = H_accum + probs[p] * Hn
    h = jax.nn.relu(H_accum)
    return h @ W_fc + b_fc

if __name__ == "__main__":
    import jax
    _d = setup_inputs()
    print(jax.jit(kernel)(*tuple(_d.values())))

</pallas_src>

<mosaic_0001>
#map = affine_map<(d0, d1) -> (0, 0)>
#map1 = affine_map<(d0, d1) -> (0)>
module attributes {stable_mosaic.version = 14 : i64} {
  func.func @_k2_coeff(%arg0: i32, %arg1: i32, %arg2: memref<2560x128xi32, #tpu.memory_space<hbm>>, %arg3: memref<2560x128xf32, #tpu.memory_space<hbm>>, %arg4: memref<10240xf32, #tpu.memory_space<hbm>>, %arg5: memref<2560x128xf32, #tpu.memory_space<hbm>>, %arg6: memref<80x128xi32, #tpu.memory_space<vmem>>, %arg7: memref<80x128xf32, #tpu.memory_space<vmem>>, %arg8: memref<10240xf32, #tpu.memory_space<vmem>>) attributes {dimension_semantics = [#tpu.dimension_semantics<core_parallel>, #tpu.dimension_semantics<subcore_parallel>], iteration_bounds = array<i64: 2, 16>, scalar_prefetch = 0 : i64, scratch_operands = 3 : i64, tpu.core_type = #tpu.core_type<sc_vector_subcore>, window_params = [{transform_indices = #map}, {transform_indices = #map}, {transform_indices = #map1}, {transform_indices = #map}]} {
    %mul3A = arith.constant 16 : i32
    %mul3A_0 = arith.muli %arg0, %mul3A : i32
    %add3A = arith.addi %mul3A_0, %arg1 : i32
    %mul3A_1 = arith.constant 80 : i32
    %mul3A_2 = arith.muli %add3A, %mul3A_1 : i32
    "tpu.region"() ({
      %run_scoped3A = tpu.sem_alloc : memref<!tpu.dma_semaphore, #tpu.memory_space<semaphore_mem>>
      %dma_start3A = arith.constant 0 : i32
      %dma_start3A_9 = tpu.memref_slice %arg2[%mul3A_2, %dma_start3A] : memref<2560x128xi32, #tpu.memory_space<hbm>> -> memref<80x128xi32, #tpu.memory_space<hbm>>
      %dma_start3A_10 = arith.constant 0 : i32
      %dma_start3A_11 = tpu.memref_slice %arg2[%mul3A_2, %dma_start3A_10] : memref<2560x128xi32, #tpu.memory_space<hbm>> -> memref<80x128xi32, #tpu.memory_space<hbm>>
      tpu.enqueue_dma source(%dma_start3A_11 : memref<80x128xi32, #tpu.memory_space<hbm>>) target(%arg6 : memref<80x128xi32, #tpu.memory_space<vmem>>) target_semaphore(%run_scoped3A : memref<!tpu.dma_semaphore, #tpu.memory_space<semaphore_mem>>)
      %dma_wait3A = arith.constant 0 : i32
      %dma_wait3A_12 = tpu.memref_slice %arg2[%mul3A_2, %dma_wait3A] : memref<2560x128xi32, #tpu.memory_space<hbm>> -> memref<80x128xi32, #tpu.memory_space<hbm>>
      %dma_wait3A_13 = arith.constant 0 : i32
      %dma_wait3A_14 = tpu.memref_slice %arg2[%mul3A_2, %dma_wait3A_13] : memref<2560x128xi32, #tpu.memory_space<hbm>> -> memref<80x128xi32, #tpu.memory_space<hbm>>
      tpu.wait_dma2 semaphore(%run_scoped3A : memref<!tpu.dma_semaphore, #tpu.memory_space<semaphore_mem>>) src(%dma_wait3A_14 : memref<80x128xi32, #tpu.memory_space<hbm>>) dst(%arg6 : memref<80x128xi32, #tpu.memory_space<vmem>>)
      tpu.yield
    }) : () -> ()
    "tpu.region"() ({
      %run_scoped3A = tpu.sem_alloc : memref<!tpu.dma_semaphore, #tpu.memory_space<semaphore_mem>>
      %dma_start3A = arith.constant 0 : i32
      %dma_start3A_9 = tpu.memref_slice %arg3[%mul3A_2, %dma_start3A] : memref<2560x128xf32, #tpu.memory_space<hbm>> -> memref<80x128xf32, #tpu.memory_space<hbm>>
      %dma_start3A_10 = arith.constant 0 : i32
      %dma_start3A_11 = tpu.memref_slice %arg3[%mul3A_2, %dma_start3A_10] : memref<2560x128xf32, #tpu.memory_space<hbm>> -> memref<80x128xf32, #tpu.memory_space<hbm>>
      tpu.enqueue_dma source(%dma_start3A_11 : memref<80x128xf32, #tpu.memory_space<hbm>>) target(%arg7 : memref<80x128xf32, #tpu.memory_space<vmem>>) target_semaphore(%run_scoped3A : memref<!tpu.dma_semaphore, #tpu.memory_space<semaphore_mem>>)
      %dma_wait3A = arith.constant 0 : i32
      %dma_wait3A_12 = tpu.memref_slice %arg3[%mul3A_2, %dma_wait3A] : memref<2560x128xf32, #tpu.memory_space<hbm>> -> memref<80x128xf32, #tpu.memory_space<hbm>>
      %dma_wait3A_13 = arith.constant 0 : i32
      %dma_wait3A_14 = tpu.memref_slice %arg3[%mul3A_2, %dma_wait3A_13] : memref<2560x128xf32, #tpu.memory_space<hbm>> -> memref<80x128xf32, #tpu.memory_space<hbm>>
      tpu.wait_dma2 semaphore(%run_scoped3A : memref<!tpu.dma_semaphore, #tpu.memory_space<semaphore_mem>>) src(%dma_wait3A_14 : memref<80x128xf32, #tpu.memory_space<hbm>>) dst(%arg7 : memref<80x128xf32, #tpu.memory_space<vmem>>)
      tpu.yield
    }) : () -> ()
    "tpu.region"() ({
      %run_scoped3A = tpu.sem_alloc : memref<!tpu.dma_semaphore, #tpu.memory_space<semaphore_mem>>
      tpu.enqueue_dma source(%arg4 : memref<10240xf32, #tpu.memory_space<hbm>>) target(%arg8 : memref<10240xf32, #tpu.memory_space<vmem>>) target_semaphore(%run_scoped3A : memref<!tpu.dma_semaphore, #tpu.memory_space<semaphore_mem>>)
      tpu.wait_dma2 semaphore(%run_scoped3A : memref<!tpu.dma_semaphore, #tpu.memory_space<semaphore_mem>>) src(%arg4 : memref<10240xf32, #tpu.memory_space<hbm>>) dst(%arg8 : memref<10240xf32, #tpu.memory_space<vmem>>)
      tpu.yield
    }) : () -> ()
    %scan3A = arith.constant 0 : i32
    %scan3A_3 = arith.constant 0 : i32
    %scan3A_4 = arith.constant 80 : i32
    %scan3A_5 = arith.addi %scan3A_3, %scan3A_4 : i32
    %scan3A_6 = arith.constant 1 : i32
    %scan3A_7 = scf.for %scan3A_9 = %scan3A_3 to %scan3A_5 step %scan3A_6 iter_args(%scan3A_10 = %scan3A) -> (i32)  : i32 {
      %get3A = arith.index_cast %scan3A_9 : i32 to index
      %get3A_11 = arith.constant 0 : index
      %get3A_12 = tpu.vector_load %arg6[%get3A, %get3A_11] {strides = array<i32>} : memref<80x128xi32, #tpu.memory_space<vmem>>, vector<16xi32>,
      %gather3A = tpu.vector_load_idx %arg8[%get3A_12] : memref<10240xf32, #tpu.memory_space<vmem>>[vector<16xi32>], vector<16xf32>,
      %get3A_13 = arith.index_cast %scan3A_9 : i32 to index
      %get3A_14 = arith.constant 0 : index
      %get3A_15 = tpu.vector_load %arg7[%get3A_13, %get3A_14] {strides = array<i32>} : memref<80x128xf32, #tpu.memory_space<vmem>>, vector<16xf32>,
      %mul3A_16 = arith.mulf %get3A_15, %gather3A : vector<16xf32>
      %swap3A = arith.index_cast %scan3A_9 : i32 to index
      %swap3A_17 = arith.constant 0 : index
      %swap3A_18 = tpu.vector_load %arg7[%swap3A, %swap3A_17] {strides = array<i32>} : memref<80x128xf32, #tpu.memory_space<vmem>>, vector<16xf32>,
      tpu.vector_store %arg7[%swap3A, %swap3A_17], %mul3A_16 {strides = array<i32>} : memref<80x128xf32, #tpu.memory_space<vmem>>, vector<16xf32>,
      %get3A_19 = arith.index_cast %scan3A_9 : i32 to index
      %get3A_20 = arith.constant 16 : index
      %get3A_21 = tpu.vector_load %arg6[%get3A_19, %get3A_20] {strides = array<i32>} : memref<80x128xi32, #tpu.memory_space<vmem>>, vector<16xi32>,
      %gather3A_22 = tpu.vector_load_idx %arg8[%get3A_21] : memref<10240xf32, #tpu.memory_space<vmem>>[vector<16xi32>], vector<16xf32>,
      %get3A_23 = arith.index_cast %scan3A_9 : i32 to index
      %get3A_24 = arith.constant 16 : index
      %get3A_25 = tpu.vector_load %arg7[%get3A_23, %get3A_24] {strides = array<i32>} : memref<80x128xf32, #tpu.memory_space<vmem>>, vector<16xf32>,
      %mul3A_26 = arith.mulf %get3A_25, %gather3A_22 : vector<16xf32>
      %swap3A_27 = arith.index_cast %scan3A_9 : i32 to index
      %swap3A_28 = arith.constant 16 : index
      %swap3A_29 = tpu.vector_load %arg7[%swap3A_27, %swap3A_28] {strides = array<i32>} : memref<80x128xf32, #tpu.memory_space<vmem>>, vector<16xf32>,
      tpu.vector_store %arg7[%swap3A_27, %swap3A_28], %mul3A_26 {strides = array<i32>} : memref<80x128xf32, #tpu.memory_space<vmem>>, vector<16xf32>,
      %get3A_30 = arith.index_cast %scan3A_9 : i32 to index
      %get3A_31 = arith.constant 32 : index
      %get3A_32 = tpu.vector_load %arg6[%get3A_30, %get3A_31] {strides = array<i32>} : memref<80x128xi32, #tpu.memory_space<vmem>>, vector<16xi32>,
      %gather3A_33 = tpu.vector_load_idx %arg8[%get3A_32] : memref<10240xf32, #tpu.memory_space<vmem>>[vector<16xi32>], vector<16xf32>,
      %get3A_34 = arith.index_cast %scan3A_9 : i32 to index
      %get3A_35 = arith.constant 32 : index
      %get3A_36 = tpu.vector_load %arg7[%get3A_34, %get3A_35] {strides = array<i32>} : memref<80x128xf32, #tpu.memory_space<vmem>>, vector<16xf32>,
      %mul3A_37 = arith.mulf %get3A_36, %gather3A_33 : vector<16xf32>
      %swap3A_38 = arith.index_cast %scan3A_9 : i32 to index
      %swap3A_39 = arith.constant 32 : index
      %swap3A_40 = tpu.vector_load %arg7[%swap3A_38, %swap3A_39] {strides = array<i32>} : memref<80x128xf32, #tpu.memory_space<vmem>>, vector<16xf32>,
      tpu.vector_store %arg7[%swap3A_38, %swap3A_39], %mul3A_37 {strides = array<i32>} : memref<80x128xf32, #tpu.memory_space<vmem>>, vector<16xf32>,
      %get3A_41 = arith.index_cast %scan3A_9 : i32 to index
      %get3A_42 = arith.constant 48 : index
      %get3A_43 = tpu.vector_load %arg6[%get3A_41, %get3A_42] {strides = array<i32>} : memref<80x128xi32, #tpu.memory_space<vmem>>, vector<16xi32>,
      %gather3A_44 = tpu.vector_load_idx %arg8[%get3A_43] : memref<10240xf32, #tpu.memory_space<vmem>>[vector<16xi32>], vector<16xf32>,
      %get3A_45 = arith.index_cast %scan3A_9 : i32 to index
      %get3A_46 = arith.constant 48 : index
      %get3A_47 = tpu.vector_load %arg7[%get3A_45, %get3A_46] {strides = array<i32>} : memref<80x128xf32, #tpu.memory_space<vmem>>, vector<16xf32>,
      %mul3A_48 = arith.mulf %get3A_47, %gather3A_44 : vector<16xf32>
      %swap3A_49 = arith.index_cast %scan3A_9 : i32 to index
      %swap3A_50 = arith.constant 48 : index
      %swap3A_51 = tpu.vector_load %arg7[%swap3A_49, %swap3A_50] {strides = array<i32>} : memref<80x128xf32, #tpu.memory_space<vmem>>, vector<16xf32>,
      tpu.vector_store %arg7[%swap3A_49, %swap3A_50], %mul3A_48 {strides = array<i32>} : memref<80x128xf32, #tpu.memory_space<vmem>>, vector<16xf32>,
      %get3A_52 = arith.index_cast %scan3A_9 : i32 to index
      %get3A_53 = arith.constant 64 : index
      %get3A_54 = tpu.vector_load %arg6[%get3A_52, %get3A_53] {strides = array<i32>} : memref<80x128xi32, #tpu.memory_space<vmem>>, vector<16xi32>,
      %gather3A_55 = tpu.vector_load_idx %arg8[%get3A_54] : memref<10240xf32, #tpu.memory_space<vmem>>[vector<16xi32>], vector<16xf32>,
      %get3A_56 = arith.index_cast %scan3A_9 : i32 to index
      %get3A_57 = arith.constant 64 : index
      %get3A_58 = tpu.vector_load %arg7[%get3A_56, %get3A_57] {strides = array<i32>} : memref<80x128xf32, #tpu.memory_space<vmem>>, vector<16xf32>,
      %mul3A_59 = arith.mulf %get3A_58, %gather3A_55 : vector<16xf32>
      %swap3A_60 = arith.index_cast %scan3A_9 : i32 to index
      %swap3A_61 = arith.constant 64 : index
      %swap3A_62 = tpu.vector_load %arg7[%swap3A_60, %swap3A_61] {strides = array<i32>} : memref<80x128xf32, #tpu.memory_space<vmem>>, vector<16xf32>,
      tpu.vector_store %arg7[%swap3A_60, %swap3A_61], %mul3A_59 {strides = array<i32>} : memref<80x128xf32, #tpu.memory_space<vmem>>, vector<16xf32>,
      %get3A_63 = arith.index_cast %scan3A_9 : i32 to index
      %get3A_64 = arith.constant 80 : index
      %get3A_65 = tpu.vector_load %arg6[%get3A_63, %get3A_64] {strides = array<i32>} : memref<80x128xi32, #tpu.memory_space<vmem>>, vector<16xi32>,
      %gather3A_66 = tpu.vector_load_idx %arg8[%get3A_65] : memref<10240xf32, #tpu.memory_space<vmem>>[vector<16xi32>], vector<16xf32>,
      %get3A_67 = arith.index_cast %scan3A_9 : i32 to index
      %get3A_68 = arith.constant 80 : index
      %get3A_69 = tpu.vector_load %arg7[%get3A_67, %get3A_68] {strides = array<i32>} : memref<80x128xf32, #tpu.memory_space<vmem>>, vector<16xf32>,
      %mul3A_70 = arith.mulf %get3A_69, %gather3A_66 : vector<16xf32>
      %swap3A_71 = arith.index_cast %scan3A_9 : i32 to index
      %swap3A_72 = arith.constant 80 : index
      %swap3A_73 = tpu.vector_load %arg7[%swap3A_71, %swap3A_72] {strides = array<i32>} : memref<80x128xf32, #tpu.memory_space<vmem>>, vector<16xf32>,
      tpu.vector_store %arg7[%swap3A_71, %swap3A_72], %mul3A_70 {strides = array<i32>} : memref<80x128xf32, #tpu.memory_space<vmem>>, vector<16xf32>,
      %get3A_74 = arith.index_cast %scan3A_9 : i32 to index
      %get3A_75 = arith.constant 96 : index
      %get3A_76 = tpu.vector_load %arg6[%get3A_74, %get3A_75] {strides = array<i32>} : memref<80x128xi32, #tpu.memory_space<vmem>>, vector<16xi32>,
      %gather3A_77 = tpu.vector_load_idx %arg8[%get3A_76] : memref<10240xf32, #tpu.memory_space<vmem>>[vector<16xi32>], vector<16xf32>,
      %get3A_78 = arith.index_cast %scan3A_9 : i32 to index
      %get3A_79 = arith.constant 96 : index
      %get3A_80 = tpu.vector_load %arg7[%get3A_78, %get3A_79] {strides = array<i32>} : memref<80x128xf32, #tpu.memory_space<vmem>>, vector<16xf32>,
      %mul3A_81 = arith.mulf %get3A_80, %gather3A_77 : vector<16xf32>
      %swap3A_82 = arith.index_cast %scan3A_9 : i32 to index
      %swap3A_83 = arith.constant 96 : index
      %swap3A_84 = tpu.vector_load %arg7[%swap3A_82, %swap3A_83] {strides = array<i32>} : memref<80x128xf32, #tpu.memory_space<vmem>>, vector<16xf32>,
      tpu.vector_store %arg7[%swap3A_82, %swap3A_83], %mul3A_81 {strides = array<i32>} : memref<80x128xf32, #tpu.memory_space<vmem>>, vector<16xf32>,
      %get3A_85 = arith.index_cast %scan3A_9 : i32 to index
      %get3A_86 = arith.constant 112 : index
      %get3A_87 = tpu.vector_load %arg6[%get3A_85, %get3A_86] {strides = array<i32>} : memref<80x128xi32, #tpu.memory_space<vmem>>, vector<16xi32>,
      %gather3A_88 = tpu.vector_load_idx %arg8[%get3A_87] : memref<10240xf32, #tpu.memory_space<vmem>>[vector<16xi32>], vector<16xf32>,
      %get3A_89 = arith.index_cast %scan3A_9 : i32 to index
      %get3A_90 = arith.constant 112 : index
      %get3A_91 = tpu.vector_load %arg7[%get3A_89, %get3A_90] {strides = array<i32>} : memref<80x128xf32, #tpu.memory_space<vmem>>, vector<16xf32>,
      %mul3A_92 = arith.mulf %get3A_91, %gather3A_88 : vector<16xf32>
      %swap3A_93 = arith.index_cast %scan3A_9 : i32 to index
      %swap3A_94 = arith.constant 112 : index
      %swap3A_95 = tpu.vector_load %arg7[%swap3A_93, %swap3A_94] {strides = array<i32>} : memref<80x128xf32, #tpu.memory_space<vmem>>, vector<16xf32>,
      tpu.vector_store %arg7[%swap3A_93, %swap3A_94], %mul3A_92 {strides = array<i32>} : memref<80x128xf32, #tpu.memory_space<vmem>>, vector<16xf32>,
      %scan3A_96 = arith.constant 0 : i32
      scf.yield %scan3A_96 : i32
    }
    %scan3A_8 = arith.constant 80 : i32
    "tpu.region"() ({
      %run_scoped3A = tpu.sem_alloc : memref<!tpu.dma_semaphore, #tpu.memory_space<semaphore_mem>>
      %dma_start3A = arith.constant 0 : i32
      %dma_start3A_9 = tpu.memref_slice %arg5[%mul3A_2, %dma_start3A] : memref<2560x128xf32, #tpu.memory_space<hbm>> -> memref<80x128xf32, #tpu.memory_space<hbm>>
      %dma_start3A_10 = arith.constant 0 : i32
      %dma_start3A_11 = tpu.memref_slice %arg5[%mul3A_2, %dma_start3A_10] : memref<2560x128xf32, #tpu.memory_space<hbm>> -> memref<80x128xf32, #tpu.memory_space<hbm>>
      tpu.enqueue_dma source(%arg7 : memref<80x128xf32, #tpu.memory_space<vmem>>) target(%dma_start3A_11 : memref<80x128xf32, #tpu.memory_space<hbm>>) target_semaphore(%run_scoped3A : memref<!tpu.dma_semaphore, #tpu.memory_space<semaphore_mem>>)
      %dma_wait3A = arith.constant 0 : i32
      %dma_wait3A_12 = tpu.memref_slice %arg5[%mul3A_2, %dma_wait3A] : memref<2560x128xf32, #tpu.memory_space<hbm>> -> memref<80x128xf32, #tpu.memory_space<hbm>>
      %dma_wait3A_13 = arith.constant 0 : i32
      %dma_wait3A_14 = tpu.memref_slice %arg5[%mul3A_2, %dma_wait3A_13] : memref<2560x128xf32, #tpu.memory_space<hbm>> -> memref<80x128xf32, #tpu.memory_space<hbm>>
      tpu.wait_dma2 semaphore(%run_scoped3A : memref<!tpu.dma_semaphore, #tpu.memory_space<semaphore_mem>>) src(%arg7 : memref<80x128xf32, #tpu.memory_space<vmem>>) dst(%dma_wait3A_14 : memref<80x128xf32, #tpu.memory_space<hbm>>)
      tpu.yield
    }) : () -> ()
    return
  }
}

#map = affine_map<(d0, d1) -> (0, 0)>
module attributes {stable_mosaic.version = 14 : i64} {
  func.func @_k1_degree(%arg0: i32, %arg1: i32, %arg2: memref<2560x128xi32, #tpu.memory_space<hbm>>, %arg3: memref<2560x128xf32, #tpu.memory_space<hbm>>, %arg4: memref<2x10240xf32, #tpu.memory_space<hbm>>, %arg5: memref<80x128xi32, #tpu.memory_space<vmem>>, %arg6: memref<80x128xf32, #tpu.memory_space<vmem>>, %arg7: memref<640xf32, #tpu.memory_space<vmem>>, %arg8: memref<10240xf32, #tpu.memory_space<vmem_shared>>) attributes {dimension_semantics = [#tpu.dimension_semantics<core_parallel>, #tpu.dimension_semantics<subcore_parallel>], iteration_bounds = array<i64: 2, 16>, scalar_prefetch = 0 : i64, scratch_operands = 4 : i64, tpu.core_type = #tpu.core_type<sc_vector_subcore>, window_params = [{transform_indices = #map}, {transform_indices = #map}, {transform_indices = #map}]} {
    %mul3A = arith.constant 1280 : i32
    %mul3A_0 = arith.muli %arg0, %mul3A : i32
    %mul3A_1 = arith.constant 80 : i32
    %mul3A_2 = arith.muli %arg1, %mul3A_1 : i32
    %add3A = arith.addi %mul3A_0, %mul3A_2 : i32
    "tpu.region"() ({
      %run_scoped3A = tpu.sem_alloc : memref<!tpu.dma_semaphore, #tpu.memory_space<semaphore_mem>>
      %dma_start3A = arith.constant 0 : i32
      %dma_start3A_24 = tpu.memref_slice %arg2[%add3A, %dma_start3A] : memref<2560x128xi32, #tpu.memory_space<hbm>> -> memref<80x128xi32, #tpu.memory_space<hbm>>
      %dma_start3A_25 = arith.constant 0 : i32
      %dma_start3A_26 = tpu.memref_slice %arg2[%add3A, %dma_start3A_25] : memref<2560x128xi32, #tpu.memory_space<hbm>> -> memref<80x128xi32, #tpu.memory_space<hbm>>
      tpu.enqueue_dma source(%dma_start3A_26 : memref<80x128xi32, #tpu.memory_space<hbm>>) target(%arg5 : memref<80x128xi32, #tpu.memory_space<vmem>>) target_semaphore(%run_scoped3A : memref<!tpu.dma_semaphore, #tpu.memory_space<semaphore_mem>>)
      %dma_wait3A = arith.constant 0 : i32
      %dma_wait3A_27 = tpu.memref_slice %arg2[%add3A, %dma_wait3A] : memref<2560x128xi32, #tpu.memory_space<hbm>> -> memref<80x128xi32, #tpu.memory_space<hbm>>
      %dma_wait3A_28 = arith.constant 0 : i32
      %dma_wait3A_29 = tpu.memref_slice %arg2[%add3A, %dma_wait3A_28] : memref<2560x128xi32, #tpu.memory_space<hbm>> -> memref<80x128xi32, #tpu.memory_space<hbm>>
      tpu.wait_dma2 semaphore(%run_scoped3A : memref<!tpu.dma_semaphore, #tpu.memory_space<semaphore_mem>>) src(%dma_wait3A_29 : memref<80x128xi32, #tpu.memory_space<hbm>>) dst(%arg5 : memref<80x128xi32, #tpu.memory_space<vmem>>)
      tpu.yield
    }) : () -> ()
    "tpu.region"() ({
      %run_scoped3A = tpu.sem_alloc : memref<!tpu.dma_semaphore, #tpu.memory_space<semaphore_mem>>
      %dma_start3A = arith.constant 0 : i32
      %dma_start3A_24 = tpu.memref_slice %arg3[%add3A, %dma_start3A] : memref<2560x128xf32, #tpu.memory_space<hbm>> -> memref<80x128xf32, #tpu.memory_space<hbm>>
      %dma_start3A_25 = arith.constant 0 : i32
      %dma_start3A_26 = tpu.memref_slice %arg3[%add3A, %dma_start3A_25] : memref<2560x128xf32, #tpu.memory_space<hbm>> -> memref<80x128xf32, #tpu.memory_space<hbm>>
      tpu.enqueue_dma source(%dma_start3A_26 : memref<80x128xf32, #tpu.memory_space<hbm>>) target(%arg6 : memref<80x128xf32, #tpu.memory_space<vmem>>) target_semaphore(%run_scoped3A : memref<!tpu.dma_semaphore, #tpu.memory_space<semaphore_mem>>)
      %dma_wait3A = arith.constant 0 : i32
      %dma_wait3A_27 = tpu.memref_slice %arg3[%add3A, %dma_wait3A] : memref<2560x128xf32, #tpu.memory_space<hbm>> -> memref<80x128xf32, #tpu.memory_space<hbm>>
      %dma_wait3A_28 = arith.constant 0 : i32
      %dma_wait3A_29 = tpu.memref_slice %arg3[%add3A, %dma_wait3A_28] : memref<2560x128xf32, #tpu.memory_space<hbm>> -> memref<80x128xf32, #tpu.memory_space<hbm>>
      tpu.wait_dma2 semaphore(%run_scoped3A : memref<!tpu.dma_semaphore, #tpu.memory_space<semaphore_mem>>) src(%dma_wait3A_29 : memref<80x128xf32, #tpu.memory_space<hbm>>) dst(%arg6 : memref<80x128xf32, #tpu.memory_space<vmem>>)
      tpu.yield
    }) : () -> ()
    %broadcast_in_dim3A = arith.constant 0.000000e+00 : f32
    %broadcast_in_dim3A_3 = vector.broadcast %broadcast_in_dim3A : f32 to vector<16xf32>
    %scan3A = arith.constant 0 : i32
    %scan3A_4 = arith.constant 0 : i32
    %scan3A_5 = arith.constant 40 : i32
    %scan3A_6 = arith.addi %scan3A_4, %scan3A_5 : i32
    %scan3A_7 = arith.constant 1 : i32
    %scan3A_8 = scf.for %scan3A_24 = %scan3A_4 to %scan3A_6 step %scan3A_7 iter_args(%scan3A_25 = %scan3A) -> (i32)  : i32 {
      %mul3A_26 = arith.constant 16 : i32
      %mul3A_27 = arith.muli %scan3A_24, %mul3A_26 : i32
      %swap3A = arith.index_cast %mul3A_27 : i32 to index
      %swap3A_28 = tpu.vector_load %arg7[%swap3A] {strides = array<i32>} : memref<640xf32, #tpu.memory_space<vmem>>, vector<16xf32>,
      %swap3A_29 = vector.shape_cast %swap3A_28 : vector<16xf32> to vector<16xf32>
      %swap3A_30 = vector.shape_cast %broadcast_in_dim3A_3 : vector<16xf32> to vector<16xf32>
      tpu.vector_store %arg7[%swap3A], %swap3A_30 {strides = array<i32>} : memref<640xf32, #tpu.memory_space<vmem>>, vector<16xf32>,
      %scan3A_31 = arith.constant 0 : i32
      scf.yield %scan3A_31 : i32
    }
    %scan3A_9 = arith.constant 40 : i32
    %mul3A_10 = arith.constant 640 : i32
    %mul3A_11 = arith.muli %arg1, %mul3A_10 : i32
    "tpu.region"() ({
      %run_scoped3A = tpu.sem_alloc : memref<!tpu.dma_semaphore, #tpu.memory_space<semaphore_mem>>
      %dma_start3A = tpu.memref_slice %arg8[%mul3A_11] : memref<10240xf32, #tpu.memory_space<vmem_shared>> -> memref<640xf32, #tpu.memory_space<vmem_shared>>
      %dma_start3A_24 = tpu.memref_slice %arg8[%mul3A_11] : memref<10240xf32, #tpu.memory_space<vmem_shared>> -> memref<640xf32, #tpu.memory_space<vmem_shared>>
      tpu.enqueue_dma source(%arg7 : memref<640xf32, #tpu.memory_space<vmem>>) target(%dma_start3A_24 : memref<640xf32, #tpu.memory_space<vmem_shared>>) target_semaphore(%run_scoped3A : memref<!tpu.dma_semaphore, #tpu.memory_space<semaphore_mem>>)
      %dma_wait3A = tpu.memref_slice %arg8[%mul3A_11] : memref<10240xf32, #tpu.memory_space<vmem_shared>> -> memref<640xf32, #tpu.memory_space<vmem_shared>>
      %dma_wait3A_25 = tpu.memref_slice %arg8[%mul3A_11] : memref<10240xf32, #tpu.memory_space<vmem_shared>> -> memref<640xf32, #tpu.memory_space<vmem_shared>>
      tpu.wait_dma2 semaphore(%run_scoped3A : memref<!tpu.dma_semaphore, #tpu.memory_space<semaphore_mem>>) src(%arg7 : memref<640xf32, #tpu.memory_space<vmem>>) dst(%dma_wait3A_25 : memref<640xf32, #tpu.memory_space<vmem_shared>>)
      tpu.yield
    }) : () -> ()
    %barrier3A = arith.constant 0 : index
    tpu.barrier barrier_id(%barrier3A)
    %scan3A_12 = arith.constant 0 : i32
    %scan3A_13 = arith.constant 0 : i32
    %scan3A_14 = arith.constant 80 : i32
    %scan3A_15 = arith.addi %scan3A_13, %scan3A_14 : i32
    %scan3A_16 = arith.constant 1 : i32
    %scan3A_17 = scf.for %scan3A_24 = %scan3A_13 to %scan3A_15 step %scan3A_16 iter_args(%scan3A_25 = %scan3A_12) -> (i32)  : i32 {
      "tpu.region"() ({
        %run_scoped3A = tpu.sem_alloc : memref<!tpu.dma_semaphore, #tpu.memory_space<semaphore_mem>>
        %dma_start3A = arith.constant 0 : i32
        %dma_start3A_27 = tpu.memref_slice %arg6[%scan3A_24, %dma_start3A] : memref<80x128xf32, #tpu.memory_space<vmem>> -> memref<1x128xf32, #tpu.memory_space<vmem>>
        %dma_start3A_28 = tpu.memref_squeeze %dma_start3A_27 : memref<1x128xf32, #tpu.memory_space<vmem>> -> memref<128xf32, #tpu.memory_space<vmem>>
        %dma_start3A_29 = arith.constant 0 : i32
        %dma_start3A_30 = tpu.memref_slice %arg5[%scan3A_24, %dma_start3A_29] : memref<80x128xi32, #tpu.memory_space<vmem>> -> memref<1x128xi32, #tpu.memory_space<vmem>>
        %dma_start3A_31 = tpu.memref_squeeze %dma_start3A_30 : memref<1x128xi32, #tpu.memory_space<vmem>> -> memref<128xi32, #tpu.memory_space<vmem>>
        %dma_start3A_32 = arith.constant 0 : i32
        %dma_start3A_33 = tpu.memref_slice %arg8[%dma_start3A_32] : memref<10240xf32, #tpu.memory_space<vmem_shared>> -> memref<10240xf32, #tpu.memory_space<vmem_shared>>
        tpu.enqueue_indirect_dma source(%dma_start3A_28 : memref<128xf32, #tpu.memory_space<vmem>>) target(%dma_start3A_33 : memref<10240xf32, #tpu.memory_space<vmem_shared>>) offsets(%dma_start3A_31 : memref<128xi32, #tpu.memory_space<vmem>>) semaphore(%run_scoped3A : memref<!tpu.dma_semaphore, #tpu.memory_space<semaphore_mem>>) {add = true}
        %dma_wait3A = arith.constant 0 : i32
        %dma_wait3A_34 = tpu.memref_slice %arg6[%scan3A_24, %dma_wait3A] : memref<80x128xf32, #tpu.memory_space<vmem>> -> memref<1x128xf32, #tpu.memory_space<vmem>>
        %dma_wait3A_35 = tpu.memref_squeeze %dma_wait3A_34 : memref<1x128xf32, #tpu.memory_space<vmem>> -> memref<128xf32, #tpu.memory_space<vmem>>
        %dma_wait3A_36 = arith.constant 0 : i32
        %dma_wait3A_37 = tpu.memref_slice %arg5[%scan3A_24, %dma_wait3A_36] : memref<80x128xi32, #tpu.memory_space<vmem>> -> memref<1x128xi32, #tpu.memory_space<vmem>>
        %dma_wait3A_38 = tpu.memref_squeeze %dma_wait3A_37 : memref<1x128xi32, #tpu.memory_space<vmem>> -> memref<128xi32, #tpu.memory_space<vmem>>
        %dma_wait3A_39 = arith.constant 0 : i32
        %dma_wait3A_40 = tpu.memref_slice %arg8[%dma_wait3A_39] : memref<10240xf32, #tpu.memory_space<vmem_shared>> -> memref<10240xf32, #tpu.memory_space<vmem_shared>>
        tpu.wait_indirect_dma semaphore(%run_scoped3A : memref<!tpu.dma_semaphore, #tpu.memory_space<semaphore_mem>>) src(%dma_wait3A_35 : memref<128xf32, #tpu.memory_space<vmem>>) dst(%dma_wait3A_40 : memref<10240xf32, #tpu.memory_space<vmem_shared>>)
        tpu.yield
      }) : () -> ()
      %scan3A_26 = arith.constant 0 : i32
      scf.yield %scan3A_26 : i32
    }
    %scan3A_18 = arith.constant 80 : i32
    %barrier3A_19 = arith.constant 0 : index
    tpu.barrier barrier_id(%barrier3A_19)
    %mul3A_20 = arith.constant 640 : i32
    %mul3A_21 = arith.muli %arg1, %mul3A_20 : i32
    %mul3A_22 = arith.constant 640 : i32
    %mul3A_23 = arith.muli %arg1, %mul3A_22 : i32
    "tpu.region"() ({
      %run_scoped3A = tpu.sem_alloc : memref<!tpu.dma_semaphore, #tpu.memory_space<semaphore_mem>>
      %dma_start3A = tpu.memref_slice %arg4[%arg0, %mul3A_23] : memref<2x10240xf32, #tpu.memory_space<hbm>> -> memref<1x640xf32, #tpu.memory_space<hbm>>
      %dma_start3A_24 = tpu.memref_squeeze %dma_start3A : memref<1x640xf32, #tpu.memory_space<hbm>> -> memref<640xf32, #tpu.memory_space<hbm>>
      %dma_start3A_25 = tpu.memref_slice %arg8[%mul3A_21] : memref<10240xf32, #tpu.memory_space<vmem_shared>> -> memref<640xf32, #tpu.memory_space<vmem_shared>>
      tpu.enqueue_dma source(%dma_start3A_25 : memref<640xf32, #tpu.memory_space<vmem_shared>>) target(%dma_start3A_24 : memref<640xf32, #tpu.memory_space<hbm>>) target_semaphore(%run_scoped3A : memref<!tpu.dma_semaphore, #tpu.memory_space<semaphore_mem>>)
      %dma_wait3A = tpu.memref_slice %arg4[%arg0, %mul3A_23] : memref<2x10240xf32, #tpu.memory_space<hbm>> -> memref<1x640xf32, #tpu.memory_space<hbm>>
      %dma_wait3A_26 = tpu.memref_squeeze %dma_wait3A : memref<1x640xf32, #tpu.memory_space<hbm>> -> memref<640xf32, #tpu.memory_space<hbm>>
      %dma_wait3A_27 = tpu.memref_slice %arg8[%mul3A_21] : memref<10240xf32, #tpu.memory_space<vmem_shared>> -> memref<640xf32, #tpu.memory_space<vmem_shared>>
      tpu.wait_dma2 semaphore(%run_scoped3A : memref<!tpu.dma_semaphore, #tpu.memory_space<semaphore_mem>>) src(%dma_wait3A_27 : memref<640xf32, #tpu.memory_space<vmem_shared>>) dst(%dma_wait3A_26 : memref<640xf32, #tpu.memory_space<hbm>>)
      tpu.yield
    }) : () -> ()
    return
  }
}

#map = affine_map<(d0, d1) -> (0, 0)>
#map1 = affine_map<(d0, d1) -> (0, 0, 0)>
module attributes {stable_mosaic.version = 14 : i64} {
  func.func @_k3_aggregate(%arg0: i32, %arg1: i32, %arg2: memref<120000x128xf32, #tpu.memory_space<hbm>>, %arg3: memref<12x2560x128xi32, #tpu.memory_space<hbm>>, %arg4: memref<2560x128xi32, #tpu.memory_space<hbm>>, %arg5: memref<2560x128xf32, #tpu.memory_space<hbm>>, %arg6: memref<12x10240x128xf32, #tpu.memory_space<hbm>>, %arg7: memref<32x128xi32, #tpu.memory_space<vmem>>, %arg8: memref<32x128xi32, #tpu.memory_space<vmem>>, %arg9: memref<32x128xf32, #tpu.memory_space<vmem>>, %arg10: memref<16x128xf32, #tpu.memory_space<vmem>>, %arg11: memref<2x128x128xf32, #tpu.memory_space<vmem>>, %arg12: memref<10240x128xf32, #tpu.memory_space<vmem_shared>>, %arg13: memref<!tpu.dma_semaphore, #tpu.memory_space<semaphore_mem>>, %arg14: memref<!tpu.dma_semaphore, #tpu.memory_space<semaphore_mem>>, %arg15: memref<!tpu.dma_semaphore, #tpu.memory_space<semaphore_mem>>, %arg16: memref<!tpu.dma_semaphore, #tpu.memory_space<semaphore_mem>>, %arg17: memref<!tpu.dma_semaphore, #tpu.memory_space<semaphore_mem>>, %arg18: memref<!tpu.dma_semaphore, #tpu.memory_space<semaphore_mem>>, %arg19: memref<!tpu.dma_semaphore, #tpu.memory_space<semaphore_mem>>, %arg20: memref<!tpu.dma_semaphore, #tpu.memory_space<semaphore_mem>>, %arg21: memref<!tpu.dma_semaphore, #tpu.memory_space<semaphore_mem>>, %arg22: memref<!tpu.dma_semaphore, #tpu.memory_space<semaphore_mem>>) attributes {dimension_semantics = [#tpu.dimension_semantics<core_parallel>, #tpu.dimension_semantics<subcore_parallel>], iteration_bounds = array<i64: 2, 16>, scalar_prefetch = 0 : i64, scratch_operands = 16 : i64, tpu.core_type = #tpu.core_type<sc_vector_subcore>, window_params = [{transform_indices = #map}, {transform_indices = #map1}, {transform_indices = #map}, {transform_indices = #map}, {transform_indices = #map1}]} {
    %broadcast_in_dim3A = arith.constant 0.000000e+00 : f32
    %broadcast_in_dim3A_0 = vector.broadcast %broadcast_in_dim3A : f32 to vector<16xf32>
    %scan3A = arith.constant 0 : i32
    %scan3A_1 = arith.constant 0 : i32
    %scan3A_2 = arith.constant 16 : i32
    %scan3A_3 = arith.addi %scan3A_1, %scan3A_2 : i32
    %scan3A_4 = arith.constant 1 : i32
    %scan3A_5 = scf.for %scan3A_14 = %scan3A_1 to %scan3A_3 step %scan3A_4 iter_args(%scan3A_15 = %scan3A) -> (i32)  : i32 {
      %swap3A = arith.index_cast %scan3A_14 : i32 to index
      %swap3A_16 = arith.constant 0 : index
      %swap3A_17 = tpu.vector_load %arg10[%swap3A, %swap3A_16] {strides = array<i32>} : memref<16x128xf32, #tpu.memory_space<vmem>>, vector<16xf32>,
      tpu.vector_store %arg10[%swap3A, %swap3A_16], %broadcast_in_dim3A_0 {strides = array<i32>} : memref<16x128xf32, #tpu.memory_space<vmem>>, vector<16xf32>,
      %swap3A_18 = arith.index_cast %scan3A_14 : i32 to index
      %swap3A_19 = arith.constant 16 : index
      %swap3A_20 = tpu.vector_load %arg10[%swap3A_18, %swap3A_19] {strides = array<i32>} : memref<16x128xf32, #tpu.memory_space<vmem>>, vector<16xf32>,
      tpu.vector_store %arg10[%swap3A_18, %swap3A_19], %broadcast_in_dim3A_0 {strides = array<i32>} : memref<16x128xf32, #tpu.memory_space<vmem>>, vector<16xf32>,
      %swap3A_21 = arith.index_cast %scan3A_14 : i32 to index
      %swap3A_22 = arith.constant 32 : index
      %swap3A_23 = tpu.vector_load %arg10[%swap3A_21, %swap3A_22] {strides = array<i32>} : memref<16x128xf32, #tpu.memory_space<vmem>>, vector<16xf32>,
      tpu.vector_store %arg10[%swap3A_21, %swap3A_22], %broadcast_in_dim3A_0 {strides = array<i32>} : memref<16x128xf32, #tpu.memory_space<vmem>>, vector<16xf32>,
      %swap3A_24 = arith.index_cast %scan3A_14 : i32 to index
      %swap3A_25 = arith.constant 48 : index
      %swap3A_26 = tpu.vector_load %arg10[%swap3A_24, %swap3A_25] {strides = array<i32>} : memref<16x128xf32, #tpu.memory_space<vmem>>, vector<16xf32>,
      tpu.vector_store %arg10[%swap3A_24, %swap3A_25], %broadcast_in_dim3A_0 {strides = array<i32>} : memref<16x128xf32, #tpu.memory_space<vmem>>, vector<16xf32>,
      %swap3A_27 = arith.index_cast %scan3A_14 : i32 to index
      %swap3A_28 = arith.constant 64 : index
      %swap3A_29 = tpu.vector_load %arg10[%swap3A_27, %swap3A_28] {strides = array<i32>} : memref<16x128xf32, #tpu.memory_space<vmem>>, vector<16xf32>,
      tpu.vector_store %arg10[%swap3A_27, %swap3A_28], %broadcast_in_dim3A_0 {strides = array<i32>} : memref<16x128xf32, #tpu.memory_space<vmem>>, vector<16xf32>,
      %swap3A_30 = arith.index_cast %scan3A_14 : i32 to index
      %swap3A_31 = arith.constant 80 : index
      %swap3A_32 = tpu.vector_load %arg10[%swap3A_30, %swap3A_31] {strides = array<i32>} : memref<16x128xf32, #tpu.memory_space<vmem>>, vector<16xf32>,
      tpu.vector_store %arg10[%swap3A_30, %swap3A_31], %broadcast_in_dim3A_0 {strides = array<i32>} : memref<16x128xf32, #tpu.memory_space<vmem>>, vector<16xf32>,
      %swap3A_33 = arith.index_cast %scan3A_14 : i32 to index
      %swap3A_34 = arith.constant 96 : index
      %swap3A_35 = tpu.vector_load %arg10[%swap3A_33, %swap3A_34] {strides = array<i32>} : memref<16x128xf32, #tpu.memory_space<vmem>>, vector<16xf32>,
      tpu.vector_store %arg10[%swap3A_33, %swap3A_34], %broadcast_in_dim3A_0 {strides = array<i32>} : memref<16x128xf32, #tpu.memory_space<vmem>>, vector<16xf32>,
      %swap3A_36 = arith.index_cast %scan3A_14 : i32 to index
      %swap3A_37 = arith.constant 112 : index
      %swap3A_38 = tpu.vector_load %arg10[%swap3A_36, %swap3A_37] {strides = array<i32>} : memref<16x128xf32, #tpu.memory_space<vmem>>, vector<16xf32>,
      tpu.vector_store %arg10[%swap3A_36, %swap3A_37], %broadcast_in_dim3A_0 {strides = array<i32>} : memref<16x128xf32, #tpu.memory_space<vmem>>, vector<16xf32>,
      %scan3A_39 = arith.constant 0 : i32
      scf.yield %scan3A_39 : i32
    }
    %scan3A_6 = arith.constant 16 : i32
    %scan3A_7 = arith.constant 0 : i32
    %scan3A_8 = arith.constant 0 : i32
    %scan3A_9 = arith.constant 6 : i32
    %scan3A_10 = arith.addi %scan3A_8, %scan3A_9 : i32
    %scan3A_11 = arith.constant 1 : i32
    %scan3A_12 = scf.for %scan3A_14 = %scan3A_8 to %scan3A_10 step %scan3A_11 iter_args(%scan3A_15 = %scan3A_7) -> (i32)  : i32 {
      %mul3A = arith.constant 6 : i32
      %mul3A_16 = arith.muli %arg0, %mul3A : i32
      %add3A = arith.addi %mul3A_16, %scan3A_14 : i32
      %scan3A_17 = arith.constant 0 : i32
      %scan3A_18 = arith.constant 0 : i32
      %scan3A_19 = arith.constant 40 : i32
      %scan3A_20 = arith.addi %scan3A_18, %scan3A_19 : i32
      %scan3A_21 = arith.constant 1 : i32
      %scan3A_22 = scf.for %scan3A_40 = %scan3A_18 to %scan3A_20 step %scan3A_21 iter_args(%scan3A_41 = %scan3A_17) -> (i32)  : i32 {
        %mul3A_42 = arith.constant 640 : i32
        %mul3A_43 = arith.muli %arg1, %mul3A_42 : i32
        %mul3A_44 = arith.constant 16 : i32
        %mul3A_45 = arith.muli %scan3A_40, %mul3A_44 : i32
        %add3A_46 = arith.addi %mul3A_43, %mul3A_45 : i32
        "tpu.region"() ({
          %run_scoped3A = tpu.sem_alloc : memref<!tpu.dma_semaphore, #tpu.memory_space<semaphore_mem>>
          %dma_start3A = arith.constant 0 : i32
          %dma_start3A_48 = tpu.memref_slice %arg12[%add3A_46, %dma_start3A] : memref<10240x128xf32, #tpu.memory_space<vmem_shared>> -> memref<16x128xf32, #tpu.memory_space<vmem_shared>>
          %dma_start3A_49 = arith.constant 0 : i32
          %dma_start3A_50 = tpu.memref_slice %arg12[%add3A_46, %dma_start3A_49] : memref<10240x128xf32, #tpu.memory_space<vmem_shared>> -> memref<16x128xf32, #tpu.memory_space<vmem_shared>>
          tpu.enqueue_dma source(%arg10 : memref<16x128xf32, #tpu.memory_space<vmem>>) target(%dma_start3A_50 : memref<16x128xf32, #tpu.memory_space<vmem_shared>>) target_semaphore(%run_scoped3A : memref<!tpu.dma_semaphore, #tpu.memory_space<semaphore_mem>>)
          %dma_wait3A = arith.constant 0 : i32
          %dma_wait3A_51 = tpu.memref_slice %arg12[%add3A_46, %dma_wait3A] : memref<10240x128xf32, #tpu.memory_space<vmem_shared>> -> memref<16x128xf32, #tpu.memory_space<vmem_shared>>
          %dma_wait3A_52 = arith.constant 0 : i32
          %dma_wait3A_53 = tpu.memref_slice %arg12[%add3A_46, %dma_wait3A_52] : memref<10240x128xf32, #tpu.memory_space<vmem_shared>> -> memref<16x128xf32, #tpu.memory_space<vmem_shared>>
          tpu.wait_dma2 semaphore(%run_scoped3A : memref<!tpu.dma_semaphore, #tpu.memory_space<semaphore_mem>>) src(%arg10 : memref<16x128xf32, #tpu.memory_space<vmem>>) dst(%dma_wait3A_53 : memref<16x128xf32, #tpu.memory_space<vmem_shared>>)
          tpu.yield
        }) : () -> ()
        %scan3A_47 = arith.constant 0 : i32
        scf.yield %scan3A_47 : i32
      }
      %scan3A_23 = arith.constant 40 : i32
      %barrier3A = arith.constant 0 : index
      tpu.barrier barrier_id(%barrier3A)
      %scan3A_24 = arith.constant 0 : i32
      %scan3A_25 = arith.constant 0 : i32
      %scan3A_26 = arith.constant 5 : i32
      %scan3A_27 = arith.addi %scan3A_25, %scan3A_26 : i32
      %scan3A_28 = arith.constant 1 : i32
      %scan3A_29 = scf.for %scan3A_40 = %scan3A_25 to %scan3A_27 step %scan3A_28 iter_args(%scan3A_41 = %scan3A_24) -> (i32)  : i32 {
        %mul3A_42 = arith.constant 160 : i32
        %mul3A_43 = arith.muli %arg1, %mul3A_42 : i32
        %mul3A_44 = arith.constant 32 : i32
        %mul3A_45 = arith.muli %scan3A_40, %mul3A_44 : i32
        %add3A_46 = arith.addi %mul3A_43, %mul3A_45 : i32
        "tpu.region"() ({
          %run_scoped3A = tpu.sem_alloc : memref<!tpu.dma_semaphore, #tpu.memory_space<semaphore_mem>>
          %dma_start3A_113 = arith.constant 0 : i32
          %dma_start3A_114 = tpu.memref_slice %arg3[%add3A, %add3A_46, %dma_start3A_113] : memref<12x2560x128xi32, #tpu.memory_space<hbm>> -> memref<1x32x128xi32, #tpu.memory_space<hbm>>
          %dma_start3A_115 = tpu.memref_squeeze %dma_start3A_114 : memref<1x32x128xi32, #tpu.memory_space<hbm>> -> memref<32x128xi32, #tpu.memory_space<hbm>>
          %dma_start3A_116 = arith.constant 0 : i32
          %dma_start3A_117 = tpu.memref_slice %arg3[%add3A, %add3A_46, %dma_start3A_116] : memref<12x2560x128xi32, #tpu.memory_space<hbm>> -> memref<1x32x128xi32, #tpu.memory_space<hbm>>
          %dma_start3A_118 = tpu.memref_squeeze %dma_start3A_117 : memref<1x32x128xi32, #tpu.memory_space<hbm>> -> memref<32x128xi32, #tpu.memory_space<hbm>>
          tpu.enqueue_dma source(%dma_start3A_118 : memref<32x128xi32, #tpu.memory_space<hbm>>) target(%arg7 : memref<32x128xi32, #tpu.memory_space<vmem>>) target_semaphore(%run_scoped3A : memref<!tpu.dma_semaphore, #tpu.memory_space<semaphore_mem>>)
          %dma_wait3A_119 = arith.constant 0 : i32
          %dma_wait3A_120 = tpu.memref_slice %arg3[%add3A, %add3A_46, %dma_wait3A_119] : memref<12x2560x128xi32, #tpu.memory_space<hbm>> -> memref<1x32x128xi32, #tpu.memory_space<hbm>>
          %dma_wait3A_121 = tpu.memref_squeeze %dma_wait3A_120 : memref<1x32x128xi32, #tpu.memory_space<hbm>> -> memref<32x128xi32, #tpu.memory_space<hbm>>
          %dma_wait3A_122 = arith.constant 0 : i32
          %dma_wait3A_123 = tpu.memref_slice %arg3[%add3A, %add3A_46, %dma_wait3A_122] : memref<12x2560x128xi32, #tpu.memory_space<hbm>> -> memref<1x32x128xi32, #tpu.memory_space<hbm>>
          %dma_wait3A_124 = tpu.memref_squeeze %dma_wait3A_123 : memref<1x32x128xi32, #tpu.memory_space<hbm>> -> memref<32x128xi32, #tpu.memory_space<hbm>>
          tpu.wait_dma2 semaphore(%run_scoped3A : memref<!tpu.dma_semaphore, #tpu.memory_space<semaphore_mem>>) src(%dma_wait3A_124 : memref<32x128xi32, #tpu.memory_space<hbm>>) dst(%arg7 : memref<32x128xi32, #tpu.memory_space<vmem>>)
          tpu.yield
        }) : () -> ()
        "tpu.region"() ({
          %run_scoped3A = tpu.sem_alloc : memref<!tpu.dma_semaphore, #tpu.memory_space<semaphore_mem>>
          %dma_start3A_113 = arith.constant 0 : i32
          %dma_start3A_114 = tpu.memref_slice %arg4[%add3A_46, %dma_start3A_113] : memref<2560x128xi32, #tpu.memory_space<hbm>> -> memref<32x128xi32, #tpu.memory_space<hbm>>
          %dma_start3A_115 = arith.constant 0 : i32
          %dma_start3A_116 = tpu.memref_slice %arg4[%add3A_46, %dma_start3A_115] : memref<2560x128xi32, #tpu.memory_space<hbm>> -> memref<32x128xi32, #tpu.memory_space<hbm>>
          tpu.enqueue_dma source(%dma_start3A_116 : memref<32x128xi32, #tpu.memory_space<hbm>>) target(%arg8 : memref<32x128xi32, #tpu.memory_space<vmem>>) target_semaphore(%run_scoped3A : memref<!tpu.dma_semaphore, #tpu.memory_space<semaphore_mem>>)
          %dma_wait3A_117 = arith.constant 0 : i32
          %dma_wait3A_118 = tpu.memref_slice %arg4[%add3A_46, %dma_wait3A_117] : memref<2560x128xi32, #tpu.memory_space<hbm>> -> memref<32x128xi32, #tpu.memory_space<hbm>>
          %dma_wait3A_119 = arith.constant 0 : i32
          %dma_wait3A_120 = tpu.memref_slice %arg4[%add3A_46, %dma_wait3A_119] : memref<2560x128xi32, #tpu.memory_space<hbm>> -> memref<32x128xi32, #tpu.memory_space<hbm>>
          tpu.wait_dma2 semaphore(%run_scoped3A : memref<!tpu.dma_semaphore, #tpu.memory_space<semaphore_mem>>) src(%dma_wait3A_120 : memref<32x128xi32, #tpu.memory_space<hbm>>) dst(%arg8 : memref<32x128xi32, #tpu.memory_space<vmem>>)
          tpu.yield
        }) : () -> ()
        "tpu.region"() ({
          %run_scoped3A = tpu.sem_alloc : memref<!tpu.dma_semaphore, #tpu.memory_space<semaphore_mem>>
          %dma_start3A_113 = arith.constant 0 : i32
          %dma_start3A_114 = tpu.memref_slice %arg5[%add3A_46, %dma_start3A_113] : memref<2560x128xf32, #tpu.memory_space<hbm>> -> memref<32x128xf32, #tpu.memory_space<hbm>>
          %dma_start3A_115 = arith.constant 0 : i32
          %dma_start3A_116 = tpu.memref_slice %arg5[%add3A_46, %dma_start3A_115] : memref<2560x128xf32, #tpu.memory_space<hbm>> -> memref<32x128xf32, #tpu.memory_space<hbm>>
          tpu.enqueue_dma source(%dma_start3A_116 : memref<32x128xf32, #tpu.memory_space<hbm>>) target(%arg9 : memref<32x128xf32, #tpu.memory_space<vmem>>) target_semaphore(%run_scoped3A : memref<!tpu.dma_semaphore, #tpu.memory_space<semaphore_mem>>)
          %dma_wait3A_117 = arith.constant 0 : i32
          %dma_wait3A_118 = tpu.memref_slice %arg5[%add3A_46, %dma_wait3A_117] : memref<2560x128xf32, #tpu.memory_space<hbm>> -> memref<32x128xf32, #tpu.memory_space<hbm>>
          %dma_wait3A_119 = arith.constant 0 : i32
          %dma_wait3A_120 = tpu.memref_slice %arg5[%add3A_46, %dma_wait3A_119] : memref<2560x128xf32, #tpu.memory_space<hbm>> -> memref<32x128xf32, #tpu.memory_space<hbm>>
          tpu.wait_dma2 semaphore(%run_scoped3A : memref<!tpu.dma_semaphore, #tpu.memory_space<semaphore_mem>>) src(%dma_wait3A_120 : memref<32x128xf32, #tpu.memory_space<hbm>>) dst(%arg9 : memref<32x128xf32, #tpu.memory_space<vmem>>)
          tpu.yield
        }) : () -> ()
        %dma_start3A = arith.constant 0 : i32
        %dma_start3A_47 = arith.constant 0 : i32
        %dma_start3A_48 = arith.constant 0 : i32
        %dma_start3A_49 = arith.constant 0 : i32
        %dma_start3A_50 = tpu.memref_slice %arg11[%dma_start3A_47, %dma_start3A_48, %dma_start3A_49] : memref<2x128x128xf32, #tpu.memory_space<vmem>> -> memref<1x32x128xf32, #tpu.memory_space<vmem>>
        %dma_start3A_51 = tpu.memref_squeeze %dma_start3A_50 : memref<1x32x128xf32, #tpu.memory_space<vmem>> -> memref<32x128xf32, #tpu.memory_space<vmem>>
        %dma_start3A_52 = arith.constant 0 : i32
        %dma_start3A_53 = tpu.memref_slice %arg7[%dma_start3A, %dma_start3A_52] : memref<32x128xi32, #tpu.memory_space<vmem>> -> memref<1x32xi32, #tpu.memory_space<vmem>>
        %dma_start3A_54 = tpu.memref_squeeze %dma_start3A_53 : memref<1x32xi32, #tpu.memory_space<vmem>> -> memref<32xi32, #tpu.memory_space<vmem>>
        %dma_start3A_55 = arith.constant 0 : i32
        %dma_start3A_56 = arith.constant 0 : i32
        %dma_start3A_57 = tpu.memref_slice %arg2[%dma_start3A_55, %dma_start3A_56] : memref<120000x128xf32, #tpu.memory_space<hbm>> -> memref<120000x128xf32, #tpu.memory_space<hbm>>
        tpu.enqueue_indirect_dma source(%dma_start3A_57 : memref<120000x128xf32, #tpu.memory_space<hbm>>) target(%dma_start3A_51 : memref<32x128xf32, #tpu.memory_space<vmem>>) offsets(%dma_start3A_54 : memref<32xi32, #tpu.memory_space<vmem>>) semaphore(%arg13 : memref<!tpu.dma_semaphore, #tpu.memory_space<semaphore_mem>>)
        %dma_start3A_58 = arith.constant 0 : i32
        %dma_start3A_59 = arith.constant 0 : i32
        %dma_start3A_60 = arith.constant 32 : i32
        %dma_start3A_61 = arith.constant 0 : i32
        %dma_start3A_62 = tpu.memref_slice %arg11[%dma_start3A_59, %dma_start3A_60, %dma_start3A_61] : memref<2x128x128xf32, #tpu.memory_space<vmem>> -> memref<1x32x128xf32, #tpu.memory_space<vmem>>
        %dma_start3A_63 = tpu.memref_squeeze %dma_start3A_62 : memref<1x32x128xf32, #tpu.memory_space<vmem>> -> memref<32x128xf32, #tpu.memory_space<vmem>>
        %dma_start3A_64 = arith.constant 32 : i32
        %dma_start3A_65 = tpu.memref_slice %arg7[%dma_start3A_58, %dma_start3A_64] : memref<32x128xi32, #tpu.memory_space<vmem>> -> memref<1x32xi32, #tpu.memory_space<vmem>>
        %dma_start3A_66 = tpu.memref_squeeze %dma_start3A_65 : memref<1x32xi32, #tpu.memory_space<vmem>> -> memref<32xi32, #tpu.memory_space<vmem>>
        %dma_start3A_67 = arith.constant 0 : i32
        %dma_start3A_68 = arith.constant 0 : i32
        %dma_start3A_69 = tpu.memref_slice %arg2[%dma_start3A_67, %dma_start3A_68] : memref<120000x128xf32, #tpu.memory_space<hbm>> -> memref<120000x128xf32, #tpu.memory_space<hbm>>
        tpu.enqueue_indirect_dma source(%dma_start3A_69 : memref<120000x128xf32, #tpu.memory_space<hbm>>) target(%dma_start3A_63 : memref<32x128xf32, #tpu.memory_space<vmem>>) offsets(%dma_start3A_66 : memref<32xi32, #tpu.memory_space<vmem>>) semaphore(%arg14 : memref<!tpu.dma_semaphore, #tpu.memory_space<semaphore_mem>>)
        %dma_start3A_70 = arith.constant 0 : i32
        %dma_start3A_71 = arith.constant 0 : i32
        %dma_start3A_72 = arith.constant 64 : i32
        %dma_start3A_73 = arith.constant 0 : i32
        %dma_start3A_74 = tpu.memref_slice %arg11[%dma_start3A_71, %dma_start3A_72, %dma_start3A_73] : memref<2x128x128xf32, #tpu.memory_space<vmem>> -> memref<1x32x128xf32, #tpu.memory_space<vmem>>
        %dma_start3A_75 = tpu.memref_squeeze %dma_start3A_74 : memref<1x32x128xf32, #tpu.memory_space<vmem>> -> memref<32x128xf32, #tpu.memory_space<vmem>>
        %dma_start3A_76 = arith.constant 64 : i32
        %dma_start3A_77 = tpu.memref_slice %arg7[%dma_start3A_70, %dma_start3A_76] : memref<32x128xi32, #tpu.memory_space<vmem>> -> memref<1x32xi32, #tpu.memory_space<vmem>>
        %dma_start3A_78 = tpu.memref_squeeze %dma_start3A_77 : memref<1x32xi32, #tpu.memory_space<vmem>> -> memref<32xi32, #tpu.memory_space<vmem>>
        %dma_start3A_79 = arith.constant 0 : i32
        %dma_start3A_80 = arith.constant 0 : i32
        %dma_start3A_81 = tpu.memref_slice %arg2[%dma_start3A_79, %dma_start3A_80] : memref<120000x128xf32, #tpu.memory_space<hbm>> -> memref<120000x128xf32, #tpu.memory_space<hbm>>
        tpu.enqueue_indirect_dma source(%dma_start3A_81 : memref<120000x128xf32, #tpu.memory_space<hbm>>) target(%dma_start3A_75 : memref<32x128xf32, #tpu.memory_space<vmem>>) offsets(%dma_start3A_78 : memref<32xi32, #tpu.memory_space<vmem>>) semaphore(%arg15 : memref<!tpu.dma_semaphore, #tpu.memory_space<semaphore_mem>>)
        %dma_start3A_82 = arith.constant 0 : i32
        %dma_start3A_83 = arith.constant 0 : i32
        %dma_start3A_84 = arith.constant 96 : i32
        %dma_start3A_85 = arith.constant 0 : i32
        %dma_start3A_86 = tpu.memref_slice %arg11[%dma_start3A_83, %dma_start3A_84, %dma_start3A_85] : memref<2x128x128xf32, #tpu.memory_space<vmem>> -> memref<1x32x128xf32, #tpu.memory_space<vmem>>
        %dma_start3A_87 = tpu.memref_squeeze %dma_start3A_86 : memref<1x32x128xf32, #tpu.memory_space<vmem>> -> memref<32x128xf32, #tpu.memory_space<vmem>>
        %dma_start3A_88 = arith.constant 96 : i32
        %dma_start3A_89 = tpu.memref_slice %arg7[%dma_start3A_82, %dma_start3A_88] : memref<32x128xi32, #tpu.memory_space<vmem>> -> memref<1x32xi32, #tpu.memory_space<vmem>>
        %dma_start3A_90 = tpu.memref_squeeze %dma_start3A_89 : memref<1x32xi32, #tpu.memory_space<vmem>> -> memref<32xi32, #tpu.memory_space<vmem>>
        %dma_start3A_91 = arith.constant 0 : i32
        %dma_start3A_92 = arith.constant 0 : i32
        %dma_start3A_93 = tpu.memref_slice %arg2[%dma_start3A_91, %dma_start3A_92] : memref<120000x128xf32, #tpu.memory_space<hbm>> -> memref<120000x128xf32, #tpu.memory_space<hbm>>
        tpu.enqueue_indirect_dma source(%dma_start3A_93 : memref<120000x128xf32, #tpu.memory_space<hbm>>) target(%dma_start3A_87 : memref<32x128xf32, #tpu.memory_space<vmem>>) offsets(%dma_start3A_90 : memref<32xi32, #tpu.memory_space<vmem>>) semaphore(%arg16 : memref<!tpu.dma_semaphore, #tpu.memory_space<semaphore_mem>>)
        %scan3A_94 = arith.constant 0 : i32
        %scan3A_95 = arith.constant 0 : i32
        %scan3A_96 = arith.constant 16 : i32
        %scan3A_97 = arith.addi %scan3A_95, %scan3A_96 : i32
        %scan3A_98 = arith.constant 1 : i32
        %scan3A_99 = scf.for %scan3A_113 = %scan3A_95 to %scan3A_97 step %scan3A_98 iter_args(%scan3A_114 = %scan3A_94) -> (i32)  : i32 {
          %mul3A_115 = arith.constant 2 : i32
          %mul3A_116 = arith.muli %scan3A_113, %mul3A_115 : i32
          %add3A_117 = arith.constant 0 : i32
          %add3A_118 = arith.addi %mul3A_116, %add3A_117 : i32
          %dma_wait3A_119 = arith.constant 0 : i32
          %dma_wait3A_120 = arith.constant 0 : i32
          %dma_wait3A_121 = arith.constant 0 : i32
          %dma_wait3A_122 = tpu.memref_slice %arg11[%dma_wait3A_119, %dma_wait3A_120, %dma_wait3A_121] : memref<2x128x128xf32, #tpu.memory_space<vmem>> -> memref<1x32x128xf32, #tpu.memory_space<vmem>>
          %dma_wait3A_123 = tpu.memref_squeeze %dma_wait3A_122 : memref<1x32x128xf32, #tpu.memory_space<vmem>> -> memref<32x128xf32, #tpu.memory_space<vmem>>
          %dma_wait3A_124 = arith.constant 0 : i32
          %dma_wait3A_125 = tpu.memref_slice %arg7[%add3A_118, %dma_wait3A_124] : memref<32x128xi32, #tpu.memory_space<vmem>> -> memref<1x32xi32, #tpu.memory_space<vmem>>
          %dma_wait3A_126 = tpu.memref_squeeze %dma_wait3A_125 : memref<1x32xi32, #tpu.memory_space<vmem>> -> memref<32xi32, #tpu.memory_space<vmem>>
          %dma_wait3A_127 = arith.constant 0 : i32
          %dma_wait3A_128 = arith.constant 0 : i32
          %dma_wait3A_129 = tpu.memref_slice %arg2[%dma_wait3A_127, %dma_wait3A_128] : memref<120000x128xf32, #tpu.memory_space<hbm>> -> memref<120000x128xf32, #tpu.memory_space<hbm>>
          tpu.wait_indirect_dma semaphore(%arg13 : memref<!tpu.dma_semaphore, #tpu.memory_space<semaphore_mem>>) src(%dma_wait3A_129 : memref<120000x128xf32, #tpu.memory_space<hbm>>) dst(%dma_wait3A_123 : memref<32x128xf32, #tpu.memory_space<vmem>>)
          %dma_wait3A_130 = arith.constant 0 : i32
          %dma_wait3A_131 = arith.constant 32 : i32
          %dma_wait3A_132 = arith.constant 0 : i32
          %dma_wait3A_133 = tpu.memref_slice %arg11[%dma_wait3A_130, %dma_wait3A_131, %dma_wait3A_132] : memref<2x128x128xf32, #tpu.memory_space<vmem>> -> memref<1x32x128xf32, #tpu.memory_space<vmem>>
          %dma_wait3A_134 = tpu.memref_squeeze %dma_wait3A_133 : memref<1x32x128xf32, #tpu.memory_space<vmem>> -> memref<32x128xf32, #tpu.memory_space<vmem>>
          %dma_wait3A_135 = arith.constant 32 : i32
          %dma_wait3A_136 = tpu.memref_slice %arg7[%add3A_118, %dma_wait3A_135] : memref<32x128xi32, #tpu.memory_space<vmem>> -> memref<1x32xi32, #tpu.memory_space<vmem>>
          %dma_wait3A_137 = tpu.memref_squeeze %dma_wait3A_136 : memref<1x32xi32, #tpu.memory_space<vmem>> -> memref<32xi32, #tpu.memory_space<vmem>>
          %dma_wait3A_138 = arith.constant 0 : i32
          %dma_wait3A_139 = arith.constant 0 : i32
          %dma_wait3A_140 = tpu.memref_slice %arg2[%dma_wait3A_138, %dma_wait3A_139] : memref<120000x128xf32, #tpu.memory_space<hbm>> -> memref<120000x128xf32, #tpu.memory_space<hbm>>
          tpu.wait_indirect_dma semaphore(%arg14 : memref<!tpu.dma_semaphore, #tpu.memory_space<semaphore_mem>>) src(%dma_wait3A_140 : memref<120000x128xf32, #tpu.memory_space<hbm>>) dst(%dma_wait3A_134 : memref<32x128xf32, #tpu.memory_space<vmem>>)
          %dma_wait3A_141 = arith.constant 0 : i32
          %dma_wait3A_142 = arith.constant 64 : i32
          %dma_wait3A_143 = arith.constant 0 : i32
          %dma_wait3A_144 = tpu.memref_slice %arg11[%dma_wait3A_141, %dma_wait3A_142, %dma_wait3A_143] : memref<2x128x128xf32, #tpu.memory_space<vmem>> -> memref<1x32x128xf32, #tpu.memory_space<vmem>>
          %dma_wait3A_145 = tpu.memref_squeeze %dma_wait3A_144 : memref<1x32x128xf32, #tpu.memory_space<vmem>> -> memref<32x128xf32, #tpu.memory_space<vmem>>
          %dma_wait3A_146 = arith.constant 64 : i32
          %dma_wait3A_147 = tpu.memref_slice %arg7[%add3A_118, %dma_wait3A_146] : memref<32x128xi32, #tpu.memory_space<vmem>> -> memref<1x32xi32, #tpu.memory_space<vmem>>
          %dma_wait3A_148 = tpu.memref_squeeze %dma_wait3A_147 : memref<1x32xi32, #tpu.memory_space<vmem>> -> memref<32xi32, #tpu.memory_space<vmem>>
          %dma_wait3A_149 = arith.constant 0 : i32
          %dma_wait3A_150 = arith.constant 0 : i32
          %dma_wait3A_151 = tpu.memref_slice %arg2[%dma_wait3A_149, %dma_wait3A_150] : memref<120000x128xf32, #tpu.memory_space<hbm>> -> memref<120000x128xf32, #tpu.memory_space<hbm>>
          tpu.wait_indirect_dma semaphore(%arg15 : memref<!tpu.dma_semaphore, #tpu.memory_space<semaphore_mem>>) src(%dma_wait3A_151 : memref<120000x128xf32, #tpu.memory_space<hbm>>) dst(%dma_wait3A_145 : memref<32x128xf32, #tpu.memory_space<vmem>>)
          %dma_wait3A_152 = arith.constant 0 : i32
          %dma_wait3A_153 = arith.constant 96 : i32
          %dma_wait3A_154 = arith.constant 0 : i32
          %dma_wait3A_155 = tpu.memref_slice %arg11[%dma_wait3A_152, %dma_wait3A_153, %dma_wait3A_154] : memref<2x128x128xf32, #tpu.memory_space<vmem>> -> memref<1x32x128xf32, #tpu.memory_space<vmem>>
          %dma_wait3A_156 = tpu.memref_squeeze %dma_wait3A_155 : memref<1x32x128xf32, #tpu.memory_space<vmem>> -> memref<32x128xf32, #tpu.memory_space<vmem>>
          %dma_wait3A_157 = arith.constant 96 : i32
          %dma_wait3A_158 = tpu.memref_slice %arg7[%add3A_118, %dma_wait3A_157] : memref<32x128xi32, #tpu.memory_space<vmem>> -> memref<1x32xi32, #tpu.memory_space<vmem>>
          %dma_wait3A_159 = tpu.memref_squeeze %dma_wait3A_158 : memref<1x32xi32, #tpu.memory_space<vmem>> -> memref<32xi32, #tpu.memory_space<vmem>>
          %dma_wait3A_160 = arith.constant 0 : i32
          %dma_wait3A_161 = arith.constant 0 : i32
          %dma_wait3A_162 = tpu.memref_slice %arg2[%dma_wait3A_160, %dma_wait3A_161] : memref<120000x128xf32, #tpu.memory_space<hbm>> -> memref<120000x128xf32, #tpu.memory_space<hbm>>
          tpu.wait_indirect_dma semaphore(%arg16 : memref<!tpu.dma_semaphore, #tpu.memory_space<semaphore_mem>>) src(%dma_wait3A_162 : memref<120000x128xf32, #tpu.memory_space<hbm>>) dst(%dma_wait3A_156 : memref<32x128xf32, #tpu.memory_space<vmem>>)
          %gt3A = arith.constant 0 : i32
          %gt3A_163 = arith.cmpi sgt, %scan3A_113, %gt3A : i32
          %convert_element_type3A = arith.extui %gt3A_163 : i1 to i32
          %cond3A = arith.constant 0 : i32
          %cond3A_164 = arith.cmpi ne, %convert_element_type3A, %cond3A : i32
          scf.if %cond3A_164 {
            %sub3A_312 = arith.constant 1 : i32
            %sub3A_313 = arith.subi %add3A_118, %sub3A_312 : i32
            %dma_wait3A_314 = arith.constant 1 : i32
            %dma_wait3A_315 = arith.constant 0 : i32
            %dma_wait3A_316 = arith.constant 0 : i32
            %dma_wait3A_317 = tpu.memref_slice %arg11[%dma_wait3A_314, %dma_wait3A_315, %dma_wait3A_316] : memref<2x128x128xf32, #tpu.memory_space<vmem>> -> memref<1x128x128xf32, #tpu.memory_space<vmem>>
            %dma_wait3A_318 = tpu.memref_squeeze %dma_wait3A_317 : memref<1x128x128xf32, #tpu.memory_space<vmem>> -> memref<128x128xf32, #tpu.memory_space<vmem>>
            %dma_wait3A_319 = arith.constant 0 : i32
            %dma_wait3A_320 = tpu.memref_slice %arg8[%sub3A_313, %dma_wait3A_319] : memref<32x128xi32, #tpu.memory_space<vmem>> -> memref<1x128xi32, #tpu.memory_space<vmem>>
            %dma_wait3A_321 = tpu.memref_squeeze %dma_wait3A_320 : memref<1x128xi32, #tpu.memory_space<vmem>> -> memref<128xi32, #tpu.memory_space<vmem>>
            %dma_wait3A_322 = arith.constant 0 : i32
            %dma_wait3A_323 = arith.constant 0 : i32
            %dma_wait3A_324 = tpu.memref_slice %arg12[%dma_wait3A_322, %dma_wait3A_323] : memref<10240x128xf32, #tpu.memory_space<vmem_shared>> -> memref<10240x128xf32, #tpu.memory_space<vmem_shared>>
            tpu.wait_indirect_dma semaphore(%arg22 : memref<!tpu.dma_semaphore, #tpu.memory_space<semaphore_mem>>) src(%dma_wait3A_318 : memref<128x128xf32, #tpu.memory_space<vmem>>) dst(%dma_wait3A_324 : memref<10240x128xf32, #tpu.memory_space<vmem_shared>>)
          } else {
          }
          %add3A_165 = arith.constant 1 : i32
          %add3A_166 = arith.addi %add3A_118, %add3A_165 : i32
          %dma_start3A_167 = arith.constant 1 : i32
          %dma_start3A_168 = arith.constant 0 : i32
          %dma_start3A_169 = arith.constant 0 : i32
          %dma_start3A_170 = tpu.memref_slice %arg11[%dma_start3A_167, %dma_start3A_168, %dma_start3A_169] : memref<2x128x128xf32, #tpu.memory_space<vmem>> -> memref<1x32x128xf32, #tpu.memory_space<vmem>>
          %dma_start3A_171 = tpu.memref_squeeze %dma_start3A_170 : memref<1x32x128xf32, #tpu.memory_space<vmem>> -> memref<32x128xf32, #tpu.memory_space<vmem>>
          %dma_start3A_172 = arith.constant 0 : i32
          %dma_start3A_173 = tpu.memref_slice %arg7[%add3A_166, %dma_start3A_172] : memref<32x128xi32, #tpu.memory_space<vmem>> -> memref<1x32xi32, #tpu.memory_space<vmem>>
          %dma_start3A_174 = tpu.memref_squeeze %dma_start3A_173 : memref<1x32xi32, #tpu.memory_space<vmem>> -> memref<32xi32, #tpu.memory_space<vmem>>
          %dma_start3A_175 = arith.constant 0 : i32
          %dma_start3A_176 = arith.constant 0 : i32
          %dma_start3A_177 = tpu.memref_slice %arg2[%dma_start3A_175, %dma_start3A_176] : memref<120000x128xf32, #tpu.memory_space<hbm>> -> memref<120000x128xf32, #tpu.memory_space<hbm>>
          tpu.enqueue_indirect_dma source(%dma_start3A_177 : memref<120000x128xf32, #tpu.memory_space<hbm>>) target(%dma_start3A_171 : memref<32x128xf32, #tpu.memory_space<vmem>>) offsets(%dma_start3A_174 : memref<32xi32, #tpu.memory_space<vmem>>) semaphore(%arg17 : memref<!tpu.dma_semaphore, #tpu.memory_space<semaphore_mem>>)
          %dma_start3A_178 = arith.constant 1 : i32
          %dma_start3A_179 = arith.constant 32 : i32
          %dma_start3A_180 = arith.constant 0 : i32
          %dma_start3A_181 = tpu.memref_slice %arg11[%dma_start3A_178, %dma_start3A_179, %dma_start3A_180] : memref<2x128x128xf32, #tpu.memory_space<vmem>> -> memref<1x32x128xf32, #tpu.memory_space<vmem>>
          %dma_start3A_182 = tpu.memref_squeeze %dma_start3A_181 : memref<1x32x128xf32, #tpu.memory_space<vmem>> -> memref<32x128xf32, #tpu.memory_space<vmem>>
          %dma_start3A_183 = arith.constant 32 : i32
          %dma_start3A_184 = tpu.memref_slice %arg7[%add3A_166, %dma_start3A_183] : memref<32x128xi32, #tpu.memory_space<vmem>> -> memref<1x32xi32, #tpu.memory_space<vmem>>
          %dma_start3A_185 = tpu.memref_squeeze %dma_start3A_184 : memref<1x32xi32, #tpu.memory_space<vmem>> -> memref<32xi32, #tpu.memory_space<vmem>>
          %dma_start3A_186 = arith.constant 0 : i32
          %dma_start3A_187 = arith.constant 0 : i32
          %dma_start3A_188 = tpu.memref_slice %arg2[%dma_start3A_186, %dma_start3A_187] : memref<120000x128xf32, #tpu.memory_space<hbm>> -> memref<120000x128xf32, #tpu.memory_space<hbm>>
          tpu.enqueue_indirect_dma source(%dma_start3A_188 : memref<120000x128xf32, #tpu.memory_space<hbm>>) target(%dma_start3A_182 : memref<32x128xf32, #tpu.memory_space<vmem>>) offsets(%dma_start3A_185 : memref<32xi32, #tpu.memory_space<vmem>>) semaphore(%arg18 : memref<!tpu.dma_semaphore, #tpu.memory_space<semaphore_mem>>)
          %dma_start3A_189 = arith.constant 1 : i32
          %dma_start3A_190 = arith.constant 64 : i32
          %dma_start3A_191 = arith.constant 0 : i32
          %dma_start3A_192 = tpu.memref_slice %arg11[%dma_start3A_189, %dma_start3A_190, %dma_start3A_191] : memref<2x128x128xf32, #tpu.memory_space<vmem>> -> memref<1x32x128xf32, #tpu.memory_space<vmem>>
          %dma_start3A_193 = tpu.memref_squeeze %dma_start3A_192 : memref<1x32x128xf32, #tpu.memory_space<vmem>> -> memref<32x128xf32, #tpu.memory_space<vmem>>
          %dma_start3A_194 = arith.constant 64 : i32
          %dma_start3A_195 = tpu.memref_slice %arg7[%add3A_166, %dma_start3A_194] : memref<32x128xi32, #tpu.memory_space<vmem>> -> memref<1x32xi32, #tpu.memory_space<vmem>>
          %dma_start3A_196 = tpu.memref_squeeze %dma_start3A_195 : memref<1x32xi32, #tpu.memory_space<vmem>> -> memref<32xi32, #tpu.memory_space<vmem>>
          %dma_start3A_197 = arith.constant 0 : i32
          %dma_start3A_198 = arith.constant 0 : i32
          %dma_start3A_199 = tpu.memref_slice %arg2[%dma_start3A_197, %dma_start3A_198] : memref<120000x128xf32, #tpu.memory_space<hbm>> -> memref<120000x128xf32, #tpu.memory_space<hbm>>
          tpu.enqueue_indirect_dma source(%dma_start3A_199 : memref<120000x128xf32, #tpu.memory_space<hbm>>) target(%dma_start3A_193 : memref<32x128xf32, #tpu.memory_space<vmem>>) offsets(%dma_start3A_196 : memref<32xi32, #tpu.memory_space<vmem>>) semaphore(%arg19 : memref<!tpu.dma_semaphore, #tpu.memory_space<semaphore_mem>>)
          %dma_start3A_200 = arith.constant 1 : i32
          %dma_start3A_201 = arith.constant 96 : i32
          %dma_start3A_202 = arith.constant 0 : i32
          %dma_start3A_203 = tpu.memref_slice %arg11[%dma_start3A_200, %dma_start3A_201, %dma_start3A_202] : memref<2x128x128xf32, #tpu.memory_space<vmem>> -> memref<1x32x128xf32, #tpu.memory_space<vmem>>
          %dma_start3A_204 = tpu.memref_squeeze %dma_start3A_203 : memref<1x32x128xf32, #tpu.memory_space<vmem>> -> memref<32x128xf32, #tpu.memory_space<vmem>>
          %dma_start3A_205 = arith.constant 96 : i32
          %dma_start3A_206 = tpu.memref_slice %arg7[%add3A_166, %dma_start3A_205] : memref<32x128xi32, #tpu.memory_space<vmem>> -> memref<1x32xi32, #tpu.memory_space<vmem>>
          %dma_start3A_207 = tpu.memref_squeeze %dma_start3A_206 : memref<1x32xi32, #tpu.memory_space<vmem>> -> memref<32xi32, #tpu.memory_space<vmem>>
          %dma_start3A_208 = arith.constant 0 : i32
          %dma_start3A_209 = arith.constant 0 : i32
          %dma_start3A_210 = tpu.memref_slice %arg2[%dma_start3A_208, %dma_start3A_209] : memref<120000x128xf32, #tpu.memory_space<hbm>> -> memref<120000x128xf32, #tpu.memory_space<hbm>>
          tpu.enqueue_indirect_dma source(%dma_start3A_210 : memref<120000x128xf32, #tpu.memory_space<hbm>>) target(%dma_start3A_204 : memref<32x128xf32, #tpu.memory_space<vmem>>) offsets(%dma_start3A_207 : memref<32xi32, #tpu.memory_space<vmem>>) semaphore(%arg20 : memref<!tpu.dma_semaphore, #tpu.memory_space<semaphore_mem>>)
          %scan3A_211 = arith.constant 0 : i32
          %scan3A_212 = arith.constant 0 : i32
          %scan3A_213 = arith.constant 8 : i32
          %scan3A_214 = arith.addi %scan3A_212, %scan3A_213 : i32
          %scan3A_215 = arith.constant 1 : i32
          %scan3A_216 = scf.for %scan3A_312 = %scan3A_212 to %scan3A_214 step %scan3A_215 iter_args(%scan3A_313 = %scan3A_211) -> (i32)  : i32 {
            %mul3A_314 = arith.constant 16 : i32
            %mul3A_315 = arith.muli %scan3A_312, %mul3A_314 : i32
            %get3A = arith.index_cast %add3A_118 : i32 to index
            %get3A_316 = arith.index_cast %mul3A_315 : i32 to index
            %get3A_317 = tpu.vector_load %arg9[%get3A, %get3A_316] {strides = array<i32>} : memref<32x128xf32, #tpu.memory_space<vmem>>, vector<16xf32>,
            %broadcast_in_dim3A_318 = arith.constant 0 : i32
            %broadcast_in_dim3A_319 = vector.broadcast %broadcast_in_dim3A_318 : i32 to vector<16x1xi32>
            %gather3A = vector.shape_cast %broadcast_in_dim3A_319 : vector<16x1xi32> to vector<16xi32>
            %gather3A_320 = tpu.dynamic_gather %get3A_317[%gather3A] in [0] : vector<16xf32>, vector<16xi32> -> vector<16xf32>
            %mul3A_321 = arith.constant 16 : i32
            %mul3A_322 = arith.muli %scan3A_312, %mul3A_321 : i32
            %add3A_323 = arith.constant 0 : i32
            %add3A_324 = arith.addi %mul3A_322, %add3A_323 : i32
            %get3A_325 = arith.constant 0 : i32
            %get3A_326 = arith.index_cast %get3A_325 : i32 to index
            %get3A_327 = arith.index_cast %add3A_324 : i32 to index
            %get3A_328 = arith.constant 0 : index
            %get3A_329 = tpu.vector_load %arg11[%get3A_326, %get3A_327, %get3A_328] {strides = array<i32>} : memref<2x128x128xf32, #tpu.memory_space<vmem>>, vector<16xf32>,
            %mul3A_330 = arith.mulf %get3A_329, %gather3A_320 : vector<16xf32>
            %swap3A = arith.constant 0 : i32
            %swap3A_331 = arith.index_cast %swap3A : i32 to index
            %swap3A_332 = arith.index_cast %add3A_324 : i32 to index
            %swap3A_333 = arith.constant 0 : index
            %swap3A_334 = tpu.vector_load %arg11[%swap3A_331, %swap3A_332, %swap3A_333] {strides = array<i32>} : memref<2x128x128xf32, #tpu.memory_space<vmem>>, vector<16xf32>,
            tpu.vector_store %arg11[%swap3A_331, %swap3A_332, %swap3A_333], %mul3A_330 {strides = array<i32>} : memref<2x128x128xf32, #tpu.memory_space<vmem>>, vector<16xf32>,
            %get3A_335 = arith.constant 0 : i32
            %get3A_336 = arith.index_cast %get3A_335 : i32 to index
            %get3A_337 = arith.index_cast %add3A_324 : i32 to index
            %get3A_338 = arith.constant 16 : index
            %get3A_339 = tpu.vector_load %arg11[%get3A_336, %get3A_337, %get3A_338] {strides = array<i32>} : memref<2x128x128xf32, #tpu.memory_space<vmem>>, vector<16xf32>,
            %mul3A_340 = arith.mulf %get3A_339, %gather3A_320 : vector<16xf32>
            %swap3A_341 = arith.constant 0 : i32
            %swap3A_342 = arith.index_cast %swap3A_341 : i32 to index
            %swap3A_343 = arith.index_cast %add3A_324 : i32 to index
            %swap3A_344 = arith.constant 16 : index
            %swap3A_345 = tpu.vector_load %arg11[%swap3A_342, %swap3A_343, %swap3A_344] {strides = array<i32>} : memref<2x128x128xf32, #tpu.memory_space<vmem>>, vector<16xf32>,
            tpu.vector_store %arg11[%swap3A_342, %swap3A_343, %swap3A_344], %mul3A_340 {strides = array<i32>} : memref<2x128x128xf32, #tpu.memory_space<vmem>>, vector<16xf32>,
            %get3A_346 = arith.constant 0 : i32
            %get3A_347 = arith.index_cast %get3A_346 : i32 to index
            %get3A_348 = arith.index_cast %add3A_324 : i32 to index
            %get3A_349 = arith.constant 32 : index
            %get3A_350 = tpu.vector_load %arg11[%get3A_347, %get3A_348, %get3A_349] {strides = array<i32>} : memref<2x128x128xf32, #tpu.memory_space<vmem>>, vector<16xf32>,
            %mul3A_351 = arith.mulf %get3A_350, %gather3A_320 : vector<16xf32>
            %swap3A_352 = arith.constant 0 : i32
            %swap3A_353 = arith.index_cast %swap3A_352 : i32 to index
            %swap3A_354 = arith.index_cast %add3A_324 : i32 to index
            %swap3A_355 = arith.constant 32 : index
            %swap3A_356 = tpu.vector_load %arg11[%swap3A_353, %swap3A_354, %swap3A_355] {strides = array<i32>} : memref<2x128x128xf32, #tpu.memory_space<vmem>>, vector<16xf32>,
            tpu.vector_store %arg11[%swap3A_353, %swap3A_354, %swap3A_355], %mul3A_351 {strides = array<i32>} : memref<2x128x128xf32, #tpu.memory_space<vmem>>, vector<16xf32>,
            %get3A_357 = arith.constant 0 : i32
            %get3A_358 = arith.index_cast %get3A_357 : i32 to index
            %get3A_359 = arith.index_cast %add3A_324 : i32 to index
            %get3A_360 = arith.constant 48 : index
            %get3A_361 = tpu.vector_load %arg11[%get3A_358, %get3A_359, %get3A_360] {strides = array<i32>} : memref<2x128x128xf32, #tpu.memory_space<vmem>>, vector<16xf32>,
            %mul3A_362 = arith.mulf %get3A_361, %gather3A_320 : vector<16xf32>
            %swap3A_363 = arith.constant 0 : i32
            %swap3A_364 = arith.index_cast %swap3A_363 : i32 to index
            %swap3A_365 = arith.index_cast %add3A_324 : i32 to index
            %swap3A_366 = arith.constant 48 : index
            %swap3A_367 = tpu.vector_load %arg11[%swap3A_364, %swap3A_365, %swap3A_366] {strides = array<i32>} : memref<2x128x128xf32, #tpu.memory_space<vmem>>, vector<16xf32>,
            tpu.vector_store %arg11[%swap3A_364, %swap3A_365, %swap3A_366], %mul3A_362 {strides = array<i32>} : memref<2x128x128xf32, #tpu.memory_space<vmem>>, vector<16xf32>,
            %get3A_368 = arith.constant 0 : i32
            %get3A_369 = arith.index_cast %get3A_368 : i32 to index
            %get3A_370 = arith.index_cast %add3A_324 : i32 to index
            %get3A_371 = arith.constant 64 : index
            %get3A_372 = tpu.vector_load %arg11[%get3A_369, %get3A_370, %get3A_371] {strides = array<i32>} : memref<2x128x128xf32, #tpu.memory_space<vmem>>, vector<16xf32>,
            %mul3A_373 = arith.mulf %get3A_372, %gather3A_320 : vector<16xf32>
            %swap3A_374 = arith.constant 0 : i32
            %swap3A_375 = arith.index_cast %swap3A_374 : i32 to index
            %swap3A_376 = arith.index_cast %add3A_324 : i32 to index
            %swap3A_377 = arith.constant 64 : index
            %swap3A_378 = tpu.vector_load %arg11[%swap3A_375, %swap3A_376, %swap3A_377] {strides = array<i32>} : memref<2x128x128xf32, #tpu.memory_space<vmem>>, vector<16xf32>,
            tpu.vector_store %arg11[%swap3A_375, %swap3A_376, %swap3A_377], %mul3A_373 {strides = array<i32>} : memref<2x128x128xf32, #tpu.memory_space<vmem>>, vector<16xf32>,
            %get3A_379 = arith.constant 0 : i32
            %get3A_380 = arith.index_cast %get3A_379 : i32 to index
            %get3A_381 = arith.index_cast %add3A_324 : i32 to index
            %get3A_382 = arith.constant 80 : index
            %get3A_383 = tpu.vector_load %arg11[%get3A_380, %get3A_381, %get3A_382] {strides = array<i32>} : memref<2x128x128xf32, #tpu.memory_space<vmem>>, vector<16xf32>,
            %mul3A_384 = arith.mulf %get3A_383, %gather3A_320 : vector<16xf32>
            %swap3A_385 = arith.constant 0 : i32
            %swap3A_386 = arith.index_cast %swap3A_385 : i32 to index
            %swap3A_387 = arith.index_cast %add3A_324 : i32 to index
            %swap3A_388 = arith.constant 80 : index
            %swap3A_389 = tpu.vector_load %arg11[%swap3A_386, %swap3A_387, %swap3A_388] {strides = array<i32>} : memref<2x128x128xf32, #tpu.memory_space<vmem>>, vector<16xf32>,
            tpu.vector_store %arg11[%swap3A_386, %swap3A_387, %swap3A_388], %mul3A_384 {strides = array<i32>} : memref<2x128x128xf32, #tpu.memory_space<vmem>>, vector<16xf32>,
            %get3A_390 = arith.constant 0 : i32
            %get3A_391 = arith.index_cast %get3A_390 : i32 to index
            %get3A_392 = arith.index_cast %add3A_324 : i32 to index
            %get3A_393 = arith.constant 96 : index
            %get3A_394 = tpu.vector_load %arg11[%get3A_391, %get3A_392, %get3A_393] {strides = array<i32>} : memref<2x128x128xf32, #tpu.memory_space<vmem>>, vector<16xf32>,
            %mul3A_395 = arith.mulf %get3A_394, %gather3A_320 : vector<16xf32>
            %swap3A_396 = arith.constant 0 : i32
            %swap3A_397 = arith.index_cast %swap3A_396 : i32 to index
            %swap3A_398 = arith.index_cast %add3A_324 : i32 to index
            %swap3A_399 = arith.constant 96 : index
            %swap3A_400 = tpu.vector_load %arg11[%swap3A_397, %swap3A_398, %swap3A_399] {strides = array<i32>} : memref<2x128x128xf32, #tpu.memory_space<vmem>>, vector<16xf32>,
            tpu.vector_store %arg11[%swap3A_397, %swap3A_398, %swap3A_399], %mul3A_395 {strides = array<i32>} : memref<2x128x128xf32, #tpu.memory_space<vmem>>, vector<16xf32>,
            %get3A_401 = arith.constant 0 : i32
            %get3A_402 = arith.index_cast %get3A_401 : i32 to index
            %get3A_403 = arith.index_cast %add3A_324 : i32 to index
            %get3A_404 = arith.constant 112 : index
            %get3A_405 = tpu.vector_load %arg11[%get3A_402, %get3A_403, %get3A_404] {strides = array<i32>} : memref<2x128x128xf32, #tpu.memory_space<vmem>>, vector<16xf32>,
            %mul3A_406 = arith.mulf %get3A_405, %gather3A_320 : vector<16xf32>
            %swap3A_407 = arith.constant 0 : i32
            %swap3A_408 = arith.index_cast %swap3A_407 : i32 to index
            %swap3A_409 = arith.index_cast %add3A_324 : i32 to index
            %swap3A_410 = arith.constant 112 : index
            %swap3A_411 = tpu.vector_load %arg11[%swap3A_408, %swap3A_409, %swap3A_410] {strides = array<i32>} : memref<2x128x128xf32, #tpu.memory_space<vmem>>, vector<16xf32>,
            tpu.vector_store %arg11[%swap3A_408, %swap3A_409, %swap3A_410], %mul3A_406 {strides = array<i32>} : memref<2x128x128xf32, #tpu.memory_space<vmem>>, vector<16xf32>,
            %broadcast_in_dim3A_412 = arith.constant 1 : i32
            %broadcast_in_dim3A_413 = vector.broadcast %broadcast_in_dim3A_412 : i32 to vector<16x1xi32>
            %gather3A_414 = vector.shape_cast %broadcast_in_dim3A_413 : vector<16x1xi32> to vector<16xi32>
            %gather3A_415 = tpu.dynamic_gather %get3A_317[%gather3A_414] in [0] : vector<16xf32>, vector<16xi32> -> vector<16xf32>
            %mul3A_416 = arith.constant 16 : i32
            %mul3A_417 = arith.muli %scan3A_312, %mul3A_416 : i32
            %add3A_418 = arith.constant 1 : i32
            %add3A_419 = arith.addi %mul3A_417, %add3A_418 : i32
            %get3A_420 = arith.constant 0 : i32
            %get3A_421 = arith.index_cast %get3A_420 : i32 to index
            %get3A_422 = arith.index_cast %add3A_419 : i32 to index
            %get3A_423 = arith.constant 0 : index
            %get3A_424 = tpu.vector_load %arg11[%get3A_421, %get3A_422, %get3A_423] {strides = array<i32>} : memref<2x128x128xf32, #tpu.memory_space<vmem>>, vector<16xf32>,
            %mul3A_425 = arith.mulf %get3A_424, %gather3A_415 : vector<16xf32>
            %swap3A_426 = arith.constant 0 : i32
            %swap3A_427 = arith.index_cast %swap3A_426 : i32 to index
            %swap3A_428 = arith.index_cast %add3A_419 : i32 to index
            %swap3A_429 = arith.constant 0 : index
            %swap3A_430 = tpu.vector_load %arg11[%swap3A_427, %swap3A_428, %swap3A_429] {strides = array<i32>} : memref<2x128x128xf32, #tpu.memory_space<vmem>>, vector<16xf32>,
            tpu.vector_store %arg11[%swap3A_427, %swap3A_428, %swap3A_429], %mul3A_425 {strides = array<i32>} : memref<2x128x128xf32, #tpu.memory_space<vmem>>, vector<16xf32>,
            %get3A_431 = arith.constant 0 : i32
            %get3A_432 = arith.index_cast %get3A_431 : i32 to index
            %get3A_433 = arith.index_cast %add3A_419 : i32 to index
            %get3A_434 = arith.constant 16 : index
            %get3A_435 = tpu.vector_load %arg11[%get3A_432, %get3A_433, %get3A_434] {strides = array<i32>} : memref<2x128x128xf32, #tpu.memory_space<vmem>>, vector<16xf32>,
            %mul3A_436 = arith.mulf %get3A_435, %gather3A_415 : vector<16xf32>
            %swap3A_437 = arith.constant 0 : i32
            %swap3A_438 = arith.index_cast %swap3A_437 : i32 to index
            %swap3A_439 = arith.index_cast %add3A_419 : i32 to index
            %swap3A_440 = arith.constant 16 : index
            %swap3A_441 = tpu.vector_load %arg11[%swap3A_438, %swap3A_439, %swap3A_440] {strides = array<i32>} : memref<2x128x128xf32, #tpu.memory_space<vmem>>, vector<16xf32>,
            tpu.vector_store %arg11[%swap3A_438, %swap3A_439, %swap3A_440], %mul3A_436 {strides = array<i32>} : memref<2x128x128xf32, #tpu.memory_space<vmem>>, vector<16xf32>,
            %get3A_442 = arith.constant 0 : i32
            %get3A_443 = arith.index_cast %get3A_442 : i32 to index
            %get3A_444 = arith.index_cast %add3A_419 : i32 to index
            %get3A_445 = arith.constant 32 : index
            %get3A_446 = tpu.vector_load %arg11[%get3A_443, %get3A_444, %get3A_445] {strides = array<i32>} : memref<2x128x128xf32, #tpu.memory_space<vmem>>, vector<16xf32>,
            %mul3A_447 = arith.mulf %get3A_446, %gather3A_415 : vector<16xf32>
            %swap3A_448 = arith.constant 0 : i32
            %swap3A_449 = arith.index_cast %swap3A_448 : i32 to index
            %swap3A_450 = arith.index_cast %add3A_419 : i32 to index
            %swap3A_451 = arith.constant 32 : index
            %swap3A_452 = tpu.vector_load %arg11[%swap3A_449, %swap3A_450, %swap3A_451] {strides = array<i32>} : memref<2x128x128xf32, #tpu.memory_space<vmem>>, vector<16xf32>,
            tpu.vector_store %arg11[%swap3A_449, %swap3A_450, %swap3A_451], %mul3A_447 {strides = array<i32>} : memref<2x128x128xf32, #tpu.memory_space<vmem>>, vector<16xf32>,
            %get3A_453 = arith.constant 0 : i32
            %get3A_454 = arith.index_cast %get3A_453 : i32 to index
            %get3A_455 = arith.index_cast %add3A_419 : i32 to index
            %get3A_456 = arith.constant 48 : index
            %get3A_457 = tpu.vector_load %arg11[%get3A_454, %get3A_455, %get3A_456] {strides = array<i32>} : memref<2x128x128xf32, #tpu.memory_space<vmem>>, vector<16xf32>,
            %mul3A_458 = arith.mulf %get3A_457, %gather3A_415 : vector<16xf32>
            %swap3A_459 = arith.constant 0 : i32
            %swap3A_460 = arith.index_cast %swap3A_459 : i32 to index
            %swap3A_461 = arith.index_cast %add3A_419 : i32 to index
            %swap3A_462 = arith.constant 48 : index
            %swap3A_463 = tpu.vector_load %arg11[%swap3A_460, %swap3A_461, %swap3A_462] {strides = array<i32>} : memref<2x128x128xf32, #tpu.memory_space<vmem>>, vector<16xf32>,
            tpu.vector_store %arg11[%swap3A_460, %swap3A_461, %swap3A_462], %mul3A_458 {strides = array<i32>} : memref<2x128x128xf32, #tpu.memory_space<vmem>>, vector<16xf32>,
            %get3A_464 = arith.constant 0 : i32
            %get3A_465 = arith.index_cast %get3A_464 : i32 to index
            %get3A_466 = arith.index_cast %add3A_419 : i32 to index
            %get3A_467 = arith.constant 64 : index
            %get3A_468 = tpu.vector_load %arg11[%get3A_465, %get3A_466, %get3A_467] {strides = array<i32>} : memref<2x128x128xf32, #tpu.memory_space<vmem>>, vector<16xf32>,
            %mul3A_469 = arith.mulf %get3A_468, %gather3A_415 : vector<16xf32>
            %swap3A_470 = arith.constant 0 : i32
            %swap3A_471 = arith.index_cast %swap3A_470 : i32 to index
            %swap3A_472 = arith.index_cast %add3A_419 : i32 to index
            %swap3A_473 = arith.constant 64 : index
            %swap3A_474 = tpu.vector_load %arg11[%swap3A_471, %swap3A_472, %swap3A_473] {strides = array<i32>} : memref<2x128x128xf32, #tpu.memory_space<vmem>>, vector<16xf32>,
            tpu.vector_store %arg11[%swap3A_471, %swap3A_472, %swap3A_473], %mul3A_469 {strides = array<i32>} : memref<2x128x128xf32, #tpu.memory_space<vmem>>, vector<16xf32>,
            %get3A_475 = arith.constant 0 : i32
            %get3A_476 = arith.index_cast %get3A_475 : i32 to index
            %get3A_477 = arith.index_cast %add3A_419 : i32 to index
            %get3A_478 = arith.constant 80 : index
            %get3A_479 = tpu.vector_load %arg11[%get3A_476, %get3A_477, %get3A_478] {strides = array<i32>} : memref<2x128x128xf32, #tpu.memory_space<vmem>>, vector<16xf32>,
            %mul3A_480 = arith.mulf %get3A_479, %gather3A_415 : vector<16xf32>
            %swap3A_481 = arith.constant 0 : i32
            %swap3A_482 = arith.index_cast %swap3A_481 : i32 to index
            %swap3A_483 = arith.index_cast %add3A_419 : i32 to index
            %swap3A_484 = arith.constant 80 : index
            %swap3A_485 = tpu.vector_load %arg11[%swap3A_482, %swap3A_483, %swap3A_484] {strides = array<i32>} : memref<2x128x128xf32, #tpu.memory_space<vmem>>, vector<16xf32>,
            tpu.vector_store %arg11[%swap3A_482, %swap3A_483, %swap3A_484], %mul3A_480 {strides = array<i32>} : memref<2x128x128xf32, #tpu.memory_space<vmem>>, vector<16xf32>,
            %get3A_486 = arith.constant 0 : i32
            %get3A_487 = arith.index_cast %get3A_486 : i32 to index
            %get3A_488 = arith.index_cast %add3A_419 : i32 to index
            %get3A_489 = arith.constant 96 : index
            %get3A_490 = tpu.vector_load %arg11[%get3A_487, %get3A_488, %get3A_489] {strides = array<i32>} : memref<2x128x128xf32, #tpu.memory_space<vmem>>, vector<16xf32>,
            %mul3A_491 = arith.mulf %get3A_490, %gather3A_415 : vector<16xf32>
            %swap3A_492 = arith.constant 0 : i32
            %swap3A_493 = arith.index_cast %swap3A_492 : i32 to index
            %swap3A_494 = arith.index_cast %add3A_419 : i32 to index
            %swap3A_495 = arith.constant 96 : index
            %swap3A_496 = tpu.vector_load %arg11[%swap3A_493, %swap3A_494, %swap3A_495] {strides = array<i32>} : memref<2x128x128xf32, #tpu.memory_space<vmem>>, vector<16xf32>,
            tpu.vector_store %arg11[%swap3A_493, %swap3A_494, %swap3A_495], %mul3A_491 {strides = array<i32>} : memref<2x128x128xf32, #tpu.memory_space<vmem>>, vector<16xf32>,
            %get3A_497 = arith.constant 0 : i32
            %get3A_498 = arith.index_cast %get3A_497 : i32 to index
            %get3A_499 = arith.index_cast %add3A_419 : i32 to index
            %get3A_500 = arith.constant 112 : index
            %get3A_501 = tpu.vector_load %arg11[%get3A_498, %get3A_499, %get3A_500] {strides = array<i32>} : memref<2x128x128xf32, #tpu.memory_space<vmem>>, vector<16xf32>,
            %mul3A_502 = arith.mulf %get3A_501, %gather3A_415 : vector<16xf32>
            %swap3A_503 = arith.constant 0 : i32
            %swap3A_504 = arith.index_cast %swap3A_503 : i32 to index
            %swap3A_505 = arith.index_cast %add3A_419 : i32 to index
            %swap3A_506 = arith.constant 112 : index
            %swap3A_507 = tpu.vector_load %arg11[%swap3A_504, %swap3A_505, %swap3A_506] {strides = array<i32>} : memref<2x128x128xf32, #tpu.memory_space<vmem>>, vector<16xf32>,
            tpu.vector_store %arg11[%swap3A_504, %swap3A_505, %swap3A_506], %mul3A_502 {strides = array<i32>} : memref<2x128x128xf32, #tpu.memory_space<vmem>>, vector<16xf32>,
            %broadcast_in_dim3A_508 = arith.constant 2 : i32
            %broadcast_in_dim3A_509 = vector.broadcast %broadcast_in_dim3A_508 : i32 to vector<16x1xi32>
            %gather3A_510 = vector.shape_cast %broadcast_in_dim3A_509 : vector<16x1xi32> to vector<16xi32>
            %gather3A_511 = tpu.dynamic_gather %get3A_317[%gather3A_510] in [0] : vector<16xf32>, vector<16xi32> -> vector<16xf32>
            %mul3A_512 = arith.constant 16 : i32
            %mul3A_513 = arith.muli %scan3A_312, %mul3A_512 : i32
            %add3A_514 = arith.constant 2 : i32
            %add3A_515 = arith.addi %mul3A_513, %add3A_514 : i32
            %get3A_516 = arith.constant 0 : i32
            %get3A_517 = arith.index_cast %get3A_516 : i32 to index
            %get3A_518 = arith.index_cast %add3A_515 : i32 to index
            %get3A_519 = arith.constant 0 : index
            %get3A_520 = tpu.vector_load %arg11[%get3A_517, %get3A_518, %get3A_519] {strides = array<i32>} : memref<2x128x128xf32, #tpu.memory_space<vmem>>, vector<16xf32>,
            %mul3A_521 = arith.mulf %get3A_520, %gather3A_511 : vector<16xf32>
            %swap3A_522 = arith.constant 0 : i32
            %swap3A_523 = arith.index_cast %swap3A_522 : i32 to index
            %swap3A_524 = arith.index_cast %add3A_515 : i32 to index
            %swap3A_525 = arith.constant 0 : index
            %swap3A_526 = tpu.vector_load %arg11[%swap3A_523, %swap3A_524, %swap3A_525] {strides = array<i32>} : memref<2x128x128xf32, #tpu.memory_space<vmem>>, vector<16xf32>,
            tpu.vector_store %arg11[%swap3A_523, %swap3A_524, %swap3A_525], %mul3A_521 {strides = array<i32>} : memref<2x128x128xf32, #tpu.memory_space<vmem>>, vector<16xf32>,
            %get3A_527 = arith.constant 0 : i32
            %get3A_528 = arith.index_cast %get3A_527 : i32 to index
            %get3A_529 = arith.index_cast %add3A_515 : i32 to index
            %get3A_530 = arith.constant 16 : index
            %get3A_531 = tpu.vector_load %arg11[%get3A_528, %get3A_529, %get3A_530] {strides = array<i32>} : memref<2x128x128xf32, #tpu.memory_space<vmem>>, vector<16xf32>,
            %mul3A_532 = arith.mulf %get3A_531, %gather3A_511 : vector<16xf32>
            %swap3A_533 = arith.constant 0 : i32
            %swap3A_534 = arith.index_cast %swap3A_533 : i32 to index
            %swap3A_535 = arith.index_cast %add3A_515 : i32 to index
            %swap3A_536 = arith.constant 16 : index
            %swap3A_537 = tpu.vector_load %arg11[%swap3A_534, %swap3A_535, %swap3A_536] {strides = array<i32>} : memref<2x128x128xf32, #tpu.memory_space<vmem>>, vector<16xf32>,
            tpu.vector_store %arg11[%swap3A_534, %swap3A_535, %swap3A_536], %mul3A_532 {strides = array<i32>} : memref<2x128x128xf32, #tpu.memory_space<vmem>>, vector<16xf32>,
            %get3A_538 = arith.constant 0 : i32
            %get3A_539 = arith.index_cast %get3A_538 : i32 to index
            %get3A_540 = arith.index_cast %add3A_515 : i32 to index
            %get3A_541 = arith.constant 32 : index
            %get3A_542 = tpu.vector_load %arg11[%get3A_539, %get3A_540, %get3A_541] {strides = array<i32>} : memref<2x128x128xf32, #tpu.memory_space<vmem>>, vector<16xf32>,
            %mul3A_543 = arith.mulf %get3A_542, %gather3A_511 : vector<16xf32>
            %swap3A_544 = arith.constant 0 : i32
            %swap3A_545 = arith.index_cast %swap3A_544 : i32 to index
            %swap3A_546 = arith.index_cast %add3A_515 : i32 to index
            %swap3A_547 = arith.constant 32 : index
            %swap3A_548 = tpu.vector_load %arg11[%swap3A_545, %swap3A_546, %swap3A_547] {strides = array<i32>} : memref<2x128x128xf32, #tpu.memory_space<vmem>>, vector<16xf32>,
            tpu.vector_store %arg11[%swap3A_545, %swap3A_546, %swap3A_547], %mul3A_543 {strides = array<i32>} : memref<2x128x128xf32, #tpu.memory_space<vmem>>, vector<16xf32>,
            %get3A_549 = arith.constant 0 : i32
            %get3A_550 = arith.index_cast %get3A_549 : i32 to index
            %get3A_551 = arith.index_cast %add3A_515 : i32 to index
            %get3A_552 = arith.constant 48 : index
            %get3A_553 = tpu.vector_load %arg11[%get3A_550, %get3A_551, %get3A_552] {strides = array<i32>} : memref<2x128x128xf32, #tpu.memory_space<vmem>>, vector<16xf32>,
            %mul3A_554 = arith.mulf %get3A_553, %gather3A_511 : vector<16xf32>
            %swap3A_555 = arith.constant 0 : i32
            %swap3A_556 = arith.index_cast %swap3A_555 : i32 to index
            %swap3A_557 = arith.index_cast %add3A_515 : i32 to index
            %swap3A_558 = arith.constant 48 : index
            %swap3A_559 = tpu.vector_load %arg11[%swap3A_556, %swap3A_557, %swap3A_558] {strides = array<i32>} : memref<2x128x128xf32, #tpu.memory_space<vmem>>, vector<16xf32>,
            tpu.vector_store %arg11[%swap3A_556, %swap3A_557, %swap3A_558], %mul3A_554 {strides = array<i32>} : memref<2x128x128xf32, #tpu.memory_space<vmem>>, vector<16xf32>,
            %get3A_560 = arith.constant 0 : i32
            %get3A_561 = arith.index_cast %get3A_560 : i32 to index
            %get3A_562 = arith.index_cast %add3A_515 : i32 to index
            %get3A_563 = arith.constant 64 : index
            %get3A_564 = tpu.vector_load %arg11[%get3A_561, %get3A_562, %get3A_563] {strides = array<i32>} : memref<2x128x128xf32, #tpu.memory_space<vmem>>, vector<16xf32>,
            %mul3A_565 = arith.mulf %get3A_564, %gather3A_511 : vector<16xf32>
            %swap3A_566 = arith.constant 0 : i32
            %swap3A_567 = arith.index_cast %swap3A_566 : i32 to index
            %swap3A_568 = arith.index_cast %add3A_515 : i32 to index
            %swap3A_569 = arith.constant 64 : index
            %swap3A_570 = tpu.vector_load %arg11[%swap3A_567, %swap3A_568, %swap3A_569] {strides = array<i32>} : memref<2x128x128xf32, #tpu.memory_space<vmem>>, vector<16xf32>,
            tpu.vector_store %arg11[%swap3A_567, %swap3A_568, %swap3A_569], %mul3A_565 {strides = array<i32>} : memref<2x128x128xf32, #tpu.memory_space<vmem>>, vector<16xf32>,
            %get3A_571 = arith.constant 0 : i32
            %get3A_572 = arith.index_cast %get3A_571 : i32 to index
            %get3A_573 = arith.index_cast %add3A_515 : i32 to index
            %get3A_574 = arith.constant 80 : index
            %get3A_575 = tpu.vector_load %arg11[%get3A_572, %get3A_573, %get3A_574] {strides = array<i32>} : memref<2x128x128xf32, #tpu.memory_space<vmem>>, vector<16xf32>,
            %mul3A_576 = arith.mulf %get3A_575, %gather3A_511 : vector<16xf32>
            %swap3A_577 = arith.constant 0 : i32
            %swap3A_578 = arith.index_cast %swap3A_577 : i32 to index
            %swap3A_579 = arith.index_cast %add3A_515 : i32 to index
            %swap3A_580 = arith.constant 80 : index
            %swap3A_581 = tpu.vector_load %arg11[%swap3A_578, %swap3A_579, %swap3A_580] {strides = array<i32>} : memref<2x128x128xf32, #tpu.memory_space<vmem>>, vector<16xf32>,
            tpu.vector_store %arg11[%swap3A_578, %swap3A_579, %swap3A_580], %mul3A_576 {strides = array<i32>} : memref<2x128x128xf32, #tpu.memory_space<vmem>>, vector<16xf32>,
            %get3A_582 = arith.constant 0 : i32
            %get3A_583 = arith.index_cast %get3A_582 : i32 to index
            %get3A_584 = arith.index_cast %add3A_515 : i32 to index
            %get3A_585 = arith.constant 96 : index
            %get3A_586 = tpu.vector_load %arg11[%get3A_583, %get3A_584, %get3A_585] {strides = array<i32>} : memref<2x128x128xf32, #tpu.memory_space<vmem>>, vector<16xf32>,
            %mul3A_587 = arith.mulf %get3A_586, %gather3A_511 : vector<16xf32>
            %swap3A_588 = arith.constant 0 : i32
            %swap3A_589 = arith.index_cast %swap3A_588 : i32 to index
            %swap3A_590 = arith.index_cast %add3A_515 : i32 to index
            %swap3A_591 = arith.constant 96 : index
            %swap3A_592 = tpu.vector_load %arg11[%swap3A_589, %swap3A_590, %swap3A_591] {strides = array<i32>} : memref<2x128x128xf32, #tpu.memory_space<vmem>>, vector<16xf32>,
            tpu.vector_store %arg11[%swap3A_589, %swap3A_590, %swap3A_591], %mul3A_587 {strides = array<i32>} : memref<2x128x128xf32, #tpu.memory_space<vmem>>, vector<16xf32>,
            %get3A_593 = arith.constant 0 : i32
            %get3A_594 = arith.index_cast %get3A_593 : i32 to index
            %get3A_595 = arith.index_cast %add3A_515 : i32 to index
            %get3A_596 = arith.constant 112 : index
            %get3A_597 = tpu.vector_load %arg11[%get3A_594, %get3A_595, %get3A_596] {strides = array<i32>} : memref<2x128x128xf32, #tpu.memory_space<vmem>>, vector<16xf32>,
            %mul3A_598 = arith.mulf %get3A_597, %gather3A_511 : vector<16xf32>
            %swap3A_599 = arith.constant 0 : i32
            %swap3A_600 = arith.index_cast %swap3A_599 : i32 to index
            %swap3A_601 = arith.index_cast %add3A_515 : i32 to index
            %swap3A_602 = arith.constant 112 : index
            %swap3A_603 = tpu.vector_load %arg11[%swap3A_600, %swap3A_601, %swap3A_602] {strides = array<i32>} : memref<2x128x128xf32, #tpu.memory_space<vmem>>, vector<16xf32>,
            tpu.vector_store %arg11[%swap3A_600, %swap3A_601, %swap3A_602], %mul3A_598 {strides = array<i32>} : memref<2x128x128xf32, #tpu.memory_space<vmem>>, vector<16xf32>,
            %broadcast_in_dim3A_604 = arith.constant 3 : i32
            %broadcast_in_dim3A_605 = vector.broadcast %broadcast_in_dim3A_604 : i32 to vector<16x1xi32>
            %gather3A_606 = vector.shape_cast %broadcast_in_dim3A_605 : vector<16x1xi32> to vector<16xi32>
            %gather3A_607 = tpu.dynamic_gather %get3A_317[%gather3A_606] in [0] : vector<16xf32>, vector<16xi32> -> vector<16xf32>
            %mul3A_608 = arith.constant 16 : i32
            %mul3A_609 = arith.muli %scan3A_312, %mul3A_608 : i32
            %add3A_610 = arith.constant 3 : i32
            %add3A_611 = arith.addi %mul3A_609, %add3A_610 : i32
            %get3A_612 = arith.constant 0 : i32
            %get3A_613 = arith.index_cast %get3A_612 : i32 to index
            %get3A_614 = arith.index_cast %add3A_611 : i32 to index
            %get3A_615 = arith.constant 0 : index
            %get3A_616 = tpu.vector_load %arg11[%get3A_613, %get3A_614, %get3A_615] {strides = array<i32>} : memref<2x128x128xf32, #tpu.memory_space<vmem>>, vector<16xf32>,
            %mul3A_617 = arith.mulf %get3A_616, %gather3A_607 : vector<16xf32>
            %swap3A_618 = arith.constant 0 : i32
            %swap3A_619 = arith.index_cast %swap3A_618 : i32 to index
            %swap3A_620 = arith.index_cast %add3A_611 : i32 to index
            %swap3A_621 = arith.constant 0 : index
            %swap3A_622 = tpu.vector_load %arg11[%swap3A_619, %swap3A_620, %swap3A_621] {strides = array<i32>} : memref<2x128x128xf32, #tpu.memory_space<vmem>>, vector<16xf32>,
            tpu.vector_store %arg11[%swap3A_619, %swap3A_620, %swap3A_621], %mul3A_617 {strides = array<i32>} : memref<2x128x128xf32, #tpu.memory_space<vmem>>, vector<16xf32>,
            %get3A_623 = arith.constant 0 : i32
            %get3A_624 = arith.index_cast %get3A_623 : i32 to index
            %get3A_625 = arith.index_cast %add3A_611 : i32 to index
            %get3A_626 = arith.constant 16 : index
            %get3A_627 = tpu.vector_load %arg11[%get3A_624, %get3A_625, %get3A_626] {strides = array<i32>} : memref<2x128x128xf32, #tpu.memory_space<vmem>>, vector<16xf32>,
            %mul3A_628 = arith.mulf %get3A_627, %gather3A_607 : vector<16xf32>
            %swap3A_629 = arith.constant 0 : i32
            %swap3A_630 = arith.index_cast %swap3A_629 : i32 to index
            %swap3A_631 = arith.index_cast %add3A_611 : i32 to index
            %swap3A_632 = arith.constant 16 : index
            %swap3A_633 = tpu.vector_load %arg11[%swap3A_630, %swap3A_631, %swap3A_632] {strides = array<i32>} : memref<2x128x128xf32, #tpu.memory_space<vmem>>, vector<16xf32>,
            tpu.vector_store %arg11[%swap3A_630, %swap3A_631, %swap3A_632], %mul3A_628 {strides = array<i32>} : memref<2x128x128xf32, #tpu.memory_space<vmem>>, vector<16xf32>,
            %get3A_634 = arith.constant 0 : i32
            %get3A_635 = arith.index_cast %get3A_634 : i32 to index
            %get3A_636 = arith.index_cast %add3A_611 : i32 to index
            %get3A_637 = arith.constant 32 : index
            %get3A_638 = tpu.vector_load %arg11[%get3A_635, %get3A_636, %get3A_637] {strides = array<i32>} : memref<2x128x128xf32, #tpu.memory_space<vmem>>, vector<16xf32>,
            %mul3A_639 = arith.mulf %get3A_638, %gather3A_607 : vector<16xf32>
            %swap3A_640 = arith.constant 0 : i32
            %swap3A_641 = arith.index_cast %swap3A_640 : i32 to index
            %swap3A_642 = arith.index_cast %add3A_611 : i32 to index
            %swap3A_643 = arith.constant 32 : index
            %swap3A_644 = tpu.vector_load %arg11[%swap3A_641, %swap3A_642, %swap3A_643] {strides = array<i32>} : memref<2x128x128xf32, #tpu.memory_space<vmem>>, vector<16xf32>,
            tpu.vector_store %arg11[%swap3A_641, %swap3A_642, %swap3A_643], %mul3A_639 {strides = array<i32>} : memref<2x128x128xf32, #tpu.memory_space<vmem>>, vector<16xf32>,
            %get3A_645 = arith.constant 0 : i32
            %get3A_646 = arith.index_cast %get3A_645 : i32 to index
            %get3A_647 = arith.index_cast %add3A_611 : i32 to index
            %get3A_648 = arith.constant 48 : index
            %get3A_649 = tpu.vector_load %arg11[%get3A_646, %get3A_647, %get3A_648] {strides = array<i32>} : memref<2x128x128xf32, #tpu.memory_space<vmem>>, vector<16xf32>,
            %mul3A_650 = arith.mulf %get3A_649, %gather3A_607 : vector<16xf32>
            %swap3A_651 = arith.constant 0 : i32
            %swap3A_652 = arith.index_cast %swap3A_651 : i32 to index
            %swap3A_653 = arith.index_cast %add3A_611 : i32 to index
            %swap3A_654 = arith.constant 48 : index
            %swap3A_655 = tpu.vector_load %arg11[%swap3A_652, %swap3A_653, %swap3A_654] {strides = array<i32>} : memref<2x128x128xf32, #tpu.memory_space<vmem>>, vector<16xf32>,
            tpu.vector_store %arg11[%swap3A_652, %swap3A_653, %swap3A_654], %mul3A_650 {strides = array<i32>} : memref<2x128x128xf32, #tpu.memory_space<vmem>>, vector<16xf32>,
            %get3A_656 = arith.constant 0 : i32
            %get3A_657 = arith.index_cast %get3A_656 : i32 to index
            %get3A_658 = arith.index_cast %add3A_611 : i32 to index
            %get3A_659 = arith.constant 64 : index
            %get3A_660 = tpu.vector_load %arg11[%get3A_657, %get3A_658, %get3A_659] {strides = array<i32>} : memref<2x128x128xf32, #tpu.memory_space<vmem>>, vector<16xf32>,
            %mul3A_661 = arith.mulf %get3A_660, %gather3A_607 : vector<16xf32>
            %swap3A_662 = arith.constant 0 : i32
            %swap3A_663 = arith.index_cast %swap3A_662 : i32 to index
            %swap3A_664 = arith.index_cast %add3A_611 : i32 to index
            %swap3A_665 = arith.constant 64 : index
            %swap3A_666 = tpu.vector_load %arg11[%swap3A_663, %swap3A_664, %swap3A_665] {strides = array<i32>} : memref<2x128x128xf32, #tpu.memory_space<vmem>>, vector<16xf32>,
            tpu.vector_store %arg11[%swap3A_663, %swap3A_664, %swap3A_665], %mul3A_661 {strides = array<i32>} : memref<2x128x128xf32, #tpu.memory_space<vmem>>, vector<16xf32>,
            %get3A_667 = arith.constant 0 : i32
            %get3A_668 = arith.index_cast %get3A_667 : i32 to index
            %get3A_669 = arith.index_cast %add3A_611 : i32 to index
            %get3A_670 = arith.constant 80 : index
            %get3A_671 = tpu.vector_load %arg11[%get3A_668, %get3A_669, %get3A_670] {strides = array<i32>} : memref<2x128x128xf32, #tpu.memory_space<vmem>>, vector<16xf32>,
            %mul3A_672 = arith.mulf %get3A_671, %gather3A_607 : vector<16xf32>
            %swap3A_673 = arith.constant 0 : i32
            %swap3A_674 = arith.index_cast %swap3A_673 : i32 to index
            %swap3A_675 = arith.index_cast %add3A_611 : i32 to index
            %swap3A_676 = arith.constant 80 : index
            %swap3A_677 = tpu.vector_load %arg11[%swap3A_674, %swap3A_675, %swap3A_676] {strides = array<i32>} : memref<2x128x128xf32, #tpu.memory_space<vmem>>, vector<16xf32>,
            tpu.vector_store %arg11[%swap3A_674, %swap3A_675, %swap3A_676], %mul3A_672 {strides = array<i32>} : memref<2x128x128xf32, #tpu.memory_space<vmem>>, vector<16xf32>,
            %get3A_678 = arith.constant 0 : i32
            %get3A_679 = arith.index_cast %get3A_678 : i32 to index
            %get3A_680 = arith.index_cast %add3A_611 : i32 to index
            %get3A_681 = arith.constant 96 : index
            %get3A_682 = tpu.vector_load %arg11[%get3A_679, %get3A_680, %get3A_681] {strides = array<i32>} : memref<2x128x128xf32, #tpu.memory_space<vmem>>, vector<16xf32>,
            %mul3A_683 = arith.mulf %get3A_682, %gather3A_607 : vector<16xf32>
            %swap3A_684 = arith.constant 0 : i32
            %swap3A_685 = arith.index_cast %swap3A_684 : i32 to index
            %swap3A_686 = arith.index_cast %add3A_611 : i32 to index
            %swap3A_687 = arith.constant 96 : index
            %swap3A_688 = tpu.vector_load %arg11[%swap3A_685, %swap3A_686, %swap3A_687] {strides = array<i32>} : memref<2x128x128xf32, #tpu.memory_space<vmem>>, vector<16xf32>,
            tpu.vector_store %arg11[%swap3A_685, %swap3A_686, %swap3A_687], %mul3A_683 {strides = array<i32>} : memref<2x128x128xf32, #tpu.memory_space<vmem>>, vector<16xf32>,
            %get3A_689 = arith.constant 0 : i32
            %get3A_690 = arith.index_cast %get3A_689 : i32 to index
            %get3A_691 = arith.index_cast %add3A_611 : i32 to index
            %get3A_692 = arith.constant 112 : index
            %get3A_693 = tpu.vector_load %arg11[%get3A_690, %get3A_691, %get3A_692] {strides = array<i32>} : memref<2x128x128xf32, #tpu.memory_space<vmem>>, vector<16xf32>,
            %mul3A_694 = arith.mulf %get3A_693, %gather3A_607 : vector<16xf32>
            %swap3A_695 = arith.constant 0 : i32
            %swap3A_696 = arith.index_cast %swap3A_695 : i32 to index
            %swap3A_697 = arith.index_cast %add3A_611 : i32 to index
            %swap3A_698 = arith.constant 112 : index
            %swap3A_699 = tpu.vector_load %arg11[%swap3A_696, %swap3A_697, %swap3A_698] {strides = array<i32>} : memref<2x128x128xf32, #tpu.memory_space<vmem>>, vector<16xf32>,
            tpu.vector_store %arg11[%swap3A_696, %swap3A_697, %swap3A_698], %mul3A_694 {strides = array<i32>} : memref<2x128x128xf32, #tpu.memory_space<vmem>>, vector<16xf32>,
            %broadcast_in_dim3A_700 = arith.constant 4 : i32
            %broadcast_in_dim3A_701 = vector.broadcast %broadcast_in_dim3A_700 : i32 to vector<16x1xi32>
            %gather3A_702 = vector.shape_cast %broadcast_in_dim3A_701 : vector<16x1xi32> to vector<16xi32>
            %gather3A_703 = tpu.dynamic_gather %get3A_317[%gather3A_702] in [0] : vector<16xf32>, vector<16xi32> -> vector<16xf32>
            %mul3A_704 = arith.constant 16 : i32
            %mul3A_705 = arith.muli %scan3A_312, %mul3A_704 : i32
            %add3A_706 = arith.constant 4 : i32
            %add3A_707 = arith.addi %mul3A_705, %add3A_706 : i32
            %get3A_708 = arith.constant 0 : i32
            %get3A_709 = arith.index_cast %get3A_708 : i32 to index
            %get3A_710 = arith.index_cast %add3A_707 : i32 to index
            %get3A_711 = arith.constant 0 : index
            %get3A_712 = tpu.vector_load %arg11[%get3A_709, %get3A_710, %get3A_711] {strides = array<i32>} : memref<2x128x128xf32, #tpu.memory_space<vmem>>, vector<16xf32>,
            %mul3A_713 = arith.mulf %get3A_712, %gather3A_703 : vector<16xf32>
            %swap3A_714 = arith.constant 0 : i32
            %swap3A_715 = arith.index_cast %swap3A_714 : i32 to index
            %swap3A_716 = arith.index_cast %add3A_707 : i32 to index
            %swap3A_717 = arith.constant 0 : index
            %swap3A_718 = tpu.vector_load %arg11[%swap3A_715, %swap3A_716, %swap3A_717] {strides = array<i32>} : memref<2x128x128xf32, #tpu.memory_space<vmem>>, vector<16xf32>,
            tpu.vector_store %arg11[%swap3A_715, %swap3A_716, %swap3A_717], %mul3A_713 {strides = array<i32>} : memref<2x128x128xf32, #tpu.memory_space<vmem>>, vector<16xf32>,
            %get3A_719 = arith.constant 0 : i32
            %get3A_720 = arith.index_cast %get3A_719 : i32 to index
            %get3A_721 = arith.index_cast %add3A_707 : i32 to index
            %get3A_722 = arith.constant 16 : index
            %get3A_723 = tpu.vector_load %arg11[%get3A_720, %get3A_721, %get3A_722] {strides = array<i32>} : memref<2x128x128xf32, #tpu.memory_space<vmem>>, vector<16xf32>,
            %mul3A_724 = arith.mulf %get3A_723, %gather3A_703 : vector<16xf32>
            %swap3A_725 = arith.constant 0 : i32
            %swap3A_726 = arith.index_cast %swap3A_725 : i32 to index
            %swap3A_727 = arith.index_cast %add3A_707 : i32 to index
            %swap3A_728 = arith.constant 16 : index
            %swap3A_729 = tpu.vector_load %arg11[%swap3A_726, %swap3A_727, %swap3A_728] {strides = array<i32>} : memref<2x128x128xf32, #tpu.memory_space<vmem>>, vector<16xf32>,
            tpu.vector_store %arg11[%swap3A_726, %swap3A_727, %swap3A_728], %mul3A_724 {strides = array<i32>} : memref<2x128x128xf32, #tpu.memory_space<vmem>>, vector<16xf32>,
            %get3A_730 = arith.constant 0 : i32
            %get3A_731 = arith.index_cast %get3A_730 : i32 to index
            %get3A_732 = arith.index_cast %add3A_707 : i32 to index
            %get3A_733 = arith.constant 32 : index
            %get3A_734 = tpu.vector_load %arg11[%get3A_731, %get3A_732, %get3A_733] {strides = array<i32>} : memref<2x128x128xf32, #tpu.memory_space<vmem>>, vector<16xf32>,
            %mul3A_735 = arith.mulf %get3A_734, %gather3A_703 : vector<16xf32>
            %swap3A_736 = arith.constant 0 : i32
            %swap3A_737 = arith.index_cast %swap3A_736 : i32 to index
            %swap3A_738 = arith.index_cast %add3A_707 : i32 to index
            %swap3A_739 = arith.constant 32 : index
            %swap3A_740 = tpu.vector_load %arg11[%swap3A_737, %swap3A_738, %swap3A_739] {strides = array<i32>} : memref<2x128x128xf32, #tpu.memory_space<vmem>>, vector<16xf32>,
            tpu.vector_store %arg11[%swap3A_737, %swap3A_738, %swap3A_739], %mul3A_735 {strides = array<i32>} : memref<2x128x128xf32, #tpu.memory_space<vmem>>, vector<16xf32>,
            %get3A_741 = arith.constant 0 : i32
            %get3A_742 = arith.index_cast %get3A_741 : i32 to index
            %get3A_743 = arith.index_cast %add3A_707 : i32 to index
            %get3A_744 = arith.constant 48 : index
            %get3A_745 = tpu.vector_load %arg11[%get3A_742, %get3A_743, %get3A_744] {strides = array<i32>} : memref<2x128x128xf32, #tpu.memory_space<vmem>>, vector<16xf32>,
            %mul3A_746 = arith.mulf %get3A_745, %gather3A_703 : vector<16xf32>
            %swap3A_747 = arith.constant 0 : i32
            %swap3A_748 = arith.index_cast %swap3A_747 : i32 to index
            %swap3A_749 = arith.index_cast %add3A_707 : i32 to index
            %swap3A_750 = arith.constant 48 : index
            %swap3A_751 = tpu.vector_load %arg11[%swap3A_748, %swap3A_749, %swap3A_750] {strides = array<i32>} : memref<2x128x128xf32, #tpu.memory_space<vmem>>, vector<16xf32>,
            tpu.vector_store %arg11[%swap3A_748, %swap3A_749, %swap3A_750], %mul3A_746 {strides = array<i32>} : memref<2x128x128xf32, #tpu.memory_space<vmem>>, vector<16xf32>,
            %get3A_752 = arith.constant 0 : i32
            %get3A_753 = arith.index_cast %get3A_752 : i32 to index
            %get3A_754 = arith.index_cast %add3A_707 : i32 to index
            %get3A_755 = arith.constant 64 : index
            %get3A_756 = tpu.vector_load %arg11[%get3A_753, %get3A_754, %get3A_755] {strides = array<i32>} : memref<2x128x128xf32, #tpu.memory_space<vmem>>, vector<16xf32>,
            %mul3A_757 = arith.mulf %get3A_756, %gather3A_703 : vector<16xf32>
            %swap3A_758 = arith.constant 0 : i32
            %swap3A_759 = arith.index_cast %swap3A_758 : i32 to index
            %swap3A_760 = arith.index_cast %add3A_707 : i32 to index
            %swap3A_761 = arith.constant 64 : index
            %swap3A_762 = tpu.vector_load %arg11[%swap3A_759, %swap3A_760, %swap3A_761] {strides = array<i32>} : memref<2x128x128xf32, #tpu.memory_space<vmem>>, vector<16xf32>,
            tpu.vector_store %arg11[%swap3A_759, %swap3A_760, %swap3A_761], %mul3A_757 {strides = array<i32>} : memref<2x128x128xf32, #tpu.memory_space<vmem>>, vector<16xf32>,
            %get3A_763 = arith.constant 0 : i32
            %get3A_764 = arith.index_cast %get3A_763 : i32 to index
            %get3A_765 = arith.index_cast %add3A_707 : i32 to index
            %get3A_766 = arith.constant 80 : index
            %get3A_767 = tpu.vector_load %arg11[%get3A_764, %get3A_765, %get3A_766] {strides = array<i32>} : memref<2x128x128xf32, #tpu.memory_space<vmem>>, vector<16xf32>,
            %mul3A_768 = arith.mulf %get3A_767, %gather3A_703 : vector<16xf32>
            %swap3A_769 = arith.constant 0 : i32
            %swap3A_770 = arith.index_cast %swap3A_769 : i32 to index
            %swap3A_771 = arith.index_cast %add3A_707 : i32 to index
            %swap3A_772 = arith.constant 80 : index
            %swap3A_773 = tpu.vector_load %arg11[%swap3A_770, %swap3A_771, %swap3A_772] {strides = array<i32>} : memref<2x128x128xf32, #tpu.memory_space<vmem>>, vector<16xf32>,
            tpu.vector_store %arg11[%swap3A_770, %swap3A_771, %swap3A_772], %mul3A_768 {strides = array<i32>} : memref<2x128x128xf32, #tpu.memory_space<vmem>>, vector<16xf32>,
            %get3A_774 = arith.constant 0 : i32
            %get3A_775 = arith.index_cast %get3A_774 : i32 to index
            %get3A_776 = arith.index_cast %add3A_707 : i32 to index
            %get3A_777 = arith.constant 96 : index
            %get3A_778 = tpu.vector_load %arg11[%get3A_775, %get3A_776, %get3A_777] {strides = array<i32>} : memref<2x128x128xf32, #tpu.memory_space<vmem>>, vector<16xf32>,
            %mul3A_779 = arith.mulf %get3A_778, %gather3A_703 : vector<16xf32>
            %swap3A_780 = arith.constant 0 : i32
            %swap3A_781 = arith.index_cast %swap3A_780 : i32 to index
            %swap3A_782 = arith.index_cast %add3A_707 : i32 to index
            %swap3A_783 = arith.constant 96 : index
            %swap3A_784 = tpu.vector_load %arg11[%swap3A_781, %swap3A_782, %swap3A_783] {strides = array<i32>} : memref<2x128x128xf32, #tpu.memory_space<vmem>>, vector<16xf32>,
            tpu.vector_store %arg11[%swap3A_781, %swap3A_782, %swap3A_783], %mul3A_779 {strides = array<i32>} : memref<2x128x128xf32, #tpu.memory_space<vmem>>, vector<16xf32>,
            %get3A_785 = arith.constant 0 : i32
            %get3A_786 = arith.index_cast %get3A_785 : i32 to index
            %get3A_787 = arith.index_cast %add3A_707 : i32 to index
            %get3A_788 = arith.constant 112 : index
            %get3A_789 = tpu.vector_load %arg11[%get3A_786, %get3A_787, %get3A_788] {strides = array<i32>} : memref<2x128x128xf32, #tpu.memory_space<vmem>>, vector<16xf32>,
            %mul3A_790 = arith.mulf %get3A_789, %gather3A_703 : vector<16xf32>
            %swap3A_791 = arith.constant 0 : i32
            %swap3A_792 = arith.index_cast %swap3A_791 : i32 to index
            %swap3A_793 = arith.index_cast %add3A_707 : i32 to index
            %swap3A_794 = arith.constant 112 : index
            %swap3A_795 = tpu.vector_load %arg11[%swap3A_792, %swap3A_793, %swap3A_794] {strides = array<i32>} : memref<2x128x128xf32, #tpu.memory_space<vmem>>, vector<16xf32>,
            tpu.vector_store %arg11[%swap3A_792, %swap3A_793, %swap3A_794], %mul3A_790 {strides = array<i32>} : memref<2x128x128xf32, #tpu.memory_space<vmem>>, vector<16xf32>,
            %broadcast_in_dim3A_796 = arith.constant 5 : i32
            %broadcast_in_dim3A_797 = vector.broadcast %broadcast_in_dim3A_796 : i32 to vector<16x1xi32>
            %gather3A_798 = vector.shape_cast %broadcast_in_dim3A_797 : vector<16x1xi32> to vector<16xi32>
            %gather3A_799 = tpu.dynamic_gather %get3A_317[%gather3A_798] in [0] : vector<16xf32>, vector<16xi32> -> vector<16xf32>
            %mul3A_800 = arith.constant 16 : i32
            %mul3A_801 = arith.muli %scan3A_312, %mul3A_800 : i32
            %add3A_802 = arith.constant 5 : i32
            %add3A_803 = arith.addi %mul3A_801, %add3A_802 : i32
            %get3A_804 = arith.constant 0 : i32
            %get3A_805 = arith.index_cast %get3A_804 : i32 to index
            %get3A_806 = arith.index_cast %add3A_803 : i32 to index
            %get3A_807 = arith.constant 0 : index
            %get3A_808 = tpu.vector_load %arg11[%get3A_805, %get3A_806, %get3A_807] {strides = array<i32>} : memref<2x128x128xf32, #tpu.memory_space<vmem>>, vector<16xf32>,
            %mul3A_809 = arith.mulf %get3A_808, %gather3A_799 : vector<16xf32>
            %swap3A_810 = arith.constant 0 : i32
            %swap3A_811 = arith.index_cast %swap3A_810 : i32 to index
            %swap3A_812 = arith.index_cast %add3A_803 : i32 to index
            %swap3A_813 = arith.constant 0 : index
            %swap3A_814 = tpu.vector_load %arg11[%swap3A_811, %swap3A_812, %swap3A_813] {strides = array<i32>} : memref<2x128x128xf32, #tpu.memory_space<vmem>>, vector<16xf32>,
            tpu.vector_store %arg11[%swap3A_811, %swap3A_812, %swap3A_813], %mul3A_809 {strides = array<i32>} : memref<2x128x128xf32, #tpu.memory_space<vmem>>, vector<16xf32>,
            %get3A_815 = arith.constant 0 : i32
            %get3A_816 = arith.index_cast %get3A_815 : i32 to index
            %get3A_817 = arith.index_cast %add3A_803 : i32 to index
            %get3A_818 = arith.constant 16 : index
            %get3A_819 = tpu.vector_load %arg11[%get3A_816, %get3A_817, %get3A_818] {strides = array<i32>} : memref<2x128x128xf32, #tpu.memory_space<vmem>>, vector<16xf32>,
            %mul3A_820 = arith.mulf %get3A_819, %gather3A_799 : vector<16xf32>
            %swap3A_821 = arith.constant 0 : i32
            %swap3A_822 = arith.index_cast %swap3A_821 : i32 to index
            %swap3A_823 = arith.index_cast %add3A_803 : i32 to index
            %swap3A_824 = arith.constant 16 : index
            %swap3A_825 = tpu.vector_load %arg11[%swap3A_822, %swap3A_823, %swap3A_824] {strides = array<i32>} : memref<2x128x128xf32, #tpu.memory_space<vmem>>, vector<16xf32>,
            tpu.vector_store %arg11[%swap3A_822, %swap3A_823, %swap3A_824], %mul3A_820 {strides = array<i32>} : memref<2x128x128xf32, #tpu.memory_space<vmem>>, vector<16xf32>,
            %get3A_826 = arith.constant 0 : i32
            %get3A_827 = arith.index_cast %get3A_826 : i32 to index
            %get3A_828 = arith.index_cast %add3A_803 : i32 to index
            %get3A_829 = arith.constant 32 : index
            %get3A_830 = tpu.vector_load %arg11[%get3A_827, %get3A_828, %get3A_829] {strides = array<i32>} : memref<2x128x128xf32, #tpu.memory_space<vmem>>, vector<16xf32>,
            %mul3A_831 = arith.mulf %get3A_830, %gather3A_799 : vector<16xf32>
            %swap3A_832 = arith.constant 0 : i32
            %swap3A_833 = arith.index_cast %swap3A_832 : i32 to index
            %swap3A_834 = arith.index_cast %add3A_803 : i32 to index
            %swap3A_835 = arith.constant 32 : index
            %swap3A_836 = tpu.vector_load %arg11[%swap3A_833, %swap3A_834, %swap3A_835] {strides = array<i32>} : memref<2x128x128xf32, #tpu.memory_space<vmem>>, vector<16xf32>,
            tpu.vector_store %arg11[%swap3A_833, %swap3A_834, %swap3A_835], %mul3A_831 {strides = array<i32>} : memref<2x128x128xf32, #tpu.memory_space<vmem>>, vector<16xf32>,
            %get3A_837 = arith.constant 0 : i32
            %get3A_838 = arith.index_cast %get3A_837 : i32 to index
            %get3A_839 = arith.index_cast %add3A_803 : i32 to index
            %get3A_840 = arith.constant 48 : index
            %get3A_841 = tpu.vector_load %arg11[%get3A_838, %get3A_839, %get3A_840] {strides = array<i32>} : memref<2x128x128xf32, #tpu.memory_space<vmem>>, vector<16xf32>,
            %mul3A_842 = arith.mulf %get3A_841, %gather3A_799 : vector<16xf32>
            %swap3A_843 = arith.constant 0 : i32
            %swap3A_844 = arith.index_cast %swap3A_843 : i32 to index
            %swap3A_845 = arith.index_cast %add3A_803 : i32 to index
            %swap3A_846 = arith.constant 48 : index
            %swap3A_847 = tpu.vector_load %arg11[%swap3A_844, %swap3A_845, %swap3A_846] {strides = array<i32>} : memref<2x128x128xf32, #tpu.memory_space<vmem>>, vector<16xf32>,
            tpu.vector_store %arg11[%swap3A_844, %swap3A_845, %swap3A_846], %mul3A_842 {strides = array<i32>} : memref<2x128x128xf32, #tpu.memory_space<vmem>>, vector<16xf32>,
            %get3A_848 = arith.constant 0 : i32
            %get3A_849 = arith.index_cast %get3A_848 : i32 to index
            %get3A_850 = arith.index_cast %add3A_803 : i32 to index
            %get3A_851 = arith.constant 64 : index
            %get3A_852 = tpu.vector_load %arg11[%get3A_849, %get3A_850, %get3A_851] {strides = array<i32>} : memref<2x128x128xf32, #tpu.memory_space<vmem>>, vector<16xf32>,
            %mul3A_853 = arith.mulf %get3A_852, %gather3A_799 : vector<16xf32>
            %swap3A_854 = arith.constant 0 : i32
            %swap3A_855 = arith.index_cast %swap3A_854 : i32 to index
            %swap3A_856 = arith.index_cast %add3A_803 : i32 to index
            %swap3A_857 = arith.constant 64 : index
            %swap3A_858 = tpu.vector_load %arg11[%swap3A_855, %swap3A_856, %swap3A_857] {strides = array<i32>} : memref<2x128x128xf32, #tpu.memory_space<vmem>>, vector<16xf32>,
            tpu.vector_store %arg11[%swap3A_855, %swap3A_856, %swap3A_857], %mul3A_853 {strides = array<i32>} : memref<2x128x128xf32, #tpu.memory_space<vmem>>, vector<16xf32>,
            %get3A_859 = arith.constant 0 : i32
            %get3A_860 = arith.index_cast %get3A_859 : i32 to index
            %get3A_861 = arith.index_cast %add3A_803 : i32 to index
            %get3A_862 = arith.constant 80 : index
            %get3A_863 = tpu.vector_load %arg11[%get3A_860, %get3A_861, %get3A_862] {strides = array<i32>} : memref<2x128x128xf32, #tpu.memory_space<vmem>>, vector<16xf32>,
            %mul3A_864 = arith.mulf %get3A_863, %gather3A_799 : vector<16xf32>
            %swap3A_865 = arith.constant 0 : i32
            %swap3A_866 = arith.index_cast %swap3A_865 : i32 to index
            %swap3A_867 = arith.index_cast %add3A_803 : i32 to index
            %swap3A_868 = arith.constant 80 : index
            %swap3A_869 = tpu.vector_load %arg11[%swap3A_866, %swap3A_867, %swap3A_868] {strides = array<i32>} : memref<2x128x128xf32, #tpu.memory_space<vmem>>, vector<16xf32>,
            tpu.vector_store %arg11[%swap3A_866, %swap3A_867, %swap3A_868], %mul3A_864 {strides = array<i32>} : memref<2x128x128xf32, #tpu.memory_space<vmem>>, vector<16xf32>,
            %get3A_870 = arith.constant 0 : i32
            %get3A_871 = arith.index_cast %get3A_870 : i32 to index
            %get3A_872 = arith.index_cast %add3A_803 : i32 to index
            %get3A_873 = arith.constant 96 : index
            %get3A_874 = tpu.vector_load %arg11[%get3A_871, %get3A_872, %get3A_873] {strides = array<i32>} : memref<2x128x128xf32, #tpu.memory_space<vmem>>, vector<16xf32>,
            %mul3A_875 = arith.mulf %get3A_874, %gather3A_799 : vector<16xf32>
            %swap3A_876 = arith.constant 0 : i32
            %swap3A_877 = arith.index_cast %swap3A_876 : i32 to index
            %swap3A_878 = arith.index_cast %add3A_803 : i32 to index
            %swap3A_879 = arith.constant 96 : index
            %swap3A_880 = tpu.vector_load %arg11[%swap3A_877, %swap3A_878, %swap3A_879] {strides = array<i32>} : memref<2x128x128xf32, #tpu.memory_space<vmem>>, vector<16xf32>,
            tpu.vector_store %arg11[%swap3A_877, %swap3A_878, %swap3A_879], %mul3A_875 {strides = array<i32>} : memref<2x128x128xf32, #tpu.memory_space<vmem>>, vector<16xf32>,
            %get3A_881 = arith.constant 0 : i32
            %get3A_882 = arith.index_cast %get3A_881 : i32 to index
            %get3A_883 = arith.index_cast %add3A_803 : i32 to index
            %get3A_884 = arith.constant 112 : index
            %get3A_885 = tpu.vector_load %arg11[%get3A_882, %get3A_883, %get3A_884] {strides = array<i32>} : memref<2x128x128xf32, #tpu.memory_space<vmem>>, vector<16xf32>,
            %mul3A_886 = arith.mulf %get3A_885, %gather3A_799 : vector<16xf32>
            %swap3A_887 = arith.constant 0 : i32
            %swap3A_888 = arith.index_cast %swap3A_887 : i32 to index
            %swap3A_889 = arith.index_cast %add3A_803 : i32 to index
            %swap3A_890 = arith.constant 112 : index
            %swap3A_891 = tpu.vector_load %arg11[%swap3A_888, %swap3A_889, %swap3A_890] {strides = array<i32>} : memref<2x128x128xf32, #tpu.memory_space<vmem>>, vector<16xf32>,
            tpu.vector_store %arg11[%swap3A_888, %swap3A_889, %swap3A_890], %mul3A_886 {strides = array<i32>} : memref<2x128x128xf32, #tpu.memory_space<vmem>>, vector<16xf32>,
            %broadcast_in_dim3A_892 = arith.constant 6 : i32
            %broadcast_in_dim3A_893 = vector.broadcast %broadcast_in_dim3A_892 : i32 to vector<16x1xi32>
            %gather3A_894 = vector.shape_cast %broadcast_in_dim3A_893 : vector<16x1xi32> to vector<16xi32>
            %gather3A_895 = tpu.dynamic_gather %get3A_317[%gather3A_894] in [0] : vector<16xf32>, vector<16xi32> -> vector<16xf32>
            %mul3A_896 = arith.constant 16 : i32
            %mul3A_897 = arith.muli %scan3A_312, %mul3A_896 : i32
            %add3A_898 = arith.constant 6 : i32
            %add3A_899 = arith.addi %mul3A_897, %add3A_898 : i32
            %get3A_900 = arith.constant 0 : i32
            %get3A_901 = arith.index_cast %get3A_900 : i32 to index
            %get3A_902 = arith.index_cast %add3A_899 : i32 to index
            %get3A_903 = arith.constant 0 : index
            %get3A_904 = tpu.vector_load %arg11[%get3A_901, %get3A_902, %get3A_903] {strides = array<i32>} : memref<2x128x128xf32, #tpu.memory_space<vmem>>, vector<16xf32>,
            %mul3A_905 = arith.mulf %get3A_904, %gather3A_895 : vector<16xf32>
            %swap3A_906 = arith.constant 0 : i32
            %swap3A_907 = arith.index_cast %swap3A_906 : i32 to index
            %swap3A_908 = arith.index_cast %add3A_899 : i32 to index
            %swap3A_909 = arith.constant 0 : index
            %swap3A_910 = tpu.vector_load %arg11[%swap3A_907, %swap3A_908, %swap3A_909] {strides = array<i32>} : memref<2x128x128xf32, #tpu.memory_space<vmem>>, vector<16xf32>,
            tpu.vector_store %arg11[%swap3A_907, %swap3A_908, %swap3A_909], %mul3A_905 {strides = array<i32>} : memref<2x128x128xf32, #tpu.memory_space<vmem>>, vector<16xf32>,
            %get3A_911 = arith.constant 0 : i32
            %get3A_912 = arith.index_cast %get3A_911 : i32 to index
            %get3A_913 = arith.index_cast %add3A_899 : i32 to index
            %get3A_914 = arith.constant 16 : index
            %get3A_915 = tpu.vector_load %arg11[%get3A_912, %get3A_913, %get3A_914] {strides = array<i32>} : memref<2x128x128xf32, #tpu.memory_space<vmem>>, vector<16xf32>,
            %mul3A_916 = arith.mulf %get3A_915, %gather3A_895 : vector<16xf32>
            %swap3A_917 = arith.constant 0 : i32
            %swap3A_918 = arith.index_cast %swap3A_917 : i32 to index
            %swap3A_919 = arith.index_cast %add3A_899 : i32 to index
            %swap3A_920 = arith.constant 16 : index
            %swap3A_921 = tpu.vector_load %arg11[%swap3A_918, %swap3A_919, %swap3A_920] {strides = array<i32>} : memref<2x128x128xf32, #tpu.memory_space<vmem>>, vector<16xf32>,
            tpu.vector_store %arg11[%swap3A_918, %swap3A_919, %swap3A_920], %mul3A_916 {strides = array<i32>} : memref<2x128x128xf32, #tpu.memory_space<vmem>>, vector<16xf32>,
            %get3A_922 = arith.constant 0 : i32
            %get3A_923 = arith.index_cast %get3A_922 : i32 to index
            %get3A_924 = arith.index_cast %add3A_899 : i32 to index
            %get3A_925 = arith.constant 32 : index
            %get3A_926 = tpu.vector_load %arg11[%get3A_923, %get3A_924, %get3A_925] {strides = array<i32>} : memref<2x128x128xf32, #tpu.memory_space<vmem>>, vector<16xf32>,
            %mul3A_927 = arith.mulf %get3A_926, %gather3A_895 : vector<16xf32>
            %swap3A_928 = arith.constant 0 : i32
            %swap3A_929 = arith.index_cast %swap3A_928 : i32 to index
            %swap3A_930 = arith.index_cast %add3A_899 : i32 to index
            %swap3A_931 = arith.constant 32 : index
            %swap3A_932 = tpu.vector_load %arg11[%swap3A_929, %swap3A_930, %swap3A_931] {strides = array<i32>} : memref<2x128x128xf32, #tpu.memory_space<vmem>>, vector<16xf32>,
            tpu.vector_store %arg11[%swap3A_929, %swap3A_930, %swap3A_931], %mul3A_927 {strides = array<i32>} : memref<2x128x128xf32, #tpu.memory_space<vmem>>, vector<16xf32>,
            %get3A_933 = arith.constant 0 : i32
            %get3A_934 = arith.index_cast %get3A_933 : i32 to index
            %get3A_935 = arith.index_cast %add3A_899 : i32 to index
            %get3A_936 = arith.constant 48 : index
            %get3A_937 = tpu.vector_load %arg11[%get3A_934, %get3A_935, %get3A_936] {strides = array<i32>} : memref<2x128x128xf32, #tpu.memory_space<vmem>>, vector<16xf32>,
            %mul3A_938 = arith.mulf %get3A_937, %gather3A_895 : vector<16xf32>
            %swap3A_939 = arith.constant 0 : i32
            %swap3A_940 = arith.index_cast %swap3A_939 : i32 to index
            %swap3A_941 = arith.index_cast %add3A_899 : i32 to index
            %swap3A_942 = arith.constant 48 : index
            %swap3A_943 = tpu.vector_load %arg11[%swap3A_940, %swap3A_941, %swap3A_942] {strides = array<i32>} : memref<2x128x128xf32, #tpu.memory_space<vmem>>, vector<16xf32>,
            tpu.vector_store %arg11[%swap3A_940, %swap3A_941, %swap3A_942], %mul3A_938 {strides = array<i32>} : memref<2x128x128xf32, #tpu.memory_space<vmem>>, vector<16xf32>,
            %get3A_944 = arith.constant 0 : i32
            %get3A_945 = arith.index_cast %get3A_944 : i32 to index
            %get3A_946 = arith.index_cast %add3A_899 : i32 to index
            %get3A_947 = arith.constant 64 : index
            %get3A_948 = tpu.vector_load %arg11[%get3A_945, %get3A_946, %get3A_947] {strides = array<i32>} : memref<2x128x128xf32, #tpu.memory_space<vmem>>, vector<16xf32>,
            %mul3A_949 = arith.mulf %get3A_948, %gather3A_895 : vector<16xf32>
            %swap3A_950 = arith.constant 0 : i32
            %swap3A_951 = arith.index_cast %swap3A_950 : i32 to index
            %swap3A_952 = arith.index_cast %add3A_899 : i32 to index
            %swap3A_953 = arith.constant 64 : index
            %swap3A_954 = tpu.vector_load %arg11[%swap3A_951, %swap3A_952, %swap3A_953] {strides = array<i32>} : memref<2x128x128xf32, #tpu.memory_space<vmem>>, vector<16xf32>,
            tpu.vector_store %arg11[%swap3A_951, %swap3A_952, %swap3A_953], %mul3A_949 {strides = array<i32>} : memref<2x128x128xf32, #tpu.memory_space<vmem>>, vector<16xf32>,
            %get3A_955 = arith.constant 0 : i32
            %get3A_956 = arith.index_cast %get3A_955 : i32 to index
            %get3A_957 = arith.index_cast %add3A_899 : i32 to index
            %get3A_958 = arith.constant 80 : index
            %get3A_959 = tpu.vector_load %arg11[%get3A_956, %get3A_957, %get3A_958] {strides = array<i32>} : memref<2x128x128xf32, #tpu.memory_space<vmem>>, vector<16xf32>,
            %mul3A_960 = arith.mulf %get3A_959, %gather3A_895 : vector<16xf32>
            %swap3A_961 = arith.constant 0 : i32
            %swap3A_962 = arith.index_cast %swap3A_961 : i32 to index
            %swap3A_963 = arith.index_cast %add3A_899 : i32 to index
            %swap3A_964 = arith.constant 80 : index
            %swap3A_965 = tpu.vector_load %arg11[%swap3A_962, %swap3A_963, %swap3A_964] {strides = array<i32>} : memref<2x128x128xf32, #tpu.memory_space<vmem>>, vector<16xf32>,
            tpu.vector_store %arg11[%swap3A_962, %swap3A_963, %swap3A_964], %mul3A_960 {strides = array<i32>} : memref<2x128x128xf32, #tpu.memory_space<vmem>>, vector<16xf32>,
            %get3A_966 = arith.constant 0 : i32
            %get3A_967 = arith.index_cast %get3A_966 : i32 to index
            %get3A_968 = arith.index_cast %add3A_899 : i32 to index
            %get3A_969 = arith.constant 96 : index
            %get3A_970 = tpu.vector_load %arg11[%get3A_967, %get3A_968, %get3A_969] {strides = array<i32>} : memref<2x128x128xf32, #tpu.memory_space<vmem>>, vector<16xf32>,
            %mul3A_971 = arith.mulf %get3A_970, %gather3A_895 : vector<16xf32>
            %swap3A_972 = arith.constant 0 : i32
            %swap3A_973 = arith.index_cast %swap3A_972 : i32 to index
            %swap3A_974 = arith.index_cast %add3A_899 : i32 to index
            %swap3A_975 = arith.constant 96 : index
            %swap3A_976 = tpu.vector_load %arg11[%swap3A_973, %swap3A_974, %swap3A_975] {strides = array<i32>} : memref<2x128x128xf32, #tpu.memory_space<vmem>>, vector<16xf32>,
            tpu.vector_store %arg11[%swap3A_973, %swap3A_974, %swap3A_975], %mul3A_971 {strides = array<i32>} : memref<2x128x128xf32, #tpu.memory_space<vmem>>, vector<16xf32>,
            %get3A_977 = arith.constant 0 : i32
            %get3A_978 = arith.index_cast %get3A_977 : i32 to index
            %get3A_979 = arith.index_cast %add3A_899 : i32 to index
            %get3A_980 = arith.constant 112 : index
            %get3A_981 = tpu.vector_load %arg11[%get3A_978, %get3A_979, %get3A_980] {strides = array<i32>} : memref<2x128x128xf32, #tpu.memory_space<vmem>>, vector<16xf32>,
            %mul3A_982 = arith.mulf %get3A_981, %gather3A_895 : vector<16xf32>
            %swap3A_983 = arith.constant 0 : i32
            %swap3A_984 = arith.index_cast %swap3A_983 : i32 to index
            %swap3A_985 = arith.index_cast %add3A_899 : i32 to index
            %swap3A_986 = arith.constant 112 : index
            %swap3A_987 = tpu.vector_load %arg11[%swap3A_984, %swap3A_985, %swap3A_986] {strides = array<i32>} : memref<2x128x128xf32, #tpu.memory_space<vmem>>, vector<16xf32>,
            tpu.vector_store %arg11[%swap3A_984, %swap3A_985, %swap3A_986], %mul3A_982 {strides = array<i32>} : memref<2x128x128xf32, #tpu.memory_space<vmem>>, vector<16xf32>,
            %broadcast_in_dim3A_988 = arith.constant 7 : i32
            %broadcast_in_dim3A_989 = vector.broadcast %broadcast_in_dim3A_988 : i32 to vector<16x1xi32>
            %gather3A_990 = vector.shape_cast %broadcast_in_dim3A_989 : vector<16x1xi32> to vector<16xi32>
            %gather3A_991 = tpu.dynamic_gather %get3A_317[%gather3A_990] in [0] : vector<16xf32>, vector<16xi32> -> vector<16xf32>
            %mul3A_992 = arith.constant 16 : i32
            %mul3A_993 = arith.muli %scan3A_312, %mul3A_992 : i32
            %add3A_994 = arith.constant 7 : i32
            %add3A_995 = arith.addi %mul3A_993, %add3A_994 : i32
            %get3A_996 = arith.constant 0 : i32
            %get3A_997 = arith.index_cast %get3A_996 : i32 to index
            %get3A_998 = arith.index_cast %add3A_995 : i32 to index
            %get3A_999 = arith.constant 0 : index
            %get3A_1000 = tpu.vector_load %arg11[%get3A_997, %get3A_998, %get3A_999] {strides = array<i32>} : memref<2x128x128xf32, #tpu.memory_space<vmem>>, vector<16xf32>,
            %mul3A_1001 = arith.mulf %get3A_1000, %gather3A_991 : vector<16xf32>
            %swap3A_1002 = arith.constant 0 : i32
            %swap3A_1003 = arith.index_cast %swap3A_1002 : i32 to index
            %swap3A_1004 = arith.index_cast %add3A_995 : i32 to index
            %swap3A_1005 = arith.constant 0 : index
            %swap3A_1006 = tpu.vector_load %arg11[%swap3A_1003, %swap3A_1004, %swap3A_1005] {strides = array<i32>} : memref<2x128x128xf32, #tpu.memory_space<vmem>>, vector<16xf32>,
            tpu.vector_store %arg11[%swap3A_1003, %swap3A_1004, %swap3A_1005], %mul3A_1001 {strides = array<i32>} : memref<2x128x128xf32, #tpu.memory_space<vmem>>, vector<16xf32>,
            %get3A_1007 = arith.constant 0 : i32
            %get3A_1008 = arith.index_cast %get3A_1007 : i32 to index
            %get3A_1009 = arith.index_cast %add3A_995 : i32 to index
            %get3A_1010 = arith.constant 16 : index
            %get3A_1011 = tpu.vector_load %arg11[%get3A_1008, %get3A_1009, %get3A_1010] {strides = array<i32>} : memref<2x128x128xf32, #tpu.memory_space<vmem>>, vector<16xf32>,
            %mul3A_1012 = arith.mulf %get3A_1011, %gather3A_991 : vector<16xf32>
            %swap3A_1013 = arith.constant 0 : i32
            %swap3A_1014 = arith.index_cast %swap3A_1013 : i32 to index
            %swap3A_1015 = arith.index_cast %add3A_995 : i32 to index
            %swap3A_1016 = arith.constant 16 : index
            %swap3A_1017 = tpu.vector_load %arg11[%swap3A_1014, %swap3A_1015, %swap3A_1016] {strides = array<i32>} : memref<2x128x128xf32, #tpu.memory_space<vmem>>, vector<16xf32>,
            tpu.vector_store %arg11[%swap3A_1014, %swap3A_1015, %swap3A_1016], %mul3A_1012 {strides = array<i32>} : memref<2x128x128xf32, #tpu.memory_space<vmem>>, vector<16xf32>,
            %get3A_1018 = arith.constant 0 : i32
            %get3A_1019 = arith.index_cast %get3A_1018 : i32 to index
            %get3A_1020 = arith.index_cast %add3A_995 : i32 to index
            %get3A_1021 = arith.constant 32 : index
            %get3A_1022 = tpu.vector_load %arg11[%get3A_1019, %get3A_1020, %get3A_1021] {strides = array<i32>} : memref<2x128x128xf32, #tpu.memory_space<vmem>>, vector<16xf32>,
            %mul3A_1023 = arith.mulf %get3A_1022, %gather3A_991 : vector<16xf32>
            %swap3A_1024 = arith.constant 0 : i32
            %swap3A_1025 = arith.index_cast %swap3A_1024 : i32 to index
            %swap3A_1026 = arith.index_cast %add3A_995 : i32 to index
            %swap3A_1027 = arith.constant 32 : index
            %swap3A_1028 = tpu.vector_load %arg11[%swap3A_1025, %swap3A_1026, %swap3A_1027] {strides = array<i32>} : memref<2x128x128xf32, #tpu.memory_space<vmem>>, vector<16xf32>,
            tpu.vector_store %arg11[%swap3A_1025, %swap3A_1026, %swap3A_1027], %mul3A_1023 {strides = array<i32>} : memref<2x128x128xf32, #tpu.memory_space<vmem>>, vector<16xf32>,
            %get3A_1029 = arith.constant 0 : i32
            %get3A_1030 = arith.index_cast %get3A_1029 : i32 to index
            %get3A_1031 = arith.index_cast %add3A_995 : i32 to index
            %get3A_1032 = arith.constant 48 : index
            %get3A_1033 = tpu.vector_load %arg11[%get3A_1030, %get3A_1031, %get3A_1032] {strides = array<i32>} : memref<2x128x128xf32, #tpu.memory_space<vmem>>, vector<16xf32>,
            %mul3A_1034 = arith.mulf %get3A_1033, %gather3A_991 : vector<16xf32>
            %swap3A_1035 = arith.constant 0 : i32
            %swap3A_1036 = arith.index_cast %swap3A_1035 : i32 to index
            %swap3A_1037 = arith.index_cast %add3A_995 : i32 to index
            %swap3A_1038 = arith.constant 48 : index
            %swap3A_1039 = tpu.vector_load %arg11[%swap3A_1036, %swap3A_1037, %swap3A_1038] {strides = array<i32>} : memref<2x128x128xf32, #tpu.memory_space<vmem>>, vector<16xf32>,
            tpu.vector_store %arg11[%swap3A_1036, %swap3A_1037, %swap3A_1038], %mul3A_1034 {strides = array<i32>} : memref<2x128x128xf32, #tpu.memory_space<vmem>>, vector<16xf32>,
            %get3A_1040 = arith.constant 0 : i32
            %get3A_1041 = arith.index_cast %get3A_1040 : i32 to index
            %get3A_1042 = arith.index_cast %add3A_995 : i32 to index
            %get3A_1043 = arith.constant 64 : index
            %get3A_1044 = tpu.vector_load %arg11[%get3A_1041, %get3A_1042, %get3A_1043] {strides = array<i32>} : memref<2x128x128xf32, #tpu.memory_space<vmem>>, vector<16xf32>,
            %mul3A_1045 = arith.mulf %get3A_1044, %gather3A_991 : vector<16xf32>
            %swap3A_1046 = arith.constant 0 : i32
            %swap3A_1047 = arith.index_cast %swap3A_1046 : i32 to index
            %swap3A_1048 = arith.index_cast %add3A_995 : i32 to index
            %swap3A_1049 = arith.constant 64 : index
            %swap3A_1050 = tpu.vector_load %arg11[%swap3A_1047, %swap3A_1048, %swap3A_1049] {strides = array<i32>} : memref<2x128x128xf32, #tpu.memory_space<vmem>>, vector<16xf32>,
            tpu.vector_store %arg11[%swap3A_1047, %swap3A_1048, %swap3A_1049], %mul3A_1045 {strides = array<i32>} : memref<2x128x128xf32, #tpu.memory_space<vmem>>, vector<16xf32>,
            %get3A_1051 = arith.constant 0 : i32
            %get3A_1052 = arith.index_cast %get3A_1051 : i32 to index
            %get3A_1053 = arith.index_cast %add3A_995 : i32 to index
            %get3A_1054 = arith.constant 80 : index
            %get3A_1055 = tpu.vector_load %arg11[%get3A_1052, %get3A_1053, %get3A_1054] {strides = array<i32>} : memref<2x128x128xf32, #tpu.memory_space<vmem>>, vector<16xf32>,
            %mul3A_1056 = arith.mulf %get3A_1055, %gather3A_991 : vector<16xf32>
            %swap3A_1057 = arith.constant 0 : i32
            %swap3A_1058 = arith.index_cast %swap3A_1057 : i32 to index
            %swap3A_1059 = arith.index_cast %add3A_995 : i32 to index
            %swap3A_1060 = arith.constant 80 : index
            %swap3A_1061 = tpu.vector_load %arg11[%swap3A_1058, %swap3A_1059, %swap3A_1060] {strides = array<i32>} : memref<2x128x128xf32, #tpu.memory_space<vmem>>, vector<16xf32>,
            tpu.vector_store %arg11[%swap3A_1058, %swap3A_1059, %swap3A_1060], %mul3A_1056 {strides = array<i32>} : memref<2x128x128xf32, #tpu.memory_space<vmem>>, vector<16xf32>,
            %get3A_1062 = arith.constant 0 : i32
            %get3A_1063 = arith.index_cast %get3A_1062 : i32 to index
            %get3A_1064 = arith.index_cast %add3A_995 : i32 to index
            %get3A_1065 = arith.constant 96 : index
            %get3A_1066 = tpu.vector_load %arg11[%get3A_1063, %get3A_1064, %get3A_1065] {strides = array<i32>} : memref<2x128x128xf32, #tpu.memory_space<vmem>>, vector<16xf32>,
            %mul3A_1067 = arith.mulf %get3A_1066, %gather3A_991 : vector<16xf32>
            %swap3A_1068 = arith.constant 0 : i32
            %swap3A_1069 = arith.index_cast %swap3A_1068 : i32 to index
            %swap3A_1070 = arith.index_cast %add3A_995 : i32 to index
            %swap3A_1071 = arith.constant 96 : index
            %swap3A_1072 = tpu.vector_load %arg11[%swap3A_1069, %swap3A_1070, %swap3A_1071] {strides = array<i32>} : memref<2x128x128xf32, #tpu.memory_space<vmem>>, vector<16xf32>,
            tpu.vector_store %arg11[%swap3A_1069, %swap3A_1070, %swap3A_1071], %mul3A_1067 {strides = array<i32>} : memref<2x128x128xf32, #tpu.memory_space<vmem>>, vector<16xf32>,
            %get3A_1073 = arith.constant 0 : i32
            %get3A_1074 = arith.index_cast %get3A_1073 : i32 to index
            %get3A_1075 = arith.index_cast %add3A_995 : i32 to index
            %get3A_1076 = arith.constant 112 : index
            %get3A_1077 = tpu.vector_load %arg11[%get3A_1074, %get3A_1075, %get3A_1076] {strides = array<i32>} : memref<2x128x128xf32, #tpu.memory_space<vmem>>, vector<16xf32>,
            %mul3A_1078 = arith.mulf %get3A_1077, %gather3A_991 : vector<16xf32>
            %swap3A_1079 = arith.constant 0 : i32
            %swap3A_1080 = arith.index_cast %swap3A_1079 : i32 to index
            %swap3A_1081 = arith.index_cast %add3A_995 : i32 to index
            %swap3A_1082 = arith.constant 112 : index
            %swap3A_1083 = tpu.vector_load %arg11[%swap3A_1080, %swap3A_1081, %swap3A_1082] {strides = array<i32>} : memref<2x128x128xf32, #tpu.memory_space<vmem>>, vector<16xf32>,
            tpu.vector_store %arg11[%swap3A_1080, %swap3A_1081, %swap3A_1082], %mul3A_1078 {strides = array<i32>} : memref<2x128x128xf32, #tpu.memory_space<vmem>>, vector<16xf32>,
            %broadcast_in_dim3A_1084 = arith.constant 8 : i32
            %broadcast_in_dim3A_1085 = vector.broadcast %broadcast_in_dim3A_1084 : i32 to vector<16x1xi32>
            %gather3A_1086 = vector.shape_cast %broadcast_in_dim3A_1085 : vector<16x1xi32> to vector<16xi32>
            %gather3A_1087 = tpu.dynamic_gather %get3A_317[%gather3A_1086] in [0] : vector<16xf32>, vector<16xi32> -> vector<16xf32>
            %mul3A_1088 = arith.constant 16 : i32
            %mul3A_1089 = arith.muli %scan3A_312, %mul3A_1088 : i32
            %add3A_1090 = arith.constant 8 : i32
            %add3A_1091 = arith.addi %mul3A_1089, %add3A_1090 : i32
            %get3A_1092 = arith.constant 0 : i32
            %get3A_1093 = arith.index_cast %get3A_1092 : i32 to index
            %get3A_1094 = arith.index_cast %add3A_1091 : i32 to index
            %get3A_1095 = arith.constant 0 : index
            %get3A_1096 = tpu.vector_load %arg11[%get3A_1093, %get3A_1094, %get3A_1095] {strides = array<i32>} : memref<2x128x128xf32, #tpu.memory_space<vmem>>, vector<16xf32>,
            %mul3A_1097 = arith.mulf %get3A_1096, %gather3A_1087 : vector<16xf32>
            %swap3A_1098 = arith.constant 0 : i32
            %swap3A_1099 = arith.index_cast %swap3A_1098 : i32 to index
            %swap3A_1100 = arith.index_cast %add3A_1091 : i32 to index
            %swap3A_1101 = arith.constant 0 : index
            %swap3A_1102 = tpu.vector_load %arg11[%swap3A_1099, %swap3A_1100, %swap3A_1101] {strides = array<i32>} : memref<2x128x128xf32, #tpu.memory_space<vmem>>, vector<16xf32>,
            tpu.vector_store %arg11[%swap3A_1099, %swap3A_1100, %swap3A_1101], %mul3A_1097 {strides = array<i32>} : memref<2x128x128xf32, #tpu.memory_space<vmem>>, vector<16xf32>,
            %get3A_1103 = arith.constant 0 : i32
            %get3A_1104 = arith.index_cast %get3A_1103 : i32 to index
            %get3A_1105 = arith.index_cast %add3A_1091 : i32 to index
            %get3A_1106 = arith.constant 16 : index
            %get3A_1107 = tpu.vector_load %arg11[%get3A_1104, %get3A_1105, %get3A_1106] {strides = array<i32>} : memref<2x128x128xf32, #tpu.memory_space<vmem>>, vector<16xf32>,
            %mul3A_1108 = arith.mulf %get3A_1107, %gather3A_1087 : vector<16xf32>
            %swap3A_1109 = arith.constant 0 : i32
            %swap3A_1110 = arith.index_cast %swap3A_1109 : i32 to index
            %swap3A_1111 = arith.index_cast %add3A_1091 : i32 to index
            %swap3A_1112 = arith.constant 16 : index
            %swap3A_1113 = tpu.vector_load %arg11[%swap3A_1110, %swap3A_1111, %swap3A_1112] {strides = array<i32>} : memref<2x128x128xf32, #tpu.memory_space<vmem>>, vector<16xf32>,
            tpu.vector_store %arg11[%swap3A_1110, %swap3A_1111, %swap3A_1112], %mul3A_1108 {strides = array<i32>} : memref<2x128x128xf32, #tpu.memory_space<vmem>>, vector<16xf32>,
            %get3A_1114 = arith.constant 0 : i32
            %get3A_1115 = arith.index_cast %get3A_1114 : i32 to index
            %get3A_1116 = arith.index_cast %add3A_1091 : i32 to index
            %get3A_1117 = arith.constant 32 : index
            %get3A_1118 = tpu.vector_load %arg11[%get3A_1115, %get3A_1116, %get3A_1117] {strides = array<i32>} : memref<2x128x128xf32, #tpu.memory_space<vmem>>, vector<16xf32>,
            %mul3A_1119 = arith.mulf %get3A_1118, %gather3A_1087 : vector<16xf32>
            %swap3A_1120 = arith.constant 0 : i32
            %swap3A_1121 = arith.index_cast %swap3A_1120 : i32 to index
            %swap3A_1122 = arith.index_cast %add3A_1091 : i32 to index
            %swap3A_1123 = arith.constant 32 : index
            %swap3A_1124 = tpu.vector_load %arg11[%swap3A_1121, %swap3A_1122, %swap3A_1123] {strides = array<i32>} : memref<2x128x128xf32, #tpu.memory_space<vmem>>, vector<16xf32>,
            tpu.vector_store %arg11[%swap3A_1121, %swap3A_1122, %swap3A_1123], %mul3A_1119 {strides = array<i32>} : memref<2x128x128xf32, #tpu.memory_space<vmem>>, vector<16xf32>,
            %get3A_1125 = arith.constant 0 : i32
            %get3A_1126 = arith.index_cast %get3A_1125 : i32 to index
            %get3A_1127 = arith.index_cast %add3A_1091 : i32 to index
            %get3A_1128 = arith.constant 48 : index
            %get3A_1129 = tpu.vector_load %arg11[%get3A_1126, %get3A_1127, %get3A_1128] {strides = array<i32>} : memref<2x128x128xf32, #tpu.memory_space<vmem>>, vector<16xf32>,
            %mul3A_1130 = arith.mulf %get3A_1129, %gather3A_1087 : vector<16xf32>
            %swap3A_1131 = arith.constant 0 : i32
            %swap3A_1132 = arith.index_cast %swap3A_1131 : i32 to index
            %swap3A_1133 = arith.index_cast %add3A_1091 : i32 to index
            %swap3A_1134 = arith.constant 48 : index
            %swap3A_1135 = tpu.vector_load %arg11[%swap3A_1132, %swap3A_1133, %swap3A_1134] {strides = array<i32>} : memref<2x128x128xf32, #tpu.memory_space<vmem>>, vector<16xf32>,
            tpu.vector_store %arg11[%swap3A_1132, %swap3A_1133, %swap3A_1134], %mul3A_1130 {strides = array<i32>} : memref<2x128x128xf32, #tpu.memory_space<vmem>>, vector<16xf32>,
            %get3A_1136 = arith.constant 0 : i32
            %get3A_1137 = arith.index_cast %get3A_1136 : i32 to index
            %get3A_1138 = arith.index_cast %add3A_1091 : i32 to index
            %get3A_1139 = arith.constant 64 : index
            %get3A_1140 = tpu.vector_load %arg11[%get3A_1137, %get3A_1138, %get3A_1139] {strides = array<i32>} : memref<2x128x128xf32, #tpu.memory_space<vmem>>, vector<16xf32>,
            %mul3A_1141 = arith.mulf %get3A_1140, %gather3A_1087 : vector<16xf32>
            %swap3A_1142 = arith.constant 0 : i32
            %swap3A_1143 = arith.index_cast %swap3A_1142 : i32 to index
            %swap3A_1144 = arith.index_cast %add3A_1091 : i32 to index
            %swap3A_1145 = arith.constant 64 : index
            %swap3A_1146 = tpu.vector_load %arg11[%swap3A_1143, %swap3A_1144, %swap3A_1145] {strides = array<i32>} : memref<2x128x128xf32, #tpu.memory_space<vmem>>, vector<16xf32>,
            tpu.vector_store %arg11[%swap3A_1143, %swap3A_1144, %swap3A_1145], %mul3A_1141 {strides = array<i32>} : memref<2x128x128xf32, #tpu.memory_space<vmem>>, vector<16xf32>,
            %get3A_1147 = arith.constant 0 : i32
            %get3A_1148 = arith.index_cast %get3A_1147 : i32 to index
            %get3A_1149 = arith.index_cast %add3A_1091 : i32 to index
            %get3A_1150 = arith.constant 80 : index
            %get3A_1151 = tpu.vector_load %arg11[%get3A_1148, %get3A_1149, %get3A_1150] {strides = array<i32>} : memref<2x128x128xf32, #tpu.memory_space<vmem>>, vector<16xf32>,
            %mul3A_1152 = arith.mulf %get3A_1151, %gather3A_1087 : vector<16xf32>
            %swap3A_1153 = arith.constant 0 : i32
            %swap3A_1154 = arith.index_cast %swap3A_1153 : i32 to index
            %swap3A_1155 = arith.index_cast %add3A_1091 : i32 to index
            %swap3A_1156 = arith.constant 80 : index
            %swap3A_1157 = tpu.vector_load %arg11[%swap3A_1154, %swap3A_1155, %swap3A_1156] {strides = array<i32>} : memref<2x128x128xf32, #tpu.memory_space<vmem>>, vector<16xf32>,
            tpu.vector_store %arg11[%swap3A_1154, %swap3A_1155, %swap3A_1156], %mul3A_1152 {strides = array<i32>} : memref<2x128x128xf32, #tpu.memory_space<vmem>>, vector<16xf32>,
            %get3A_1158 = arith.constant 0 : i32
            %get3A_1159 = arith.index_cast %get3A_1158 : i32 to index
            %get3A_1160 = arith.index_cast %add3A_1091 : i32 to index
            %get3A_1161 = arith.constant 96 : index
            %get3A_1162 = tpu.vector_load %arg11[%get3A_1159, %get3A_1160, %get3A_1161] {strides = array<i32>} : memref<2x128x128xf32, #tpu.memory_space<vmem>>, vector<16xf32>,
            %mul3A_1163 = arith.mulf %get3A_1162, %gather3A_1087 : vector<16xf32>
            %swap3A_1164 = arith.constant 0 : i32
            %swap3A_1165 = arith.index_cast %swap3A_1164 : i32 to index
            %swap3A_1166 = arith.index_cast %add3A_1091 : i32 to index
            %swap3A_1167 = arith.constant 96 : index
            %swap3A_1168 = tpu.vector_load %arg11[%swap3A_1165, %swap3A_1166, %swap3A_1167] {strides = array<i32>} : memref<2x128x128xf32, #tpu.memory_space<vmem>>, vector<16xf32>,
            tpu.vector_store %arg11[%swap3A_1165, %swap3A_1166, %swap3A_1167], %mul3A_1163 {strides = array<i32>} : memref<2x128x128xf32, #tpu.memory_space<vmem>>, vector<16xf32>,
            %get3A_1169 = arith.constant 0 : i32
            %get3A_1170 = arith.index_cast %get3A_1169 : i32 to index
            %get3A_1171 = arith.index_cast %add3A_1091 : i32 to index
            %get3A_1172 = arith.constant 112 : index
            %get3A_1173 = tpu.vector_load %arg11[%get3A_1170, %get3A_1171, %get3A_1172] {strides = array<i32>} : memref<2x128x128xf32, #tpu.memory_space<vmem>>, vector<16xf32>,
            %mul3A_1174 = arith.mulf %get3A_1173, %gather3A_1087 : vector<16xf32>
            %swap3A_1175 = arith.constant 0 : i32
            %swap3A_1176 = arith.index_cast %swap3A_1175 : i32 to index
            %swap3A_1177 = arith.index_cast %add3A_1091 : i32 to index
            %swap3A_1178 = arith.constant 112 : index
            %swap3A_1179 = tpu.vector_load %arg11[%swap3A_1176, %swap3A_1177, %swap3A_1178] {strides = array<i32>} : memref<2x128x128xf32, #tpu.memory_space<vmem>>, vector<16xf32>,
            tpu.vector_store %arg11[%swap3A_1176, %swap3A_1177, %swap3A_1178], %mul3A_1174 {strides = array<i32>} : memref<2x128x128xf32, #tpu.memory_space<vmem>>, vector<16xf32>,
            %broadcast_in_dim3A_1180 = arith.constant 9 : i32
            %broadcast_in_dim3A_1181 = vector.broadcast %broadcast_in_dim3A_1180 : i32 to vector<16x1xi32>
            %gather3A_1182 = vector.shape_cast %broadcast_in_dim3A_1181 : vector<16x1xi32> to vector<16xi32>
            %gather3A_1183 = tpu.dynamic_gather %get3A_317[%gather3A_1182] in [0] : vector<16xf32>, vector<16xi32> -> vector<16xf32>
            %mul3A_1184 = arith.constant 16 : i32
            %mul3A_1185 = arith.muli %scan3A_312, %mul3A_1184 : i32
            %add3A_1186 = arith.constant 9 : i32
            %add3A_1187 = arith.addi %mul3A_1185, %add3A_1186 : i32
            %get3A_1188 = arith.constant 0 : i32
            %get3A_1189 = arith.index_cast %get3A_1188 : i32 to index
            %get3A_1190 = arith.index_cast %add3A_1187 : i32 to index
            %get3A_1191 = arith.constant 0 : index
            %get3A_1192 = tpu.vector_load %arg11[%get3A_1189, %get3A_1190, %get3A_1191] {strides = array<i32>} : memref<2x128x128xf32, #tpu.memory_space<vmem>>, vector<16xf32>,
            %mul3A_1193 = arith.mulf %get3A_1192, %gather3A_1183 : vector<16xf32>
            %swap3A_1194 = arith.constant 0 : i32
            %swap3A_1195 = arith.index_cast %swap3A_1194 : i32 to index
            %swap3A_1196 = arith.index_cast %add3A_1187 : i32 to index
            %swap3A_1197 = arith.constant 0 : index
            %swap3A_1198 = tpu.vector_load %arg11[%swap3A_1195, %swap3A_1196, %swap3A_1197] {strides = array<i32>} : memref<2x128x128xf32, #tpu.memory_space<vmem>>, vector<16xf32>,
            tpu.vector_store %arg11[%swap3A_1195, %swap3A_1196, %swap3A_1197], %mul3A_1193 {strides = array<i32>} : memref<2x128x128xf32, #tpu.memory_space<vmem>>, vector<16xf32>,
            %get3A_1199 = arith.constant 0 : i32
            %get3A_1200 = arith.index_cast %get3A_1199 : i32 to index
            %get3A_1201 = arith.index_cast %add3A_1187 : i32 to index
            %get3A_1202 = arith.constant 16 : index
            %get3A_1203 = tpu.vector_load %arg11[%get3A_1200, %get3A_1201, %get3A_1202] {strides = array<i32>} : memref<2x128x128xf32, #tpu.memory_space<vmem>>, vector<16xf32>,
            %mul3A_1204 = arith.mulf %get3A_1203, %gather3A_1183 : vector<16xf32>
            %swap3A_1205 = arith.constant 0 : i32
            %swap3A_1206 = arith.index_cast %swap3A_1205 : i32 to index
            %swap3A_1207 = arith.index_cast %add3A_1187 : i32 to index
            %swap3A_1208 = arith.constant 16 : index
            %swap3A_1209 = tpu.vector_load %arg11[%swap3A_1206, %swap3A_1207, %swap3A_1208] {strides = array<i32>} : memref<2x128x128xf32, #tpu.memory_space<vmem>>, vector<16xf32>,
            tpu.vector_store %arg11[%swap3A_1206, %swap3A_1207, %swap3A_1208], %mul3A_1204 {strides = array<i32>} : memref<2x128x128xf32, #tpu.memory_space<vmem>>, vector<16xf32>,
            %get3A_1210 = arith.constant 0 : i32
            %get3A_1211 = arith.index_cast %get3A_1210 : i32 to index
            %get3A_1212 = arith.index_cast %add3A_1187 : i32 to index
            %get3A_1213 = arith.constant 32 : index
            %get3A_1214 = tpu.vector_load %arg11[%get3A_1211, %get3A_1212, %get3A_1213] {strides = array<i32>} : memref<2x128x128xf32, #tpu.memory_space<vmem>>, vector<16xf32>,
            %mul3A_1215 = arith.mulf %get3A_1214, %gather3A_1183 : vector<16xf32>
            %swap3A_1216 = arith.constant 0 : i32
            %swap3A_1217 = arith.index_cast %swap3A_1216 : i32 to index
            %swap3A_1218 = arith.index_cast %add3A_1187 : i32 to index
            %swap3A_1219 = arith.constant 32 : index
            %swap3A_1220 = tpu.vector_load %arg11[%swap3A_1217, %swap3A_1218, %swap3A_1219] {strides = array<i32>} : memref<2x128x128xf32, #tpu.memory_space<vmem>>, vector<16xf32>,
            tpu.vector_store %arg11[%swap3A_1217, %swap3A_1218, %swap3A_1219], %mul3A_1215 {strides = array<i32>} : memref<2x128x128xf32, #tpu.memory_space<vmem>>, vector<16xf32>,
            %get3A_1221 = arith.constant 0 : i32
            %get3A_1222 = arith.index_cast %get3A_1221 : i32 to index
            %get3A_1223 = arith.index_cast %add3A_1187 : i32 to index
            %get3A_1224 = arith.constant 48 : index
            %get3A_1225 = tpu.vector_load %arg11[%get3A_1222, %get3A_1223, %get3A_1224] {strides = array<i32>} : memref<2x128x128xf32, #tpu.memory_space<vmem>>, vector<16xf32>,
            %mul3A_1226 = arith.mulf %get3A_1225, %gather3A_1183 : vector<16xf32>
            %swap3A_1227 = arith.constant 0 : i32
            %swap3A_1228 = arith.index_cast %swap3A_1227 : i32 to index
            %swap3A_1229 = arith.index_cast %add3A_1187 : i32 to index
            %swap3A_1230 = arith.constant 48 : index
            %swap3A_1231 = tpu.vector_load %arg11[%swap3A_1228, %swap3A_1229, %swap3A_1230] {strides = array<i32>} : memref<2x128x128xf32, #tpu.memory_space<vmem>>, vector<16xf32>,
            tpu.vector_store %arg11[%swap3A_1228, %swap3A_1229, %swap3A_1230], %mul3A_1226 {strides = array<i32>} : memref<2x128x128xf32, #tpu.memory_space<vmem>>, vector<16xf32>,
            %get3A_1232 = arith.constant 0 : i32
            %get3A_1233 = arith.index_cast %get3A_1232 : i32 to index
            %get3A_1234 = arith.index_cast %add3A_1187 : i32 to index
            %get3A_1235 = arith.constant 64 : index
            %get3A_1236 = tpu.vector_load %arg11[%get3A_1233, %get3A_1234, %get3A_1235] {strides = array<i32>} : memref<2x128x128xf32, #tpu.memory_space<vmem>>, vector<16xf32>,
            %mul3A_1237 = arith.mulf %get3A_1236, %gather3A_1183 : vector<16xf32>
            %swap3A_1238 = arith.constant 0 : i32
            %swap3A_1239 = arith.index_cast %swap3A_1238 : i32 to index
            %swap3A_1240 = arith.index_cast %add3A_1187 : i32 to index
            %swap3A_1241 = arith.constant 64 : index
            %swap3A_1242 = tpu.vector_load %arg11[%swap3A_1239, %swap3A_1240, %swap3A_1241] {strides = array<i32>} : memref<2x128x128xf32, #tpu.memory_space<vmem>>, vector<16xf32>,
            tpu.vector_store %arg11[%swap3A_1239, %swap3A_1240, %swap3A_1241], %mul3A_1237 {strides = array<i32>} : memref<2x128x128xf32, #tpu.memory_space<vmem>>, vector<16xf32>,
            %get3A_1243 = arith.constant 0 : i32
            %get3A_1244 = arith.index_cast %get3A_1243 : i32 to index
            %get3A_1245 = arith.index_cast %add3A_1187 : i32 to index
            %get3A_1246 = arith.constant 80 : index
            %get3A_1247 = tpu.vector_load %arg11[%get3A_1244, %get3A_1245, %get3A_1246] {strides = array<i32>} : memref<2x128x128xf32, #tpu.memory_space<vmem>>, vector<16xf32>,
            %mul3A_1248 = arith.mulf %get3A_1247, %gather3A_1183 : vector<16xf32>
            %swap3A_1249 = arith.constant 0 : i32
            %swap3A_1250 = arith.index_cast %swap3A_1249 : i32 to index
            %swap3A_1251 = arith.index_cast %add3A_1187 : i32 to index
            %swap3A_1252 = arith.constant 80 : index
            %swap3A_1253 = tpu.vector_load %arg11[%swap3A_1250, %swap3A_1251, %swap3A_1252] {strides = array<i32>} : memref<2x128x128xf32, #tpu.memory_space<vmem>>, vector<16xf32>,
            tpu.vector_store %arg11[%swap3A_1250, %swap3A_1251, %swap3A_1252], %mul3A_1248 {strides = array<i32>} : memref<2x128x128xf32, #tpu.memory_space<vmem>>, vector<16xf32>,
            %get3A_1254 = arith.constant 0 : i32
            %get3A_1255 = arith.index_cast %get3A_1254 : i32 to index
            %get3A_1256 = arith.index_cast %add3A_1187 : i32 to index
            %get3A_1257 = arith.constant 96 : index
            %get3A_1258 = tpu.vector_load %arg11[%get3A_1255, %get3A_1256, %get3A_1257] {strides = array<i32>} : memref<2x128x128xf32, #tpu.memory_space<vmem>>, vector<16xf32>,
            %mul3A_1259 = arith.mulf %get3A_1258, %gather3A_1183 : vector<16xf32>
            %swap3A_1260 = arith.constant 0 : i32
            %swap3A_1261 = arith.index_cast %swap3A_1260 : i32 to index
            %swap3A_1262 = arith.index_cast %add3A_1187 : i32 to index
            %swap3A_1263 = arith.constant 96 : index
            %swap3A_1264 = tpu.vector_load %arg11[%swap3A_1261, %swap3A_1262, %swap3A_1263] {strides = array<i32>} : memref<2x128x128xf32, #tpu.memory_space<vmem>>, vector<16xf32>,
            tpu.vector_store %arg11[%swap3A_1261, %swap3A_1262, %swap3A_1263], %mul3A_1259 {strides = array<i32>} : memref<2x128x128xf32, #tpu.memory_space<vmem>>, vector<16xf32>,
            %get3A_1265 = arith.constant 0 : i32
            %get3A_1266 = arith.index_cast %get3A_1265 : i32 to index
            %get3A_1267 = arith.index_cast %add3A_1187 : i32 to index
            %get3A_1268 = arith.constant 112 : index
            %get3A_1269 = tpu.vector_load %arg11[%get3A_1266, %get3A_1267, %get3A_1268] {strides = array<i32>} : memref<2x128x128xf32, #tpu.memory_space<vmem>>, vector<16xf32>,
            %mul3A_1270 = arith.mulf %get3A_1269, %gather3A_1183 : vector<16xf32>
            %swap3A_1271 = arith.constant 0 : i32
            %swap3A_1272 = arith.index_cast %swap3A_1271 : i32 to index
            %swap3A_1273 = arith.index_cast %add3A_1187 : i32 to index
            %swap3A_1274 = arith.constant 112 : index
            %swap3A_1275 = tpu.vector_load %arg11[%swap3A_1272, %swap3A_1273, %swap3A_1274] {strides = array<i32>} : memref<2x128x128xf32, #tpu.memory_space<vmem>>, vector<16xf32>,
            tpu.vector_store %arg11[%swap3A_1272, %swap3A_1273, %swap3A_1274], %mul3A_1270 {strides = array<i32>} : memref<2x128x128xf32, #tpu.memory_space<vmem>>, vector<16xf32>,
            %broadcast_in_dim3A_1276 = arith.constant 10 : i32
            %broadcast_in_dim3A_1277 = vector.broadcast %broadcast_in_dim3A_1276 : i32 to vector<16x1xi32>
            %gather3A_1278 = vector.shape_cast %broadcast_in_dim3A_1277 : vector<16x1xi32> to vector<16xi32>
            %gather3A_1279 = tpu.dynamic_gather %get3A_317[%gather3A_1278] in [0] : vector<16xf32>, vector<16xi32> -> vector<16xf32>
            %mul3A_1280 = arith.constant 16 : i32
            %mul3A_1281 = arith.muli %scan3A_312, %mul3A_1280 : i32
            %add3A_1282 = arith.constant 10 : i32
            %add3A_1283 = arith.addi %mul3A_1281, %add3A_1282 : i32
            %get3A_1284 = arith.constant 0 : i32
            %get3A_1285 = arith.index_cast %get3A_1284 : i32 to index
            %get3A_1286 = arith.index_cast %add3A_1283 : i32 to index
            %get3A_1287 = arith.constant 0 : index
            %get3A_1288 = tpu.vector_load %arg11[%get3A_1285, %get3A_1286, %get3A_1287] {strides = array<i32>} : memref<2x128x128xf32, #tpu.memory_space<vmem>>, vector<16xf32>,
            %mul3A_1289 = arith.mulf %get3A_1288, %gather3A_1279 : vector<16xf32>
            %swap3A_1290 = arith.constant 0 : i32
            %swap3A_1291 = arith.index_cast %swap3A_1290 : i32 to index
            %swap3A_1292 = arith.index_cast %add3A_1283 : i32 to index
            %swap3A_1293 = arith.constant 0 : index
            %swap3A_1294 = tpu.vector_load %arg11[%swap3A_1291, %swap3A_1292, %swap3A_1293] {strides = array<i32>} : memref<2x128x128xf32, #tpu.memory_space<vmem>>, vector<16xf32>,
            tpu.vector_store %arg11[%swap3A_1291, %swap3A_1292, %swap3A_1293], %mul3A_1289 {strides = array<i32>} : memref<2x128x128xf32, #tpu.memory_space<vmem>>, vector<16xf32>,
            %get3A_1295 = arith.constant 0 : i32
            %get3A_1296 = arith.index_cast %get3A_1295 : i32 to index
            %get3A_1297 = arith.index_cast %add3A_1283 : i32 to index
            %get3A_1298 = arith.constant 16 : index
            %get3A_1299 = tpu.vector_load %arg11[%get3A_1296, %get3A_1297, %get3A_1298] {strides = array<i32>} : memref<2x128x128xf32, #tpu.memory_space<vmem>>, vector<16xf32>,
            %mul3A_1300 = arith.mulf %get3A_1299, %gather3A_1279 : vector<16xf32>
            %swap3A_1301 = arith.constant 0 : i32
            %swap3A_1302 = arith.index_cast %swap3A_1301 : i32 to index
            %swap3A_1303 = arith.index_cast %add3A_1283 : i32 to index
            %swap3A_1304 = arith.constant 16 : index
            %swap3A_1305 = tpu.vector_load %arg11[%swap3A_1302, %swap3A_1303, %swap3A_1304] {strides = array<i32>} : memref<2x128x128xf32, #tpu.memory_space<vmem>>, vector<16xf32>,
            tpu.vector_store %arg11[%swap3A_1302, %swap3A_1303, %swap3A_1304], %mul3A_1300 {strides = array<i32>} : memref<2x128x128xf32, #tpu.memory_space<vmem>>, vector<16xf32>,
            %get3A_1306 = arith.constant 0 : i32
            %get3A_1307 = arith.index_cast %get3A_1306 : i32 to index
            %get3A_1308 = arith.index_cast %add3A_1283 : i32 to index
            %get3A_1309 = arith.constant 32 : index
            %get3A_1310 = tpu.vector_load %arg11[%get3A_1307, %get3A_1308, %get3A_1309] {strides = array<i32>} : memref<2x128x128xf32, #tpu.memory_space<vmem>>, vector<16xf32>,
            %mul3A_1311 = arith.mulf %get3A_1310, %gather3A_1279 : vector<16xf32>
            %swap3A_1312 = arith.constant 0 : i32
            %swap3A_1313 = arith.index_cast %swap3A_1312 : i32 to index
            %swap3A_1314 = arith.index_cast %add3A_1283 : i32 to index
            %swap3A_1315 = arith.constant 32 : index
            %swap3A_1316 = tpu.vector_load %arg11[%swap3A_1313, %swap3A_1314, %swap3A_1315] {strides = array<i32>} : memref<2x128x128xf32, #tpu.memory_space<vmem>>, vector<16xf32>,
            tpu.vector_store %arg11[%swap3A_1313, %swap3A_1314, %swap3A_1315], %mul3A_1311 {strides = array<i32>} : memref<2x128x128xf32, #tpu.memory_space<vmem>>, vector<16xf32>,
            %get3A_1317 = arith.constant 0 : i32
            %get3A_1318 = arith.index_cast %get3A_1317 : i32 to index
            %get3A_1319 = arith.index_cast %add3A_1283 : i32 to index
            %get3A_1320 = arith.constant 48 : index
            %get3A_1321 = tpu.vector_load %arg11[%get3A_1318, %get3A_1319, %get3A_1320] {strides = array<i32>} : memref<2x128x128xf32, #tpu.memory_space<vmem>>, vector<16xf32>,
            %mul3A_1322 = arith.mulf %get3A_1321, %gather3A_1279 : vector<16xf32>
            %swap3A_1323 = arith.constant 0 : i32
            %swap3A_1324 = arith.index_cast %swap3A_1323 : i32 to index
            %swap3A_1325 = arith.index_cast %add3A_1283 : i32 to index
            %swap3A_1326 = arith.constant 48 : index
            %swap3A_1327 = tpu.vector_load %arg11[%swap3A_1324, %swap3A_1325, %swap3A_1326] {strides = array<i32>} : memref<2x128x128xf32, #tpu.memory_space<vmem>>, vector<16xf32>,
            tpu.vector_store %arg11[%swap3A_1324, %swap3A_1325, %swap3A_1326], %mul3A_1322 {strides = array<i32>} : memref<2x128x128xf32, #tpu.memory_space<vmem>>, vector<16xf32>,
            %get3A_1328 = arith.constant 0 : i32
            %get3A_1329 = arith.index_cast %get3A_1328 : i32 to index
            %get3A_1330 = arith.index_cast %add3A_1283 : i32 to index
            %get3A_1331 = arith.constant 64 : index
            %get3A_1332 = tpu.vector_load %arg11[%get3A_1329, %get3A_1330, %get3A_1331] {strides = array<i32>} : memref<2x128x128xf32, #tpu.memory_space<vmem>>, vector<16xf32>,
            %mul3A_1333 = arith.mulf %get3A_1332, %gather3A_1279 : vector<16xf32>
            %swap3A_1334 = arith.constant 0 : i32
            %swap3A_1335 = arith.index_cast %swap3A_1334 : i32 to index
            %swap3A_1336 = arith.index_cast %add3A_1283 : i32 to index
            %swap3A_1337 = arith.constant 64 : index
            %swap3A_1338 = tpu.vector_load %arg11[%swap3A_1335, %swap3A_1336, %swap3A_1337] {strides = array<i32>} : memref<2x128x128xf32, #tpu.memory_space<vmem>>, vector<16xf32>,
            tpu.vector_store %arg11[%swap3A_1335, %swap3A_1336, %swap3A_1337], %mul3A_1333 {strides = array<i32>} : memref<2x128x128xf32, #tpu.memory_space<vmem>>, vector<16xf32>,
            %get3A_1339 = arith.constant 0 : i32
            %get3A_1340 = arith.index_cast %get3A_1339 : i32 to index
            %get3A_1341 = arith.index_cast %add3A_1283 : i32 to index
            %get3A_1342 = arith.constant 80 : index
            %get3A_1343 = tpu.vector_load %arg11[%get3A_1340, %get3A_1341, %get3A_1342] {strides = array<i32>} : memref<2x128x128xf32, #tpu.memory_space<vmem>>, vector<16xf32>,
            %mul3A_1344 = arith.mulf %get3A_1343, %gather3A_1279 : vector<16xf32>
            %swap3A_1345 = arith.constant 0 : i32
            %swap3A_1346 = arith.index_cast %swap3A_1345 : i32 to index
            %swap3A_1347 = arith.index_cast %add3A_1283 : i32 to index
            %swap3A_1348 = arith.constant 80 : index
            %swap3A_1349 = tpu.vector_load %arg11[%swap3A_1346, %swap3A_1347, %swap3A_1348] {strides = array<i32>} : memref<2x128x128xf32, #tpu.memory_space<vmem>>, vector<16xf32>,
            tpu.vector_store %arg11[%swap3A_1346, %swap3A_1347, %swap3A_1348], %mul3A_1344 {strides = array<i32>} : memref<2x128x128xf32, #tpu.memory_space<vmem>>, vector<16xf32>,
            %get3A_1350 = arith.constant 0 : i32
            %get3A_1351 = arith.index_cast %get3A_1350 : i32 to index
            %get3A_1352 = arith.index_cast %add3A_1283 : i32 to index
            %get3A_1353 = arith.constant 96 : index
            %get3A_1354 = tpu.vector_load %arg11[%get3A_1351, %get3A_1352, %get3A_1353] {strides = array<i32>} : memref<2x128x128xf32, #tpu.memory_space<vmem>>, vector<16xf32>,
            %mul3A_1355 = arith.mulf %get3A_1354, %gather3A_1279 : vector<16xf32>
            %swap3A_1356 = arith.constant 0 : i32
            %swap3A_1357 = arith.index_cast %swap3A_1356 : i32 to index
            %swap3A_1358 = arith.index_cast %add3A_1283 : i32 to index
            %swap3A_1359 = arith.constant 96 : index
            %swap3A_1360 = tpu.vector_load %arg11[%swap3A_1357, %swap3A_1358, %swap3A_1359] {strides = array<i32>} : memref<2x128x128xf32, #tpu.memory_space<vmem>>, vector<16xf32>,
            tpu.vector_store %arg11[%swap3A_1357, %swap3A_1358, %swap3A_1359], %mul3A_1355 {strides = array<i32>} : memref<2x128x128xf32, #tpu.memory_space<vmem>>, vector<16xf32>,
            %get3A_1361 = arith.constant 0 : i32
            %get3A_1362 = arith.index_cast %get3A_1361 : i32 to index
            %get3A_1363 = arith.index_cast %add3A_1283 : i32 to index
            %get3A_1364 = arith.constant 112 : index
            %get3A_1365 = tpu.vector_load %arg11[%get3A_1362, %get3A_1363, %get3A_1364] {strides = array<i32>} : memref<2x128x128xf32, #tpu.memory_space<vmem>>, vector<16xf32>,
            %mul3A_1366 = arith.mulf %get3A_1365, %gather3A_1279 : vector<16xf32>
            %swap3A_1367 = arith.constant 0 : i32
            %swap3A_1368 = arith.index_cast %swap3A_1367 : i32 to index
            %swap3A_1369 = arith.index_cast %add3A_1283 : i32 to index
            %swap3A_1370 = arith.constant 112 : index
            %swap3A_1371 = tpu.vector_load %arg11[%swap3A_1368, %swap3A_1369, %swap3A_1370] {strides = array<i32>} : memref<2x128x128xf32, #tpu.memory_space<vmem>>, vector<16xf32>,
            tpu.vector_store %arg11[%swap3A_1368, %swap3A_1369, %swap3A_1370], %mul3A_1366 {strides = array<i32>} : memref<2x128x128xf32, #tpu.memory_space<vmem>>, vector<16xf32>,
            %broadcast_in_dim3A_1372 = arith.constant 11 : i32
            %broadcast_in_dim3A_1373 = vector.broadcast %broadcast_in_dim3A_1372 : i32 to vector<16x1xi32>
            %gather3A_1374 = vector.shape_cast %broadcast_in_dim3A_1373 : vector<16x1xi32> to vector<16xi32>
            %gather3A_1375 = tpu.dynamic_gather %get3A_317[%gather3A_1374] in [0] : vector<16xf32>, vector<16xi32> -> vector<16xf32>
            %mul3A_1376 = arith.constant 16 : i32
            %mul3A_1377 = arith.muli %scan3A_312, %mul3A_1376 : i32
            %add3A_1378 = arith.constant 11 : i32
            %add3A_1379 = arith.addi %mul3A_1377, %add3A_1378 : i32
            %get3A_1380 = arith.constant 0 : i32
            %get3A_1381 = arith.index_cast %get3A_1380 : i32 to index
            %get3A_1382 = arith.index_cast %add3A_1379 : i32 to index
            %get3A_1383 = arith.constant 0 : index
            %get3A_1384 = tpu.vector_load %arg11[%get3A_1381, %get3A_1382, %get3A_1383] {strides = array<i32>} : memref<2x128x128xf32, #tpu.memory_space<vmem>>, vector<16xf32>,
            %mul3A_1385 = arith.mulf %get3A_1384, %gather3A_1375 : vector<16xf32>
            %swap3A_1386 = arith.constant 0 : i32
            %swap3A_1387 = arith.index_cast %swap3A_1386 : i32 to index
            %swap3A_1388 = arith.index_cast %add3A_1379 : i32 to index
            %swap3A_1389 = arith.constant 0 : index
            %swap3A_1390 = tpu.vector_load %arg11[%swap3A_1387, %swap3A_1388, %swap3A_1389] {strides = array<i32>} : memref<2x128x128xf32, #tpu.memory_space<vmem>>, vector<16xf32>,
            tpu.vector_store %arg11[%swap3A_1387, %swap3A_1388, %swap3A_1389], %mul3A_1385 {strides = array<i32>} : memref<2x128x128xf32, #tpu.memory_space<vmem>>, vector<16xf32>,
            %get3A_1391 = arith.constant 0 : i32
            %get3A_1392 = arith.index_cast %get3A_1391 : i32 to index
            %get3A_1393 = arith.index_cast %add3A_1379 : i32 to index
            %get3A_1394 = arith.constant 16 : index
            %get3A_1395 = tpu.vector_load %arg11[%get3A_1392, %get3A_1393, %get3A_1394] {strides = array<i32>} : memref<2x128x128xf32, #tpu.memory_space<vmem>>, vector<16xf32>,
            %mul3A_1396 = arith.mulf %get3A_1395, %gather3A_1375 : vector<16xf32>
            %swap3A_1397 = arith.constant 0 : i32
            %swap3A_1398 = arith.index_cast %swap3A_1397 : i32 to index
            %swap3A_1399 = arith.index_cast %add3A_1379 : i32 to index
            %swap3A_1400 = arith.constant 16 : index
            %swap3A_1401 = tpu.vector_load %arg11[%swap3A_1398, %swap3A_1399, %swap3A_1400] {strides = array<i32>} : memref<2x128x128xf32, #tpu.memory_space<vmem>>, vector<16xf32>,
            tpu.vector_store %arg11[%swap3A_1398, %swap3A_1399, %swap3A_1400], %mul3A_1396 {strides = array<i32>} : memref<2x128x128xf32, #tpu.memory_space<vmem>>, vector<16xf32>,
            %get3A_1402 = arith.constant 0 : i32
            %get3A_1403 = arith.index_cast %get3A_1402 : i32 to index
            %get3A_1404 = arith.index_cast %add3A_1379 : i32 to index
            %get3A_1405 = arith.constant 32 : index
            %get3A_1406 = tpu.vector_load %arg11[%get3A_1403, %get3A_1404, %get3A_1405] {strides = array<i32>} : memref<2x128x128xf32, #tpu.memory_space<vmem>>, vector<16xf32>,
            %mul3A_1407 = arith.mulf %get3A_1406, %gather3A_1375 : vector<16xf32>
            %swap3A_1408 = arith.constant 0 : i32
            %swap3A_1409 = arith.index_cast %swap3A_1408 : i32 to index
            %swap3A_1410 = arith.index_cast %add3A_1379 : i32 to index
            %swap3A_1411 = arith.constant 32 : index
            %swap3A_1412 = tpu.vector_load %arg11[%swap3A_1409, %swap3A_1410, %swap3A_1411] {strides = array<i32>} : memref<2x128x128xf32, #tpu.memory_space<vmem>>, vector<16xf32>,
            tpu.vector_store %arg11[%swap3A_1409, %swap3A_1410, %swap3A_1411], %mul3A_1407 {strides = array<i32>} : memref<2x128x128xf32, #tpu.memory_space<vmem>>, vector<16xf32>,
            %get3A_1413 = arith.constant 0 : i32
            %get3A_1414 = arith.index_cast %get3A_1413 : i32 to index
            %get3A_1415 = arith.index_cast %add3A_1379 : i32 to index
            %get3A_1416 = arith.constant 48 : index
            %get3A_1417 = tpu.vector_load %arg11[%get3A_1414, %get3A_1415, %get3A_1416] {strides = array<i32>} : memref<2x128x128xf32, #tpu.memory_space<vmem>>, vector<16xf32>,
            %mul3A_1418 = arith.mulf %get3A_1417, %gather3A_1375 : vector<16xf32>
            %swap3A_1419 = arith.constant 0 : i32
            %swap3A_1420 = arith.index_cast %swap3A_1419 : i32 to index
            %swap3A_1421 = arith.index_cast %add3A_1379 : i32 to index
            %swap3A_1422 = arith.constant 48 : index
            %swap3A_1423 = tpu.vector_load %arg11[%swap3A_1420, %swap3A_1421, %swap3A_1422] {strides = array<i32>} : memref<2x128x128xf32, #tpu.memory_space<vmem>>, vector<16xf32>,
            tpu.vector_store %arg11[%swap3A_1420, %swap3A_1421, %swap3A_1422], %mul3A_1418 {strides = array<i32>} : memref<2x128x128xf32, #tpu.memory_space<vmem>>, vector<16xf32>,
            %get3A_1424 = arith.constant 0 : i32
            %get3A_1425 = arith.index_cast %get3A_1424 : i32 to index
            %get3A_1426 = arith.index_cast %add3A_1379 : i32 to index
            %get3A_1427 = arith.constant 64 : index
            %get3A_1428 = tpu.vector_load %arg11[%get3A_1425, %get3A_1426, %get3A_1427] {strides = array<i32>} : memref<2x128x128xf32, #tpu.memory_space<vmem>>, vector<16xf32>,
            %mul3A_1429 = arith.mulf %get3A_1428, %gather3A_1375 : vector<16xf32>
            %swap3A_1430 = arith.constant 0 : i32
            %swap3A_1431 = arith.index_cast %swap3A_1430 : i32 to index
            %swap3A_1432 = arith.index_cast %add3A_1379 : i32 to index
            %swap3A_1433 = arith.constant 64 : index
            %swap3A_1434 = tpu.vector_load %arg11[%swap3A_1431, %swap3A_1432, %swap3A_1433] {strides = array<i32>} : memref<2x128x128xf32, #tpu.memory_space<vmem>>, vector<16xf32>,
            tpu.vector_store %arg11[%swap3A_1431, %swap3A_1432, %swap3A_1433], %mul3A_1429 {strides = array<i32>} : memref<2x128x128xf32, #tpu.memory_space<vmem>>, vector<16xf32>,
            %get3A_1435 = arith.constant 0 : i32
            %get3A_1436 = arith.index_cast %get3A_1435 : i32 to index
            %get3A_1437 = arith.index_cast %add3A_1379 : i32 to index
            %get3A_1438 = arith.constant 80 : index
            %get3A_1439 = tpu.vector_load %arg11[%get3A_1436, %get3A_1437, %get3A_1438] {strides = array<i32>} : memref<2x128x128xf32, #tpu.memory_space<vmem>>, vector<16xf32>,
            %mul3A_1440 = arith.mulf %get3A_1439, %gather3A_1375 : vector<16xf32>
            %swap3A_1441 = arith.constant 0 : i32
            %swap3A_1442 = arith.index_cast %swap3A_1441 : i32 to index
            %swap3A_1443 = arith.index_cast %add3A_1379 : i32 to index
            %swap3A_1444 = arith.constant 80 : index
            %swap3A_1445 = tpu.vector_load %arg11[%swap3A_1442, %swap3A_1443, %swap3A_1444] {strides = array<i32>} : memref<2x128x128xf32, #tpu.memory_space<vmem>>, vector<16xf32>,
            tpu.vector_store %arg11[%swap3A_1442, %swap3A_1443, %swap3A_1444], %mul3A_1440 {strides = array<i32>} : memref<2x128x128xf32, #tpu.memory_space<vmem>>, vector<16xf32>,
            %get3A_1446 = arith.constant 0 : i32
            %get3A_1447 = arith.index_cast %get3A_1446 : i32 to index
            %get3A_1448 = arith.index_cast %add3A_1379 : i32 to index
            %get3A_1449 = arith.constant 96 : index
            %get3A_1450 = tpu.vector_load %arg11[%get3A_1447, %get3A_1448, %get3A_1449] {strides = array<i32>} : memref<2x128x128xf32, #tpu.memory_space<vmem>>, vector<16xf32>,
            %mul3A_1451 = arith.mulf %get3A_1450, %gather3A_1375 : vector<16xf32>
            %swap3A_1452 = arith.constant 0 : i32
            %swap3A_1453 = arith.index_cast %swap3A_1452 : i32 to index
            %swap3A_1454 = arith.index_cast %add3A_1379 : i32 to index
            %swap3A_1455 = arith.constant 96 : index
            %swap3A_1456 = tpu.vector_load %arg11[%swap3A_1453, %swap3A_1454, %swap3A_1455] {strides = array<i32>} : memref<2x128x128xf32, #tpu.memory_space<vmem>>, vector<16xf32>,
            tpu.vector_store %arg11[%swap3A_1453, %swap3A_1454, %swap3A_1455], %mul3A_1451 {strides = array<i32>} : memref<2x128x128xf32, #tpu.memory_space<vmem>>, vector<16xf32>,
            %get3A_1457 = arith.constant 0 : i32
            %get3A_1458 = arith.index_cast %get3A_1457 : i32 to index
            %get3A_1459 = arith.index_cast %add3A_1379 : i32 to index
            %get3A_1460 = arith.constant 112 : index
            %get3A_1461 = tpu.vector_load %arg11[%get3A_1458, %get3A_1459, %get3A_1460] {strides = array<i32>} : memref<2x128x128xf32, #tpu.memory_space<vmem>>, vector<16xf32>,
            %mul3A_1462 = arith.mulf %get3A_1461, %gather3A_1375 : vector<16xf32>
            %swap3A_1463 = arith.constant 0 : i32
            %swap3A_1464 = arith.index_cast %swap3A_1463 : i32 to index
            %swap3A_1465 = arith.index_cast %add3A_1379 : i32 to index
            %swap3A_1466 = arith.constant 112 : index
            %swap3A_1467 = tpu.vector_load %arg11[%swap3A_1464, %swap3A_1465, %swap3A_1466] {strides = array<i32>} : memref<2x128x128xf32, #tpu.memory_space<vmem>>, vector<16xf32>,
            tpu.vector_store %arg11[%swap3A_1464, %swap3A_1465, %swap3A_1466], %mul3A_1462 {strides = array<i32>} : memref<2x128x128xf32, #tpu.memory_space<vmem>>, vector<16xf32>,
            %broadcast_in_dim3A_1468 = arith.constant 12 : i32
            %broadcast_in_dim3A_1469 = vector.broadcast %broadcast_in_dim3A_1468 : i32 to vector<16x1xi32>
            %gather3A_1470 = vector.shape_cast %broadcast_in_dim3A_1469 : vector<16x1xi32> to vector<16xi32>
            %gather3A_1471 = tpu.dynamic_gather %get3A_317[%gather3A_1470] in [0] : vector<16xf32>, vector<16xi32> -> vector<16xf32>
            %mul3A_1472 = arith.constant 16 : i32
            %mul3A_1473 = arith.muli %scan3A_312, %mul3A_1472 : i32
            %add3A_1474 = arith.constant 12 : i32
            %add3A_1475 = arith.addi %mul3A_1473, %add3A_1474 : i32
            %get3A_1476 = arith.constant 0 : i32
            %get3A_1477 = arith.index_cast %get3A_1476 : i32 to index
            %get3A_1478 = arith.index_cast %add3A_1475 : i32 to index
            %get3A_1479 = arith.constant 0 : index
            %get3A_1480 = tpu.vector_load %arg11[%get3A_1477, %get3A_1478, %get3A_1479] {strides = array<i32>} : memref<2x128x128xf32, #tpu.memory_space<vmem>>, vector<16xf32>,
            %mul3A_1481 = arith.mulf %get3A_1480, %gather3A_1471 : vector<16xf32>
            %swap3A_1482 = arith.constant 0 : i32
            %swap3A_1483 = arith.index_cast %swap3A_1482 : i32 to index
            %swap3A_1484 = arith.index_cast %add3A_1475 : i32 to index
            %swap3A_1485 = arith.constant 0 : index
            %swap3A_1486 = tpu.vector_load %arg11[%swap3A_1483, %swap3A_1484, %swap3A_1485] {strides = array<i32>} : memref<2x128x128xf32, #tpu.memory_space<vmem>>, vector<16xf32>,
            tpu.vector_store %arg11[%swap3A_1483, %swap3A_1484, %swap3A_1485], %mul3A_1481 {strides = array<i32>} : memref<2x128x128xf32, #tpu.memory_space<vmem>>, vector<16xf32>,
            %get3A_1487 = arith.constant 0 : i32
            %get3A_1488 = arith.index_cast %get3A_1487 : i32 to index
            %get3A_1489 = arith.index_cast %add3A_1475 : i32 to index
            %get3A_1490 = arith.constant 16 : index
            %get3A_1491 = tpu.vector_load %arg11[%get3A_1488, %get3A_1489, %get3A_1490] {strides = array<i32>} : memref<2x128x128xf32, #tpu.memory_space<vmem>>, vector<16xf32>,
            %mul3A_1492 = arith.mulf %get3A_1491, %gather3A_1471 : vector<16xf32>
            %swap3A_1493 = arith.constant 0 : i32
            %swap3A_1494 = arith.index_cast %swap3A_1493 : i32 to index
            %swap3A_1495 = arith.index_cast %add3A_1475 : i32 to index
            %swap3A_1496 = arith.constant 16 : index
            %swap3A_1497 = tpu.vector_load %arg11[%swap3A_1494, %swap3A_1495, %swap3A_1496] {strides = array<i32>} : memref<2x128x128xf32, #tpu.memory_space<vmem>>, vector<16xf32>,
            tpu.vector_store %arg11[%swap3A_1494, %swap3A_1495, %swap3A_1496], %mul3A_1492 {strides = array<i32>} : memref<2x128x128xf32, #tpu.memory_space<vmem>>, vector<16xf32>,
            %get3A_1498 = arith.constant 0 : i32
            %get3A_1499 = arith.index_cast %get3A_1498 : i32 to index
            %get3A_1500 = arith.index_cast %add3A_1475 : i32 to index
            %get3A_1501 = arith.constant 32 : index
            %get3A_1502 = tpu.vector_load %arg11[%get3A_1499, %get3A_1500, %get3A_1501] {strides = array<i32>} : memref<2x128x128xf32, #tpu.memory_space<vmem>>, vector<16xf32>,
            %mul3A_1503 = arith.mulf %get3A_1502, %gather3A_1471 : vector<16xf32>
            %swap3A_1504 = arith.constant 0 : i32
            %swap3A_1505 = arith.index_cast %swap3A_1504 : i32 to index
            %swap3A_1506 = arith.index_cast %add3A_1475 : i32 to index
            %swap3A_1507 = arith.constant 32 : index
            %swap3A_1508 = tpu.vector_load %arg11[%swap3A_1505, %swap3A_1506, %swap3A_1507] {strides = array<i32>} : memref<2x128x128xf32, #tpu.memory_space<vmem>>, vector<16xf32>,
            tpu.vector_store %arg11[%swap3A_1505, %swap3A_1506, %swap3A_1507], %mul3A_1503 {strides = array<i32>} : memref<2x128x128xf32, #tpu.memory_space<vmem>>, vector<16xf32>,
            %get3A_1509 = arith.constant 0 : i32
            %get3A_1510 = arith.index_cast %get3A_1509 : i32 to index
            %get3A_1511 = arith.index_cast %add3A_1475 : i32 to index
            %get3A_1512 = arith.constant 48 : index
            %get3A_1513 = tpu.vector_load %arg11[%get3A_1510, %get3A_1511, %get3A_1512] {strides = array<i32>} : memref<2x128x128xf32, #tpu.memory_space<vmem>>, vector<16xf32>,
            %mul3A_1514 = arith.mulf %get3A_1513, %gather3A_1471 : vector<16xf32>
            %swap3A_1515 = arith.constant 0 : i32
            %swap3A_1516 = arith.index_cast %swap3A_1515 : i32 to index
            %swap3A_1517 = arith.index_cast %add3A_1475 : i32 to index
            %swap3A_1518 = arith.constant 48 : index
            %swap3A_1519 = tpu.vector_load %arg11[%swap3A_1516, %swap3A_1517, %swap3A_1518] {strides = array<i32>} : memref<2x128x128xf32, #tpu.memory_space<vmem>>, vector<16xf32>,
            tpu.vector_store %arg11[%swap3A_1516, %swap3A_1517, %swap3A_1518], %mul3A_1514 {strides = array<i32>} : memref<2x128x128xf32, #tpu.memory_space<vmem>>, vector<16xf32>,
            %get3A_1520 = arith.constant 0 : i32
            %get3A_1521 = arith.index_cast %get3A_1520 : i32 to index
            %get3A_1522 = arith.index_cast %add3A_1475 : i32 to index
            %get3A_1523 = arith.constant 64 : index
            %get3A_1524 = tpu.vector_load %arg11[%get3A_1521, %get3A_1522, %get3A_1523] {strides = array<i32>} : memref<2x128x128xf32, #tpu.memory_space<vmem>>, vector<16xf32>,
            %mul3A_1525 = arith.mulf %get3A_1524, %gather3A_1471 : vector<16xf32>
            %swap3A_1526 = arith.constant 0 : i32
            %swap3A_1527 = arith.index_cast %swap3A_1526 : i32 to index
            %swap3A_1528 = arith.index_cast %add3A_1475 : i32 to index
            %swap3A_1529 = arith.constant 64 : index
            %swap3A_1530 = tpu.vector_load %arg11[%swap3A_1527, %swap3A_1528, %swap3A_1529] {strides = array<i32>} : memref<2x128x128xf32, #tpu.memory_space<vmem>>, vector<16xf32>,
            tpu.vector_store %arg11[%swap3A_1527, %swap3A_1528, %swap3A_1529], %mul3A_1525 {strides = array<i32>} : memref<2x128x128xf32, #tpu.memory_space<vmem>>, vector<16xf32>,
            %get3A_1531 = arith.constant 0 : i32
            %get3A_1532 = arith.index_cast %get3A_1531 : i32 to index
            %get3A_1533 = arith.index_cast %add3A_1475 : i32 to index
            %get3A_1534 = arith.constant 80 : index
            %get3A_1535 = tpu.vector_load %arg11[%get3A_1532, %get3A_1533, %get3A_1534] {strides = array<i32>} : memref<2x128x128xf32, #tpu.memory_space<vmem>>, vector<16xf32>,
            %mul3A_1536 = arith.mulf %get3A_1535, %gather3A_1471 : vector<16xf32>
            %swap3A_1537 = arith.constant 0 : i32
            %swap3A_1538 = arith.index_cast %swap3A_1537 : i32 to index
            %swap3A_1539 = arith.index_cast %add3A_1475 : i32 to index
            %swap3A_1540 = arith.constant 80 : index
            %swap3A_1541 = tpu.vector_load %arg11[%swap3A_1538, %swap3A_1539, %swap3A_1540] {strides = array<i32>} : memref<2x128x128xf32, #tpu.memory_space<vmem>>, vector<16xf32>,
            tpu.vector_store %arg11[%swap3A_1538, %swap3A_1539, %swap3A_1540], %mul3A_1536 {strides = array<i32>} : memref<2x128x128xf32, #tpu.memory_space<vmem>>, vector<16xf32>,
            %get3A_1542 = arith.constant 0 : i32
            %get3A_1543 = arith.index_cast %get3A_1542 : i32 to index
            %get3A_1544 = arith.index_cast %add3A_1475 : i32 to index
            %get3A_1545 = arith.constant 96 : index
            %get3A_1546 = tpu.vector_load %arg11[%get3A_1543, %get3A_1544, %get3A_1545] {strides = array<i32>} : memref<2x128x128xf32, #tpu.memory_space<vmem>>, vector<16xf32>,
            %mul3A_1547 = arith.mulf %get3A_1546, %gather3A_1471 : vector<16xf32>
            %swap3A_1548 = arith.constant 0 : i32
            %swap3A_1549 = arith.index_cast %swap3A_1548 : i32 to index
            %swap3A_1550 = arith.index_cast %add3A_1475 : i32 to index
            %swap3A_1551 = arith.constant 96 : index
            %swap3A_1552 = tpu.vector_load %arg11[%swap3A_1549, %swap3A_1550, %swap3A_1551] {strides = array<i32>} : memref<2x128x128xf32, #tpu.memory_space<vmem>>, vector<16xf32>,
            tpu.vector_store %arg11[%swap3A_1549, %swap3A_1550, %swap3A_1551], %mul3A_1547 {strides = array<i32>} : memref<2x128x128xf32, #tpu.memory_space<vmem>>, vector<16xf32>,
            %get3A_1553 = arith.constant 0 : i32
            %get3A_1554 = arith.index_cast %get3A_1553 : i32 to index
            %get3A_1555 = arith.index_cast %add3A_1475 : i32 to index
            %get3A_1556 = arith.constant 112 : index
            %get3A_1557 = tpu.vector_load %arg11[%get3A_1554, %get3A_1555, %get3A_1556] {strides = array<i32>} : memref<2x128x128xf32, #tpu.memory_space<vmem>>, vector<16xf32>,
            %mul3A_1558 = arith.mulf %get3A_1557, %gather3A_1471 : vector<16xf32>
            %swap3A_1559 = arith.constant 0 : i32
            %swap3A_1560 = arith.index_cast %swap3A_1559 : i32 to index
            %swap3A_1561 = arith.index_cast %add3A_1475 : i32 to index
            %swap3A_1562 = arith.constant 112 : index
            %swap3A_1563 = tpu.vector_load %arg11[%swap3A_1560, %swap3A_1561, %swap3A_1562] {strides = array<i32>} : memref<2x128x128xf32, #tpu.memory_space<vmem>>, vector<16xf32>,
            tpu.vector_store %arg11[%swap3A_1560, %swap3A_1561, %swap3A_1562], %mul3A_1558 {strides = array<i32>} : memref<2x128x128xf32, #tpu.memory_space<vmem>>, vector<16xf32>,
            %broadcast_in_dim3A_1564 = arith.constant 13 : i32
            %broadcast_in_dim3A_1565 = vector.broadcast %broadcast_in_dim3A_1564 : i32 to vector<16x1xi32>
            %gather3A_1566 = vector.shape_cast %broadcast_in_dim3A_1565 : vector<16x1xi32> to vector<16xi32>
            %gather3A_1567 = tpu.dynamic_gather %get3A_317[%gather3A_1566] in [0] : vector<16xf32>, vector<16xi32> -> vector<16xf32>
            %mul3A_1568 = arith.constant 16 : i32
            %mul3A_1569 = arith.muli %scan3A_312, %mul3A_1568 : i32
            %add3A_1570 = arith.constant 13 : i32
            %add3A_1571 = arith.addi %mul3A_1569, %add3A_1570 : i32
            %get3A_1572 = arith.constant 0 : i32
            %get3A_1573 = arith.index_cast %get3A_1572 : i32 to index
            %get3A_1574 = arith.index_cast %add3A_1571 : i32 to index
            %get3A_1575 = arith.constant 0 : index
            %get3A_1576 = tpu.vector_load %arg11[%get3A_1573, %get3A_1574, %get3A_1575] {strides = array<i32>} : memref<2x128x128xf32, #tpu.memory_space<vmem>>, vector<16xf32>,
            %mul3A_1577 = arith.mulf %get3A_1576, %gather3A_1567 : vector<16xf32>
            %swap3A_1578 = arith.constant 0 : i32
            %swap3A_1579 = arith.index_cast %swap3A_1578 : i32 to index
            %swap3A_1580 = arith.index_cast %add3A_1571 : i32 to index
            %swap3A_1581 = arith.constant 0 : index
            %swap3A_1582 = tpu.vector_load %arg11[%swap3A_1579, %swap3A_1580, %swap3A_1581] {strides = array<i32>} : memref<2x128x128xf32, #tpu.memory_space<vmem>>, vector<16xf32>,
            tpu.vector_store %arg11[%swap3A_1579, %swap3A_1580, %swap3A_1581], %mul3A_1577 {strides = array<i32>} : memref<2x128x128xf32, #tpu.memory_space<vmem>>, vector<16xf32>,
            %get3A_1583 = arith.constant 0 : i32
            %get3A_1584 = arith.index_cast %get3A_1583 : i32 to index
            %get3A_1585 = arith.index_cast %add3A_1571 : i32 to index
            %get3A_1586 = arith.constant 16 : index
            %get3A_1587 = tpu.vector_load %arg11[%get3A_1584, %get3A_1585, %get3A_1586] {strides = array<i32>} : memref<2x128x128xf32, #tpu.memory_space<vmem>>, vector<16xf32>,
            %mul3A_1588 = arith.mulf %get3A_1587, %gather3A_1567 : vector<16xf32>
            %swap3A_1589 = arith.constant 0 : i32
            %swap3A_1590 = arith.index_cast %swap3A_1589 : i32 to index
            %swap3A_1591 = arith.index_cast %add3A_1571 : i32 to index
            %swap3A_1592 = arith.constant 16 : index
            %swap3A_1593 = tpu.vector_load %arg11[%swap3A_1590, %swap3A_1591, %swap3A_1592] {strides = array<i32>} : memref<2x128x128xf32, #tpu.memory_space<vmem>>, vector<16xf32>,
            tpu.vector_store %arg11[%swap3A_1590, %swap3A_1591, %swap3A_1592], %mul3A_1588 {strides = array<i32>} : memref<2x128x128xf32, #tpu.memory_space<vmem>>, vector<16xf32>,
            %get3A_1594 = arith.constant 0 : i32
            %get3A_1595 = arith.index_cast %get3A_1594 : i32 to index
            %get3A_1596 = arith.index_cast %add3A_1571 : i32 to index
            %get3A_1597 = arith.constant 32 : index
            %get3A_1598 = tpu.vector_load %arg11[%get3A_1595, %get3A_1596, %get3A_1597] {strides = array<i32>} : memref<2x128x128xf32, #tpu.memory_space<vmem>>, vector<16xf32>,
            %mul3A_1599 = arith.mulf %get3A_1598, %gather3A_1567 : vector<16xf32>
            %swap3A_1600 = arith.constant 0 : i32
            %swap3A_1601 = arith.index_cast %swap3A_1600 : i32 to index
            %swap3A_1602 = arith.index_cast %add3A_1571 : i32 to index
            %swap3A_1603 = arith.constant 32 : index
            %swap3A_1604 = tpu.vector_load %arg11[%swap3A_1601, %swap3A_1602, %swap3A_1603] {strides = array<i32>} : memref<2x128x128xf32, #tpu.memory_space<vmem>>, vector<16xf32>,
            tpu.vector_store %arg11[%swap3A_1601, %swap3A_1602, %swap3A_1603], %mul3A_1599 {strides = array<i32>} : memref<2x128x128xf32, #tpu.memory_space<vmem>>, vector<16xf32>,
            %get3A_1605 = arith.constant 0 : i32
            %get3A_1606 = arith.index_cast %get3A_1605 : i32 to index
            %get3A_1607 = arith.index_cast %add3A_1571 : i32 to index
            %get3A_1608 = arith.constant 48 : index
            %get3A_1609 = tpu.vector_load %arg11[%get3A_1606, %get3A_1607, %get3A_1608] {strides = array<i32>} : memref<2x128x128xf32, #tpu.memory_space<vmem>>, vector<16xf32>,
            %mul3A_1610 = arith.mulf %get3A_1609, %gather3A_1567 : vector<16xf32>
            %swap3A_1611 = arith.constant 0 : i32
            %swap3A_1612 = arith.index_cast %swap3A_1611 : i32 to index
            %swap3A_1613 = arith.index_cast %add3A_1571 : i32 to index
            %swap3A_1614 = arith.constant 48 : index
            %swap3A_1615 = tpu.vector_load %arg11[%swap3A_1612, %swap3A_1613, %swap3A_1614] {strides = array<i32>} : memref<2x128x128xf32, #tpu.memory_space<vmem>>, vector<16xf32>,
            tpu.vector_store %arg11[%swap3A_1612, %swap3A_1613, %swap3A_1614], %mul3A_1610 {strides = array<i32>} : memref<2x128x128xf32, #tpu.memory_space<vmem>>, vector<16xf32>,
            %get3A_1616 = arith.constant 0 : i32
            %get3A_1617 = arith.index_cast %get3A_1616 : i32 to index
            %get3A_1618 = arith.index_cast %add3A_1571 : i32 to index
            %get3A_1619 = arith.constant 64 : index
            %get3A_1620 = tpu.vector_load %arg11[%get3A_1617, %get3A_1618, %get3A_1619] {strides = array<i32>} : memref<2x128x128xf32, #tpu.memory_space<vmem>>, vector<16xf32>,
            %mul3A_1621 = arith.mulf %get3A_1620, %gather3A_1567 : vector<16xf32>
            %swap3A_1622 = arith.constant 0 : i32
            %swap3A_1623 = arith.index_cast %swap3A_1622 : i32 to index
            %swap3A_1624 = arith.index_cast %add3A_1571 : i32 to index
            %swap3A_1625 = arith.constant 64 : index
            %swap3A_1626 = tpu.vector_load %arg11[%swap3A_1623, %swap3A_1624, %swap3A_1625] {strides = array<i32>} : memref<2x128x128xf32, #tpu.memory_space<vmem>>, vector<16xf32>,
            tpu.vector_store %arg11[%swap3A_1623, %swap3A_1624, %swap3A_1625], %mul3A_1621 {strides = array<i32>} : memref<2x128x128xf32, #tpu.memory_space<vmem>>, vector<16xf32>,
            %get3A_1627 = arith.constant 0 : i32
            %get3A_1628 = arith.index_cast %get3A_1627 : i32 to index
            %get3A_1629 = arith.index_cast %add3A_1571 : i32 to index
            %get3A_1630 = arith.constant 80 : index
            %get3A_1631 = tpu.vector_load %arg11[%get3A_1628, %get3A_1629, %get3A_1630] {strides = array<i32>} : memref<2x128x128xf32, #tpu.memory_space<vmem>>, vector<16xf32>,
            %mul3A_1632 = arith.mulf %get3A_1631, %gather3A_1567 : vector<16xf32>
            %swap3A_1633 = arith.constant 0 : i32
            %swap3A_1634 = arith.index_cast %swap3A_1633 : i32 to index
            %swap3A_1635 = arith.index_cast %add3A_1571 : i32 to index
            %swap3A_1636 = arith.constant 80 : index
            %swap3A_1637 = tpu.vector_load %arg11[%swap3A_1634, %swap3A_1635, %swap3A_1636] {strides = array<i32>} : memref<2x128x128xf32, #tpu.memory_space<vmem>>, vector<16xf32>,
            tpu.vector_store %arg11[%swap3A_1634, %swap3A_1635, %swap3A_1636], %mul3A_1632 {strides = array<i32>} : memref<2x128x128xf32, #tpu.memory_space<vmem>>, vector<16xf32>,
            %get3A_1638 = arith.constant 0 : i32
            %get3A_1639 = arith.index_cast %get3A_1638 : i32 to index
            %get3A_1640 = arith.index_cast %add3A_1571 : i32 to index
            %get3A_1641 = arith.constant 96 : index
            %get3A_1642 = tpu.vector_load %arg11[%get3A_1639, %get3A_1640, %get3A_1641] {strides = array<i32>} : memref<2x128x128xf32, #tpu.memory_space<vmem>>, vector<16xf32>,
            %mul3A_1643 = arith.mulf %get3A_1642, %gather3A_1567 : vector<16xf32>
            %swap3A_1644 = arith.constant 0 : i32
            %swap3A_1645 = arith.index_cast %swap3A_1644 : i32 to index
            %swap3A_1646 = arith.index_cast %add3A_1571 : i32 to index
            %swap3A_1647 = arith.constant 96 : index
            %swap3A_1648 = tpu.vector_load %arg11[%swap3A_1645, %swap3A_1646, %swap3A_1647] {strides = array<i32>} : memref<2x128x128xf32, #tpu.memory_space<vmem>>, vector<16xf32>,
            tpu.vector_store %arg11[%swap3A_1645, %swap3A_1646, %swap3A_1647], %mul3A_1643 {strides = array<i32>} : memref<2x128x128xf32, #tpu.memory_space<vmem>>, vector<16xf32>,
            %get3A_1649 = arith.constant 0 : i32
            %get3A_1650 = arith.index_cast %get3A_1649 : i32 to index
            %get3A_1651 = arith.index_cast %add3A_1571 : i32 to index
            %get3A_1652 = arith.constant 112 : index
            %get3A_1653 = tpu.vector_load %arg11[%get3A_1650, %get3A_1651, %get3A_1652] {strides = array<i32>} : memref<2x128x128xf32, #tpu.memory_space<vmem>>, vector<16xf32>,
            %mul3A_1654 = arith.mulf %get3A_1653, %gather3A_1567 : vector<16xf32>
            %swap3A_1655 = arith.constant 0 : i32
            %swap3A_1656 = arith.index_cast %swap3A_1655 : i32 to index
            %swap3A_1657 = arith.index_cast %add3A_1571 : i32 to index
            %swap3A_1658 = arith.constant 112 : index
            %swap3A_1659 = tpu.vector_load %arg11[%swap3A_1656, %swap3A_1657, %swap3A_1658] {strides = array<i32>} : memref<2x128x128xf32, #tpu.memory_space<vmem>>, vector<16xf32>,
            tpu.vector_store %arg11[%swap3A_1656, %swap3A_1657, %swap3A_1658], %mul3A_1654 {strides = array<i32>} : memref<2x128x128xf32, #tpu.memory_space<vmem>>, vector<16xf32>,
            %broadcast_in_dim3A_1660 = arith.constant 14 : i32
            %broadcast_in_dim3A_1661 = vector.broadcast %broadcast_in_dim3A_1660 : i32 to vector<16x1xi32>
            %gather3A_1662 = vector.shape_cast %broadcast_in_dim3A_1661 : vector<16x1xi32> to vector<16xi32>
            %gather3A_1663 = tpu.dynamic_gather %get3A_317[%gather3A_1662] in [0] : vector<16xf32>, vector<16xi32> -> vector<16xf32>
            %mul3A_1664 = arith.constant 16 : i32
            %mul3A_1665 = arith.muli %scan3A_312, %mul3A_1664 : i32
            %add3A_1666 = arith.constant 14 : i32
            %add3A_1667 = arith.addi %mul3A_1665, %add3A_1666 : i32
            %get3A_1668 = arith.constant 0 : i32
            %get3A_1669 = arith.index_cast %get3A_1668 : i32 to index
            %get3A_1670 = arith.index_cast %add3A_1667 : i32 to index
            %get3A_1671 = arith.constant 0 : index
            %get3A_1672 = tpu.vector_load %arg11[%get3A_1669, %get3A_1670, %get3A_1671] {strides = array<i32>} : memref<2x128x128xf32, #tpu.memory_space<vmem>>, vector<16xf32>,
            %mul3A_1673 = arith.mulf %get3A_1672, %gather3A_1663 : vector<16xf32>
            %swap3A_1674 = arith.constant 0 : i32
            %swap3A_1675 = arith.index_cast %swap3A_1674 : i32 to index
            %swap3A_1676 = arith.index_cast %add3A_1667 : i32 to index
            %swap3A_1677 = arith.constant 0 : index
            %swap3A_1678 = tpu.vector_load %arg11[%swap3A_1675, %swap3A_1676, %swap3A_1677] {strides = array<i32>} : memref<2x128x128xf32, #tpu.memory_space<vmem>>, vector<16xf32>,
            tpu.vector_store %arg11[%swap3A_1675, %swap3A_1676, %swap3A_1677], %mul3A_1673 {strides = array<i32>} : memref<2x128x128xf32, #tpu.memory_space<vmem>>, vector<16xf32>,
            %get3A_1679 = arith.constant 0 : i32
            %get3A_1680 = arith.index_cast %get3A_1679 : i32 to index
            %get3A_1681 = arith.index_cast %add3A_1667 : i32 to index
            %get3A_1682 = arith.constant 16 : index
            %get3A_1683 = tpu.vector_load %arg11[%get3A_1680, %get3A_1681, %get3A_1682] {strides = array<i32>} : memref<2x128x128xf32, #tpu.memory_space<vmem>>, vector<16xf32>,
            %mul3A_1684 = arith.mulf %get3A_1683, %gather3A_1663 : vector<16xf32>
            %swap3A_1685 = arith.constant 0 : i32
            %swap3A_1686 = arith.index_cast %swap3A_1685 : i32 to index
            %swap3A_1687 = arith.index_cast %add3A_1667 : i32 to index
            %swap3A_1688 = arith.constant 16 : index
            %swap3A_1689 = tpu.vector_load %arg11[%swap3A_1686, %swap3A_1687, %swap3A_1688] {strides = array<i32>} : memref<2x128x128xf32, #tpu.memory_space<vmem>>, vector<16xf32>,
            tpu.vector_store %arg11[%swap3A_1686, %swap3A_1687, %swap3A_1688], %mul3A_1684 {strides = array<i32>} : memref<2x128x128xf32, #tpu.memory_space<vmem>>, vector<16xf32>,
            %get3A_1690 = arith.constant 0 : i32
            %get3A_1691 = arith.index_cast %get3A_1690 : i32 to index
            %get3A_1692 = arith.index_cast %add3A_1667 : i32 to index
            %get3A_1693 = arith.constant 32 : index
            %get3A_1694 = tpu.vector_load %arg11[%get3A_1691, %get3A_1692, %get3A_1693] {strides = array<i32>} : memref<2x128x128xf32, #tpu.memory_space<vmem>>, vector<16xf32>,
            %mul3A_1695 = arith.mulf %get3A_1694, %gather3A_1663 : vector<16xf32>
            %swap3A_1696 = arith.constant 0 : i32
            %swap3A_1697 = arith.index_cast %swap3A_1696 : i32 to index
            %swap3A_1698 = arith.index_cast %add3A_1667 : i32 to index
            %swap3A_1699 = arith.constant 32 : index
            %swap3A_1700 = tpu.vector_load %arg11[%swap3A_1697, %swap3A_1698, %swap3A_1699] {strides = array<i32>} : memref<2x128x128xf32, #tpu.memory_space<vmem>>, vector<16xf32>,
            tpu.vector_store %arg11[%swap3A_1697, %swap3A_1698, %swap3A_1699], %mul3A_1695 {strides = array<i32>} : memref<2x128x128xf32, #tpu.memory_space<vmem>>, vector<16xf32>,
            %get3A_1701 = arith.constant 0 : i32
            %get3A_1702 = arith.index_cast %get3A_1701 : i32 to index
            %get3A_1703 = arith.index_cast %add3A_1667 : i32 to index
            %get3A_1704 = arith.constant 48 : index
            %get3A_1705 = tpu.vector_load %arg11[%get3A_1702, %get3A_1703, %get3A_1704] {strides = array<i32>} : memref<2x128x128xf32, #tpu.memory_space<vmem>>, vector<16xf32>,
            %mul3A_1706 = arith.mulf %get3A_1705, %gather3A_1663 : vector<16xf32>
            %swap3A_1707 = arith.constant 0 : i32
            %swap3A_1708 = arith.index_cast %swap3A_1707 : i32 to index
            %swap3A_1709 = arith.index_cast %add3A_1667 : i32 to index
            %swap3A_1710 = arith.constant 48 : index
            %swap3A_1711 = tpu.vector_load %arg11[%swap3A_1708, %swap3A_1709, %swap3A_1710] {strides = array<i32>} : memref<2x128x128xf32, #tpu.memory_space<vmem>>, vector<16xf32>,
            tpu.vector_store %arg11[%swap3A_1708, %swap3A_1709, %swap3A_1710], %mul3A_1706 {strides = array<i32>} : memref<2x128x128xf32, #tpu.memory_space<vmem>>, vector<16xf32>,
            %get3A_1712 = arith.constant 0 : i32
            %get3A_1713 = arith.index_cast %get3A_1712 : i32 to index
            %get3A_1714 = arith.index_cast %add3A_1667 : i32 to index
            %get3A_1715 = arith.constant 64 : index
            %get3A_1716 = tpu.vector_load %arg11[%get3A_1713, %get3A_1714, %get3A_1715] {strides = array<i32>} : memref<2x128x128xf32, #tpu.memory_space<vmem>>, vector<16xf32>,
            %mul3A_1717 = arith.mulf %get3A_1716, %gather3A_1663 : vector<16xf32>
            %swap3A_1718 = arith.constant 0 : i32
            %swap3A_1719 = arith.index_cast %swap3A_1718 : i32 to index
            %swap3A_1720 = arith.index_cast %add3A_1667 : i32 to index
            %swap3A_1721 = arith.constant 64 : index
            %swap3A_1722 = tpu.vector_load %arg11[%swap3A_1719, %swap3A_1720, %swap3A_1721] {strides = array<i32>} : memref<2x128x128xf32, #tpu.memory_space<vmem>>, vector<16xf32>,
            tpu.vector_store %arg11[%swap3A_1719, %swap3A_1720, %swap3A_1721], %mul3A_1717 {strides = array<i32>} : memref<2x128x128xf32, #tpu.memory_space<vmem>>, vector<16xf32>,
            %get3A_1723 = arith.constant 0 : i32
            %get3A_1724 = arith.index_cast %get3A_1723 : i32 to index
            %get3A_1725 = arith.index_cast %add3A_1667 : i32 to index
            %get3A_1726 = arith.constant 80 : index
            %get3A_1727 = tpu.vector_load %arg11[%get3A_1724, %get3A_1725, %get3A_1726] {strides = array<i32>} : memref<2x128x128xf32, #tpu.memory_space<vmem>>, vector<16xf32>,
            %mul3A_1728 = arith.mulf %get3A_1727, %gather3A_1663 : vector<16xf32>
            %swap3A_1729 = arith.constant 0 : i32
            %swap3A_1730 = arith.index_cast %swap3A_1729 : i32 to index
            %swap3A_1731 = arith.index_cast %add3A_1667 : i32 to index
            %swap3A_1732 = arith.constant 80 : index
            %swap3A_1733 = tpu.vector_load %arg11[%swap3A_1730, %swap3A_1731, %swap3A_1732] {strides = array<i32>} : memref<2x128x128xf32, #tpu.memory_space<vmem>>, vector<16xf32>,
            tpu.vector_store %arg11[%swap3A_1730, %swap3A_1731, %swap3A_1732], %mul3A_1728 {strides = array<i32>} : memref<2x128x128xf32, #tpu.memory_space<vmem>>, vector<16xf32>,
            %get3A_1734 = arith.constant 0 : i32
            %get3A_1735 = arith.index_cast %get3A_1734 : i32 to index
            %get3A_1736 = arith.index_cast %add3A_1667 : i32 to index
            %get3A_1737 = arith.constant 96 : index
            %get3A_1738 = tpu.vector_load %arg11[%get3A_1735, %get3A_1736, %get3A_1737] {strides = array<i32>} : memref<2x128x128xf32, #tpu.memory_space<vmem>>, vector<16xf32>,
            %mul3A_1739 = arith.mulf %get3A_1738, %gather3A_1663 : vector<16xf32>
            %swap3A_1740 = arith.constant 0 : i32
            %swap3A_1741 = arith.index_cast %swap3A_1740 : i32 to index
            %swap3A_1742 = arith.index_cast %add3A_1667 : i32 to index
            %swap3A_1743 = arith.constant 96 : index
            %swap3A_1744 = tpu.vector_load %arg11[%swap3A_1741, %swap3A_1742, %swap3A_1743] {strides = array<i32>} : memref<2x128x128xf32, #tpu.memory_space<vmem>>, vector<16xf32>,
            tpu.vector_store %arg11[%swap3A_1741, %swap3A_1742, %swap3A_1743], %mul3A_1739 {strides = array<i32>} : memref<2x128x128xf32, #tpu.memory_space<vmem>>, vector<16xf32>,
            %get3A_1745 = arith.constant 0 : i32
            %get3A_1746 = arith.index_cast %get3A_1745 : i32 to index
            %get3A_1747 = arith.index_cast %add3A_1667 : i32 to index
            %get3A_1748 = arith.constant 112 : index
            %get3A_1749 = tpu.vector_load %arg11[%get3A_1746, %get3A_1747, %get3A_1748] {strides = array<i32>} : memref<2x128x128xf32, #tpu.memory_space<vmem>>, vector<16xf32>,
            %mul3A_1750 = arith.mulf %get3A_1749, %gather3A_1663 : vector<16xf32>
            %swap3A_1751 = arith.constant 0 : i32
            %swap3A_1752 = arith.index_cast %swap3A_1751 : i32 to index
            %swap3A_1753 = arith.index_cast %add3A_1667 : i32 to index
            %swap3A_1754 = arith.constant 112 : index
            %swap3A_1755 = tpu.vector_load %arg11[%swap3A_1752, %swap3A_1753, %swap3A_1754] {strides = array<i32>} : memref<2x128x128xf32, #tpu.memory_space<vmem>>, vector<16xf32>,
            tpu.vector_store %arg11[%swap3A_1752, %swap3A_1753, %swap3A_1754], %mul3A_1750 {strides = array<i32>} : memref<2x128x128xf32, #tpu.memory_space<vmem>>, vector<16xf32>,
            %broadcast_in_dim3A_1756 = arith.constant 15 : i32
            %broadcast_in_dim3A_1757 = vector.broadcast %broadcast_in_dim3A_1756 : i32 to vector<16x1xi32>
            %gather3A_1758 = vector.shape_cast %broadcast_in_dim3A_1757 : vector<16x1xi32> to vector<16xi32>
            %gather3A_1759 = tpu.dynamic_gather %get3A_317[%gather3A_1758] in [0] : vector<16xf32>, vector<16xi32> -> vector<16xf32>
            %mul3A_1760 = arith.constant 16 : i32
            %mul3A_1761 = arith.muli %scan3A_312, %mul3A_1760 : i32
            %add3A_1762 = arith.constant 15 : i32
            %add3A_1763 = arith.addi %mul3A_1761, %add3A_1762 : i32
            %get3A_1764 = arith.constant 0 : i32
            %get3A_1765 = arith.index_cast %get3A_1764 : i32 to index
            %get3A_1766 = arith.index_cast %add3A_1763 : i32 to index
            %get3A_1767 = arith.constant 0 : index
            %get3A_1768 = tpu.vector_load %arg11[%get3A_1765, %get3A_1766, %get3A_1767] {strides = array<i32>} : memref<2x128x128xf32, #tpu.memory_space<vmem>>, vector<16xf32>,
            %mul3A_1769 = arith.mulf %get3A_1768, %gather3A_1759 : vector<16xf32>
            %swap3A_1770 = arith.constant 0 : i32
            %swap3A_1771 = arith.index_cast %swap3A_1770 : i32 to index
            %swap3A_1772 = arith.index_cast %add3A_1763 : i32 to index
            %swap3A_1773 = arith.constant 0 : index
            %swap3A_1774 = tpu.vector_load %arg11[%swap3A_1771, %swap3A_1772, %swap3A_1773] {strides = array<i32>} : memref<2x128x128xf32, #tpu.memory_space<vmem>>, vector<16xf32>,
            tpu.vector_store %arg11[%swap3A_1771, %swap3A_1772, %swap3A_1773], %mul3A_1769 {strides = array<i32>} : memref<2x128x128xf32, #tpu.memory_space<vmem>>, vector<16xf32>,
            %get3A_1775 = arith.constant 0 : i32
            %get3A_1776 = arith.index_cast %get3A_1775 : i32 to index
            %get3A_1777 = arith.index_cast %add3A_1763 : i32 to index
            %get3A_1778 = arith.constant 16 : index
            %get3A_1779 = tpu.vector_load %arg11[%get3A_1776, %get3A_1777, %get3A_1778] {strides = array<i32>} : memref<2x128x128xf32, #tpu.memory_space<vmem>>, vector<16xf32>,
            %mul3A_1780 = arith.mulf %get3A_1779, %gather3A_1759 : vector<16xf32>
            %swap3A_1781 = arith.constant 0 : i32
            %swap3A_1782 = arith.index_cast %swap3A_1781 : i32 to index
            %swap3A_1783 = arith.index_cast %add3A_1763 : i32 to index
            %swap3A_1784 = arith.constant 16 : index
            %swap3A_1785 = tpu.vector_load %arg11[%swap3A_1782, %swap3A_1783, %swap3A_1784] {strides = array<i32>} : memref<2x128x128xf32, #tpu.memory_space<vmem>>, vector<16xf32>,
            tpu.vector_store %arg11[%swap3A_1782, %swap3A_1783, %swap3A_1784], %mul3A_1780 {strides = array<i32>} : memref<2x128x128xf32, #tpu.memory_space<vmem>>, vector<16xf32>,
            %get3A_1786 = arith.constant 0 : i32
            %get3A_1787 = arith.index_cast %get3A_1786 : i32 to index
            %get3A_1788 = arith.index_cast %add3A_1763 : i32 to index
            %get3A_1789 = arith.constant 32 : index
            %get3A_1790 = tpu.vector_load %arg11[%get3A_1787, %get3A_1788, %get3A_1789] {strides = array<i32>} : memref<2x128x128xf32, #tpu.memory_space<vmem>>, vector<16xf32>,
            %mul3A_1791 = arith.mulf %get3A_1790, %gather3A_1759 : vector<16xf32>
            %swap3A_1792 = arith.constant 0 : i32
            %swap3A_1793 = arith.index_cast %swap3A_1792 : i32 to index
            %swap3A_1794 = arith.index_cast %add3A_1763 : i32 to index
            %swap3A_1795 = arith.constant 32 : index
            %swap3A_1796 = tpu.vector_load %arg11[%swap3A_1793, %swap3A_1794, %swap3A_1795] {strides = array<i32>} : memref<2x128x128xf32, #tpu.memory_space<vmem>>, vector<16xf32>,
            tpu.vector_store %arg11[%swap3A_1793, %swap3A_1794, %swap3A_1795], %mul3A_1791 {strides = array<i32>} : memref<2x128x128xf32, #tpu.memory_space<vmem>>, vector<16xf32>,
            %get3A_1797 = arith.constant 0 : i32
            %get3A_1798 = arith.index_cast %get3A_1797 : i32 to index
            %get3A_1799 = arith.index_cast %add3A_1763 : i32 to index
            %get3A_1800 = arith.constant 48 : index
            %get3A_1801 = tpu.vector_load %arg11[%get3A_1798, %get3A_1799, %get3A_1800] {strides = array<i32>} : memref<2x128x128xf32, #tpu.memory_space<vmem>>, vector<16xf32>,
            %mul3A_1802 = arith.mulf %get3A_1801, %gather3A_1759 : vector<16xf32>
            %swap3A_1803 = arith.constant 0 : i32
            %swap3A_1804 = arith.index_cast %swap3A_1803 : i32 to index
            %swap3A_1805 = arith.index_cast %add3A_1763 : i32 to index
            %swap3A_1806 = arith.constant 48 : index
            %swap3A_1807 = tpu.vector_load %arg11[%swap3A_1804, %swap3A_1805, %swap3A_1806] {strides = array<i32>} : memref<2x128x128xf32, #tpu.memory_space<vmem>>, vector<16xf32>,
            tpu.vector_store %arg11[%swap3A_1804, %swap3A_1805, %swap3A_1806], %mul3A_1802 {strides = array<i32>} : memref<2x128x128xf32, #tpu.memory_space<vmem>>, vector<16xf32>,
            %get3A_1808 = arith.constant 0 : i32
            %get3A_1809 = arith.index_cast %get3A_1808 : i32 to index
            %get3A_1810 = arith.index_cast %add3A_1763 : i32 to index
            %get3A_1811 = arith.constant 64 : index
            %get3A_1812 = tpu.vector_load %arg11[%get3A_1809, %get3A_1810, %get3A_1811] {strides = array<i32>} : memref<2x128x128xf32, #tpu.memory_space<vmem>>, vector<16xf32>,
            %mul3A_1813 = arith.mulf %get3A_1812, %gather3A_1759 : vector<16xf32>
            %swap3A_1814 = arith.constant 0 : i32
            %swap3A_1815 = arith.index_cast %swap3A_1814 : i32 to index
            %swap3A_1816 = arith.index_cast %add3A_1763 : i32 to index
            %swap3A_1817 = arith.constant 64 : index
            %swap3A_1818 = tpu.vector_load %arg11[%swap3A_1815, %swap3A_1816, %swap3A_1817] {strides = array<i32>} : memref<2x128x128xf32, #tpu.memory_space<vmem>>, vector<16xf32>,
            tpu.vector_store %arg11[%swap3A_1815, %swap3A_1816, %swap3A_1817], %mul3A_1813 {strides = array<i32>} : memref<2x128x128xf32, #tpu.memory_space<vmem>>, vector<16xf32>,
            %get3A_1819 = arith.constant 0 : i32
            %get3A_1820 = arith.index_cast %get3A_1819 : i32 to index
            %get3A_1821 = arith.index_cast %add3A_1763 : i32 to index
            %get3A_1822 = arith.constant 80 : index
            %get3A_1823 = tpu.vector_load %arg11[%get3A_1820, %get3A_1821, %get3A_1822] {strides = array<i32>} : memref<2x128x128xf32, #tpu.memory_space<vmem>>, vector<16xf32>,
            %mul3A_1824 = arith.mulf %get3A_1823, %gather3A_1759 : vector<16xf32>
            %swap3A_1825 = arith.constant 0 : i32
            %swap3A_1826 = arith.index_cast %swap3A_1825 : i32 to index
            %swap3A_1827 = arith.index_cast %add3A_1763 : i32 to index
            %swap3A_1828 = arith.constant 80 : index
            %swap3A_1829 = tpu.vector_load %arg11[%swap3A_1826, %swap3A_1827, %swap3A_1828] {strides = array<i32>} : memref<2x128x128xf32, #tpu.memory_space<vmem>>, vector<16xf32>,
            tpu.vector_store %arg11[%swap3A_1826, %swap3A_1827, %swap3A_1828], %mul3A_1824 {strides = array<i32>} : memref<2x128x128xf32, #tpu.memory_space<vmem>>, vector<16xf32>,
            %get3A_1830 = arith.constant 0 : i32
            %get3A_1831 = arith.index_cast %get3A_1830 : i32 to index
            %get3A_1832 = arith.index_cast %add3A_1763 : i32 to index
            %get3A_1833 = arith.constant 96 : index
            %get3A_1834 = tpu.vector_load %arg11[%get3A_1831, %get3A_1832, %get3A_1833] {strides = array<i32>} : memref<2x128x128xf32, #tpu.memory_space<vmem>>, vector<16xf32>,
            %mul3A_1835 = arith.mulf %get3A_1834, %gather3A_1759 : vector<16xf32>
            %swap3A_1836 = arith.constant 0 : i32
            %swap3A_1837 = arith.index_cast %swap3A_1836 : i32 to index
            %swap3A_1838 = arith.index_cast %add3A_1763 : i32 to index
            %swap3A_1839 = arith.constant 96 : index
            %swap3A_1840 = tpu.vector_load %arg11[%swap3A_1837, %swap3A_1838, %swap3A_1839] {strides = array<i32>} : memref<2x128x128xf32, #tpu.memory_space<vmem>>, vector<16xf32>,
            tpu.vector_store %arg11[%swap3A_1837, %swap3A_1838, %swap3A_1839], %mul3A_1835 {strides = array<i32>} : memref<2x128x128xf32, #tpu.memory_space<vmem>>, vector<16xf32>,
            %get3A_1841 = arith.constant 0 : i32
            %get3A_1842 = arith.index_cast %get3A_1841 : i32 to index
            %get3A_1843 = arith.index_cast %add3A_1763 : i32 to index
            %get3A_1844 = arith.constant 112 : index
            %get3A_1845 = tpu.vector_load %arg11[%get3A_1842, %get3A_1843, %get3A_1844] {strides = array<i32>} : memref<2x128x128xf32, #tpu.memory_space<vmem>>, vector<16xf32>,
            %mul3A_1846 = arith.mulf %get3A_1845, %gather3A_1759 : vector<16xf32>
            %swap3A_1847 = arith.constant 0 : i32
            %swap3A_1848 = arith.index_cast %swap3A_1847 : i32 to index
            %swap3A_1849 = arith.index_cast %add3A_1763 : i32 to index
            %swap3A_1850 = arith.constant 112 : index
            %swap3A_1851 = tpu.vector_load %arg11[%swap3A_1848, %swap3A_1849, %swap3A_1850] {strides = array<i32>} : memref<2x128x128xf32, #tpu.memory_space<vmem>>, vector<16xf32>,
            tpu.vector_store %arg11[%swap3A_1848, %swap3A_1849, %swap3A_1850], %mul3A_1846 {strides = array<i32>} : memref<2x128x128xf32, #tpu.memory_space<vmem>>, vector<16xf32>,
            %scan3A_1852 = arith.constant 0 : i32
            scf.yield %scan3A_1852 : i32
          }
          %scan3A_217 = arith.constant 8 : i32
          %dma_start3A_218 = arith.constant 0 : i32
          %dma_start3A_219 = arith.constant 0 : i32
          %dma_start3A_220 = arith.constant 0 : i32
          %dma_start3A_221 = tpu.memref_slice %arg11[%dma_start3A_218, %dma_start3A_219, %dma_start3A_220] : memref<2x128x128xf32, #tpu.memory_space<vmem>> -> memref<1x128x128xf32, #tpu.memory_space<vmem>>
          %dma_start3A_222 = tpu.memref_squeeze %dma_start3A_221 : memref<1x128x128xf32, #tpu.memory_space<vmem>> -> memref<128x128xf32, #tpu.memory_space<vmem>>
          %dma_start3A_223 = arith.constant 0 : i32
          %dma_start3A_224 = tpu.memref_slice %arg8[%add3A_118, %dma_start3A_223] : memref<32x128xi32, #tpu.memory_space<vmem>> -> memref<1x128xi32, #tpu.memory_space<vmem>>
          %dma_start3A_225 = tpu.memref_squeeze %dma_start3A_224 : memref<1x128xi32, #tpu.memory_space<vmem>> -> memref<128xi32, #tpu.memory_space<vmem>>
          %dma_start3A_226 = arith.constant 0 : i32
          %dma_start3A_227 = arith.constant 0 : i32
          %dma_start3A_228 = tpu.memref_slice %arg12[%dma_start3A_226, %dma_start3A_227] : memref<10240x128xf32, #tpu.memory_space<vmem_shared>> -> memref<10240x128xf32, #tpu.memory_space<vmem_shared>>
          tpu.enqueue_indirect_dma source(%dma_start3A_222 : memref<128x128xf32, #tpu.memory_space<vmem>>) target(%dma_start3A_228 : memref<10240x128xf32, #tpu.memory_space<vmem_shared>>) offsets(%dma_start3A_225 : memref<128xi32, #tpu.memory_space<vmem>>) semaphore(%arg21 : memref<!tpu.dma_semaphore, #tpu.memory_space<semaphore_mem>>) {add = true}
          %mul3A_229 = arith.constant 2 : i32
          %mul3A_230 = arith.muli %scan3A_113, %mul3A_229 : i32
          %add3A_231 = arith.constant 1 : i32
          %add3A_232 = arith.addi %mul3A_230, %add3A_231 : i32
          %dma_wait3A_233 = arith.constant 1 : i32
          %dma_wait3A_234 = arith.constant 0 : i32
          %dma_wait3A_235 = arith.constant 0 : i32
          %dma_wait3A_236 = tpu.memref_slice %arg11[%dma_wait3A_233, %dma_wait3A_234, %dma_wait3A_235] : memref<2x128x128xf32, #tpu.memory_space<vmem>> -> memref<1x32x128xf32, #tpu.memory_space<vmem>>
          %dma_wait3A_237 = tpu.memref_squeeze %dma_wait3A_236 : memref<1x32x128xf32, #tpu.memory_space<vmem>> -> memref<32x128xf32, #tpu.memory_space<vmem>>
          %dma_wait3A_238 = arith.constant 0 : i32
          %dma_wait3A_239 = tpu.memref_slice %arg7[%add3A_232, %dma_wait3A_238] : memref<32x128xi32, #tpu.memory_space<vmem>> -> memref<1x32xi32, #tpu.memory_space<vmem>>
          %dma_wait3A_240 = tpu.memref_squeeze %dma_wait3A_239 : memref<1x32xi32, #tpu.memory_space<vmem>> -> memref<32xi32, #tpu.memory_space<vmem>>
          %dma_wait3A_241 = arith.constant 0 : i32
          %dma_wait3A_242 = arith.constant 0 : i32
          %dma_wait3A_243 = tpu.memref_slice %arg2[%dma_wait3A_241, %dma_wait3A_242] : memref<120000x128xf32, #tpu.memory_space<hbm>> -> memref<120000x128xf32, #tpu.memory_space<hbm>>
          tpu.wait_indirect_dma semaphore(%arg17 : memref<!tpu.dma_semaphore, #tpu.memory_space<semaphore_mem>>) src(%dma_wait3A_243 : memref<120000x128xf32, #tpu.memory_space<hbm>>) dst(%dma_wait3A_237 : memref<32x128xf32, #tpu.memory_space<vmem>>)
          %dma_wait3A_244 = arith.constant 1 : i32
          %dma_wait3A_245 = arith.constant 32 : i32
          %dma_wait3A_246 = arith.constant 0 : i32
          %dma_wait3A_247 = tpu.memref_slice %arg11[%dma_wait3A_244, %dma_wait3A_245, %dma_wait3A_246] : memref<2x128x128xf32, #tpu.memory_space<vmem>> -> memref<1x32x128xf32, #tpu.memory_space<vmem>>
          %dma_wait3A_248 = tpu.memref_squeeze %dma_wait3A_247 : memref<1x32x128xf32, #tpu.memory_space<vmem>> -> memref<32x128xf32, #tpu.memory_space<vmem>>
          %dma_wait3A_249 = arith.constant 32 : i32
          %dma_wait3A_250 = tpu.memref_slice %arg7[%add3A_232, %dma_wait3A_249] : memref<32x128xi32, #tpu.memory_space<vmem>> -> memref<1x32xi32, #tpu.memory_space<vmem>>
          %dma_wait3A_251 = tpu.memref_squeeze %dma_wait3A_250 : memref<1x32xi32, #tpu.memory_space<vmem>> -> memref<32xi32, #tpu.memory_space<vmem>>
          %dma_wait3A_252 = arith.constant 0 : i32
          %dma_wait3A_253 = arith.constant 0 : i32
          %dma_wait3A_254 = tpu.memref_slice %arg2[%dma_wait3A_252, %dma_wait3A_253] : memref<120000x128xf32, #tpu.memory_space<hbm>> -> memref<120000x128xf32, #tpu.memory_space<hbm>>
          tpu.wait_indirect_dma semaphore(%arg18 : memref<!tpu.dma_semaphore, #tpu.memory_space<semaphore_mem>>) src(%dma_wait3A_254 : memref<120000x128xf32, #tpu.memory_space<hbm>>) dst(%dma_wait3A_248 : memref<32x128xf32, #tpu.memory_space<vmem>>)
          %dma_wait3A_255 = arith.constant 1 : i32
          %dma_wait3A_256 = arith.constant 64 : i32
          %dma_wait3A_257 = arith.constant 0 : i32
          %dma_wait3A_258 = tpu.memref_slice %arg11[%dma_wait3A_255, %dma_wait3A_256, %dma_wait3A_257] : memref<2x128x128xf32, #tpu.memory_space<vmem>> -> memref<1x32x128xf32, #tpu.memory_space<vmem>>
          %dma_wait3A_259 = tpu.memref_squeeze %dma_wait3A_258 : memref<1x32x128xf32, #tpu.memory_space<vmem>> -> memref<32x128xf32, #tpu.memory_space<vmem>>
          %dma_wait3A_260 = arith.constant 64 : i32
          %dma_wait3A_261 = tpu.memref_slice %arg7[%add3A_232, %dma_wait3A_260] : memref<32x128xi32, #tpu.memory_space<vmem>> -> memref<1x32xi32, #tpu.memory_space<vmem>>
          %dma_wait3A_262 = tpu.memref_squeeze %dma_wait3A_261 : memref<1x32xi32, #tpu.memory_space<vmem>> -> memref<32xi32, #tpu.memory_space<vmem>>
          %dma_wait3A_263 = arith.constant 0 : i32
          %dma_wait3A_264 = arith.constant 0 : i32
          %dma_wait3A_265 = tpu.memref_slice %arg2[%dma_wait3A_263, %dma_wait3A_264] : memref<120000x128xf32, #tpu.memory_space<hbm>> -> memref<120000x128xf32, #tpu.memory_space<hbm>>
          tpu.wait_indirect_dma semaphore(%arg19 : memref<!tpu.dma_semaphore, #tpu.memory_space<semaphore_mem>>) src(%dma_wait3A_265 : memref<120000x128xf32, #tpu.memory_space<hbm>>) dst(%dma_wait3A_259 : memref<32x128xf32, #tpu.memory_space<vmem>>)
          %dma_wait3A_266 = arith.constant 1 : i32
          %dma_wait3A_267 = arith.constant 96 : i32
          %dma_wait3A_268 = arith.constant 0 : i32
          %dma_wait3A_269 = tpu.memref_slice %arg11[%dma_wait3A_266, %dma_wait3A_267, %dma_wait3A_268] : memref<2x128x128xf32, #tpu.memory_space<vmem>> -> memref<1x32x128xf32, #tpu.memory_space<vmem>>
          %dma_wait3A_270 = tpu.memref_squeeze %dma_wait3A_269 : memref<1x32x128xf32, #tpu.memory_space<vmem>> -> memref<32x128xf32, #tpu.memory_space<vmem>>
          %dma_wait3A_271 = arith.constant 96 : i32
          %dma_wait3A_272 = tpu.memref_slice %arg7[%add3A_232, %dma_wait3A_271] : memref<32x128xi32, #tpu.memory_space<vmem>> -> memref<1x32xi32, #tpu.memory_space<vmem>>
          %dma_wait3A_273 = tpu.memref_squeeze %dma_wait3A_272 : memref<1x32xi32, #tpu.memory_space<vmem>> -> memref<32xi32, #tpu.memory_space<vmem>>
          %dma_wait3A_274 = arith.constant 0 : i32
          %dma_wait3A_275 = arith.constant 0 : i32
          %dma_wait3A_276 = tpu.memref_slice %arg2[%dma_wait3A_274, %dma_wait3A_275] : memref<120000x128xf32, #tpu.memory_space<hbm>> -> memref<120000x128xf32, #tpu.memory_space<hbm>>
          tpu.wait_indirect_dma semaphore(%arg20 : memref<!tpu.dma_semaphore, #tpu.memory_space<semaphore_mem>>) src(%dma_wait3A_276 : memref<120000x128xf32, #tpu.memory_space<hbm>>) dst(%dma_wait3A_270 : memref<32x128xf32, #tpu.memory_space<vmem>>)
          %sub3A = arith.constant 1 : i32
          %sub3A_277 = arith.subi %add3A_232, %sub3A : i32
          %dma_wait3A_278 = arith.constant 0 : i32
          %dma_wait3A_279 = arith.constant 0 : i32
          %dma_wait3A_280 = arith.constant 0 : i32
          %dma_wait3A_281 = tpu.memref_slice %arg11[%dma_wait3A_278, %dma_wait3A_279, %dma_wait3A_280] : memref<2x128x128xf32, #tpu.memory_space<vmem>> -> memref<1x128x128xf32, #tpu.memory_space<vmem>>
          %dma_wait3A_282 = tpu.memref_squeeze %dma_wait3A_281 : memref<1x128x128xf32, #tpu.memory_space<vmem>> -> memref<128x128xf32, #tpu.memory_space<vmem>>
          %dma_wait3A_283 = arith.constant 0 : i32
          %dma_wait3A_284 = tpu.memref_slice %arg8[%sub3A_277, %dma_wait3A_283] : memref<32x128xi32, #tpu.memory_space<vmem>> -> memref<1x128xi32, #tpu.memory_space<vmem>>
          %dma_wait3A_285 = tpu.memref_squeeze %dma_wait3A_284 : memref<1x128xi32, #tpu.memory_space<vmem>> -> memref<128xi32, #tpu.memory_space<vmem>>
          %dma_wait3A_286 = arith.constant 0 : i32
          %dma_wait3A_287 = arith.constant 0 : i32
          %dma_wait3A_288 = tpu.memref_slice %arg12[%dma_wait3A_286, %dma_wait3A_287] : memref<10240x128xf32, #tpu.memory_space<vmem_shared>> -> memref<10240x128xf32, #tpu.memory_space<vmem_shared>>
          tpu.wait_indirect_dma semaphore(%arg21 : memref<!tpu.dma_semaphore, #tpu.memory_space<semaphore_mem>>) src(%dma_wait3A_282 : memref<128x128xf32, #tpu.memory_space<vmem>>) dst(%dma_wait3A_288 : memref<10240x128xf32, #tpu.memory_space<vmem_shared>>)
          %lt3A = arith.constant 15 : i32
          %lt3A_289 = arith.cmpi slt, %scan3A_113, %lt3A : i32
          %convert_element_type3A_290 = arith.extui %lt3A_289 : i1 to i32
          %cond3A_291 = arith.constant 0 : i32
          %cond3A_292 = arith.cmpi ne, %convert_element_type3A_290, %cond3A_291 : i32
          scf.if %cond3A_292 {
            %add3A_312 = arith.constant 1 : i32
            %add3A_313 = arith.addi %add3A_232, %add3A_312 : i32
            %dma_start3A_314 = arith.constant 0 : i32
            %dma_start3A_315 = arith.constant 0 : i32
            %dma_start3A_316 = arith.constant 0 : i32
            %dma_start3A_317 = tpu.memref_slice %arg11[%dma_start3A_314, %dma_start3A_315, %dma_start3A_316] : memref<2x128x128xf32, #tpu.memory_space<vmem>> -> memref<1x32x128xf32, #tpu.memory_space<vmem>>
            %dma_start3A_318 = tpu.memref_squeeze %dma_start3A_317 : memref<1x32x128xf32, #tpu.memory_space<vmem>> -> memref<32x128xf32, #tpu.memory_space<vmem>>
            %dma_start3A_319 = arith.constant 0 : i32
            %dma_start3A_320 = tpu.memref_slice %arg7[%add3A_313, %dma_start3A_319] : memref<32x128xi32, #tpu.memory_space<vmem>> -> memref<1x32xi32, #tpu.memory_space<vmem>>
            %dma_start3A_321 = tpu.memref_squeeze %dma_start3A_320 : memref<1x32xi32, #tpu.memory_space<vmem>> -> memref<32xi32, #tpu.memory_space<vmem>>
            %dma_start3A_322 = arith.constant 0 : i32
            %dma_start3A_323 = arith.constant 0 : i32
            %dma_start3A_324 = tpu.memref_slice %arg2[%dma_start3A_322, %dma_start3A_323] : memref<120000x128xf32, #tpu.memory_space<hbm>> -> memref<120000x128xf32, #tpu.memory_space<hbm>>
            tpu.enqueue_indirect_dma source(%dma_start3A_324 : memref<120000x128xf32, #tpu.memory_space<hbm>>) target(%dma_start3A_318 : memref<32x128xf32, #tpu.memory_space<vmem>>) offsets(%dma_start3A_321 : memref<32xi32, #tpu.memory_space<vmem>>) semaphore(%arg13 : memref<!tpu.dma_semaphore, #tpu.memory_space<semaphore_mem>>)
            %dma_start3A_325 = arith.constant 0 : i32
            %dma_start3A_326 = arith.constant 32 : i32
            %dma_start3A_327 = arith.constant 0 : i32
            %dma_start3A_328 = tpu.memref_slice %arg11[%dma_start3A_325, %dma_start3A_326, %dma_start3A_327] : memref<2x128x128xf32, #tpu.memory_space<vmem>> -> memref<1x32x128xf32, #tpu.memory_space<vmem>>
            %dma_start3A_329 = tpu.memref_squeeze %dma_start3A_328 : memref<1x32x128xf32, #tpu.memory_space<vmem>> -> memref<32x128xf32, #tpu.memory_space<vmem>>
            %dma_start3A_330 = arith.constant 32 : i32
            %dma_start3A_331 = tpu.memref_slice %arg7[%add3A_313, %dma_start3A_330] : memref<32x128xi32, #tpu.memory_space<vmem>> -> memref<1x32xi32, #tpu.memory_space<vmem>>
            %dma_start3A_332 = tpu.memref_squeeze %dma_start3A_331 : memref<1x32xi32, #tpu.memory_space<vmem>> -> memref<32xi32, #tpu.memory_space<vmem>>
            %dma_start3A_333 = arith.constant 0 : i32
            %dma_start3A_334 = arith.constant 0 : i32
            %dma_start3A_335 = tpu.memref_slice %arg2[%dma_start3A_333, %dma_start3A_334] : memref<120000x128xf32, #tpu.memory_space<hbm>> -> memref<120000x128xf32, #tpu.memory_space<hbm>>
            tpu.enqueue_indirect_dma source(%dma_start3A_335 : memref<120000x128xf32, #tpu.memory_space<hbm>>) target(%dma_start3A_329 : memref<32x128xf32, #tpu.memory_space<vmem>>) offsets(%dma_start3A_332 : memref<32xi32, #tpu.memory_space<vmem>>) semaphore(%arg14 : memref<!tpu.dma_semaphore, #tpu.memory_space<semaphore_mem>>)
            %dma_start3A_336 = arith.constant 0 : i32
            %dma_start3A_337 = arith.constant 64 : i32
            %dma_start3A_338 = arith.constant 0 : i32
            %dma_start3A_339 = tpu.memref_slice %arg11[%dma_start3A_336, %dma_start3A_337, %dma_start3A_338] : memref<2x128x128xf32, #tpu.memory_space<vmem>> -> memref<1x32x128xf32, #tpu.memory_space<vmem>>
            %dma_start3A_340 = tpu.memref_squeeze %dma_start3A_339 : memref<1x32x128xf32, #tpu.memory_space<vmem>> -> memref<32x128xf32, #tpu.memory_space<vmem>>
            %dma_start3A_341 = arith.constant 64 : i32
            %dma_start3A_342 = tpu.memref_slice %arg7[%add3A_313, %dma_start3A_341] : memref<32x128xi32, #tpu.memory_space<vmem>> -> memref<1x32xi32, #tpu.memory_space<vmem>>
            %dma_start3A_343 = tpu.memref_squeeze %dma_start3A_342 : memref<1x32xi32, #tpu.memory_space<vmem>> -> memref<32xi32, #tpu.memory_space<vmem>>
            %dma_start3A_344 = arith.constant 0 : i32
            %dma_start3A_345 = arith.constant 0 : i32
            %dma_start3A_346 = tpu.memref_slice %arg2[%dma_start3A_344, %dma_start3A_345] : memref<120000x128xf32, #tpu.memory_space<hbm>> -> memref<120000x128xf32, #tpu.memory_space<hbm>>
            tpu.enqueue_indirect_dma source(%dma_start3A_346 : memref<120000x128xf32, #tpu.memory_space<hbm>>) target(%dma_start3A_340 : memref<32x128xf32, #tpu.memory_space<vmem>>) offsets(%dma_start3A_343 : memref<32xi32, #tpu.memory_space<vmem>>) semaphore(%arg15 : memref<!tpu.dma_semaphore, #tpu.memory_space<semaphore_mem>>)
            %dma_start3A_347 = arith.constant 0 : i32
            %dma_start3A_348 = arith.constant 96 : i32
            %dma_start3A_349 = arith.constant 0 : i32
            %dma_start3A_350 = tpu.memref_slice %arg11[%dma_start3A_347, %dma_start3A_348, %dma_start3A_349] : memref<2x128x128xf32, #tpu.memory_space<vmem>> -> memref<1x32x128xf32, #tpu.memory_space<vmem>>
            %dma_start3A_351 = tpu.memref_squeeze %dma_start3A_350 : memref<1x32x128xf32, #tpu.memory_space<vmem>> -> memref<32x128xf32, #tpu.memory_space<vmem>>
            %dma_start3A_352 = arith.constant 96 : i32
            %dma_start3A_353 = tpu.memref_slice %arg7[%add3A_313, %dma_start3A_352] : memref<32x128xi32, #tpu.memory_space<vmem>> -> memref<1x32xi32, #tpu.memory_space<vmem>>
            %dma_start3A_354 = tpu.memref_squeeze %dma_start3A_353 : memref<1x32xi32, #tpu.memory_space<vmem>> -> memref<32xi32, #tpu.memory_space<vmem>>
            %dma_start3A_355 = arith.constant 0 : i32
            %dma_start3A_356 = arith.constant 0 : i32
            %dma_start3A_357 = tpu.memref_slice %arg2[%dma_start3A_355, %dma_start3A_356] : memref<120000x128xf32, #tpu.memory_space<hbm>> -> memref<120000x128xf32, #tpu.memory_space<hbm>>
            tpu.enqueue_indirect_dma source(%dma_start3A_357 : memref<120000x128xf32, #tpu.memory_space<hbm>>) target(%dma_start3A_351 : memref<32x128xf32, #tpu.memory_space<vmem>>) offsets(%dma_start3A_354 : memref<32xi32, #tpu.memory_space<vmem>>) semaphore(%arg16 : memref<!tpu.dma_semaphore, #tpu.memory_space<semaphore_mem>>)
          } else {
          }
          %scan3A_293 = arith.constant 0 : i32
          %scan3A_294 = arith.constant 0 : i32
          %scan3A_295 = arith.constant 8 : i32
          %scan3A_296 = arith.addi %scan3A_294, %scan3A_295 : i32
          %scan3A_297 = arith.constant 1 : i32
          %scan3A_298 = scf.for %scan3A_312 = %scan3A_294 to %scan3A_296 step %scan3A_297 iter_args(%scan3A_313 = %scan3A_293) -> (i32)  : i32 {
            %mul3A_314 = arith.constant 16 : i32
            %mul3A_315 = arith.muli %scan3A_312, %mul3A_314 : i32
            %get3A = arith.index_cast %add3A_232 : i32 to index
            %get3A_316 = arith.index_cast %mul3A_315 : i32 to index
            %get3A_317 = tpu.vector_load %arg9[%get3A, %get3A_316] {strides = array<i32>} : memref<32x128xf32, #tpu.memory_space<vmem>>, vector<16xf32>,
            %broadcast_in_dim3A_318 = arith.constant 0 : i32
            %broadcast_in_dim3A_319 = vector.broadcast %broadcast_in_dim3A_318 : i32 to vector<16x1xi32>
            %gather3A = vector.shape_cast %broadcast_in_dim3A_319 : vector<16x1xi32> to vector<16xi32>
            %gather3A_320 = tpu.dynamic_gather %get3A_317[%gather3A] in [0] : vector<16xf32>, vector<16xi32> -> vector<16xf32>
            %mul3A_321 = arith.constant 16 : i32
            %mul3A_322 = arith.muli %scan3A_312, %mul3A_321 : i32
            %add3A_323 = arith.constant 0 : i32
            %add3A_324 = arith.addi %mul3A_322, %add3A_323 : i32
            %get3A_325 = arith.constant 1 : i32
            %get3A_326 = arith.index_cast %get3A_325 : i32 to index
            %get3A_327 = arith.index_cast %add3A_324 : i32 to index
            %get3A_328 = arith.constant 0 : index
            %get3A_329 = tpu.vector_load %arg11[%get3A_326, %get3A_327, %get3A_328] {strides = array<i32>} : memref<2x128x128xf32, #tpu.memory_space<vmem>>, vector<16xf32>,
            %mul3A_330 = arith.mulf %get3A_329, %gather3A_320 : vector<16xf32>
            %swap3A = arith.constant 1 : i32
            %swap3A_331 = arith.index_cast %swap3A : i32 to index
            %swap3A_332 = arith.index_cast %add3A_324 : i32 to index
            %swap3A_333 = arith.constant 0 : index
            %swap3A_334 = tpu.vector_load %arg11[%swap3A_331, %swap3A_332, %swap3A_333] {strides = array<i32>} : memref<2x128x128xf32, #tpu.memory_space<vmem>>, vector<16xf32>,
            tpu.vector_store %arg11[%swap3A_331, %swap3A_332, %swap3A_333], %mul3A_330 {strides = array<i32>} : memref<2x128x128xf32, #tpu.memory_space<vmem>>, vector<16xf32>,
            %get3A_335 = arith.constant 1 : i32
            %get3A_336 = arith.index_cast %get3A_335 : i32 to index
            %get3A_337 = arith.index_cast %add3A_324 : i32 to index
            %get3A_338 = arith.constant 16 : index
            %get3A_339 = tpu.vector_load %arg11[%get3A_336, %get3A_337, %get3A_338] {strides = array<i32>} : memref<2x128x128xf32, #tpu.memory_space<vmem>>, vector<16xf32>,
            %mul3A_340 = arith.mulf %get3A_339, %gather3A_320 : vector<16xf32>
            %swap3A_341 = arith.constant 1 : i32
            %swap3A_342 = arith.index_cast %swap3A_341 : i32 to index
            %swap3A_343 = arith.index_cast %add3A_324 : i32 to index
            %swap3A_344 = arith.constant 16 : index
            %swap3A_345 = tpu.vector_load %arg11[%swap3A_342, %swap3A_343, %swap3A_344] {strides = array<i32>} : memref<2x128x128xf32, #tpu.memory_space<vmem>>, vector<16xf32>,
            tpu.vector_store %arg11[%swap3A_342, %swap3A_343, %swap3A_344], %mul3A_340 {strides = array<i32>} : memref<2x128x128xf32, #tpu.memory_space<vmem>>, vector<16xf32>,
            %get3A_346 = arith.constant 1 : i32
            %get3A_347 = arith.index_cast %get3A_346 : i32 to index
            %get3A_348 = arith.index_cast %add3A_324 : i32 to index
            %get3A_349 = arith.constant 32 : index
            %get3A_350 = tpu.vector_load %arg11[%get3A_347, %get3A_348, %get3A_349] {strides = array<i32>} : memref<2x128x128xf32, #tpu.memory_space<vmem>>, vector<16xf32>,
            %mul3A_351 = arith.mulf %get3A_350, %gather3A_320 : vector<16xf32>
            %swap3A_352 = arith.constant 1 : i32
            %swap3A_353 = arith.index_cast %swap3A_352 : i32 to index
            %swap3A_354 = arith.index_cast %add3A_324 : i32 to index
            %swap3A_355 = arith.constant 32 : index
            %swap3A_356 = tpu.vector_load %arg11[%swap3A_353, %swap3A_354, %swap3A_355] {strides = array<i32>} : memref<2x128x128xf32, #tpu.memory_space<vmem>>, vector<16xf32>,
            tpu.vector_store %arg11[%swap3A_353, %swap3A_354, %swap3A_355], %mul3A_351 {strides = array<i32>} : memref<2x128x128xf32, #tpu.memory_space<vmem>>, vector<16xf32>,
            %get3A_357 = arith.constant 1 : i32
            %get3A_358 = arith.index_cast %get3A_357 : i32 to index
            %get3A_359 = arith.index_cast %add3A_324 : i32 to index
            %get3A_360 = arith.constant 48 : index
            %get3A_361 = tpu.vector_load %arg11[%get3A_358, %get3A_359, %get3A_360] {strides = array<i32>} : memref<2x128x128xf32, #tpu.memory_space<vmem>>, vector<16xf32>,
            %mul3A_362 = arith.mulf %get3A_361, %gather3A_320 : vector<16xf32>
            %swap3A_363 = arith.constant 1 : i32
            %swap3A_364 = arith.index_cast %swap3A_363 : i32 to index
            %swap3A_365 = arith.index_cast %add3A_324 : i32 to index
            %swap3A_366 = arith.constant 48 : index
            %swap3A_367 = tpu.vector_load %arg11[%swap3A_364, %swap3A_365, %swap3A_366] {strides = array<i32>} : memref<2x128x128xf32, #tpu.memory_space<vmem>>, vector<16xf32>,
            tpu.vector_store %arg11[%swap3A_364, %swap3A_365, %swap3A_366], %mul3A_362 {strides = array<i32>} : memref<2x128x128xf32, #tpu.memory_space<vmem>>, vector<16xf32>,
            %get3A_368 = arith.constant 1 : i32
            %get3A_369 = arith.index_cast %get3A_368 : i32 to index
            %get3A_370 = arith.index_cast %add3A_324 : i32 to index
            %get3A_371 = arith.constant 64 : index
            %get3A_372 = tpu.vector_load %arg11[%get3A_369, %get3A_370, %get3A_371] {strides = array<i32>} : memref<2x128x128xf32, #tpu.memory_space<vmem>>, vector<16xf32>,
            %mul3A_373 = arith.mulf %get3A_372, %gather3A_320 : vector<16xf32>
            %swap3A_374 = arith.constant 1 : i32
            %swap3A_375 = arith.index_cast %swap3A_374 : i32 to index
            %swap3A_376 = arith.index_cast %add3A_324 : i32 to index
            %swap3A_377 = arith.constant 64 : index
            %swap3A_378 = tpu.vector_load %arg11[%swap3A_375, %swap3A_376, %swap3A_377] {strides = array<i32>} : memref<2x128x128xf32, #tpu.memory_space<vmem>>, vector<16xf32>,
            tpu.vector_store %arg11[%swap3A_375, %swap3A_376, %swap3A_377], %mul3A_373 {strides = array<i32>} : memref<2x128x128xf32, #tpu.memory_space<vmem>>, vector<16xf32>,
            %get3A_379 = arith.constant 1 : i32
            %get3A_380 = arith.index_cast %get3A_379 : i32 to index
            %get3A_381 = arith.index_cast %add3A_324 : i32 to index
            %get3A_382 = arith.constant 80 : index
            %get3A_383 = tpu.vector_load %arg11[%get3A_380, %get3A_381, %get3A_382] {strides = array<i32>} : memref<2x128x128xf32, #tpu.memory_space<vmem>>, vector<16xf32>,
            %mul3A_384 = arith.mulf %get3A_383, %gather3A_320 : vector<16xf32>
            %swap3A_385 = arith.constant 1 : i32
            %swap3A_386 = arith.index_cast %swap3A_385 : i32 to index
            %swap3A_387 = arith.index_cast %add3A_324 : i32 to index
            %swap3A_388 = arith.constant 80 : index
            %swap3A_389 = tpu.vector_load %arg11[%swap3A_386, %swap3A_387, %swap3A_388] {strides = array<i32>} : memref<2x128x128xf32, #tpu.memory_space<vmem>>, vector<16xf32>,
            tpu.vector_store %arg11[%swap3A_386, %swap3A_387, %swap3A_388], %mul3A_384 {strides = array<i32>} : memref<2x128x128xf32, #tpu.memory_space<vmem>>, vector<16xf32>,
            %get3A_390 = arith.constant 1 : i32
            %get3A_391 = arith.index_cast %get3A_390 : i32 to index
            %get3A_392 = arith.index_cast %add3A_324 : i32 to index
            %get3A_393 = arith.constant 96 : index
            %get3A_394 = tpu.vector_load %arg11[%get3A_391, %get3A_392, %get3A_393] {strides = array<i32>} : memref<2x128x128xf32, #tpu.memory_space<vmem>>, vector<16xf32>,
            %mul3A_395 = arith.mulf %get3A_394, %gather3A_320 : vector<16xf32>
            %swap3A_396 = arith.constant 1 : i32
            %swap3A_397 = arith.index_cast %swap3A_396 : i32 to index
            %swap3A_398 = arith.index_cast %add3A_324 : i32 to index
            %swap3A_399 = arith.constant 96 : index
            %swap3A_400 = tpu.vector_load %arg11[%swap3A_397, %swap3A_398, %swap3A_399] {strides = array<i32>} : memref<2x128x128xf32, #tpu.memory_space<vmem>>, vector<16xf32>,
            tpu.vector_store %arg11[%swap3A_397, %swap3A_398, %swap3A_399], %mul3A_395 {strides = array<i32>} : memref<2x128x128xf32, #tpu.memory_space<vmem>>, vector<16xf32>,
            %get3A_401 = arith.constant 1 : i32
            %get3A_402 = arith.index_cast %get3A_401 : i32 to index
            %get3A_403 = arith.index_cast %add3A_324 : i32 to index
            %get3A_404 = arith.constant 112 : index
            %get3A_405 = tpu.vector_load %arg11[%get3A_402, %get3A_403, %get3A_404] {strides = array<i32>} : memref<2x128x128xf32, #tpu.memory_space<vmem>>, vector<16xf32>,
            %mul3A_406 = arith.mulf %get3A_405, %gather3A_320 : vector<16xf32>
            %swap3A_407 = arith.constant 1 : i32
            %swap3A_408 = arith.index_cast %swap3A_407 : i32 to index
            %swap3A_409 = arith.index_cast %add3A_324 : i32 to index
            %swap3A_410 = arith.constant 112 : index
            %swap3A_411 = tpu.vector_load %arg11[%swap3A_408, %swap3A_409, %swap3A_410] {strides = array<i32>} : memref<2x128x128xf32, #tpu.memory_space<vmem>>, vector<16xf32>,
            tpu.vector_store %arg11[%swap3A_408, %swap3A_409, %swap3A_410], %mul3A_406 {strides = array<i32>} : memref<2x128x128xf32, #tpu.memory_space<vmem>>, vector<16xf32>,
            %broadcast_in_dim3A_412 = arith.constant 1 : i32
            %broadcast_in_dim3A_413 = vector.broadcast %broadcast_in_dim3A_412 : i32 to vector<16x1xi32>
            %gather3A_414 = vector.shape_cast %broadcast_in_dim3A_413 : vector<16x1xi32> to vector<16xi32>
            %gather3A_415 = tpu.dynamic_gather %get3A_317[%gather3A_414] in [0] : vector<16xf32>, vector<16xi32> -> vector<16xf32>
            %mul3A_416 = arith.constant 16 : i32
            %mul3A_417 = arith.muli %scan3A_312, %mul3A_416 : i32
            %add3A_418 = arith.constant 1 : i32
            %add3A_419 = arith.addi %mul3A_417, %add3A_418 : i32
            %get3A_420 = arith.constant 1 : i32
            %get3A_421 = arith.index_cast %get3A_420 : i32 to index
            %get3A_422 = arith.index_cast %add3A_419 : i32 to index
            %get3A_423 = arith.constant 0 : index
            %get3A_424 = tpu.vector_load %arg11[%get3A_421, %get3A_422, %get3A_423] {strides = array<i32>} : memref<2x128x128xf32, #tpu.memory_space<vmem>>, vector<16xf32>,
            %mul3A_425 = arith.mulf %get3A_424, %gather3A_415 : vector<16xf32>
            %swap3A_426 = arith.constant 1 : i32
            %swap3A_427 = arith.index_cast %swap3A_426 : i32 to index
            %swap3A_428 = arith.index_cast %add3A_419 : i32 to index
            %swap3A_429 = arith.constant 0 : index
            %swap3A_430 = tpu.vector_load %arg11[%swap3A_427, %swap3A_428, %swap3A_429] {strides = array<i32>} : memref<2x128x128xf32, #tpu.memory_space<vmem>>, vector<16xf32>,
            tpu.vector_store %arg11[%swap3A_427, %swap3A_428, %swap3A_429], %mul3A_425 {strides = array<i32>} : memref<2x128x128xf32, #tpu.memory_space<vmem>>, vector<16xf32>,
            %get3A_431 = arith.constant 1 : i32
            %get3A_432 = arith.index_cast %get3A_431 : i32 to index
            %get3A_433 = arith.index_cast %add3A_419 : i32 to index
            %get3A_434 = arith.constant 16 : index
            %get3A_435 = tpu.vector_load %arg11[%get3A_432, %get3A_433, %get3A_434] {strides = array<i32>} : memref<2x128x128xf32, #tpu.memory_space<vmem>>, vector<16xf32>,
            %mul3A_436 = arith.mulf %get3A_435, %gather3A_415 : vector<16xf32>
            %swap3A_437 = arith.constant 1 : i32
            %swap3A_438 = arith.index_cast %swap3A_437 : i32 to index
            %swap3A_439 = arith.index_cast %add3A_419 : i32 to index
            %swap3A_440 = arith.constant 16 : index
            %swap3A_441 = tpu.vector_load %arg11[%swap3A_438, %swap3A_439, %swap3A_440] {strides = array<i32>} : memref<2x128x128xf32, #tpu.memory_space<vmem>>, vector<16xf32>,
            tpu.vector_store %arg11[%swap3A_438, %swap3A_439, %swap3A_440], %mul3A_436 {strides = array<i32>} : memref<2x128x128xf32, #tpu.memory_space<vmem>>, vector<16xf32>,
            %get3A_442 = arith.constant 1 : i32
            %get3A_443 = arith.index_cast %get3A_442 : i32 to index
            %get3A_444 = arith.index_cast %add3A_419 : i32 to index
            %get3A_445 = arith.constant 32 : index
            %get3A_446 = tpu.vector_load %arg11[%get3A_443, %get3A_444, %get3A_445] {strides = array<i32>} : memref<2x128x128xf32, #tpu.memory_space<vmem>>, vector<16xf32>,
            %mul3A_447 = arith.mulf %get3A_446, %gather3A_415 : vector<16xf32>
            %swap3A_448 = arith.constant 1 : i32
            %swap3A_449 = arith.index_cast %swap3A_448 : i32 to index
            %swap3A_450 = arith.index_cast %add3A_419 : i32 to index
            %swap3A_451 = arith.constant 32 : index
            %swap3A_452 = tpu.vector_load %arg11[%swap3A_449, %swap3A_450, %swap3A_451] {strides = array<i32>} : memref<2x128x128xf32, #tpu.memory_space<vmem>>, vector<16xf32>,
            tpu.vector_store %arg11[%swap3A_449, %swap3A_450, %swap3A_451], %mul3A_447 {strides = array<i32>} : memref<2x128x128xf32, #tpu.memory_space<vmem>>, vector<16xf32>,
            %get3A_453 = arith.constant 1 : i32
            %get3A_454 = arith.index_cast %get3A_453 : i32 to index
            %get3A_455 = arith.index_cast %add3A_419 : i32 to index
            %get3A_456 = arith.constant 48 : index
            %get3A_457 = tpu.vector_load %arg11[%get3A_454, %get3A_455, %get3A_456] {strides = array<i32>} : memref<2x128x128xf32, #tpu.memory_space<vmem>>, vector<16xf32>,
            %mul3A_458 = arith.mulf %get3A_457, %gather3A_415 : vector<16xf32>
            %swap3A_459 = arith.constant 1 : i32
            %swap3A_460 = arith.index_cast %swap3A_459 : i32 to index
            %swap3A_461 = arith.index_cast %add3A_419 : i32 to index
            %swap3A_462 = arith.constant 48 : index
            %swap3A_463 = tpu.vector_load %arg11[%swap3A_460, %swap3A_461, %swap3A_462] {strides = array<i32>} : memref<2x128x128xf32, #tpu.memory_space<vmem>>, vector<16xf32>,
            tpu.vector_store %arg11[%swap3A_460, %swap3A_461, %swap3A_462], %mul3A_458 {strides = array<i32>} : memref<2x128x128xf32, #tpu.memory_space<vmem>>, vector<16xf32>,
            %get3A_464 = arith.constant 1 : i32
            %get3A_465 = arith.index_cast %get3A_464 : i32 to index
            %get3A_466 = arith.index_cast %add3A_419 : i32 to index
            %get3A_467 = arith.constant 64 : index
            %get3A_468 = tpu.vector_load %arg11[%get3A_465, %get3A_466, %get3A_467] {strides = array<i32>} : memref<2x128x128xf32, #tpu.memory_space<vmem>>, vector<16xf32>,
            %mul3A_469 = arith.mulf %get3A_468, %gather3A_415 : vector<16xf32>
            %swap3A_470 = arith.constant 1 : i32
            %swap3A_471 = arith.index_cast %swap3A_470 : i32 to index
            %swap3A_472 = arith.index_cast %add3A_419 : i32 to index
            %swap3A_473 = arith.constant 64 : index
            %swap3A_474 = tpu.vector_load %arg11[%swap3A_471, %swap3A_472, %swap3A_473] {strides = array<i32>} : memref<2x128x128xf32, #tpu.memory_space<vmem>>, vector<16xf32>,
            tpu.vector_store %arg11[%swap3A_471, %swap3A_472, %swap3A_473], %mul3A_469 {strides = array<i32>} : memref<2x128x128xf32, #tpu.memory_space<vmem>>, vector<16xf32>,
            %get3A_475 = arith.constant 1 : i32
            %get3A_476 = arith.index_cast %get3A_475 : i32 to index
            %get3A_477 = arith.index_cast %add3A_419 : i32 to index
            %get3A_478 = arith.constant 80 : index
            %get3A_479 = tpu.vector_load %arg11[%get3A_476, %get3A_477, %get3A_478] {strides = array<i32>} : memref<2x128x128xf32, #tpu.memory_space<vmem>>, vector<16xf32>,
            %mul3A_480 = arith.mulf %get3A_479, %gather3A_415 : vector<16xf32>
            %swap3A_481 = arith.constant 1 : i32
            %swap3A_482 = arith.index_cast %swap3A_481 : i32 to index
            %swap3A_483 = arith.index_cast %add3A_419 : i32 to index
            %swap3A_484 = arith.constant 80 : index
            %swap3A_485 = tpu.vector_load %arg11[%swap3A_482, %swap3A_483, %swap3A_484] {strides = array<i32>} : memref<2x128x128xf32, #tpu.memory_space<vmem>>, vector<16xf32>,
            tpu.vector_store %arg11[%swap3A_482, %swap3A_483, %swap3A_484], %mul3A_480 {strides = array<i32>} : memref<2x128x128xf32, #tpu.memory_space<vmem>>, vector<16xf32>,
            %get3A_486 = arith.constant 1 : i32
            %get3A_487 = arith.index_cast %get3A_486 : i32 to index
            %get3A_488 = arith.index_cast %add3A_419 : i32 to index
            %get3A_489 = arith.constant 96 : index
            %get3A_490 = tpu.vector_load %arg11[%get3A_487, %get3A_488, %get3A_489] {strides = array<i32>} : memref<2x128x128xf32, #tpu.memory_space<vmem>>, vector<16xf32>,
            %mul3A_491 = arith.mulf %get3A_490, %gather3A_415 : vector<16xf32>
            %swap3A_492 = arith.constant 1 : i32
            %swap3A_493 = arith.index_cast %swap3A_492 : i32 to index
            %swap3A_494 = arith.index_cast %add3A_419 : i32 to index
            %swap3A_495 = arith.constant 96 : index
            %swap3A_496 = tpu.vector_load %arg11[%swap3A_493, %swap3A_494, %swap3A_495] {strides = array<i32>} : memref<2x128x128xf32, #tpu.memory_space<vmem>>, vector<16xf32>,
            tpu.vector_store %arg11[%swap3A_493, %swap3A_494, %swap3A_495], %mul3A_491 {strides = array<i32>} : memref<2x128x128xf32, #tpu.memory_space<vmem>>, vector<16xf32>,
            %get3A_497 = arith.constant 1 : i32
            %get3A_498 = arith.index_cast %get3A_497 : i32 to index
            %get3A_499 = arith.index_cast %add3A_419 : i32 to index
            %get3A_500 = arith.constant 112 : index
            %get3A_501 = tpu.vector_load %arg11[%get3A_498, %get3A_499, %get3A_500] {strides = array<i32>} : memref<2x128x128xf32, #tpu.memory_space<vmem>>, vector<16xf32>,
            %mul3A_502 = arith.mulf %get3A_501, %gather3A_415 : vector<16xf32>
            %swap3A_503 = arith.constant 1 : i32
            %swap3A_504 = arith.index_cast %swap3A_503 : i32 to index
            %swap3A_505 = arith.index_cast %add3A_419 : i32 to index
            %swap3A_506 = arith.constant 112 : index
            %swap3A_507 = tpu.vector_load %arg11[%swap3A_504, %swap3A_505, %swap3A_506] {strides = array<i32>} : memref<2x128x128xf32, #tpu.memory_space<vmem>>, vector<16xf32>,
            tpu.vector_store %arg11[%swap3A_504, %swap3A_505, %swap3A_506], %mul3A_502 {strides = array<i32>} : memref<2x128x128xf32, #tpu.memory_space<vmem>>, vector<16xf32>,
            %broadcast_in_dim3A_508 = arith.constant 2 : i32
            %broadcast_in_dim3A_509 = vector.broadcast %broadcast_in_dim3A_508 : i32 to vector<16x1xi32>
            %gather3A_510 = vector.shape_cast %broadcast_in_dim3A_509 : vector<16x1xi32> to vector<16xi32>
            %gather3A_511 = tpu.dynamic_gather %get3A_317[%gather3A_510] in [0] : vector<16xf32>, vector<16xi32> -> vector<16xf32>
            %mul3A_512 = arith.constant 16 : i32
            %mul3A_513 = arith.muli %scan3A_312, %mul3A_512 : i32
            %add3A_514 = arith.constant 2 : i32
            %add3A_515 = arith.addi %mul3A_513, %add3A_514 : i32
            %get3A_516 = arith.constant 1 : i32
            %get3A_517 = arith.index_cast %get3A_516 : i32 to index
            %get3A_518 = arith.index_cast %add3A_515 : i32 to index
            %get3A_519 = arith.constant 0 : index
            %get3A_520 = tpu.vector_load %arg11[%get3A_517, %get3A_518, %get3A_519] {strides = array<i32>} : memref<2x128x128xf32, #tpu.memory_space<vmem>>, vector<16xf32>,
            %mul3A_521 = arith.mulf %get3A_520, %gather3A_511 : vector<16xf32>
            %swap3A_522 = arith.constant 1 : i32
            %swap3A_523 = arith.index_cast %swap3A_522 : i32 to index
            %swap3A_524 = arith.index_cast %add3A_515 : i32 to index
            %swap3A_525 = arith.constant 0 : index
            %swap3A_526 = tpu.vector_load %arg11[%swap3A_523, %swap3A_524, %swap3A_525] {strides = array<i32>} : memref<2x128x128xf32, #tpu.memory_space<vmem>>, vector<16xf32>,
            tpu.vector_store %arg11[%swap3A_523, %swap3A_524, %swap3A_525], %mul3A_521 {strides = array<i32>} : memref<2x128x128xf32, #tpu.memory_space<vmem>>, vector<16xf32>,
            %get3A_527 = arith.constant 1 : i32
            %get3A_528 = arith.index_cast %get3A_527 : i32 to index
            %get3A_529 = arith.index_cast %add3A_515 : i32 to index
            %get3A_530 = arith.constant 16 : index
            %get3A_531 = tpu.vector_load %arg11[%get3A_528, %get3A_529, %get3A_530] {strides = array<i32>} : memref<2x128x128xf32, #tpu.memory_space<vmem>>, vector<16xf32>,
            %mul3A_532 = arith.mulf %get3A_531, %gather3A_511 : vector<16xf32>
            %swap3A_533 = arith.constant 1 : i32
            %swap3A_534 = arith.index_cast %swap3A_533 : i32 to index
            %swap3A_535 = arith.index_cast %add3A_515 : i32 to index
            %swap3A_536 = arith.constant 16 : index
            %swap3A_537 = tpu.vector_load %arg11[%swap3A_534, %swap3A_535, %swap3A_536] {strides = array<i32>} : memref<2x128x128xf32, #tpu.memory_space<vmem>>, vector<16xf32>,
            tpu.vector_store %arg11[%swap3A_534, %swap3A_535, %swap3A_536], %mul3A_532 {strides = array<i32>} : memref<2x128x128xf32, #tpu.memory_space<vmem>>, vector<16xf32>,
            %get3A_538 = arith.constant 1 : i32
            %get3A_539 = arith.index_cast %get3A_538 : i32 to index
            %get3A_540 = arith.index_cast %add3A_515 : i32 to index
            %get3A_541 = arith.constant 32 : index
            %get3A_542 = tpu.vector_load %arg11[%get3A_539, %get3A_540, %get3A_541] {strides = array<i32>} : memref<2x128x128xf32, #tpu.memory_space<vmem>>, vector<16xf32>,
            %mul3A_543 = arith.mulf %get3A_542, %gather3A_511 : vector<16xf32>
            %swap3A_544 = arith.constant 1 : i32
            %swap3A_545 = arith.index_cast %swap3A_544 : i32 to index
            %swap3A_546 = arith.index_cast %add3A_515 : i32 to index
            %swap3A_547 = arith.constant 32 : index
            %swap3A_548 = tpu.vector_load %arg11[%swap3A_545, %swap3A_546, %swap3A_547] {strides = array<i32>} : memref<2x128x128xf32, #tpu.memory_space<vmem>>, vector<16xf32>,
            tpu.vector_store %arg11[%swap3A_545, %swap3A_546, %swap3A_547], %mul3A_543 {strides = array<i32>} : memref<2x128x128xf32, #tpu.memory_space<vmem>>, vector<16xf32>,
            %get3A_549 = arith.constant 1 : i32
            %get3A_550 = arith.index_cast %get3A_549 : i32 to index
            %get3A_551 = arith.index_cast %add3A_515 : i32 to index
            %get3A_552 = arith.constant 48 : index
            %get3A_553 = tpu.vector_load %arg11[%get3A_550, %get3A_551, %get3A_552] {strides = array<i32>} : memref<2x128x128xf32, #tpu.memory_space<vmem>>, vector<16xf32>,
            %mul3A_554 = arith.mulf %get3A_553, %gather3A_511 : vector<16xf32>
            %swap3A_555 = arith.constant 1 : i32
            %swap3A_556 = arith.index_cast %swap3A_555 : i32 to index
            %swap3A_557 = arith.index_cast %add3A_515 : i32 to index
            %swap3A_558 = arith.constant 48 : index
            %swap3A_559 = tpu.vector_load %arg11[%swap3A_556, %swap3A_557, %swap3A_558] {strides = array<i32>} : memref<2x128x128xf32, #tpu.memory_space<vmem>>, vector<16xf32>,
            tpu.vector_store %arg11[%swap3A_556, %swap3A_557, %swap3A_558], %mul3A_554 {strides = array<i32>} : memref<2x128x128xf32, #tpu.memory_space<vmem>>, vector<16xf32>,
            %get3A_560 = arith.constant 1 : i32
            %get3A_561 = arith.index_cast %get3A_560 : i32 to index
            %get3A_562 = arith.index_cast %add3A_515 : i32 to index
            %get3A_563 = arith.constant 64 : index
            %get3A_564 = tpu.vector_load %arg11[%get3A_561, %get3A_562, %get3A_563] {strides = array<i32>} : memref<2x128x128xf32, #tpu.memory_space<vmem>>, vector<16xf32>,
            %mul3A_565 = arith.mulf %get3A_564, %gather3A_511 : vector<16xf32>
            %swap3A_566 = arith.constant 1 : i32
            %swap3A_567 = arith.index_cast %swap3A_566 : i32 to index
            %swap3A_568 = arith.index_cast %add3A_515 : i32 to index
            %swap3A_569 = arith.constant 64 : index
            %swap3A_570 = tpu.vector_load %arg11[%swap3A_567, %swap3A_568, %swap3A_569] {strides = array<i32>} : memref<2x128x128xf32, #tpu.memory_space<vmem>>, vector<16xf32>,
            tpu.vector_store %arg11[%swap3A_567, %swap3A_568, %swap3A_569], %mul3A_565 {strides = array<i32>} : memref<2x128x128xf32, #tpu.memory_space<vmem>>, vector<16xf32>,
            %get3A_571 = arith.constant 1 : i32
            %get3A_572 = arith.index_cast %get3A_571 : i32 to index
            %get3A_573 = arith.index_cast %add3A_515 : i32 to index
            %get3A_574 = arith.constant 80 : index
            %get3A_575 = tpu.vector_load %arg11[%get3A_572, %get3A_573, %get3A_574] {strides = array<i32>} : memref<2x128x128xf32, #tpu.memory_space<vmem>>, vector<16xf32>,
            %mul3A_576 = arith.mulf %get3A_575, %gather3A_511 : vector<16xf32>
            %swap3A_577 = arith.constant 1 : i32
            %swap3A_578 = arith.index_cast %swap3A_577 : i32 to index
            %swap3A_579 = arith.index_cast %add3A_515 : i32 to index
            %swap3A_580 = arith.constant 80 : index
            %swap3A_581 = tpu.vector_load %arg11[%swap3A_578, %swap3A_579, %swap3A_580] {strides = array<i32>} : memref<2x128x128xf32, #tpu.memory_space<vmem>>, vector<16xf32>,
            tpu.vector_store %arg11[%swap3A_578, %swap3A_579, %swap3A_580], %mul3A_576 {strides = array<i32>} : memref<2x128x128xf32, #tpu.memory_space<vmem>>, vector<16xf32>,
            %get3A_582 = arith.constant 1 : i32
            %get3A_583 = arith.index_cast %get3A_582 : i32 to index
            %get3A_584 = arith.index_cast %add3A_515 : i32 to index
            %get3A_585 = arith.constant 96 : index
            %get3A_586 = tpu.vector_load %arg11[%get3A_583, %get3A_584, %get3A_585] {strides = array<i32>} : memref<2x128x128xf32, #tpu.memory_space<vmem>>, vector<16xf32>,
            %mul3A_587 = arith.mulf %get3A_586, %gather3A_511 : vector<16xf32>
            %swap3A_588 = arith.constant 1 : i32
            %swap3A_589 = arith.index_cast %swap3A_588 : i32 to index
            %swap3A_590 = arith.index_cast %add3A_515 : i32 to index
            %swap3A_591 = arith.constant 96 : index
            %swap3A_592 = tpu.vector_load %arg11[%swap3A_589, %swap3A_590, %swap3A_591] {strides = array<i32>} : memref<2x128x128xf32, #tpu.memory_space<vmem>>, vector<16xf32>,
            tpu.vector_store %arg11[%swap3A_589, %swap3A_590, %swap3A_591], %mul3A_587 {strides = array<i32>} : memref<2x128x128xf32, #tpu.memory_space<vmem>>, vector<16xf32>,
            %get3A_593 = arith.constant 1 : i32
            %get3A_594 = arith.index_cast %get3A_593 : i32 to index
            %get3A_595 = arith.index_cast %add3A_515 : i32 to index
            %get3A_596 = arith.constant 112 : index
            %get3A_597 = tpu.vector_load %arg11[%get3A_594, %get3A_595, %get3A_596] {strides = array<i32>} : memref<2x128x128xf32, #tpu.memory_space<vmem>>, vector<16xf32>,
            %mul3A_598 = arith.mulf %get3A_597, %gather3A_511 : vector<16xf32>
            %swap3A_599 = arith.constant 1 : i32
            %swap3A_600 = arith.index_cast %swap3A_599 : i32 to index
            %swap3A_601 = arith.index_cast %add3A_515 : i32 to index
            %swap3A_602 = arith.constant 112 : index
            %swap3A_603 = tpu.vector_load %arg11[%swap3A_600, %swap3A_601, %swap3A_602] {strides = array<i32>} : memref<2x128x128xf32, #tpu.memory_space<vmem>>, vector<16xf32>,
            tpu.vector_store %arg11[%swap3A_600, %swap3A_601, %swap3A_602], %mul3A_598 {strides = array<i32>} : memref<2x128x128xf32, #tpu.memory_space<vmem>>, vector<16xf32>,
            %broadcast_in_dim3A_604 = arith.constant 3 : i32
            %broadcast_in_dim3A_605 = vector.broadcast %broadcast_in_dim3A_604 : i32 to vector<16x1xi32>
            %gather3A_606 = vector.shape_cast %broadcast_in_dim3A_605 : vector<16x1xi32> to vector<16xi32>
            %gather3A_607 = tpu.dynamic_gather %get3A_317[%gather3A_606] in [0] : vector<16xf32>, vector<16xi32> -> vector<16xf32>
            %mul3A_608 = arith.constant 16 : i32
            %mul3A_609 = arith.muli %scan3A_312, %mul3A_608 : i32
            %add3A_610 = arith.constant 3 : i32
            %add3A_611 = arith.addi %mul3A_609, %add3A_610 : i32
            %get3A_612 = arith.constant 1 : i32
            %get3A_613 = arith.index_cast %get3A_612 : i32 to index
            %get3A_614 = arith.index_cast %add3A_611 : i32 to index
            %get3A_615 = arith.constant 0 : index
            %get3A_616 = tpu.vector_load %arg11[%get3A_613, %get3A_614, %get3A_615] {strides = array<i32>} : memref<2x128x128xf32, #tpu.memory_space<vmem>>, vector<16xf32>,
            %mul3A_617 = arith.mulf %get3A_616, %gather3A_607 : vector<16xf32>
            %swap3A_618 = arith.constant 1 : i32
            %swap3A_619 = arith.index_cast %swap3A_618 : i32 to index
            %swap3A_620 = arith.index_cast %add3A_611 : i32 to index
            %swap3A_621 = arith.constant 0 : index
            %swap3A_622 = tpu.vector_load %arg11[%swap3A_619, %swap3A_620, %swap3A_621] {strides = array<i32>} : memref<2x128x128xf32, #tpu.memory_space<vmem>>, vector<16xf32>,
            tpu.vector_store %arg11[%swap3A_619, %swap3A_620, %swap3A_621], %mul3A_617 {strides = array<i32>} : memref<2x128x128xf32, #tpu.memory_space<vmem>>, vector<16xf32>,
            %get3A_623 = arith.constant 1 : i32
            %get3A_624 = arith.index_cast %get3A_623 : i32 to index
            %get3A_625 = arith.index_cast %add3A_611 : i32 to index
            %get3A_626 = arith.constant 16 : index
            %get3A_627 = tpu.vector_load %arg11[%get3A_624, %get3A_625, %get3A_626] {strides = array<i32>} : memref<2x128x128xf32, #tpu.memory_space<vmem>>, vector<16xf32>,
            %mul3A_628 = arith.mulf %get3A_627, %gather3A_607 : vector<16xf32>
            %swap3A_629 = arith.constant 1 : i32
            %swap3A_630 = arith.index_cast %swap3A_629 : i32 to index
            %swap3A_631 = arith.index_cast %add3A_611 : i32 to index
            %swap3A_632 = arith.constant 16 : index
            %swap3A_633 = tpu.vector_load %arg11[%swap3A_630, %swap3A_631, %swap3A_632] {strides = array<i32>} : memref<2x128x128xf32, #tpu.memory_space<vmem>>, vector<16xf32>,
            tpu.vector_store %arg11[%swap3A_630, %swap3A_631, %swap3A_632], %mul3A_628 {strides = array<i32>} : memref<2x128x128xf32, #tpu.memory_space<vmem>>, vector<16xf32>,
            %get3A_634 = arith.constant 1 : i32
            %get3A_635 = arith.index_cast %get3A_634 : i32 to index
            %get3A_636 = arith.index_cast %add3A_611 : i32 to index
            %get3A_637 = arith.constant 32 : index
            %get3A_638 = tpu.vector_load %arg11[%get3A_635, %get3A_636, %get3A_637] {strides = array<i32>} : memref<2x128x128xf32, #tpu.memory_space<vmem>>, vector<16xf32>,
            %mul3A_639 = arith.mulf %get3A_638, %gather3A_607 : vector<16xf32>
            %swap3A_640 = arith.constant 1 : i32
            %swap3A_641 = arith.index_cast %swap3A_640 : i32 to index
            %swap3A_642 = arith.index_cast %add3A_611 : i32 to index
            %swap3A_643 = arith.constant 32 : index
            %swap3A_644 = tpu.vector_load %arg11[%swap3A_641, %swap3A_642, %swap3A_643] {strides = array<i32>} : memref<2x128x128xf32, #tpu.memory_space<vmem>>, vector<16xf32>,
            tpu.vector_store %arg11[%swap3A_641, %swap3A_642, %swap3A_643], %mul3A_639 {strides = array<i32>} : memref<2x128x128xf32, #tpu.memory_space<vmem>>, vector<16xf32>,
            %get3A_645 = arith.constant 1 : i32
            %get3A_646 = arith.index_cast %get3A_645 : i32 to index
            %get3A_647 = arith.index_cast %add3A_611 : i32 to index
            %get3A_648 = arith.constant 48 : index
            %get3A_649 = tpu.vector_load %arg11[%get3A_646, %get3A_647, %get3A_648] {strides = array<i32>} : memref<2x128x128xf32, #tpu.memory_space<vmem>>, vector<16xf32>,
            %mul3A_650 = arith.mulf %get3A_649, %gather3A_607 : vector<16xf32>
            %swap3A_651 = arith.constant 1 : i32
            %swap3A_652 = arith.index_cast %swap3A_651 : i32 to index
            %swap3A_653 = arith.index_cast %add3A_611 : i32 to index
            %swap3A_654 = arith.constant 48 : index
            %swap3A_655 = tpu.vector_load %arg11[%swap3A_652, %swap3A_653, %swap3A_654] {strides = array<i32>} : memref<2x128x128xf32, #tpu.memory_space<vmem>>, vector<16xf32>,
            tpu.vector_store %arg11[%swap3A_652, %swap3A_653, %swap3A_654], %mul3A_650 {strides = array<i32>} : memref<2x128x128xf32, #tpu.memory_space<vmem>>, vector<16xf32>,
            %get3A_656 = arith.constant 1 : i32
            %get3A_657 = arith.index_cast %get3A_656 : i32 to index
            %get3A_658 = arith.index_cast %add3A_611 : i32 to index
            %get3A_659 = arith.constant 64 : index
            %get3A_660 = tpu.vector_load %arg11[%get3A_657, %get3A_658, %get3A_659] {strides = array<i32>} : memref<2x128x128xf32, #tpu.memory_space<vmem>>, vector<16xf32>,
            %mul3A_661 = arith.mulf %get3A_660, %gather3A_607 : vector<16xf32>
            %swap3A_662 = arith.constant 1 : i32
            %swap3A_663 = arith.index_cast %swap3A_662 : i32 to index
            %swap3A_664 = arith.index_cast %add3A_611 : i32 to index
            %swap3A_665 = arith.constant 64 : index
            %swap3A_666 = tpu.vector_load %arg11[%swap3A_663, %swap3A_664, %swap3A_665] {strides = array<i32>} : memref<2x128x128xf32, #tpu.memory_space<vmem>>, vector<16xf32>,
            tpu.vector_store %arg11[%swap3A_663, %swap3A_664, %swap3A_665], %mul3A_661 {strides = array<i32>} : memref<2x128x128xf32, #tpu.memory_space<vmem>>, vector<16xf32>,
            %get3A_667 = arith.constant 1 : i32
            %get3A_668 = arith.index_cast %get3A_667 : i32 to index
            %get3A_669 = arith.index_cast %add3A_611 : i32 to index
            %get3A_670 = arith.constant 80 : index
            %get3A_671 = tpu.vector_load %arg11[%get3A_668, %get3A_669, %get3A_670] {strides = array<i32>} : memref<2x128x128xf32, #tpu.memory_space<vmem>>, vector<16xf32>,
            %mul3A_672 = arith.mulf %get3A_671, %gather3A_607 : vector<16xf32>
            %swap3A_673 = arith.constant 1 : i32
            %swap3A_674 = arith.index_cast %swap3A_673 : i32 to index
            %swap3A_675 = arith.index_cast %add3A_611 : i32 to index
            %swap3A_676 = arith.constant 80 : index
            %swap3A_677 = tpu.vector_load %arg11[%swap3A_674, %swap3A_675, %swap3A_676] {strides = array<i32>} : memref<2x128x128xf32, #tpu.memory_space<vmem>>, vector<16xf32>,
            tpu.vector_store %arg11[%swap3A_674, %swap3A_675, %swap3A_676], %mul3A_672 {strides = array<i32>} : memref<2x128x128xf32, #tpu.memory_space<vmem>>, vector<16xf32>,
            %get3A_678 = arith.constant 1 : i32
            %get3A_679 = arith.index_cast %get3A_678 : i32 to index
            %get3A_680 = arith.index_cast %add3A_611 : i32 to index
            %get3A_681 = arith.constant 96 : index
            %get3A_682 = tpu.vector_load %arg11[%get3A_679, %get3A_680, %get3A_681] {strides = array<i32>} : memref<2x128x128xf32, #tpu.memory_space<vmem>>, vector<16xf32>,
            %mul3A_683 = arith.mulf %get3A_682, %gather3A_607 : vector<16xf32>
            %swap3A_684 = arith.constant 1 : i32
            %swap3A_685 = arith.index_cast %swap3A_684 : i32 to index
            %swap3A_686 = arith.index_cast %add3A_611 : i32 to index
            %swap3A_687 = arith.constant 96 : index
            %swap3A_688 = tpu.vector_load %arg11[%swap3A_685, %swap3A_686, %swap3A_687] {strides = array<i32>} : memref<2x128x128xf32, #tpu.memory_space<vmem>>, vector<16xf32>,
            tpu.vector_store %arg11[%swap3A_685, %swap3A_686, %swap3A_687], %mul3A_683 {strides = array<i32>} : memref<2x128x128xf32, #tpu.memory_space<vmem>>, vector<16xf32>,
            %get3A_689 = arith.constant 1 : i32
            %get3A_690 = arith.index_cast %get3A_689 : i32 to index
            %get3A_691 = arith.index_cast %add3A_611 : i32 to index
            %get3A_692 = arith.constant 112 : index
            %get3A_693 = tpu.vector_load %arg11[%get3A_690, %get3A_691, %get3A_692] {strides = array<i32>} : memref<2x128x128xf32, #tpu.memory_space<vmem>>, vector<16xf32>,
            %mul3A_694 = arith.mulf %get3A_693, %gather3A_607 : vector<16xf32>
            %swap3A_695 = arith.constant 1 : i32
            %swap3A_696 = arith.index_cast %swap3A_695 : i32 to index
            %swap3A_697 = arith.index_cast %add3A_611 : i32 to index
            %swap3A_698 = arith.constant 112 : index
            %swap3A_699 = tpu.vector_load %arg11[%swap3A_696, %swap3A_697, %swap3A_698] {strides = array<i32>} : memref<2x128x128xf32, #tpu.memory_space<vmem>>, vector<16xf32>,
            tpu.vector_store %arg11[%swap3A_696, %swap3A_697, %swap3A_698], %mul3A_694 {strides = array<i32>} : memref<2x128x128xf32, #tpu.memory_space<vmem>>, vector<16xf32>,
            %broadcast_in_dim3A_700 = arith.constant 4 : i32
            %broadcast_in_dim3A_701 = vector.broadcast %broadcast_in_dim3A_700 : i32 to vector<16x1xi32>
            %gather3A_702 = vector.shape_cast %broadcast_in_dim3A_701 : vector<16x1xi32> to vector<16xi32>
            %gather3A_703 = tpu.dynamic_gather %get3A_317[%gather3A_702] in [0] : vector<16xf32>, vector<16xi32> -> vector<16xf32>
            %mul3A_704 = arith.constant 16 : i32
            %mul3A_705 = arith.muli %scan3A_312, %mul3A_704 : i32
            %add3A_706 = arith.constant 4 : i32
            %add3A_707 = arith.addi %mul3A_705, %add3A_706 : i32
            %get3A_708 = arith.constant 1 : i32
            %get3A_709 = arith.index_cast %get3A_708 : i32 to index
            %get3A_710 = arith.index_cast %add3A_707 : i32 to index
            %get3A_711 = arith.constant 0 : index
            %get3A_712 = tpu.vector_load %arg11[%get3A_709, %get3A_710, %get3A_711] {strides = array<i32>} : memref<2x128x128xf32, #tpu.memory_space<vmem>>, vector<16xf32>,
            %mul3A_713 = arith.mulf %get3A_712, %gather3A_703 : vector<16xf32>
            %swap3A_714 = arith.constant 1 : i32
            %swap3A_715 = arith.index_cast %swap3A_714 : i32 to index
            %swap3A_716 = arith.index_cast %add3A_707 : i32 to index
            %swap3A_717 = arith.constant 0 : index
            %swap3A_718 = tpu.vector_load %arg11[%swap3A_715, %swap3A_716, %swap3A_717] {strides = array<i32>} : memref<2x128x128xf32, #tpu.memory_space<vmem>>, vector<16xf32>,
            tpu.vector_store %arg11[%swap3A_715, %swap3A_716, %swap3A_717], %mul3A_713 {strides = array<i32>} : memref<2x128x128xf32, #tpu.memory_space<vmem>>, vector<16xf32>,
            %get3A_719 = arith.constant 1 : i32
            %get3A_720 = arith.index_cast %get3A_719 : i32 to index
            %get3A_721 = arith.index_cast %add3A_707 : i32 to index
            %get3A_722 = arith.constant 16 : index
            %get3A_723 = tpu.vector_load %arg11[%get3A_720, %get3A_721, %get3A_722] {strides = array<i32>} : memref<2x128x128xf32, #tpu.memory_space<vmem>>, vector<16xf32>,
            %mul3A_724 = arith.mulf %get3A_723, %gather3A_703 : vector<16xf32>
            %swap3A_725 = arith.constant 1 : i32
            %swap3A_726 = arith.index_cast %swap3A_725 : i32 to index
            %swap3A_727 = arith.index_cast %add3A_707 : i32 to index
            %swap3A_728 = arith.constant 16 : index
            %swap3A_729 = tpu.vector_load %arg11[%swap3A_726, %swap3A_727, %swap3A_728] {strides = array<i32>} : memref<2x128x128xf32, #tpu.memory_space<vmem>>, vector<16xf32>,
            tpu.vector_store %arg11[%swap3A_726, %swap3A_727, %swap3A_728], %mul3A_724 {strides = array<i32>} : memref<2x128x128xf32, #tpu.memory_space<vmem>>, vector<16xf32>,
            %get3A_730 = arith.constant 1 : i32
            %get3A_731 = arith.index_cast %get3A_730 : i32 to index
            %get3A_732 = arith.index_cast %add3A_707 : i32 to index
            %get3A_733 = arith.constant 32 : index
            %get3A_734 = tpu.vector_load %arg11[%get3A_731, %get3A_732, %get3A_733] {strides = array<i32>} : memref<2x128x128xf32, #tpu.memory_space<vmem>>, vector<16xf32>,
            %mul3A_735 = arith.mulf %get3A_734, %gather3A_703 : vector<16xf32>
            %swap3A_736 = arith.constant 1 : i32
            %swap3A_737 = arith.index_cast %swap3A_736 : i32 to index
            %swap3A_738 = arith.index_cast %add3A_707 : i32 to index
            %swap3A_739 = arith.constant 32 : index
            %swap3A_740 = tpu.vector_load %arg11[%swap3A_737, %swap3A_738, %swap3A_739] {strides = array<i32>} : memref<2x128x128xf32, #tpu.memory_space<vmem>>, vector<16xf32>,
            tpu.vector_store %arg11[%swap3A_737, %swap3A_738, %swap3A_739], %mul3A_735 {strides = array<i32>} : memref<2x128x128xf32, #tpu.memory_space<vmem>>, vector<16xf32>,
            %get3A_741 = arith.constant 1 : i32
            %get3A_742 = arith.index_cast %get3A_741 : i32 to index
            %get3A_743 = arith.index_cast %add3A_707 : i32 to index
            %get3A_744 = arith.constant 48 : index
            %get3A_745 = tpu.vector_load %arg11[%get3A_742, %get3A_743, %get3A_744] {strides = array<i32>} : memref<2x128x128xf32, #tpu.memory_space<vmem>>, vector<16xf32>,
            %mul3A_746 = arith.mulf %get3A_745, %gather3A_703 : vector<16xf32>
            %swap3A_747 = arith.constant 1 : i32
            %swap3A_748 = arith.index_cast %swap3A_747 : i32 to index
            %swap3A_749 = arith.index_cast %add3A_707 : i32 to index
            %swap3A_750 = arith.constant 48 : index
            %swap3A_751 = tpu.vector_load %arg11[%swap3A_748, %swap3A_749, %swap3A_750] {strides = array<i32>} : memref<2x128x128xf32, #tpu.memory_space<vmem>>, vector<16xf32>,
            tpu.vector_store %arg11[%swap3A_748, %swap3A_749, %swap3A_750], %mul3A_746 {strides = array<i32>} : memref<2x128x128xf32, #tpu.memory_space<vmem>>, vector<16xf32>,
            %get3A_752 = arith.constant 1 : i32
            %get3A_753 = arith.index_cast %get3A_752 : i32 to index
            %get3A_754 = arith.index_cast %add3A_707 : i32 to index
            %get3A_755 = arith.constant 64 : index
            %get3A_756 = tpu.vector_load %arg11[%get3A_753, %get3A_754, %get3A_755] {strides = array<i32>} : memref<2x128x128xf32, #tpu.memory_space<vmem>>, vector<16xf32>,
            %mul3A_757 = arith.mulf %get3A_756, %gather3A_703 : vector<16xf32>
            %swap3A_758 = arith.constant 1 : i32
            %swap3A_759 = arith.index_cast %swap3A_758 : i32 to index
            %swap3A_760 = arith.index_cast %add3A_707 : i32 to index
            %swap3A_761 = arith.constant 64 : index
            %swap3A_762 = tpu.vector_load %arg11[%swap3A_759, %swap3A_760, %swap3A_761] {strides = array<i32>} : memref<2x128x128xf32, #tpu.memory_space<vmem>>, vector<16xf32>,
            tpu.vector_store %arg11[%swap3A_759, %swap3A_760, %swap3A_761], %mul3A_757 {strides = array<i32>} : memref<2x128x128xf32, #tpu.memory_space<vmem>>, vector<16xf32>,
            %get3A_763 = arith.constant 1 : i32
            %get3A_764 = arith.index_cast %get3A_763 : i32 to index
            %get3A_765 = arith.index_cast %add3A_707 : i32 to index
            %get3A_766 = arith.constant 80 : index
            %get3A_767 = tpu.vector_load %arg11[%get3A_764, %get3A_765, %get3A_766] {strides = array<i32>} : memref<2x128x128xf32, #tpu.memory_space<vmem>>, vector<16xf32>,
            %mul3A_768 = arith.mulf %get3A_767, %gather3A_703 : vector<16xf32>
            %swap3A_769 = arith.constant 1 : i32
            %swap3A_770 = arith.index_cast %swap3A_769 : i32 to index
            %swap3A_771 = arith.index_cast %add3A_707 : i32 to index
            %swap3A_772 = arith.constant 80 : index
            %swap3A_773 = tpu.vector_load %arg11[%swap3A_770, %swap3A_771, %swap3A_772] {strides = array<i32>} : memref<2x128x128xf32, #tpu.memory_space<vmem>>, vector<16xf32>,
            tpu.vector_store %arg11[%swap3A_770, %swap3A_771, %swap3A_772], %mul3A_768 {strides = array<i32>} : memref<2x128x128xf32, #tpu.memory_space<vmem>>, vector<16xf32>,
            %get3A_774 = arith.constant 1 : i32
            %get3A_775 = arith.index_cast %get3A_774 : i32 to index
            %get3A_776 = arith.index_cast %add3A_707 : i32 to index
            %get3A_777 = arith.constant 96 : index
            %get3A_778 = tpu.vector_load %arg11[%get3A_775, %get3A_776, %get3A_777] {strides = array<i32>} : memref<2x128x128xf32, #tpu.memory_space<vmem>>, vector<16xf32>,
            %mul3A_779 = arith.mulf %get3A_778, %gather3A_703 : vector<16xf32>
            %swap3A_780 = arith.constant 1 : i32
            %swap3A_781 = arith.index_cast %swap3A_780 : i32 to index
            %swap3A_782 = arith.index_cast %add3A_707 : i32 to index
            %swap3A_783 = arith.constant 96 : index
            %swap3A_784 = tpu.vector_load %arg11[%swap3A_781, %swap3A_782, %swap3A_783] {strides = array<i32>} : memref<2x128x128xf32, #tpu.memory_space<vmem>>, vector<16xf32>,
            tpu.vector_store %arg11[%swap3A_781, %swap3A_782, %swap3A_783], %mul3A_779 {strides = array<i32>} : memref<2x128x128xf32, #tpu.memory_space<vmem>>, vector<16xf32>,
            %get3A_785 = arith.constant 1 : i32
            %get3A_786 = arith.index_cast %get3A_785 : i32 to index
            %get3A_787 = arith.index_cast %add3A_707 : i32 to index
            %get3A_788 = arith.constant 112 : index
            %get3A_789 = tpu.vector_load %arg11[%get3A_786, %get3A_787, %get3A_788] {strides = array<i32>} : memref<2x128x128xf32, #tpu.memory_space<vmem>>, vector<16xf32>,
            %mul3A_790 = arith.mulf %get3A_789, %gather3A_703 : vector<16xf32>
            %swap3A_791 = arith.constant 1 : i32
            %swap3A_792 = arith.index_cast %swap3A_791 : i32 to index
            %swap3A_793 = arith.index_cast %add3A_707 : i32 to index
            %swap3A_794 = arith.constant 112 : index
            %swap3A_795 = tpu.vector_load %arg11[%swap3A_792, %swap3A_793, %swap3A_794] {strides = array<i32>} : memref<2x128x128xf32, #tpu.memory_space<vmem>>, vector<16xf32>,
            tpu.vector_store %arg11[%swap3A_792, %swap3A_793, %swap3A_794], %mul3A_790 {strides = array<i32>} : memref<2x128x128xf32, #tpu.memory_space<vmem>>, vector<16xf32>,
            %broadcast_in_dim3A_796 = arith.constant 5 : i32
            %broadcast_in_dim3A_797 = vector.broadcast %broadcast_in_dim3A_796 : i32 to vector<16x1xi32>
            %gather3A_798 = vector.shape_cast %broadcast_in_dim3A_797 : vector<16x1xi32> to vector<16xi32>
            %gather3A_799 = tpu.dynamic_gather %get3A_317[%gather3A_798] in [0] : vector<16xf32>, vector<16xi32> -> vector<16xf32>
            %mul3A_800 = arith.constant 16 : i32
            %mul3A_801 = arith.muli %scan3A_312, %mul3A_800 : i32
            %add3A_802 = arith.constant 5 : i32
            %add3A_803 = arith.addi %mul3A_801, %add3A_802 : i32
            %get3A_804 = arith.constant 1 : i32
            %get3A_805 = arith.index_cast %get3A_804 : i32 to index
            %get3A_806 = arith.index_cast %add3A_803 : i32 to index
            %get3A_807 = arith.constant 0 : index
            %get3A_808 = tpu.vector_load %arg11[%get3A_805, %get3A_806, %get3A_807] {strides = array<i32>} : memref<2x128x128xf32, #tpu.memory_space<vmem>>, vector<16xf32>,
            %mul3A_809 = arith.mulf %get3A_808, %gather3A_799 : vector<16xf32>
            %swap3A_810 = arith.constant 1 : i32
            %swap3A_811 = arith.index_cast %swap3A_810 : i32 to index
            %swap3A_812 = arith.index_cast %add3A_803 : i32 to index
            %swap3A_813 = arith.constant 0 : index
            %swap3A_814 = tpu.vector_load %arg11[%swap3A_811, %swap3A_812, %swap3A_813] {strides = array<i32>} : memref<2x128x128xf32, #tpu.memory_space<vmem>>, vector<16xf32>,
            tpu.vector_store %arg11[%swap3A_811, %swap3A_812, %swap3A_813], %mul3A_809 {strides = array<i32>} : memref<2x128x128xf32, #tpu.memory_space<vmem>>, vector<16xf32>,
            %get3A_815 = arith.constant 1 : i32
            %get3A_816 = arith.index_cast %get3A_815 : i32 to index
            %get3A_817 = arith.index_cast %add3A_803 : i32 to index
            %get3A_818 = arith.constant 16 : index
            %get3A_819 = tpu.vector_load %arg11[%get3A_816, %get3A_817, %get3A_818] {strides = array<i32>} : memref<2x128x128xf32, #tpu.memory_space<vmem>>, vector<16xf32>,
            %mul3A_820 = arith.mulf %get3A_819, %gather3A_799 : vector<16xf32>
            %swap3A_821 = arith.constant 1 : i32
            %swap3A_822 = arith.index_cast %swap3A_821 : i32 to index
            %swap3A_823 = arith.index_cast %add3A_803 : i32 to index
            %swap3A_824 = arith.constant 16 : index
            %swap3A_825 = tpu.vector_load %arg11[%swap3A_822, %swap3A_823, %swap3A_824] {strides = array<i32>} : memref<2x128x128xf32, #tpu.memory_space<vmem>>, vector<16xf32>,
            tpu.vector_store %arg11[%swap3A_822, %swap3A_823, %swap3A_824], %mul3A_820 {strides = array<i32>} : memref<2x128x128xf32, #tpu.memory_space<vmem>>, vector<16xf32>,
            %get3A_826 = arith.constant 1 : i32
            %get3A_827 = arith.index_cast %get3A_826 : i32 to index
            %get3A_828 = arith.index_cast %add3A_803 : i32 to index
            %get3A_829 = arith.constant 32 : index
            %get3A_830 = tpu.vector_load %arg11[%get3A_827, %get3A_828, %get3A_829] {strides = array<i32>} : memref<2x128x128xf32, #tpu.memory_space<vmem>>, vector<16xf32>,
            %mul3A_831 = arith.mulf %get3A_830, %gather3A_799 : vector<16xf32>
            %swap3A_832 = arith.constant 1 : i32
            %swap3A_833 = arith.index_cast %swap3A_832 : i32 to index
            %swap3A_834 = arith.index_cast %add3A_803 : i32 to index
            %swap3A_835 = arith.constant 32 : index
            %swap3A_836 = tpu.vector_load %arg11[%swap3A_833, %swap3A_834, %swap3A_835] {strides = array<i32>} : memref<2x128x128xf32, #tpu.memory_space<vmem>>, vector<16xf32>,
            tpu.vector_store %arg11[%swap3A_833, %swap3A_834, %swap3A_835], %mul3A_831 {strides = array<i32>} : memref<2x128x128xf32, #tpu.memory_space<vmem>>, vector<16xf32>,
            %get3A_837 = arith.constant 1 : i32
            %get3A_838 = arith.index_cast %get3A_837 : i32 to index
            %get3A_839 = arith.index_cast %add3A_803 : i32 to index
            %get3A_840 = arith.constant 48 : index
            %get3A_841 = tpu.vector_load %arg11[%get3A_838, %get3A_839, %get3A_840] {strides = array<i32>} : memref<2x128x128xf32, #tpu.memory_space<vmem>>, vector<16xf32>,
            %mul3A_842 = arith.mulf %get3A_841, %gather3A_799 : vector<16xf32>
            %swap3A_843 = arith.constant 1 : i32
            %swap3A_844 = arith.index_cast %swap3A_843 : i32 to index
            %swap3A_845 = arith.index_cast %add3A_803 : i32 to index
            %swap3A_846 = arith.constant 48 : index
            %swap3A_847 = tpu.vector_load %arg11[%swap3A_844, %swap3A_845, %swap3A_846] {strides = array<i32>} : memref<2x128x128xf32, #tpu.memory_space<vmem>>, vector<16xf32>,
            tpu.vector_store %arg11[%swap3A_844, %swap3A_845, %swap3A_846], %mul3A_842 {strides = array<i32>} : memref<2x128x128xf32, #tpu.memory_space<vmem>>, vector<16xf32>,
            %get3A_848 = arith.constant 1 : i32
            %get3A_849 = arith.index_cast %get3A_848 : i32 to index
            %get3A_850 = arith.index_cast %add3A_803 : i32 to index
            %get3A_851 = arith.constant 64 : index
            %get3A_852 = tpu.vector_load %arg11[%get3A_849, %get3A_850, %get3A_851] {strides = array<i32>} : memref<2x128x128xf32, #tpu.memory_space<vmem>>, vector<16xf32>,
            %mul3A_853 = arith.mulf %get3A_852, %gather3A_799 : vector<16xf32>
            %swap3A_854 = arith.constant 1 : i32
            %swap3A_855 = arith.index_cast %swap3A_854 : i32 to index
            %swap3A_856 = arith.index_cast %add3A_803 : i32 to index
            %swap3A_857 = arith.constant 64 : index
            %swap3A_858 = tpu.vector_load %arg11[%swap3A_855, %swap3A_856, %swap3A_857] {strides = array<i32>} : memref<2x128x128xf32, #tpu.memory_space<vmem>>, vector<16xf32>,
            tpu.vector_store %arg11[%swap3A_855, %swap3A_856, %swap3A_857], %mul3A_853 {strides = array<i32>} : memref<2x128x128xf32, #tpu.memory_space<vmem>>, vector<16xf32>,
            %get3A_859 = arith.constant 1 : i32
            %get3A_860 = arith.index_cast %get3A_859 : i32 to index
            %get3A_861 = arith.index_cast %add3A_803 : i32 to index
            %get3A_862 = arith.constant 80 : index
            %get3A_863 = tpu.vector_load %arg11[%get3A_860, %get3A_861, %get3A_862] {strides = array<i32>} : memref<2x128x128xf32, #tpu.memory_space<vmem>>, vector<16xf32>,
            %mul3A_864 = arith.mulf %get3A_863, %gather3A_799 : vector<16xf32>
            %swap3A_865 = arith.constant 1 : i32
            %swap3A_866 = arith.index_cast %swap3A_865 : i32 to index
            %swap3A_867 = arith.index_cast %add3A_803 : i32 to index
            %swap3A_868 = arith.constant 80 : index
            %swap3A_869 = tpu.vector_load %arg11[%swap3A_866, %swap3A_867, %swap3A_868] {strides = array<i32>} : memref<2x128x128xf32, #tpu.memory_space<vmem>>, vector<16xf32>,
            tpu.vector_store %arg11[%swap3A_866, %swap3A_867, %swap3A_868], %mul3A_864 {strides = array<i32>} : memref<2x128x128xf32, #tpu.memory_space<vmem>>, vector<16xf32>,
            %get3A_870 = arith.constant 1 : i32
            %get3A_871 = arith.index_cast %get3A_870 : i32 to index
            %get3A_872 = arith.index_cast %add3A_803 : i32 to index
            %get3A_873 = arith.constant 96 : index
            %get3A_874 = tpu.vector_load %arg11[%get3A_871, %get3A_872, %get3A_873] {strides = array<i32>} : memref<2x128x128xf32, #tpu.memory_space<vmem>>, vector<16xf32>,
            %mul3A_875 = arith.mulf %get3A_874, %gather3A_799 : vector<16xf32>
            %swap3A_876 = arith.constant 1 : i32
            %swap3A_877 = arith.index_cast %swap3A_876 : i32 to index
            %swap3A_878 = arith.index_cast %add3A_803 : i32 to index
            %swap3A_879 = arith.constant 96 : index
            %swap3A_880 = tpu.vector_load %arg11[%swap3A_877, %swap3A_878, %swap3A_879] {strides = array<i32>} : memref<2x128x128xf32, #tpu.memory_space<vmem>>, vector<16xf32>,
            tpu.vector_store %arg11[%swap3A_877, %swap3A_878, %swap3A_879], %mul3A_875 {strides = array<i32>} : memref<2x128x128xf32, #tpu.memory_space<vmem>>, vector<16xf32>,
            %get3A_881 = arith.constant 1 : i32
            %get3A_882 = arith.index_cast %get3A_881 : i32 to index
            %get3A_883 = arith.index_cast %add3A_803 : i32 to index
            %get3A_884 = arith.constant 112 : index
            %get3A_885 = tpu.vector_load %arg11[%get3A_882, %get3A_883, %get3A_884] {strides = array<i32>} : memref<2x128x128xf32, #tpu.memory_space<vmem>>, vector<16xf32>,
            %mul3A_886 = arith.mulf %get3A_885, %gather3A_799 : vector<16xf32>
            %swap3A_887 = arith.constant 1 : i32
            %swap3A_888 = arith.index_cast %swap3A_887 : i32 to index
            %swap3A_889 = arith.index_cast %add3A_803 : i32 to index
            %swap3A_890 = arith.constant 112 : index
            %swap3A_891 = tpu.vector_load %arg11[%swap3A_888, %swap3A_889, %swap3A_890] {strides = array<i32>} : memref<2x128x128xf32, #tpu.memory_space<vmem>>, vector<16xf32>,
            tpu.vector_store %arg11[%swap3A_888, %swap3A_889, %swap3A_890], %mul3A_886 {strides = array<i32>} : memref<2x128x128xf32, #tpu.memory_space<vmem>>, vector<16xf32>,
            %broadcast_in_dim3A_892 = arith.constant 6 : i32
            %broadcast_in_dim3A_893 = vector.broadcast %broadcast_in_dim3A_892 : i32 to vector<16x1xi32>
            %gather3A_894 = vector.shape_cast %broadcast_in_dim3A_893 : vector<16x1xi32> to vector<16xi32>
            %gather3A_895 = tpu.dynamic_gather %get3A_317[%gather3A_894] in [0] : vector<16xf32>, vector<16xi32> -> vector<16xf32>
            %mul3A_896 = arith.constant 16 : i32
            %mul3A_897 = arith.muli %scan3A_312, %mul3A_896 : i32
            %add3A_898 = arith.constant 6 : i32
            %add3A_899 = arith.addi %mul3A_897, %add3A_898 : i32
            %get3A_900 = arith.constant 1 : i32
            %get3A_901 = arith.index_cast %get3A_900 : i32 to index
            %get3A_902 = arith.index_cast %add3A_899 : i32 to index
            %get3A_903 = arith.constant 0 : index
            %get3A_904 = tpu.vector_load %arg11[%get3A_901, %get3A_902, %get3A_903] {strides = array<i32>} : memref<2x128x128xf32, #tpu.memory_space<vmem>>, vector<16xf32>,
            %mul3A_905 = arith.mulf %get3A_904, %gather3A_895 : vector<16xf32>
            %swap3A_906 = arith.constant 1 : i32
            %swap3A_907 = arith.index_cast %swap3A_906 : i32 to index
            %swap3A_908 = arith.index_cast %add3A_899 : i32 to index
            %swap3A_909 = arith.constant 0 : index
            %swap3A_910 = tpu.vector_load %arg11[%swap3A_907, %swap3A_908, %swap3A_909] {strides = array<i32>} : memref<2x128x128xf32, #tpu.memory_space<vmem>>, vector<16xf32>,
            tpu.vector_store %arg11[%swap3A_907, %swap3A_908, %swap3A_909], %mul3A_905 {strides = array<i32>} : memref<2x128x128xf32, #tpu.memory_space<vmem>>, vector<16xf32>,
            %get3A_911 = arith.constant 1 : i32
            %get3A_912 = arith.index_cast %get3A_911 : i32 to index
            %get3A_913 = arith.index_cast %add3A_899 : i32 to index
            %get3A_914 = arith.constant 16 : index
            %get3A_915 = tpu.vector_load %arg11[%get3A_912, %get3A_913, %get3A_914] {strides = array<i32>} : memref<2x128x128xf32, #tpu.memory_space<vmem>>, vector<16xf32>,
            %mul3A_916 = arith.mulf %get3A_915, %gather3A_895 : vector<16xf32>
            %swap3A_917 = arith.constant 1 : i32
            %swap3A_918 = arith.index_cast %swap3A_917 : i32 to index
            %swap3A_919 = arith.index_cast %add3A_899 : i32 to index
            %swap3A_920 = arith.constant 16 : index
            %swap3A_921 = tpu.vector_load %arg11[%swap3A_918, %swap3A_919, %swap3A_920] {strides = array<i32>} : memref<2x128x128xf32, #tpu.memory_space<vmem>>, vector<16xf32>,
            tpu.vector_store %arg11[%swap3A_918, %swap3A_919, %swap3A_920], %mul3A_916 {strides = array<i32>} : memref<2x128x128xf32, #tpu.memory_space<vmem>>, vector<16xf32>,
            %get3A_922 = arith.constant 1 : i32
            %get3A_923 = arith.index_cast %get3A_922 : i32 to index
            %get3A_924 = arith.index_cast %add3A_899 : i32 to index
            %get3A_925 = arith.constant 32 : index
            %get3A_926 = tpu.vector_load %arg11[%get3A_923, %get3A_924, %get3A_925] {strides = array<i32>} : memref<2x128x128xf32, #tpu.memory_space<vmem>>, vector<16xf32>,
            %mul3A_927 = arith.mulf %get3A_926, %gather3A_895 : vector<16xf32>
            %swap3A_928 = arith.constant 1 : i32
            %swap3A_929 = arith.index_cast %swap3A_928 : i32 to index
            %swap3A_930 = arith.index_cast %add3A_899 : i32 to index
            %swap3A_931 = arith.constant 32 : index
            %swap3A_932 = tpu.vector_load %arg11[%swap3A_929, %swap3A_930, %swap3A_931] {strides = array<i32>} : memref<2x128x128xf32, #tpu.memory_space<vmem>>, vector<16xf32>,
            tpu.vector_store %arg11[%swap3A_929, %swap3A_930, %swap3A_931], %mul3A_927 {strides = array<i32>} : memref<2x128x128xf32, #tpu.memory_space<vmem>>, vector<16xf32>,
            %get3A_933 = arith.constant 1 : i32
            %get3A_934 = arith.index_cast %get3A_933 : i32 to index
            %get3A_935 = arith.index_cast %add3A_899 : i32 to index
            %get3A_936 = arith.constant 48 : index
            %get3A_937 = tpu.vector_load %arg11[%get3A_934, %get3A_935, %get3A_936] {strides = array<i32>} : memref<2x128x128xf32, #tpu.memory_space<vmem>>, vector<16xf32>,
            %mul3A_938 = arith.mulf %get3A_937, %gather3A_895 : vector<16xf32>
            %swap3A_939 = arith.constant 1 : i32
            %swap3A_940 = arith.index_cast %swap3A_939 : i32 to index
            %swap3A_941 = arith.index_cast %add3A_899 : i32 to index
            %swap3A_942 = arith.constant 48 : index
            %swap3A_943 = tpu.vector_load %arg11[%swap3A_940, %swap3A_941, %swap3A_942] {strides = array<i32>} : memref<2x128x128xf32, #tpu.memory_space<vmem>>, vector<16xf32>,
            tpu.vector_store %arg11[%swap3A_940, %swap3A_941, %swap3A_942], %mul3A_938 {strides = array<i32>} : memref<2x128x128xf32, #tpu.memory_space<vmem>>, vector<16xf32>,
            %get3A_944 = arith.constant 1 : i32
            %get3A_945 = arith.index_cast %get3A_944 : i32 to index
            %get3A_946 = arith.index_cast %add3A_899 : i32 to index
            %get3A_947 = arith.constant 64 : index
            %get3A_948 = tpu.vector_load %arg11[%get3A_945, %get3A_946, %get3A_947] {strides = array<i32>} : memref<2x128x128xf32, #tpu.memory_space<vmem>>, vector<16xf32>,
            %mul3A_949 = arith.mulf %get3A_948, %gather3A_895 : vector<16xf32>
            %swap3A_950 = arith.constant 1 : i32
            %swap3A_951 = arith.index_cast %swap3A_950 : i32 to index
            %swap3A_952 = arith.index_cast %add3A_899 : i32 to index
            %swap3A_953 = arith.constant 64 : index
            %swap3A_954 = tpu.vector_load %arg11[%swap3A_951, %swap3A_952, %swap3A_953] {strides = array<i32>} : memref<2x128x128xf32, #tpu.memory_space<vmem>>, vector<16xf32>,
            tpu.vector_store %arg11[%swap3A_951, %swap3A_952, %swap3A_953], %mul3A_949 {strides = array<i32>} : memref<2x128x128xf32, #tpu.memory_space<vmem>>, vector<16xf32>,
            %get3A_955 = arith.constant 1 : i32
            %get3A_956 = arith.index_cast %get3A_955 : i32 to index
            %get3A_957 = arith.index_cast %add3A_899 : i32 to index
            %get3A_958 = arith.constant 80 : index
            %get3A_959 = tpu.vector_load %arg11[%get3A_956, %get3A_957, %get3A_958] {strides = array<i32>} : memref<2x128x128xf32, #tpu.memory_space<vmem>>, vector<16xf32>,
            %mul3A_960 = arith.mulf %get3A_959, %gather3A_895 : vector<16xf32>
            %swap3A_961 = arith.constant 1 : i32
            %swap3A_962 = arith.index_cast %swap3A_961 : i32 to index
            %swap3A_963 = arith.index_cast %add3A_899 : i32 to index
            %swap3A_964 = arith.constant 80 : index
            %swap3A_965 = tpu.vector_load %arg11[%swap3A_962, %swap3A_963, %swap3A_964] {strides = array<i32>} : memref<2x128x128xf32, #tpu.memory_space<vmem>>, vector<16xf32>,
            tpu.vector_store %arg11[%swap3A_962, %swap3A_963, %swap3A_964], %mul3A_960 {strides = array<i32>} : memref<2x128x128xf32, #tpu.memory_space<vmem>>, vector<16xf32>,
            %get3A_966 = arith.constant 1 : i32
            %get3A_967 = arith.index_cast %get3A_966 : i32 to index
            %get3A_968 = arith.index_cast %add3A_899 : i32 to index
            %get3A_969 = arith.constant 96 : index
            %get3A_970 = tpu.vector_load %arg11[%get3A_967, %get3A_968, %get3A_969] {strides = array<i32>} : memref<2x128x128xf32, #tpu.memory_space<vmem>>, vector<16xf32>,
            %mul3A_971 = arith.mulf %get3A_970, %gather3A_895 : vector<16xf32>
            %swap3A_972 = arith.constant 1 : i32
            %swap3A_973 = arith.index_cast %swap3A_972 : i32 to index
            %swap3A_974 = arith.index_cast %add3A_899 : i32 to index
            %swap3A_975 = arith.constant 96 : index
            %swap3A_976 = tpu.vector_load %arg11[%swap3A_973, %swap3A_974, %swap3A_975] {strides = array<i32>} : memref<2x128x128xf32, #tpu.memory_space<vmem>>, vector<16xf32>,
            tpu.vector_store %arg11[%swap3A_973, %swap3A_974, %swap3A_975], %mul3A_971 {strides = array<i32>} : memref<2x128x128xf32, #tpu.memory_space<vmem>>, vector<16xf32>,
            %get3A_977 = arith.constant 1 : i32
            %get3A_978 = arith.index_cast %get3A_977 : i32 to index
            %get3A_979 = arith.index_cast %add3A_899 : i32 to index
            %get3A_980 = arith.constant 112 : index
            %get3A_981 = tpu.vector_load %arg11[%get3A_978, %get3A_979, %get3A_980] {strides = array<i32>} : memref<2x128x128xf32, #tpu.memory_space<vmem>>, vector<16xf32>,
            %mul3A_982 = arith.mulf %get3A_981, %gather3A_895 : vector<16xf32>
            %swap3A_983 = arith.constant 1 : i32
            %swap3A_984 = arith.index_cast %swap3A_983 : i32 to index
            %swap3A_985 = arith.index_cast %add3A_899 : i32 to index
            %swap3A_986 = arith.constant 112 : index
            %swap3A_987 = tpu.vector_load %arg11[%swap3A_984, %swap3A_985, %swap3A_986] {strides = array<i32>} : memref<2x128x128xf32, #tpu.memory_space<vmem>>, vector<16xf32>,
            tpu.vector_store %arg11[%swap3A_984, %swap3A_985, %swap3A_986], %mul3A_982 {strides = array<i32>} : memref<2x128x128xf32, #tpu.memory_space<vmem>>, vector<16xf32>,
            %broadcast_in_dim3A_988 = arith.constant 7 : i32
            %broadcast_in_dim3A_989 = vector.broadcast %broadcast_in_dim3A_988 : i32 to vector<16x1xi32>
            %gather3A_990 = vector.shape_cast %broadcast_in_dim3A_989 : vector<16x1xi32> to vector<16xi32>
            %gather3A_991 = tpu.dynamic_gather %get3A_317[%gather3A_990] in [0] : vector<16xf32>, vector<16xi32> -> vector<16xf32>
            %mul3A_992 = arith.constant 16 : i32
            %mul3A_993 = arith.muli %scan3A_312, %mul3A_992 : i32
            %add3A_994 = arith.constant 7 : i32
            %add3A_995 = arith.addi %mul3A_993, %add3A_994 : i32
            %get3A_996 = arith.constant 1 : i32
            %get3A_997 = arith.index_cast %get3A_996 : i32 to index
            %get3A_998 = arith.index_cast %add3A_995 : i32 to index
            %get3A_999 = arith.constant 0 : index
            %get3A_1000 = tpu.vector_load %arg11[%get3A_997, %get3A_998, %get3A_999] {strides = array<i32>} : memref<2x128x128xf32, #tpu.memory_space<vmem>>, vector<16xf32>,
            %mul3A_1001 = arith.mulf %get3A_1000, %gather3A_991 : vector<16xf32>
            %swap3A_1002 = arith.constant 1 : i32
            %swap3A_1003 = arith.index_cast %swap3A_1002 : i32 to index
            %swap3A_1004 = arith.index_cast %add3A_995 : i32 to index
            %swap3A_1005 = arith.constant 0 : index
            %swap3A_1006 = tpu.vector_load %arg11[%swap3A_1003, %swap3A_1004, %swap3A_1005] {strides = array<i32>} : memref<2x128x128xf32, #tpu.memory_space<vmem>>, vector<16xf32>,
            tpu.vector_store %arg11[%swap3A_1003, %swap3A_1004, %swap3A_1005], %mul3A_1001 {strides = array<i32>} : memref<2x128x128xf32, #tpu.memory_space<vmem>>, vector<16xf32>,
            %get3A_1007 = arith.constant 1 : i32
            %get3A_1008 = arith.index_cast %get3A_1007 : i32 to index
            %get3A_1009 = arith.index_cast %add3A_995 : i32 to index
            %get3A_1010 = arith.constant 16 : index
            %get3A_1011 = tpu.vector_load %arg11[%get3A_1008, %get3A_1009, %get3A_1010] {strides = array<i32>} : memref<2x128x128xf32, #tpu.memory_space<vmem>>, vector<16xf32>,
            %mul3A_1012 = arith.mulf %get3A_1011, %gather3A_991 : vector<16xf32>
            %swap3A_1013 = arith.constant 1 : i32
            %swap3A_1014 = arith.index_cast %swap3A_1013 : i32 to index
            %swap3A_1015 = arith.index_cast %add3A_995 : i32 to index
            %swap3A_1016 = arith.constant 16 : index
            %swap3A_1017 = tpu.vector_load %arg11[%swap3A_1014, %swap3A_1015, %swap3A_1016] {strides = array<i32>} : memref<2x128x128xf32, #tpu.memory_space<vmem>>, vector<16xf32>,
            tpu.vector_store %arg11[%swap3A_1014, %swap3A_1015, %swap3A_1016], %mul3A_1012 {strides = array<i32>} : memref<2x128x128xf32, #tpu.memory_space<vmem>>, vector<16xf32>,
            %get3A_1018 = arith.constant 1 : i32
            %get3A_1019 = arith.index_cast %get3A_1018 : i32 to index
            %get3A_1020 = arith.index_cast %add3A_995 : i32 to index
            %get3A_1021 = arith.constant 32 : index
            %get3A_1022 = tpu.vector_load %arg11[%get3A_1019, %get3A_1020, %get3A_1021] {strides = array<i32>} : memref<2x128x128xf32, #tpu.memory_space<vmem>>, vector<16xf32>,
            %mul3A_1023 = arith.mulf %get3A_1022, %gather3A_991 : vector<16xf32>
            %swap3A_1024 = arith.constant 1 : i32
            %swap3A_1025 = arith.index_cast %swap3A_1024 : i32 to index
            %swap3A_1026 = arith.index_cast %add3A_995 : i32 to index
            %swap3A_1027 = arith.constant 32 : index
            %swap3A_1028 = tpu.vector_load %arg11[%swap3A_1025, %swap3A_1026, %swap3A_1027] {strides = array<i32>} : memref<2x128x128xf32, #tpu.memory_space<vmem>>, vector<16xf32>,
            tpu.vector_store %arg11[%swap3A_1025, %swap3A_1026, %swap3A_1027], %mul3A_1023 {strides = array<i32>} : memref<2x128x128xf32, #tpu.memory_space<vmem>>, vector<16xf32>,
            %get3A_1029 = arith.constant 1 : i32
            %get3A_1030 = arith.index_cast %get3A_1029 : i32 to index
            %get3A_1031 = arith.index_cast %add3A_995 : i32 to index
            %get3A_1032 = arith.constant 48 : index
            %get3A_1033 = tpu.vector_load %arg11[%get3A_1030, %get3A_1031, %get3A_1032] {strides = array<i32>} : memref<2x128x128xf32, #tpu.memory_space<vmem>>, vector<16xf32>,
            %mul3A_1034 = arith.mulf %get3A_1033, %gather3A_991 : vector<16xf32>
            %swap3A_1035 = arith.constant 1 : i32
            %swap3A_1036 = arith.index_cast %swap3A_1035 : i32 to index
            %swap3A_1037 = arith.index_cast %add3A_995 : i32 to index
            %swap3A_1038 = arith.constant 48 : index
            %swap3A_1039 = tpu.vector_load %arg11[%swap3A_1036, %swap3A_1037, %swap3A_1038] {strides = array<i32>} : memref<2x128x128xf32, #tpu.memory_space<vmem>>, vector<16xf32>,
            tpu.vector_store %arg11[%swap3A_1036, %swap3A_1037, %swap3A_1038], %mul3A_1034 {strides = array<i32>} : memref<2x128x128xf32, #tpu.memory_space<vmem>>, vector<16xf32>,
            %get3A_1040 = arith.constant 1 : i32
            %get3A_1041 = arith.index_cast %get3A_1040 : i32 to index
            %get3A_1042 = arith.index_cast %add3A_995 : i32 to index
            %get3A_1043 = arith.constant 64 : index
            %get3A_1044 = tpu.vector_load %arg11[%get3A_1041, %get3A_1042, %get3A_1043] {strides = array<i32>} : memref<2x128x128xf32, #tpu.memory_space<vmem>>, vector<16xf32>,
            %mul3A_1045 = arith.mulf %get3A_1044, %gather3A_991 : vector<16xf32>
            %swap3A_1046 = arith.constant 1 : i32
            %swap3A_1047 = arith.index_cast %swap3A_1046 : i32 to index
            %swap3A_1048 = arith.index_cast %add3A_995 : i32 to index
            %swap3A_1049 = arith.constant 64 : index
            %swap3A_1050 = tpu.vector_load %arg11[%swap3A_1047, %swap3A_1048, %swap3A_1049] {strides = array<i32>} : memref<2x128x128xf32, #tpu.memory_space<vmem>>, vector<16xf32>,
            tpu.vector_store %arg11[%swap3A_1047, %swap3A_1048, %swap3A_1049], %mul3A_1045 {strides = array<i32>} : memref<2x128x128xf32, #tpu.memory_space<vmem>>, vector<16xf32>,
            %get3A_1051 = arith.constant 1 : i32
            %get3A_1052 = arith.index_cast %get3A_1051 : i32 to index
            %get3A_1053 = arith.index_cast %add3A_995 : i32 to index
            %get3A_1054 = arith.constant 80 : index
            %get3A_1055 = tpu.vector_load %arg11[%get3A_1052, %get3A_1053, %get3A_1054] {strides = array<i32>} : memref<2x128x128xf32, #tpu.memory_space<vmem>>, vector<16xf32>,
            %mul3A_1056 = arith.mulf %get3A_1055, %gather3A_991 : vector<16xf32>
            %swap3A_1057 = arith.constant 1 : i32
            %swap3A_1058 = arith.index_cast %swap3A_1057 : i32 to index
            %swap3A_1059 = arith.index_cast %add3A_995 : i32 to index
            %swap3A_1060 = arith.constant 80 : index
            %swap3A_1061 = tpu.vector_load %arg11[%swap3A_1058, %swap3A_1059, %swap3A_1060] {strides = array<i32>} : memref<2x128x128xf32, #tpu.memory_space<vmem>>, vector<16xf32>,
            tpu.vector_store %arg11[%swap3A_1058, %swap3A_1059, %swap3A_1060], %mul3A_1056 {strides = array<i32>} : memref<2x128x128xf32, #tpu.memory_space<vmem>>, vector<16xf32>,
            %get3A_1062 = arith.constant 1 : i32
            %get3A_1063 = arith.index_cast %get3A_1062 : i32 to index
            %get3A_1064 = arith.index_cast %add3A_995 : i32 to index
            %get3A_1065 = arith.constant 96 : index
            %get3A_1066 = tpu.vector_load %arg11[%get3A_1063, %get3A_1064, %get3A_1065] {strides = array<i32>} : memref<2x128x128xf32, #tpu.memory_space<vmem>>, vector<16xf32>,
            %mul3A_1067 = arith.mulf %get3A_1066, %gather3A_991 : vector<16xf32>
            %swap3A_1068 = arith.constant 1 : i32
            %swap3A_1069 = arith.index_cast %swap3A_1068 : i32 to index
            %swap3A_1070 = arith.index_cast %add3A_995 : i32 to index
            %swap3A_1071 = arith.constant 96 : index
            %swap3A_1072 = tpu.vector_load %arg11[%swap3A_1069, %swap3A_1070, %swap3A_1071] {strides = array<i32>} : memref<2x128x128xf32, #tpu.memory_space<vmem>>, vector<16xf32>,
            tpu.vector_store %arg11[%swap3A_1069, %swap3A_1070, %swap3A_1071], %mul3A_1067 {strides = array<i32>} : memref<2x128x128xf32, #tpu.memory_space<vmem>>, vector<16xf32>,
            %get3A_1073 = arith.constant 1 : i32
            %get3A_1074 = arith.index_cast %get3A_1073 : i32 to index
            %get3A_1075 = arith.index_cast %add3A_995 : i32 to index
            %get3A_1076 = arith.constant 112 : index
            %get3A_1077 = tpu.vector_load %arg11[%get3A_1074, %get3A_1075, %get3A_1076] {strides = array<i32>} : memref<2x128x128xf32, #tpu.memory_space<vmem>>, vector<16xf32>,
            %mul3A_1078 = arith.mulf %get3A_1077, %gather3A_991 : vector<16xf32>
            %swap3A_1079 = arith.constant 1 : i32
            %swap3A_1080 = arith.index_cast %swap3A_1079 : i32 to index
            %swap3A_1081 = arith.index_cast %add3A_995 : i32 to index
            %swap3A_1082 = arith.constant 112 : index
            %swap3A_1083 = tpu.vector_load %arg11[%swap3A_1080, %swap3A_1081, %swap3A_1082] {strides = array<i32>} : memref<2x128x128xf32, #tpu.memory_space<vmem>>, vector<16xf32>,
            tpu.vector_store %arg11[%swap3A_1080, %swap3A_1081, %swap3A_1082], %mul3A_1078 {strides = array<i32>} : memref<2x128x128xf32, #tpu.memory_space<vmem>>, vector<16xf32>,
            %broadcast_in_dim3A_1084 = arith.constant 8 : i32
            %broadcast_in_dim3A_1085 = vector.broadcast %broadcast_in_dim3A_1084 : i32 to vector<16x1xi32>
            %gather3A_1086 = vector.shape_cast %broadcast_in_dim3A_1085 : vector<16x1xi32> to vector<16xi32>
            %gather3A_1087 = tpu.dynamic_gather %get3A_317[%gather3A_1086] in [0] : vector<16xf32>, vector<16xi32> -> vector<16xf32>
            %mul3A_1088 = arith.constant 16 : i32
            %mul3A_1089 = arith.muli %scan3A_312, %mul3A_1088 : i32
            %add3A_1090 = arith.constant 8 : i32
            %add3A_1091 = arith.addi %mul3A_1089, %add3A_1090 : i32
            %get3A_1092 = arith.constant 1 : i32
            %get3A_1093 = arith.index_cast %get3A_1092 : i32 to index
            %get3A_1094 = arith.index_cast %add3A_1091 : i32 to index
            %get3A_1095 = arith.constant 0 : index
            %get3A_1096 = tpu.vector_load %arg11[%get3A_1093, %get3A_1094, %get3A_1095] {strides = array<i32>} : memref<2x128x128xf32, #tpu.memory_space<vmem>>, vector<16xf32>,
            %mul3A_1097 = arith.mulf %get3A_1096, %gather3A_1087 : vector<16xf32>
            %swap3A_1098 = arith.constant 1 : i32
            %swap3A_1099 = arith.index_cast %swap3A_1098 : i32 to index
            %swap3A_1100 = arith.index_cast %add3A_1091 : i32 to index
            %swap3A_1101 = arith.constant 0 : index
            %swap3A_1102 = tpu.vector_load %arg11[%swap3A_1099, %swap3A_1100, %swap3A_1101] {strides = array<i32>} : memref<2x128x128xf32, #tpu.memory_space<vmem>>, vector<16xf32>,
            tpu.vector_store %arg11[%swap3A_1099, %swap3A_1100, %swap3A_1101], %mul3A_1097 {strides = array<i32>} : memref<2x128x128xf32, #tpu.memory_space<vmem>>, vector<16xf32>,
            %get3A_1103 = arith.constant 1 : i32
            %get3A_1104 = arith.index_cast %get3A_1103 : i32 to index
            %get3A_1105 = arith.index_cast %add3A_1091 : i32 to index
            %get3A_1106 = arith.constant 16 : index
            %get3A_1107 = tpu.vector_load %arg11[%get3A_1104, %get3A_1105, %get3A_1106] {strides = array<i32>} : memref<2x128x128xf32, #tpu.memory_space<vmem>>, vector<16xf32>,
            %mul3A_1108 = arith.mulf %get3A_1107, %gather3A_1087 : vector<16xf32>
            %swap3A_1109 = arith.constant 1 : i32
            %swap3A_1110 = arith.index_cast %swap3A_1109 : i32 to index
            %swap3A_1111 = arith.index_cast %add3A_1091 : i32 to index
            %swap3A_1112 = arith.constant 16 : index
            %swap3A_1113 = tpu.vector_load %arg11[%swap3A_1110, %swap3A_1111, %swap3A_1112] {strides = array<i32>} : memref<2x128x128xf32, #tpu.memory_space<vmem>>, vector<16xf32>,
            tpu.vector_store %arg11[%swap3A_1110, %swap3A_1111, %swap3A_1112], %mul3A_1108 {strides = array<i32>} : memref<2x128x128xf32, #tpu.memory_space<vmem>>, vector<16xf32>,
            %get3A_1114 = arith.constant 1 : i32
            %get3A_1115 = arith.index_cast %get3A_1114 : i32 to index
            %get3A_1116 = arith.index_cast %add3A_1091 : i32 to index
            %get3A_1117 = arith.constant 32 : index
            %get3A_1118 = tpu.vector_load %arg11[%get3A_1115, %get3A_1116, %get3A_1117] {strides = array<i32>} : memref<2x128x128xf32, #tpu.memory_space<vmem>>, vector<16xf32>,
            %mul3A_1119 = arith.mulf %get3A_1118, %gather3A_1087 : vector<16xf32>
            %swap3A_1120 = arith.constant 1 : i32
            %swap3A_1121 = arith.index_cast %swap3A_1120 : i32 to index
            %swap3A_1122 = arith.index_cast %add3A_1091 : i32 to index
            %swap3A_1123 = arith.constant 32 : index
            %swap3A_1124 = tpu.vector_load %arg11[%swap3A_1121, %swap3A_1122, %swap3A_1123] {strides = array<i32>} : memref<2x128x128xf32, #tpu.memory_space<vmem>>, vector<16xf32>,
            tpu.vector_store %arg11[%swap3A_1121, %swap3A_1122, %swap3A_1123], %mul3A_1119 {strides = array<i32>} : memref<2x128x128xf32, #tpu.memory_space<vmem>>, vector<16xf32>,
            %get3A_1125 = arith.constant 1 : i32
            %get3A_1126 = arith.index_cast %get3A_1125 : i32 to index
            %get3A_1127 = arith.index_cast %add3A_1091 : i32 to index
            %get3A_1128 = arith.constant 48 : index
            %get3A_1129 = tpu.vector_load %arg11[%get3A_1126, %get3A_1127, %get3A_1128] {strides = array<i32>} : memref<2x128x128xf32, #tpu.memory_space<vmem>>, vector<16xf32>,
            %mul3A_1130 = arith.mulf %get3A_1129, %gather3A_1087 : vector<16xf32>
            %swap3A_1131 = arith.constant 1 : i32
            %swap3A_1132 = arith.index_cast %swap3A_1131 : i32 to index
            %swap3A_1133 = arith.index_cast %add3A_1091 : i32 to index
            %swap3A_1134 = arith.constant 48 : index
            %swap3A_1135 = tpu.vector_load %arg11[%swap3A_1132, %swap3A_1133, %swap3A_1134] {strides = array<i32>} : memref<2x128x128xf32, #tpu.memory_space<vmem>>, vector<16xf32>,
            tpu.vector_store %arg11[%swap3A_1132, %swap3A_1133, %swap3A_1134], %mul3A_1130 {strides = array<i32>} : memref<2x128x128xf32, #tpu.memory_space<vmem>>, vector<16xf32>,
            %get3A_1136 = arith.constant 1 : i32
            %get3A_1137 = arith.index_cast %get3A_1136 : i32 to index
            %get3A_1138 = arith.index_cast %add3A_1091 : i32 to index
            %get3A_1139 = arith.constant 64 : index
            %get3A_1140 = tpu.vector_load %arg11[%get3A_1137, %get3A_1138, %get3A_1139] {strides = array<i32>} : memref<2x128x128xf32, #tpu.memory_space<vmem>>, vector<16xf32>,
            %mul3A_1141 = arith.mulf %get3A_1140, %gather3A_1087 : vector<16xf32>
            %swap3A_1142 = arith.constant 1 : i32
            %swap3A_1143 = arith.index_cast %swap3A_1142 : i32 to index
            %swap3A_1144 = arith.index_cast %add3A_1091 : i32 to index
            %swap3A_1145 = arith.constant 64 : index
            %swap3A_1146 = tpu.vector_load %arg11[%swap3A_1143, %swap3A_1144, %swap3A_1145] {strides = array<i32>} : memref<2x128x128xf32, #tpu.memory_space<vmem>>, vector<16xf32>,
            tpu.vector_store %arg11[%swap3A_1143, %swap3A_1144, %swap3A_1145], %mul3A_1141 {strides = array<i32>} : memref<2x128x128xf32, #tpu.memory_space<vmem>>, vector<16xf32>,
            %get3A_1147 = arith.constant 1 : i32
            %get3A_1148 = arith.index_cast %get3A_1147 : i32 to index
            %get3A_1149 = arith.index_cast %add3A_1091 : i32 to index
            %get3A_1150 = arith.constant 80 : index
            %get3A_1151 = tpu.vector_load %arg11[%get3A_1148, %get3A_1149, %get3A_1150] {strides = array<i32>} : memref<2x128x128xf32, #tpu.memory_space<vmem>>, vector<16xf32>,
            %mul3A_1152 = arith.mulf %get3A_1151, %gather3A_1087 : vector<16xf32>
            %swap3A_1153 = arith.constant 1 : i32
            %swap3A_1154 = arith.index_cast %swap3A_1153 : i32 to index
            %swap3A_1155 = arith.index_cast %add3A_1091 : i32 to index
            %swap3A_1156 = arith.constant 80 : index
            %swap3A_1157 = tpu.vector_load %arg11[%swap3A_1154, %swap3A_1155, %swap3A_1156] {strides = array<i32>} : memref<2x128x128xf32, #tpu.memory_space<vmem>>, vector<16xf32>,
            tpu.vector_store %arg11[%swap3A_1154, %swap3A_1155, %swap3A_1156], %mul3A_1152 {strides = array<i32>} : memref<2x128x128xf32, #tpu.memory_space<vmem>>, vector<16xf32>,
            %get3A_1158 = arith.constant 1 : i32
            %get3A_1159 = arith.index_cast %get3A_1158 : i32 to index
            %get3A_1160 = arith.index_cast %add3A_1091 : i32 to index
            %get3A_1161 = arith.constant 96 : index
            %get3A_1162 = tpu.vector_load %arg11[%get3A_1159, %get3A_1160, %get3A_1161] {strides = array<i32>} : memref<2x128x128xf32, #tpu.memory_space<vmem>>, vector<16xf32>,
            %mul3A_1163 = arith.mulf %get3A_1162, %gather3A_1087 : vector<16xf32>
            %swap3A_1164 = arith.constant 1 : i32
            %swap3A_1165 = arith.index_cast %swap3A_1164 : i32 to index
            %swap3A_1166 = arith.index_cast %add3A_1091 : i32 to index
            %swap3A_1167 = arith.constant 96 : index
            %swap3A_1168 = tpu.vector_load %arg11[%swap3A_1165, %swap3A_1166, %swap3A_1167] {strides = array<i32>} : memref<2x128x128xf32, #tpu.memory_space<vmem>>, vector<16xf32>,
            tpu.vector_store %arg11[%swap3A_1165, %swap3A_1166, %swap3A_1167], %mul3A_1163 {strides = array<i32>} : memref<2x128x128xf32, #tpu.memory_space<vmem>>, vector<16xf32>,
            %get3A_1169 = arith.constant 1 : i32
            %get3A_1170 = arith.index_cast %get3A_1169 : i32 to index
            %get3A_1171 = arith.index_cast %add3A_1091 : i32 to index
            %get3A_1172 = arith.constant 112 : index
            %get3A_1173 = tpu.vector_load %arg11[%get3A_1170, %get3A_1171, %get3A_1172] {strides = array<i32>} : memref<2x128x128xf32, #tpu.memory_space<vmem>>, vector<16xf32>,
            %mul3A_1174 = arith.mulf %get3A_1173, %gather3A_1087 : vector<16xf32>
            %swap3A_1175 = arith.constant 1 : i32
            %swap3A_1176 = arith.index_cast %swap3A_1175 : i32 to index
            %swap3A_1177 = arith.index_cast %add3A_1091 : i32 to index
            %swap3A_1178 = arith.constant 112 : index
            %swap3A_1179 = tpu.vector_load %arg11[%swap3A_1176, %swap3A_1177, %swap3A_1178] {strides = array<i32>} : memref<2x128x128xf32, #tpu.memory_space<vmem>>, vector<16xf32>,
            tpu.vector_store %arg11[%swap3A_1176, %swap3A_1177, %swap3A_1178], %mul3A_1174 {strides = array<i32>} : memref<2x128x128xf32, #tpu.memory_space<vmem>>, vector<16xf32>,
            %broadcast_in_dim3A_1180 = arith.constant 9 : i32
            %broadcast_in_dim3A_1181 = vector.broadcast %broadcast_in_dim3A_1180 : i32 to vector<16x1xi32>
            %gather3A_1182 = vector.shape_cast %broadcast_in_dim3A_1181 : vector<16x1xi32> to vector<16xi32>
            %gather3A_1183 = tpu.dynamic_gather %get3A_317[%gather3A_1182] in [0] : vector<16xf32>, vector<16xi32> -> vector<16xf32>
            %mul3A_1184 = arith.constant 16 : i32
            %mul3A_1185 = arith.muli %scan3A_312, %mul3A_1184 : i32
            %add3A_1186 = arith.constant 9 : i32
            %add3A_1187 = arith.addi %mul3A_1185, %add3A_1186 : i32
            %get3A_1188 = arith.constant 1 : i32
            %get3A_1189 = arith.index_cast %get3A_1188 : i32 to index
            %get3A_1190 = arith.index_cast %add3A_1187 : i32 to index
            %get3A_1191 = arith.constant 0 : index
            %get3A_1192 = tpu.vector_load %arg11[%get3A_1189, %get3A_1190, %get3A_1191] {strides = array<i32>} : memref<2x128x128xf32, #tpu.memory_space<vmem>>, vector<16xf32>,
            %mul3A_1193 = arith.mulf %get3A_1192, %gather3A_1183 : vector<16xf32>
            %swap3A_1194 = arith.constant 1 : i32
            %swap3A_1195 = arith.index_cast %swap3A_1194 : i32 to index
            %swap3A_1196 = arith.index_cast %add3A_1187 : i32 to index
            %swap3A_1197 = arith.constant 0 : index
            %swap3A_1198 = tpu.vector_load %arg11[%swap3A_1195, %swap3A_1196, %swap3A_1197] {strides = array<i32>} : memref<2x128x128xf32, #tpu.memory_space<vmem>>, vector<16xf32>,
            tpu.vector_store %arg11[%swap3A_1195, %swap3A_1196, %swap3A_1197], %mul3A_1193 {strides = array<i32>} : memref<2x128x128xf32, #tpu.memory_space<vmem>>, vector<16xf32>,
            %get3A_1199 = arith.constant 1 : i32
            %get3A_1200 = arith.index_cast %get3A_1199 : i32 to index
            %get3A_1201 = arith.index_cast %add3A_1187 : i32 to index
            %get3A_1202 = arith.constant 16 : index
            %get3A_1203 = tpu.vector_load %arg11[%get3A_1200, %get3A_1201, %get3A_1202] {strides = array<i32>} : memref<2x128x128xf32, #tpu.memory_space<vmem>>, vector<16xf32>,
            %mul3A_1204 = arith.mulf %get3A_1203, %gather3A_1183 : vector<16xf32>
            %swap3A_1205 = arith.constant 1 : i32
            %swap3A_1206 = arith.index_cast %swap3A_1205 : i32 to index
            %swap3A_1207 = arith.index_cast %add3A_1187 : i32 to index
            %swap3A_1208 = arith.constant 16 : index
            %swap3A_1209 = tpu.vector_load %arg11[%swap3A_1206, %swap3A_1207, %swap3A_1208] {strides = array<i32>} : memref<2x128x128xf32, #tpu.memory_space<vmem>>, vector<16xf32>,
            tpu.vector_store %arg11[%swap3A_1206, %swap3A_1207, %swap3A_1208], %mul3A_1204 {strides = array<i32>} : memref<2x128x128xf32, #tpu.memory_space<vmem>>, vector<16xf32>,
            %get3A_1210 = arith.constant 1 : i32
            %get3A_1211 = arith.index_cast %get3A_1210 : i32 to index
            %get3A_1212 = arith.index_cast %add3A_1187 : i32 to index
            %get3A_1213 = arith.constant 32 : index
            %get3A_1214 = tpu.vector_load %arg11[%get3A_1211, %get3A_1212, %get3A_1213] {strides = array<i32>} : memref<2x128x128xf32, #tpu.memory_space<vmem>>, vector<16xf32>,
            %mul3A_1215 = arith.mulf %get3A_1214, %gather3A_1183 : vector<16xf32>
            %swap3A_1216 = arith.constant 1 : i32
            %swap3A_1217 = arith.index_cast %swap3A_1216 : i32 to index
            %swap3A_1218 = arith.index_cast %add3A_1187 : i32 to index
            %swap3A_1219 = arith.constant 32 : index
            %swap3A_1220 = tpu.vector_load %arg11[%swap3A_1217, %swap3A_1218, %swap3A_1219] {strides = array<i32>} : memref<2x128x128xf32, #tpu.memory_space<vmem>>, vector<16xf32>,
            tpu.vector_store %arg11[%swap3A_1217, %swap3A_1218, %swap3A_1219], %mul3A_1215 {strides = array<i32>} : memref<2x128x128xf32, #tpu.memory_space<vmem>>, vector<16xf32>,
            %get3A_1221 = arith.constant 1 : i32
            %get3A_1222 = arith.index_cast %get3A_1221 : i32 to index
            %get3A_1223 = arith.index_cast %add3A_1187 : i32 to index
            %get3A_1224 = arith.constant 48 : index
            %get3A_1225 = tpu.vector_load %arg11[%get3A_1222, %get3A_1223, %get3A_1224] {strides = array<i32>} : memref<2x128x128xf32, #tpu.memory_space<vmem>>, vector<16xf32>,
            %mul3A_1226 = arith.mulf %get3A_1225, %gather3A_1183 : vector<16xf32>
            %swap3A_1227 = arith.constant 1 : i32
            %swap3A_1228 = arith.index_cast %swap3A_1227 : i32 to index
            %swap3A_1229 = arith.index_cast %add3A_1187 : i32 to index
            %swap3A_1230 = arith.constant 48 : index
            %swap3A_1231 = tpu.vector_load %arg11[%swap3A_1228, %swap3A_1229, %swap3A_1230] {strides = array<i32>} : memref<2x128x128xf32, #tpu.memory_space<vmem>>, vector<16xf32>,
            tpu.vector_store %arg11[%swap3A_1228, %swap3A_1229, %swap3A_1230], %mul3A_1226 {strides = array<i32>} : memref<2x128x128xf32, #tpu.memory_space<vmem>>, vector<16xf32>,
            %get3A_1232 = arith.constant 1 : i32
            %get3A_1233 = arith.index_cast %get3A_1232 : i32 to index
            %get3A_1234 = arith.index_cast %add3A_1187 : i32 to index
            %get3A_1235 = arith.constant 64 : index
            %get3A_1236 = tpu.vector_load %arg11[%get3A_1233, %get3A_1234, %get3A_1235] {strides = array<i32>} : memref<2x128x128xf32, #tpu.memory_space<vmem>>, vector<16xf32>,
            %mul3A_1237 = arith.mulf %get3A_1236, %gather3A_1183 : vector<16xf32>
            %swap3A_1238 = arith.constant 1 : i32
            %swap3A_1239 = arith.index_cast %swap3A_1238 : i32 to index
            %swap3A_1240 = arith.index_cast %add3A_1187 : i32 to index
            %swap3A_1241 = arith.constant 64 : index
            %swap3A_1242 = tpu.vector_load %arg11[%swap3A_1239, %swap3A_1240, %swap3A_1241] {strides = array<i32>} : memref<2x128x128xf32, #tpu.memory_space<vmem>>, vector<16xf32>,
            tpu.vector_store %arg11[%swap3A_1239, %swap3A_1240, %swap3A_1241], %mul3A_1237 {strides = array<i32>} : memref<2x128x128xf32, #tpu.memory_space<vmem>>, vector<16xf32>,
            %get3A_1243 = arith.constant 1 : i32
            %get3A_1244 = arith.index_cast %get3A_1243 : i32 to index
            %get3A_1245 = arith.index_cast %add3A_1187 : i32 to index
            %get3A_1246 = arith.constant 80 : index
            %get3A_1247 = tpu.vector_load %arg11[%get3A_1244, %get3A_1245, %get3A_1246] {strides = array<i32>} : memref<2x128x128xf32, #tpu.memory_space<vmem>>, vector<16xf32>,
            %mul3A_1248 = arith.mulf %get3A_1247, %gather3A_1183 : vector<16xf32>
            %swap3A_1249 = arith.constant 1 : i32
            %swap3A_1250 = arith.index_cast %swap3A_1249 : i32 to index
            %swap3A_1251 = arith.index_cast %add3A_1187 : i32 to index
            %swap3A_1252 = arith.constant 80 : index
            %swap3A_1253 = tpu.vector_load %arg11[%swap3A_1250, %swap3A_1251, %swap3A_1252] {strides = array<i32>} : memref<2x128x128xf32, #tpu.memory_space<vmem>>, vector<16xf32>,
            tpu.vector_store %arg11[%swap3A_1250, %swap3A_1251, %swap3A_1252], %mul3A_1248 {strides = array<i32>} : memref<2x128x128xf32, #tpu.memory_space<vmem>>, vector<16xf32>,
            %get3A_1254 = arith.constant 1 : i32
            %get3A_1255 = arith.index_cast %get3A_1254 : i32 to index
            %get3A_1256 = arith.index_cast %add3A_1187 : i32 to index
            %get3A_1257 = arith.constant 96 : index
            %get3A_1258 = tpu.vector_load %arg11[%get3A_1255, %get3A_1256, %get3A_1257] {strides = array<i32>} : memref<2x128x128xf32, #tpu.memory_space<vmem>>, vector<16xf32>,
            %mul3A_1259 = arith.mulf %get3A_1258, %gather3A_1183 : vector<16xf32>
            %swap3A_1260 = arith.constant 1 : i32
            %swap3A_1261 = arith.index_cast %swap3A_1260 : i32 to index
            %swap3A_1262 = arith.index_cast %add3A_1187 : i32 to index
            %swap3A_1263 = arith.constant 96 : index
            %swap3A_1264 = tpu.vector_load %arg11[%swap3A_1261, %swap3A_1262, %swap3A_1263] {strides = array<i32>} : memref<2x128x128xf32, #tpu.memory_space<vmem>>, vector<16xf32>,
            tpu.vector_store %arg11[%swap3A_1261, %swap3A_1262, %swap3A_1263], %mul3A_1259 {strides = array<i32>} : memref<2x128x128xf32, #tpu.memory_space<vmem>>, vector<16xf32>,
            %get3A_1265 = arith.constant 1 : i32
            %get3A_1266 = arith.index_cast %get3A_1265 : i32 to index
            %get3A_1267 = arith.index_cast %add3A_1187 : i32 to index
            %get3A_1268 = arith.constant 112 : index
            %get3A_1269 = tpu.vector_load %arg11[%get3A_1266, %get3A_1267, %get3A_1268] {strides = array<i32>} : memref<2x128x128xf32, #tpu.memory_space<vmem>>, vector<16xf32>,
            %mul3A_1270 = arith.mulf %get3A_1269, %gather3A_1183 : vector<16xf32>
            %swap3A_1271 = arith.constant 1 : i32
            %swap3A_1272 = arith.index_cast %swap3A_1271 : i32 to index
            %swap3A_1273 = arith.index_cast %add3A_1187 : i32 to index
            %swap3A_1274 = arith.constant 112 : index
            %swap3A_1275 = tpu.vector_load %arg11[%swap3A_1272, %swap3A_1273, %swap3A_1274] {strides = array<i32>} : memref<2x128x128xf32, #tpu.memory_space<vmem>>, vector<16xf32>,
            tpu.vector_store %arg11[%swap3A_1272, %swap3A_1273, %swap3A_1274], %mul3A_1270 {strides = array<i32>} : memref<2x128x128xf32, #tpu.memory_space<vmem>>, vector<16xf32>,
            %broadcast_in_dim3A_1276 = arith.constant 10 : i32
            %broadcast_in_dim3A_1277 = vector.broadcast %broadcast_in_dim3A_1276 : i32 to vector<16x1xi32>
            %gather3A_1278 = vector.shape_cast %broadcast_in_dim3A_1277 : vector<16x1xi32> to vector<16xi32>
            %gather3A_1279 = tpu.dynamic_gather %get3A_317[%gather3A_1278] in [0] : vector<16xf32>, vector<16xi32> -> vector<16xf32>
            %mul3A_1280 = arith.constant 16 : i32
            %mul3A_1281 = arith.muli %scan3A_312, %mul3A_1280 : i32
            %add3A_1282 = arith.constant 10 : i32
            %add3A_1283 = arith.addi %mul3A_1281, %add3A_1282 : i32
            %get3A_1284 = arith.constant 1 : i32
            %get3A_1285 = arith.index_cast %get3A_1284 : i32 to index
            %get3A_1286 = arith.index_cast %add3A_1283 : i32 to index
            %get3A_1287 = arith.constant 0 : index
            %get3A_1288 = tpu.vector_load %arg11[%get3A_1285, %get3A_1286, %get3A_1287] {strides = array<i32>} : memref<2x128x128xf32, #tpu.memory_space<vmem>>, vector<16xf32>,
            %mul3A_1289 = arith.mulf %get3A_1288, %gather3A_1279 : vector<16xf32>
            %swap3A_1290 = arith.constant 1 : i32
            %swap3A_1291 = arith.index_cast %swap3A_1290 : i32 to index
            %swap3A_1292 = arith.index_cast %add3A_1283 : i32 to index
            %swap3A_1293 = arith.constant 0 : index
            %swap3A_1294 = tpu.vector_load %arg11[%swap3A_1291, %swap3A_1292, %swap3A_1293] {strides = array<i32>} : memref<2x128x128xf32, #tpu.memory_space<vmem>>, vector<16xf32>,
            tpu.vector_store %arg11[%swap3A_1291, %swap3A_1292, %swap3A_1293], %mul3A_1289 {strides = array<i32>} : memref<2x128x128xf32, #tpu.memory_space<vmem>>, vector<16xf32>,
            %get3A_1295 = arith.constant 1 : i32
            %get3A_1296 = arith.index_cast %get3A_1295 : i32 to index
            %get3A_1297 = arith.index_cast %add3A_1283 : i32 to index
            %get3A_1298 = arith.constant 16 : index
            %get3A_1299 = tpu.vector_load %arg11[%get3A_1296, %get3A_1297, %get3A_1298] {strides = array<i32>} : memref<2x128x128xf32, #tpu.memory_space<vmem>>, vector<16xf32>,
            %mul3A_1300 = arith.mulf %get3A_1299, %gather3A_1279 : vector<16xf32>
            %swap3A_1301 = arith.constant 1 : i32
            %swap3A_1302 = arith.index_cast %swap3A_1301 : i32 to index
            %swap3A_1303 = arith.index_cast %add3A_1283 : i32 to index
            %swap3A_1304 = arith.constant 16 : index
            %swap3A_1305 = tpu.vector_load %arg11[%swap3A_1302, %swap3A_1303, %swap3A_1304] {strides = array<i32>} : memref<2x128x128xf32, #tpu.memory_space<vmem>>, vector<16xf32>,
            tpu.vector_store %arg11[%swap3A_1302, %swap3A_1303, %swap3A_1304], %mul3A_1300 {strides = array<i32>} : memref<2x128x128xf32, #tpu.memory_space<vmem>>, vector<16xf32>,
            %get3A_1306 = arith.constant 1 : i32
            %get3A_1307 = arith.index_cast %get3A_1306 : i32 to index
            %get3A_1308 = arith.index_cast %add3A_1283 : i32 to index
            %get3A_1309 = arith.constant 32 : index
            %get3A_1310 = tpu.vector_load %arg11[%get3A_1307, %get3A_1308, %get3A_1309] {strides = array<i32>} : memref<2x128x128xf32, #tpu.memory_space<vmem>>, vector<16xf32>,
            %mul3A_1311 = arith.mulf %get3A_1310, %gather3A_1279 : vector<16xf32>
            %swap3A_1312 = arith.constant 1 : i32
            %swap3A_1313 = arith.index_cast %swap3A_1312 : i32 to index
            %swap3A_1314 = arith.index_cast %add3A_1283 : i32 to index
            %swap3A_1315 = arith.constant 32 : index
            %swap3A_1316 = tpu.vector_load %arg11[%swap3A_1313, %swap3A_1314, %swap3A_1315] {strides = array<i32>} : memref<2x128x128xf32, #tpu.memory_space<vmem>>, vector<16xf32>,
            tpu.vector_store %arg11[%swap3A_1313, %swap3A_1314, %swap3A_1315], %mul3A_1311 {strides = array<i32>} : memref<2x128x128xf32, #tpu.memory_space<vmem>>, vector<16xf32>,
            %get3A_1317 = arith.constant 1 : i32
            %get3A_1318 = arith.index_cast %get3A_1317 : i32 to index
            %get3A_1319 = arith.index_cast %add3A_1283 : i32 to index
            %get3A_1320 = arith.constant 48 : index
            %get3A_1321 = tpu.vector_load %arg11[%get3A_1318, %get3A_1319, %get3A_1320] {strides = array<i32>} : memref<2x128x128xf32, #tpu.memory_space<vmem>>, vector<16xf32>,
            %mul3A_1322 = arith.mulf %get3A_1321, %gather3A_1279 : vector<16xf32>
            %swap3A_1323 = arith.constant 1 : i32
            %swap3A_1324 = arith.index_cast %swap3A_1323 : i32 to index
            %swap3A_1325 = arith.index_cast %add3A_1283 : i32 to index
            %swap3A_1326 = arith.constant 48 : index
            %swap3A_1327 = tpu.vector_load %arg11[%swap3A_1324, %swap3A_1325, %swap3A_1326] {strides = array<i32>} : memref<2x128x128xf32, #tpu.memory_space<vmem>>, vector<16xf32>,
            tpu.vector_store %arg11[%swap3A_1324, %swap3A_1325, %swap3A_1326], %mul3A_1322 {strides = array<i32>} : memref<2x128x128xf32, #tpu.memory_space<vmem>>, vector<16xf32>,
            %get3A_1328 = arith.constant 1 : i32
            %get3A_1329 = arith.index_cast %get3A_1328 : i32 to index
            %get3A_1330 = arith.index_cast %add3A_1283 : i32 to index
            %get3A_1331 = arith.constant 64 : index
            %get3A_1332 = tpu.vector_load %arg11[%get3A_1329, %get3A_1330, %get3A_1331] {strides = array<i32>} : memref<2x128x128xf32, #tpu.memory_space<vmem>>, vector<16xf32>,
            %mul3A_1333 = arith.mulf %get3A_1332, %gather3A_1279 : vector<16xf32>
            %swap3A_1334 = arith.constant 1 : i32
            %swap3A_1335 = arith.index_cast %swap3A_1334 : i32 to index
            %swap3A_1336 = arith.index_cast %add3A_1283 : i32 to index
            %swap3A_1337 = arith.constant 64 : index
            %swap3A_1338 = tpu.vector_load %arg11[%swap3A_1335, %swap3A_1336, %swap3A_1337] {strides = array<i32>} : memref<2x128x128xf32, #tpu.memory_space<vmem>>, vector<16xf32>,
            tpu.vector_store %arg11[%swap3A_1335, %swap3A_1336, %swap3A_1337], %mul3A_1333 {strides = array<i32>} : memref<2x128x128xf32, #tpu.memory_space<vmem>>, vector<16xf32>,
            %get3A_1339 = arith.constant 1 : i32
            %get3A_1340 = arith.index_cast %get3A_1339 : i32 to index
            %get3A_1341 = arith.index_cast %add3A_1283 : i32 to index
            %get3A_1342 = arith.constant 80 : index
            %get3A_1343 = tpu.vector_load %arg11[%get3A_1340, %get3A_1341, %get3A_1342] {strides = array<i32>} : memref<2x128x128xf32, #tpu.memory_space<vmem>>, vector<16xf32>,
            %mul3A_1344 = arith.mulf %get3A_1343, %gather3A_1279 : vector<16xf32>
            %swap3A_1345 = arith.constant 1 : i32
            %swap3A_1346 = arith.index_cast %swap3A_1345 : i32 to index
            %swap3A_1347 = arith.index_cast %add3A_1283 : i32 to index
            %swap3A_1348 = arith.constant 80 : index
            %swap3A_1349 = tpu.vector_load %arg11[%swap3A_1346, %swap3A_1347, %swap3A_1348] {strides = array<i32>} : memref<2x128x128xf32, #tpu.memory_space<vmem>>, vector<16xf32>,
            tpu.vector_store %arg11[%swap3A_1346, %swap3A_1347, %swap3A_1348], %mul3A_1344 {strides = array<i32>} : memref<2x128x128xf32, #tpu.memory_space<vmem>>, vector<16xf32>,
            %get3A_1350 = arith.constant 1 : i32
            %get3A_1351 = arith.index_cast %get3A_1350 : i32 to index
            %get3A_1352 = arith.index_cast %add3A_1283 : i32 to index
            %get3A_1353 = arith.constant 96 : index
            %get3A_1354 = tpu.vector_load %arg11[%get3A_1351, %get3A_1352, %get3A_1353] {strides = array<i32>} : memref<2x128x128xf32, #tpu.memory_space<vmem>>, vector<16xf32>,
            %mul3A_1355 = arith.mulf %get3A_1354, %gather3A_1279 : vector<16xf32>
            %swap3A_1356 = arith.constant 1 : i32
            %swap3A_1357 = arith.index_cast %swap3A_1356 : i32 to index
            %swap3A_1358 = arith.index_cast %add3A_1283 : i32 to index
            %swap3A_1359 = arith.constant 96 : index
            %swap3A_1360 = tpu.vector_load %arg11[%swap3A_1357, %swap3A_1358, %swap3A_1359] {strides = array<i32>} : memref<2x128x128xf32, #tpu.memory_space<vmem>>, vector<16xf32>,
            tpu.vector_store %arg11[%swap3A_1357, %swap3A_1358, %swap3A_1359], %mul3A_1355 {strides = array<i32>} : memref<2x128x128xf32, #tpu.memory_space<vmem>>, vector<16xf32>,
            %get3A_1361 = arith.constant 1 : i32
            %get3A_1362 = arith.index_cast %get3A_1361 : i32 to index
            %get3A_1363 = arith.index_cast %add3A_1283 : i32 to index
            %get3A_1364 = arith.constant 112 : index
            %get3A_1365 = tpu.vector_load %arg11[%get3A_1362, %get3A_1363, %get3A_1364] {strides = array<i32>} : memref<2x128x128xf32, #tpu.memory_space<vmem>>, vector<16xf32>,
            %mul3A_1366 = arith.mulf %get3A_1365, %gather3A_1279 : vector<16xf32>
            %swap3A_1367 = arith.constant 1 : i32
            %swap3A_1368 = arith.index_cast %swap3A_1367 : i32 to index
            %swap3A_1369 = arith.index_cast %add3A_1283 : i32 to index
            %swap3A_1370 = arith.constant 112 : index
            %swap3A_1371 = tpu.vector_load %arg11[%swap3A_1368, %swap3A_1369, %swap3A_1370] {strides = array<i32>} : memref<2x128x128xf32, #tpu.memory_space<vmem>>, vector<16xf32>,
            tpu.vector_store %arg11[%swap3A_1368, %swap3A_1369, %swap3A_1370], %mul3A_1366 {strides = array<i32>} : memref<2x128x128xf32, #tpu.memory_space<vmem>>, vector<16xf32>,
            %broadcast_in_dim3A_1372 = arith.constant 11 : i32
            %broadcast_in_dim3A_1373 = vector.broadcast %broadcast_in_dim3A_1372 : i32 to vector<16x1xi32>
            %gather3A_1374 = vector.shape_cast %broadcast_in_dim3A_1373 : vector<16x1xi32> to vector<16xi32>
            %gather3A_1375 = tpu.dynamic_gather %get3A_317[%gather3A_1374] in [0] : vector<16xf32>, vector<16xi32> -> vector<16xf32>
            %mul3A_1376 = arith.constant 16 : i32
            %mul3A_1377 = arith.muli %scan3A_312, %mul3A_1376 : i32
            %add3A_1378 = arith.constant 11 : i32
            %add3A_1379 = arith.addi %mul3A_1377, %add3A_1378 : i32
            %get3A_1380 = arith.constant 1 : i32
            %get3A_1381 = arith.index_cast %get3A_1380 : i32 to index
            %get3A_1382 = arith.index_cast %add3A_1379 : i32 to index
            %get3A_1383 = arith.constant 0 : index
            %get3A_1384 = tpu.vector_load %arg11[%get3A_1381, %get3A_1382, %get3A_1383] {strides = array<i32>} : memref<2x128x128xf32, #tpu.memory_space<vmem>>, vector<16xf32>,
            %mul3A_1385 = arith.mulf %get3A_1384, %gather3A_1375 : vector<16xf32>
            %swap3A_1386 = arith.constant 1 : i32
            %swap3A_1387 = arith.index_cast %swap3A_1386 : i32 to index
            %swap3A_1388 = arith.index_cast %add3A_1379 : i32 to index
            %swap3A_1389 = arith.constant 0 : index
            %swap3A_1390 = tpu.vector_load %arg11[%swap3A_1387, %swap3A_1388, %swap3A_1389] {strides = array<i32>} : memref<2x128x128xf32, #tpu.memory_space<vmem>>, vector<16xf32>,
            tpu.vector_store %arg11[%swap3A_1387, %swap3A_1388, %swap3A_1389], %mul3A_1385 {strides = array<i32>} : memref<2x128x128xf32, #tpu.memory_space<vmem>>, vector<16xf32>,
            %get3A_1391 = arith.constant 1 : i32
            %get3A_1392 = arith.index_cast %get3A_1391 : i32 to index
            %get3A_1393 = arith.index_cast %add3A_1379 : i32 to index
            %get3A_1394 = arith.constant 16 : index
            %get3A_1395 = tpu.vector_load %arg11[%get3A_1392, %get3A_1393, %get3A_1394] {strides = array<i32>} : memref<2x128x128xf32, #tpu.memory_space<vmem>>, vector<16xf32>,
            %mul3A_1396 = arith.mulf %get3A_1395, %gather3A_1375 : vector<16xf32>
            %swap3A_1397 = arith.constant 1 : i32
            %swap3A_1398 = arith.index_cast %swap3A_1397 : i32 to index
            %swap3A_1399 = arith.index_cast %add3A_1379 : i32 to index
            %swap3A_1400 = arith.constant 16 : index
            %swap3A_1401 = tpu.vector_load %arg11[%swap3A_1398, %swap3A_1399, %swap3A_1400] {strides = array<i32>} : memref<2x128x128xf32, #tpu.memory_space<vmem>>, vector<16xf32>,
            tpu.vector_store %arg11[%swap3A_1398, %swap3A_1399, %swap3A_1400], %mul3A_1396 {strides = array<i32>} : memref<2x128x128xf32, #tpu.memory_space<vmem>>, vector<16xf32>,
            %get3A_1402 = arith.constant 1 : i32
            %get3A_1403 = arith.index_cast %get3A_1402 : i32 to index
            %get3A_1404 = arith.index_cast %add3A_1379 : i32 to index
            %get3A_1405 = arith.constant 32 : index
            %get3A_1406 = tpu.vector_load %arg11[%get3A_1403, %get3A_1404, %get3A_1405] {strides = array<i32>} : memref<2x128x128xf32, #tpu.memory_space<vmem>>, vector<16xf32>,
            %mul3A_1407 = arith.mulf %get3A_1406, %gather3A_1375 : vector<16xf32>
            %swap3A_1408 = arith.constant 1 : i32
            %swap3A_1409 = arith.index_cast %swap3A_1408 : i32 to index
            %swap3A_1410 = arith.index_cast %add3A_1379 : i32 to index
            %swap3A_1411 = arith.constant 32 : index
            %swap3A_1412 = tpu.vector_load %arg11[%swap3A_1409, %swap3A_1410, %swap3A_1411] {strides = array<i32>} : memref<2x128x128xf32, #tpu.memory_space<vmem>>, vector<16xf32>,
            tpu.vector_store %arg11[%swap3A_1409, %swap3A_1410, %swap3A_1411], %mul3A_1407 {strides = array<i32>} : memref<2x128x128xf32, #tpu.memory_space<vmem>>, vector<16xf32>,
            %get3A_1413 = arith.constant 1 : i32
            %get3A_1414 = arith.index_cast %get3A_1413 : i32 to index
            %get3A_1415 = arith.index_cast %add3A_1379 : i32 to index
            %get3A_1416 = arith.constant 48 : index
            %get3A_1417 = tpu.vector_load %arg11[%get3A_1414, %get3A_1415, %get3A_1416] {strides = array<i32>} : memref<2x128x128xf32, #tpu.memory_space<vmem>>, vector<16xf32>,
            %mul3A_1418 = arith.mulf %get3A_1417, %gather3A_1375 : vector<16xf32>
            %swap3A_1419 = arith.constant 1 : i32
            %swap3A_1420 = arith.index_cast %swap3A_1419 : i32 to index
            %swap3A_1421 = arith.index_cast %add3A_1379 : i32 to index
            %swap3A_1422 = arith.constant 48 : index
            %swap3A_1423 = tpu.vector_load %arg11[%swap3A_1420, %swap3A_1421, %swap3A_1422] {strides = array<i32>} : memref<2x128x128xf32, #tpu.memory_space<vmem>>, vector<16xf32>,
            tpu.vector_store %arg11[%swap3A_1420, %swap3A_1421, %swap3A_1422], %mul3A_1418 {strides = array<i32>} : memref<2x128x128xf32, #tpu.memory_space<vmem>>, vector<16xf32>,
            %get3A_1424 = arith.constant 1 : i32
            %get3A_1425 = arith.index_cast %get3A_1424 : i32 to index
            %get3A_1426 = arith.index_cast %add3A_1379 : i32 to index
            %get3A_1427 = arith.constant 64 : index
            %get3A_1428 = tpu.vector_load %arg11[%get3A_1425, %get3A_1426, %get3A_1427] {strides = array<i32>} : memref<2x128x128xf32, #tpu.memory_space<vmem>>, vector<16xf32>,
            %mul3A_1429 = arith.mulf %get3A_1428, %gather3A_1375 : vector<16xf32>
            %swap3A_1430 = arith.constant 1 : i32
            %swap3A_1431 = arith.index_cast %swap3A_1430 : i32 to index
            %swap3A_1432 = arith.index_cast %add3A_1379 : i32 to index
            %swap3A_1433 = arith.constant 64 : index
            %swap3A_1434 = tpu.vector_load %arg11[%swap3A_1431, %swap3A_1432, %swap3A_1433] {strides = array<i32>} : memref<2x128x128xf32, #tpu.memory_space<vmem>>, vector<16xf32>,
            tpu.vector_store %arg11[%swap3A_1431, %swap3A_1432, %swap3A_1433], %mul3A_1429 {strides = array<i32>} : memref<2x128x128xf32, #tpu.memory_space<vmem>>, vector<16xf32>,
            %get3A_1435 = arith.constant 1 : i32
            %get3A_1436 = arith.index_cast %get3A_1435 : i32 to index
            %get3A_1437 = arith.index_cast %add3A_1379 : i32 to index
            %get3A_1438 = arith.constant 80 : index
            %get3A_1439 = tpu.vector_load %arg11[%get3A_1436, %get3A_1437, %get3A_1438] {strides = array<i32>} : memref<2x128x128xf32, #tpu.memory_space<vmem>>, vector<16xf32>,
            %mul3A_1440 = arith.mulf %get3A_1439, %gather3A_1375 : vector<16xf32>
            %swap3A_1441 = arith.constant 1 : i32
            %swap3A_1442 = arith.index_cast %swap3A_1441 : i32 to index
            %swap3A_1443 = arith.index_cast %add3A_1379 : i32 to index
            %swap3A_1444 = arith.constant 80 : index
            %swap3A_1445 = tpu.vector_load %arg11[%swap3A_1442, %swap3A_1443, %swap3A_1444] {strides = array<i32>} : memref<2x128x128xf32, #tpu.memory_space<vmem>>, vector<16xf32>,
            tpu.vector_store %arg11[%swap3A_1442, %swap3A_1443, %swap3A_1444], %mul3A_1440 {strides = array<i32>} : memref<2x128x128xf32, #tpu.memory_space<vmem>>, vector<16xf32>,
            %get3A_1446 = arith.constant 1 : i32
            %get3A_1447 = arith.index_cast %get3A_1446 : i32 to index
            %get3A_1448 = arith.index_cast %add3A_1379 : i32 to index
            %get3A_1449 = arith.constant 96 : index
            %get3A_1450 = tpu.vector_load %arg11[%get3A_1447, %get3A_1448, %get3A_1449] {strides = array<i32>} : memref<2x128x128xf32, #tpu.memory_space<vmem>>, vector<16xf32>,
            %mul3A_1451 = arith.mulf %get3A_1450, %gather3A_1375 : vector<16xf32>
            %swap3A_1452 = arith.constant 1 : i32
            %swap3A_1453 = arith.index_cast %swap3A_1452 : i32 to index
            %swap3A_1454 = arith.index_cast %add3A_1379 : i32 to index
            %swap3A_1455 = arith.constant 96 : index
            %swap3A_1456 = tpu.vector_load %arg11[%swap3A_1453, %swap3A_1454, %swap3A_1455] {strides = array<i32>} : memref<2x128x128xf32, #tpu.memory_space<vmem>>, vector<16xf32>,
            tpu.vector_store %arg11[%swap3A_1453, %swap3A_1454, %swap3A_1455], %mul3A_1451 {strides = array<i32>} : memref<2x128x128xf32, #tpu.memory_space<vmem>>, vector<16xf32>,
            %get3A_1457 = arith.constant 1 : i32
            %get3A_1458 = arith.index_cast %get3A_1457 : i32 to index
            %get3A_1459 = arith.index_cast %add3A_1379 : i32 to index
            %get3A_1460 = arith.constant 112 : index
            %get3A_1461 = tpu.vector_load %arg11[%get3A_1458, %get3A_1459, %get3A_1460] {strides = array<i32>} : memref<2x128x128xf32, #tpu.memory_space<vmem>>, vector<16xf32>,
            %mul3A_1462 = arith.mulf %get3A_1461, %gather3A_1375 : vector<16xf32>
            %swap3A_1463 = arith.constant 1 : i32
            %swap3A_1464 = arith.index_cast %swap3A_1463 : i32 to index
            %swap3A_1465 = arith.index_cast %add3A_1379 : i32 to index
            %swap3A_1466 = arith.constant 112 : index
            %swap3A_1467 = tpu.vector_load %arg11[%swap3A_1464, %swap3A_1465, %swap3A_1466] {strides = array<i32>} : memref<2x128x128xf32, #tpu.memory_space<vmem>>, vector<16xf32>,
            tpu.vector_store %arg11[%swap3A_1464, %swap3A_1465, %swap3A_1466], %mul3A_1462 {strides = array<i32>} : memref<2x128x128xf32, #tpu.memory_space<vmem>>, vector<16xf32>,
            %broadcast_in_dim3A_1468 = arith.constant 12 : i32
            %broadcast_in_dim3A_1469 = vector.broadcast %broadcast_in_dim3A_1468 : i32 to vector<16x1xi32>
            %gather3A_1470 = vector.shape_cast %broadcast_in_dim3A_1469 : vector<16x1xi32> to vector<16xi32>
            %gather3A_1471 = tpu.dynamic_gather %get3A_317[%gather3A_1470] in [0] : vector<16xf32>, vector<16xi32> -> vector<16xf32>
            %mul3A_1472 = arith.constant 16 : i32
            %mul3A_1473 = arith.muli %scan3A_312, %mul3A_1472 : i32
            %add3A_1474 = arith.constant 12 : i32
            %add3A_1475 = arith.addi %mul3A_1473, %add3A_1474 : i32
            %get3A_1476 = arith.constant 1 : i32
            %get3A_1477 = arith.index_cast %get3A_1476 : i32 to index
            %get3A_1478 = arith.index_cast %add3A_1475 : i32 to index
            %get3A_1479 = arith.constant 0 : index
            %get3A_1480 = tpu.vector_load %arg11[%get3A_1477, %get3A_1478, %get3A_1479] {strides = array<i32>} : memref<2x128x128xf32, #tpu.memory_space<vmem>>, vector<16xf32>,
            %mul3A_1481 = arith.mulf %get3A_1480, %gather3A_1471 : vector<16xf32>
            %swap3A_1482 = arith.constant 1 : i32
            %swap3A_1483 = arith.index_cast %swap3A_1482 : i32 to index
            %swap3A_1484 = arith.index_cast %add3A_1475 : i32 to index
            %swap3A_1485 = arith.constant 0 : index
            %swap3A_1486 = tpu.vector_load %arg11[%swap3A_1483, %swap3A_1484, %swap3A_1485] {strides = array<i32>} : memref<2x128x128xf32, #tpu.memory_space<vmem>>, vector<16xf32>,
            tpu.vector_store %arg11[%swap3A_1483, %swap3A_1484, %swap3A_1485], %mul3A_1481 {strides = array<i32>} : memref<2x128x128xf32, #tpu.memory_space<vmem>>, vector<16xf32>,
            %get3A_1487 = arith.constant 1 : i32
            %get3A_1488 = arith.index_cast %get3A_1487 : i32 to index
            %get3A_1489 = arith.index_cast %add3A_1475 : i32 to index
            %get3A_1490 = arith.constant 16 : index
            %get3A_1491 = tpu.vector_load %arg11[%get3A_1488, %get3A_1489, %get3A_1490] {strides = array<i32>} : memref<2x128x128xf32, #tpu.memory_space<vmem>>, vector<16xf32>,
            %mul3A_1492 = arith.mulf %get3A_1491, %gather3A_1471 : vector<16xf32>
            %swap3A_1493 = arith.constant 1 : i32
            %swap3A_1494 = arith.index_cast %swap3A_1493 : i32 to index
            %swap3A_1495 = arith.index_cast %add3A_1475 : i32 to index
            %swap3A_1496 = arith.constant 16 : index
            %swap3A_1497 = tpu.vector_load %arg11[%swap3A_1494, %swap3A_1495, %swap3A_1496] {strides = array<i32>} : memref<2x128x128xf32, #tpu.memory_space<vmem>>, vector<16xf32>,
            tpu.vector_store %arg11[%swap3A_1494, %swap3A_1495, %swap3A_1496], %mul3A_1492 {strides = array<i32>} : memref<2x128x128xf32, #tpu.memory_space<vmem>>, vector<16xf32>,
            %get3A_1498 = arith.constant 1 : i32
            %get3A_1499 = arith.index_cast %get3A_1498 : i32 to index
            %get3A_1500 = arith.index_cast %add3A_1475 : i32 to index
            %get3A_1501 = arith.constant 32 : index
            %get3A_1502 = tpu.vector_load %arg11[%get3A_1499, %get3A_1500, %get3A_1501] {strides = array<i32>} : memref<2x128x128xf32, #tpu.memory_space<vmem>>, vector<16xf32>,
            %mul3A_1503 = arith.mulf %get3A_1502, %gather3A_1471 : vector<16xf32>
            %swap3A_1504 = arith.constant 1 : i32
            %swap3A_1505 = arith.index_cast %swap3A_1504 : i32 to index
            %swap3A_1506 = arith.index_cast %add3A_1475 : i32 to index
            %swap3A_1507 = arith.constant 32 : index
            %swap3A_1508 = tpu.vector_load %arg11[%swap3A_1505, %swap3A_1506, %swap3A_1507] {strides = array<i32>} : memref<2x128x128xf32, #tpu.memory_space<vmem>>, vector<16xf32>,
            tpu.vector_store %arg11[%swap3A_1505, %swap3A_1506, %swap3A_1507], %mul3A_1503 {strides = array<i32>} : memref<2x128x128xf32, #tpu.memory_space<vmem>>, vector<16xf32>,
            %get3A_1509 = arith.constant 1 : i32
            %get3A_1510 = arith.index_cast %get3A_1509 : i32 to index
            %get3A_1511 = arith.index_cast %add3A_1475 : i32 to index
            %get3A_1512 = arith.constant 48 : index
            %get3A_1513 = tpu.vector_load %arg11[%get3A_1510, %get3A_1511, %get3A_1512] {strides = array<i32>} : memref<2x128x128xf32, #tpu.memory_space<vmem>>, vector<16xf32>,
            %mul3A_1514 = arith.mulf %get3A_1513, %gather3A_1471 : vector<16xf32>
            %swap3A_1515 = arith.constant 1 : i32
            %swap3A_1516 = arith.index_cast %swap3A_1515 : i32 to index
            %swap3A_1517 = arith.index_cast %add3A_1475 : i32 to index
            %swap3A_1518 = arith.constant 48 : index
            %swap3A_1519 = tpu.vector_load %arg11[%swap3A_1516, %swap3A_1517, %swap3A_1518] {strides = array<i32>} : memref<2x128x128xf32, #tpu.memory_space<vmem>>, vector<16xf32>,
            tpu.vector_store %arg11[%swap3A_1516, %swap3A_1517, %swap3A_1518], %mul3A_1514 {strides = array<i32>} : memref<2x128x128xf32, #tpu.memory_space<vmem>>, vector<16xf32>,
            %get3A_1520 = arith.constant 1 : i32
            %get3A_1521 = arith.index_cast %get3A_1520 : i32 to index
            %get3A_1522 = arith.index_cast %add3A_1475 : i32 to index
            %get3A_1523 = arith.constant 64 : index
            %get3A_1524 = tpu.vector_load %arg11[%get3A_1521, %get3A_1522, %get3A_1523] {strides = array<i32>} : memref<2x128x128xf32, #tpu.memory_space<vmem>>, vector<16xf32>,
            %mul3A_1525 = arith.mulf %get3A_1524, %gather3A_1471 : vector<16xf32>
            %swap3A_1526 = arith.constant 1 : i32
            %swap3A_1527 = arith.index_cast %swap3A_1526 : i32 to index
            %swap3A_1528 = arith.index_cast %add3A_1475 : i32 to index
            %swap3A_1529 = arith.constant 64 : index
            %swap3A_1530 = tpu.vector_load %arg11[%swap3A_1527, %swap3A_1528, %swap3A_1529] {strides = array<i32>} : memref<2x128x128xf32, #tpu.memory_space<vmem>>, vector<16xf32>,
            tpu.vector_store %arg11[%swap3A_1527, %swap3A_1528, %swap3A_1529], %mul3A_1525 {strides = array<i32>} : memref<2x128x128xf32, #tpu.memory_space<vmem>>, vector<16xf32>,
            %get3A_1531 = arith.constant 1 : i32
            %get3A_1532 = arith.index_cast %get3A_1531 : i32 to index
            %get3A_1533 = arith.index_cast %add3A_1475 : i32 to index
            %get3A_1534 = arith.constant 80 : index
            %get3A_1535 = tpu.vector_load %arg11[%get3A_1532, %get3A_1533, %get3A_1534] {strides = array<i32>} : memref<2x128x128xf32, #tpu.memory_space<vmem>>, vector<16xf32>,
            %mul3A_1536 = arith.mulf %get3A_1535, %gather3A_1471 : vector<16xf32>
            %swap3A_1537 = arith.constant 1 : i32
            %swap3A_1538 = arith.index_cast %swap3A_1537 : i32 to index
            %swap3A_1539 = arith.index_cast %add3A_1475 : i32 to index
            %swap3A_1540 = arith.constant 80 : index
            %swap3A_1541 = tpu.vector_load %arg11[%swap3A_1538, %swap3A_1539, %swap3A_1540] {strides = array<i32>} : memref<2x128x128xf32, #tpu.memory_space<vmem>>, vector<16xf32>,
            tpu.vector_store %arg11[%swap3A_1538, %swap3A_1539, %swap3A_1540], %mul3A_1536 {strides = array<i32>} : memref<2x128x128xf32, #tpu.memory_space<vmem>>, vector<16xf32>,
            %get3A_1542 = arith.constant 1 : i32
            %get3A_1543 = arith.index_cast %get3A_1542 : i32 to index
            %get3A_1544 = arith.index_cast %add3A_1475 : i32 to index
            %get3A_1545 = arith.constant 96 : index
            %get3A_1546 = tpu.vector_load %arg11[%get3A_1543, %get3A_1544, %get3A_1545] {strides = array<i32>} : memref<2x128x128xf32, #tpu.memory_space<vmem>>, vector<16xf32>,
            %mul3A_1547 = arith.mulf %get3A_1546, %gather3A_1471 : vector<16xf32>
            %swap3A_1548 = arith.constant 1 : i32
            %swap3A_1549 = arith.index_cast %swap3A_1548 : i32 to index
            %swap3A_1550 = arith.index_cast %add3A_1475 : i32 to index
            %swap3A_1551 = arith.constant 96 : index
            %swap3A_1552 = tpu.vector_load %arg11[%swap3A_1549, %swap3A_1550, %swap3A_1551] {strides = array<i32>} : memref<2x128x128xf32, #tpu.memory_space<vmem>>, vector<16xf32>,
            tpu.vector_store %arg11[%swap3A_1549, %swap3A_1550, %swap3A_1551], %mul3A_1547 {strides = array<i32>} : memref<2x128x128xf32, #tpu.memory_space<vmem>>, vector<16xf32>,
            %get3A_1553 = arith.constant 1 : i32
            %get3A_1554 = arith.index_cast %get3A_1553 : i32 to index
            %get3A_1555 = arith.index_cast %add3A_1475 : i32 to index
            %get3A_1556 = arith.constant 112 : index
            %get3A_1557 = tpu.vector_load %arg11[%get3A_1554, %get3A_1555, %get3A_1556] {strides = array<i32>} : memref<2x128x128xf32, #tpu.memory_space<vmem>>, vector<16xf32>,
            %mul3A_1558 = arith.mulf %get3A_1557, %gather3A_1471 : vector<16xf32>
            %swap3A_1559 = arith.constant 1 : i32
            %swap3A_1560 = arith.index_cast %swap3A_1559 : i32 to index
            %swap3A_1561 = arith.index_cast %add3A_1475 : i32 to index
            %swap3A_1562 = arith.constant 112 : index
            %swap3A_1563 = tpu.vector_load %arg11[%swap3A_1560, %swap3A_1561, %swap3A_1562] {strides = array<i32>} : memref<2x128x128xf32, #tpu.memory_space<vmem>>, vector<16xf32>,
            tpu.vector_store %arg11[%swap3A_1560, %swap3A_1561, %swap3A_1562], %mul3A_1558 {strides = array<i32>} : memref<2x128x128xf32, #tpu.memory_space<vmem>>, vector<16xf32>,
            %broadcast_in_dim3A_1564 = arith.constant 13 : i32
            %broadcast_in_dim3A_1565 = vector.broadcast %broadcast_in_dim3A_1564 : i32 to vector<16x1xi32>
            %gather3A_1566 = vector.shape_cast %broadcast_in_dim3A_1565 : vector<16x1xi32> to vector<16xi32>
            %gather3A_1567 = tpu.dynamic_gather %get3A_317[%gather3A_1566] in [0] : vector<16xf32>, vector<16xi32> -> vector<16xf32>
            %mul3A_1568 = arith.constant 16 : i32
            %mul3A_1569 = arith.muli %scan3A_312, %mul3A_1568 : i32
            %add3A_1570 = arith.constant 13 : i32
            %add3A_1571 = arith.addi %mul3A_1569, %add3A_1570 : i32
            %get3A_1572 = arith.constant 1 : i32
            %get3A_1573 = arith.index_cast %get3A_1572 : i32 to index
            %get3A_1574 = arith.index_cast %add3A_1571 : i32 to index
            %get3A_1575 = arith.constant 0 : index
            %get3A_1576 = tpu.vector_load %arg11[%get3A_1573, %get3A_1574, %get3A_1575] {strides = array<i32>} : memref<2x128x128xf32, #tpu.memory_space<vmem>>, vector<16xf32>,
            %mul3A_1577 = arith.mulf %get3A_1576, %gather3A_1567 : vector<16xf32>
            %swap3A_1578 = arith.constant 1 : i32
            %swap3A_1579 = arith.index_cast %swap3A_1578 : i32 to index
            %swap3A_1580 = arith.index_cast %add3A_1571 : i32 to index
            %swap3A_1581 = arith.constant 0 : index
            %swap3A_1582 = tpu.vector_load %arg11[%swap3A_1579, %swap3A_1580, %swap3A_1581] {strides = array<i32>} : memref<2x128x128xf32, #tpu.memory_space<vmem>>, vector<16xf32>,
            tpu.vector_store %arg11[%swap3A_1579, %swap3A_1580, %swap3A_1581], %mul3A_1577 {strides = array<i32>} : memref<2x128x128xf32, #tpu.memory_space<vmem>>, vector<16xf32>,
            %get3A_1583 = arith.constant 1 : i32
            %get3A_1584 = arith.index_cast %get3A_1583 : i32 to index
            %get3A_1585 = arith.index_cast %add3A_1571 : i32 to index
            %get3A_1586 = arith.constant 16 : index
            %get3A_1587 = tpu.vector_load %arg11[%get3A_1584, %get3A_1585, %get3A_1586] {strides = array<i32>} : memref<2x128x128xf32, #tpu.memory_space<vmem>>, vector<16xf32>,
            %mul3A_1588 = arith.mulf %get3A_1587, %gather3A_1567 : vector<16xf32>
            %swap3A_1589 = arith.constant 1 : i32
            %swap3A_1590 = arith.index_cast %swap3A_1589 : i32 to index
            %swap3A_1591 = arith.index_cast %add3A_1571 : i32 to index
            %swap3A_1592 = arith.constant 16 : index
            %swap3A_1593 = tpu.vector_load %arg11[%swap3A_1590, %swap3A_1591, %swap3A_1592] {strides = array<i32>} : memref<2x128x128xf32, #tpu.memory_space<vmem>>, vector<16xf32>,
            tpu.vector_store %arg11[%swap3A_1590, %swap3A_1591, %swap3A_1592], %mul3A_1588 {strides = array<i32>} : memref<2x128x128xf32, #tpu.memory_space<vmem>>, vector<16xf32>,
            %get3A_1594 = arith.constant 1 : i32
            %get3A_1595 = arith.index_cast %get3A_1594 : i32 to index
            %get3A_1596 = arith.index_cast %add3A_1571 : i32 to index
            %get3A_1597 = arith.constant 32 : index
            %get3A_1598 = tpu.vector_load %arg11[%get3A_1595, %get3A_1596, %get3A_1597] {strides = array<i32>} : memref<2x128x128xf32, #tpu.memory_space<vmem>>, vector<16xf32>,
            %mul3A_1599 = arith.mulf %get3A_1598, %gather3A_1567 : vector<16xf32>
            %swap3A_1600 = arith.constant 1 : i32
            %swap3A_1601 = arith.index_cast %swap3A_1600 : i32 to index
            %swap3A_1602 = arith.index_cast %add3A_1571 : i32 to index
            %swap3A_1603 = arith.constant 32 : index
            %swap3A_1604 = tpu.vector_load %arg11[%swap3A_1601, %swap3A_1602, %swap3A_1603] {strides = array<i32>} : memref<2x128x128xf32, #tpu.memory_space<vmem>>, vector<16xf32>,
            tpu.vector_store %arg11[%swap3A_1601, %swap3A_1602, %swap3A_1603], %mul3A_1599 {strides = array<i32>} : memref<2x128x128xf32, #tpu.memory_space<vmem>>, vector<16xf32>,
            %get3A_1605 = arith.constant 1 : i32
            %get3A_1606 = arith.index_cast %get3A_1605 : i32 to index
            %get3A_1607 = arith.index_cast %add3A_1571 : i32 to index
            %get3A_1608 = arith.constant 48 : index
            %get3A_1609 = tpu.vector_load %arg11[%get3A_1606, %get3A_1607, %get3A_1608] {strides = array<i32>} : memref<2x128x128xf32, #tpu.memory_space<vmem>>, vector<16xf32>,
            %mul3A_1610 = arith.mulf %get3A_1609, %gather3A_1567 : vector<16xf32>
            %swap3A_1611 = arith.constant 1 : i32
            %swap3A_1612 = arith.index_cast %swap3A_1611 : i32 to index
            %swap3A_1613 = arith.index_cast %add3A_1571 : i32 to index
            %swap3A_1614 = arith.constant 48 : index
            %swap3A_1615 = tpu.vector_load %arg11[%swap3A_1612, %swap3A_1613, %swap3A_1614] {strides = array<i32>} : memref<2x128x128xf32, #tpu.memory_space<vmem>>, vector<16xf32>,
            tpu.vector_store %arg11[%swap3A_1612, %swap3A_1613, %swap3A_1614], %mul3A_1610 {strides = array<i32>} : memref<2x128x128xf32, #tpu.memory_space<vmem>>, vector<16xf32>,
            %get3A_1616 = arith.constant 1 : i32
            %get3A_1617 = arith.index_cast %get3A_1616 : i32 to index
            %get3A_1618 = arith.index_cast %add3A_1571 : i32 to index
            %get3A_1619 = arith.constant 64 : index
            %get3A_1620 = tpu.vector_load %arg11[%get3A_1617, %get3A_1618, %get3A_1619] {strides = array<i32>} : memref<2x128x128xf32, #tpu.memory_space<vmem>>, vector<16xf32>,
            %mul3A_1621 = arith.mulf %get3A_1620, %gather3A_1567 : vector<16xf32>
            %swap3A_1622 = arith.constant 1 : i32
            %swap3A_1623 = arith.index_cast %swap3A_1622 : i32 to index
            %swap3A_1624 = arith.index_cast %add3A_1571 : i32 to index
            %swap3A_1625 = arith.constant 64 : index
            %swap3A_1626 = tpu.vector_load %arg11[%swap3A_1623, %swap3A_1624, %swap3A_1625] {strides = array<i32>} : memref<2x128x128xf32, #tpu.memory_space<vmem>>, vector<16xf32>,
            tpu.vector_store %arg11[%swap3A_1623, %swap3A_1624, %swap3A_1625], %mul3A_1621 {strides = array<i32>} : memref<2x128x128xf32, #tpu.memory_space<vmem>>, vector<16xf32>,
            %get3A_1627 = arith.constant 1 : i32
            %get3A_1628 = arith.index_cast %get3A_1627 : i32 to index
            %get3A_1629 = arith.index_cast %add3A_1571 : i32 to index
            %get3A_1630 = arith.constant 80 : index
            %get3A_1631 = tpu.vector_load %arg11[%get3A_1628, %get3A_1629, %get3A_1630] {strides = array<i32>} : memref<2x128x128xf32, #tpu.memory_space<vmem>>, vector<16xf32>,
            %mul3A_1632 = arith.mulf %get3A_1631, %gather3A_1567 : vector<16xf32>
            %swap3A_1633 = arith.constant 1 : i32
            %swap3A_1634 = arith.index_cast %swap3A_1633 : i32 to index
            %swap3A_1635 = arith.index_cast %add3A_1571 : i32 to index
            %swap3A_1636 = arith.constant 80 : index
            %swap3A_1637 = tpu.vector_load %arg11[%swap3A_1634, %swap3A_1635, %swap3A_1636] {strides = array<i32>} : memref<2x128x128xf32, #tpu.memory_space<vmem>>, vector<16xf32>,
            tpu.vector_store %arg11[%swap3A_1634, %swap3A_1635, %swap3A_1636], %mul3A_1632 {strides = array<i32>} : memref<2x128x128xf32, #tpu.memory_space<vmem>>, vector<16xf32>,
            %get3A_1638 = arith.constant 1 : i32
            %get3A_1639 = arith.index_cast %get3A_1638 : i32 to index
            %get3A_1640 = arith.index_cast %add3A_1571 : i32 to index
            %get3A_1641 = arith.constant 96 : index
            %get3A_1642 = tpu.vector_load %arg11[%get3A_1639, %get3A_1640, %get3A_1641] {strides = array<i32>} : memref<2x128x128xf32, #tpu.memory_space<vmem>>, vector<16xf32>,
            %mul3A_1643 = arith.mulf %get3A_1642, %gather3A_1567 : vector<16xf32>
            %swap3A_1644 = arith.constant 1 : i32
            %swap3A_1645 = arith.index_cast %swap3A_1644 : i32 to index
            %swap3A_1646 = arith.index_cast %add3A_1571 : i32 to index
            %swap3A_1647 = arith.constant 96 : index
            %swap3A_1648 = tpu.vector_load %arg11[%swap3A_1645, %swap3A_1646, %swap3A_1647] {strides = array<i32>} : memref<2x128x128xf32, #tpu.memory_space<vmem>>, vector<16xf32>,
            tpu.vector_store %arg11[%swap3A_1645, %swap3A_1646, %swap3A_1647], %mul3A_1643 {strides = array<i32>} : memref<2x128x128xf32, #tpu.memory_space<vmem>>, vector<16xf32>,
            %get3A_1649 = arith.constant 1 : i32
            %get3A_1650 = arith.index_cast %get3A_1649 : i32 to index
            %get3A_1651 = arith.index_cast %add3A_1571 : i32 to index
            %get3A_1652 = arith.constant 112 : index
            %get3A_1653 = tpu.vector_load %arg11[%get3A_1650, %get3A_1651, %get3A_1652] {strides = array<i32>} : memref<2x128x128xf32, #tpu.memory_space<vmem>>, vector<16xf32>,
            %mul3A_1654 = arith.mulf %get3A_1653, %gather3A_1567 : vector<16xf32>
            %swap3A_1655 = arith.constant 1 : i32
            %swap3A_1656 = arith.index_cast %swap3A_1655 : i32 to index
            %swap3A_1657 = arith.index_cast %add3A_1571 : i32 to index
            %swap3A_1658 = arith.constant 112 : index
            %swap3A_1659 = tpu.vector_load %arg11[%swap3A_1656, %swap3A_1657, %swap3A_1658] {strides = array<i32>} : memref<2x128x128xf32, #tpu.memory_space<vmem>>, vector<16xf32>,
            tpu.vector_store %arg11[%swap3A_1656, %swap3A_1657, %swap3A_1658], %mul3A_1654 {strides = array<i32>} : memref<2x128x128xf32, #tpu.memory_space<vmem>>, vector<16xf32>,
            %broadcast_in_dim3A_1660 = arith.constant 14 : i32
            %broadcast_in_dim3A_1661 = vector.broadcast %broadcast_in_dim3A_1660 : i32 to vector<16x1xi32>
            %gather3A_1662 = vector.shape_cast %broadcast_in_dim3A_1661 : vector<16x1xi32> to vector<16xi32>
            %gather3A_1663 = tpu.dynamic_gather %get3A_317[%gather3A_1662] in [0] : vector<16xf32>, vector<16xi32> -> vector<16xf32>
            %mul3A_1664 = arith.constant 16 : i32
            %mul3A_1665 = arith.muli %scan3A_312, %mul3A_1664 : i32
            %add3A_1666 = arith.constant 14 : i32
            %add3A_1667 = arith.addi %mul3A_1665, %add3A_1666 : i32
            %get3A_1668 = arith.constant 1 : i32
            %get3A_1669 = arith.index_cast %get3A_1668 : i32 to index
            %get3A_1670 = arith.index_cast %add3A_1667 : i32 to index
            %get3A_1671 = arith.constant 0 : index
            %get3A_1672 = tpu.vector_load %arg11[%get3A_1669, %get3A_1670, %get3A_1671] {strides = array<i32>} : memref<2x128x128xf32, #tpu.memory_space<vmem>>, vector<16xf32>,
            %mul3A_1673 = arith.mulf %get3A_1672, %gather3A_1663 : vector<16xf32>
            %swap3A_1674 = arith.constant 1 : i32
            %swap3A_1675 = arith.index_cast %swap3A_1674 : i32 to index
            %swap3A_1676 = arith.index_cast %add3A_1667 : i32 to index
            %swap3A_1677 = arith.constant 0 : index
            %swap3A_1678 = tpu.vector_load %arg11[%swap3A_1675, %swap3A_1676, %swap3A_1677] {strides = array<i32>} : memref<2x128x128xf32, #tpu.memory_space<vmem>>, vector<16xf32>,
            tpu.vector_store %arg11[%swap3A_1675, %swap3A_1676, %swap3A_1677], %mul3A_1673 {strides = array<i32>} : memref<2x128x128xf32, #tpu.memory_space<vmem>>, vector<16xf32>,
            %get3A_1679 = arith.constant 1 : i32
            %get3A_1680 = arith.index_cast %get3A_1679 : i32 to index
            %get3A_1681 = arith.index_cast %add3A_1667 : i32 to index
            %get3A_1682 = arith.constant 16 : index
            %get3A_1683 = tpu.vector_load %arg11[%get3A_1680, %get3A_1681, %get3A_1682] {strides = array<i32>} : memref<2x128x128xf32, #tpu.memory_space<vmem>>, vector<16xf32>,
            %mul3A_1684 = arith.mulf %get3A_1683, %gather3A_1663 : vector<16xf32>
            %swap3A_1685 = arith.constant 1 : i32
            %swap3A_1686 = arith.index_cast %swap3A_1685 : i32 to index
            %swap3A_1687 = arith.index_cast %add3A_1667 : i32 to index
            %swap3A_1688 = arith.constant 16 : index
            %swap3A_1689 = tpu.vector_load %arg11[%swap3A_1686, %swap3A_1687, %swap3A_1688] {strides = array<i32>} : memref<2x128x128xf32, #tpu.memory_space<vmem>>, vector<16xf32>,
            tpu.vector_store %arg11[%swap3A_1686, %swap3A_1687, %swap3A_1688], %mul3A_1684 {strides = array<i32>} : memref<2x128x128xf32, #tpu.memory_space<vmem>>, vector<16xf32>,
            %get3A_1690 = arith.constant 1 : i32
            %get3A_1691 = arith.index_cast %get3A_1690 : i32 to index
            %get3A_1692 = arith.index_cast %add3A_1667 : i32 to index
            %get3A_1693 = arith.constant 32 : index
            %get3A_1694 = tpu.vector_load %arg11[%get3A_1691, %get3A_1692, %get3A_1693] {strides = array<i32>} : memref<2x128x128xf32, #tpu.memory_space<vmem>>, vector<16xf32>,
            %mul3A_1695 = arith.mulf %get3A_1694, %gather3A_1663 : vector<16xf32>
            %swap3A_1696 = arith.constant 1 : i32
            %swap3A_1697 = arith.index_cast %swap3A_1696 : i32 to index
            %swap3A_1698 = arith.index_cast %add3A_1667 : i32 to index
            %swap3A_1699 = arith.constant 32 : index
            %swap3A_1700 = tpu.vector_load %arg11[%swap3A_1697, %swap3A_1698, %swap3A_1699] {strides = array<i32>} : memref<2x128x128xf32, #tpu.memory_space<vmem>>, vector<16xf32>,
            tpu.vector_store %arg11[%swap3A_1697, %swap3A_1698, %swap3A_1699], %mul3A_1695 {strides = array<i32>} : memref<2x128x128xf32, #tpu.memory_space<vmem>>, vector<16xf32>,
            %get3A_1701 = arith.constant 1 : i32
            %get3A_1702 = arith.index_cast %get3A_1701 : i32 to index
            %get3A_1703 = arith.index_cast %add3A_1667 : i32 to index
            %get3A_1704 = arith.constant 48 : index
            %get3A_1705 = tpu.vector_load %arg11[%get3A_1702, %get3A_1703, %get3A_1704] {strides = array<i32>} : memref<2x128x128xf32, #tpu.memory_space<vmem>>, vector<16xf32>,
            %mul3A_1706 = arith.mulf %get3A_1705, %gather3A_1663 : vector<16xf32>
            %swap3A_1707 = arith.constant 1 : i32
            %swap3A_1708 = arith.index_cast %swap3A_1707 : i32 to index
            %swap3A_1709 = arith.index_cast %add3A_1667 : i32 to index
            %swap3A_1710 = arith.constant 48 : index
            %swap3A_1711 = tpu.vector_load %arg11[%swap3A_1708, %swap3A_1709, %swap3A_1710] {strides = array<i32>} : memref<2x128x128xf32, #tpu.memory_space<vmem>>, vector<16xf32>,
            tpu.vector_store %arg11[%swap3A_1708, %swap3A_1709, %swap3A_1710], %mul3A_1706 {strides = array<i32>} : memref<2x128x128xf32, #tpu.memory_space<vmem>>, vector<16xf32>,
            %get3A_1712 = arith.constant 1 : i32
            %get3A_1713 = arith.index_cast %get3A_1712 : i32 to index
            %get3A_1714 = arith.index_cast %add3A_1667 : i32 to index
            %get3A_1715 = arith.constant 64 : index
            %get3A_1716 = tpu.vector_load %arg11[%get3A_1713, %get3A_1714, %get3A_1715] {strides = array<i32>} : memref<2x128x128xf32, #tpu.memory_space<vmem>>, vector<16xf32>,
            %mul3A_1717 = arith.mulf %get3A_1716, %gather3A_1663 : vector<16xf32>
            %swap3A_1718 = arith.constant 1 : i32
            %swap3A_1719 = arith.index_cast %swap3A_1718 : i32 to index
            %swap3A_1720 = arith.index_cast %add3A_1667 : i32 to index
            %swap3A_1721 = arith.constant 64 : index
            %swap3A_1722 = tpu.vector_load %arg11[%swap3A_1719, %swap3A_1720, %swap3A_1721] {strides = array<i32>} : memref<2x128x128xf32, #tpu.memory_space<vmem>>, vector<16xf32>,
            tpu.vector_store %arg11[%swap3A_1719, %swap3A_1720, %swap3A_1721], %mul3A_1717 {strides = array<i32>} : memref<2x128x128xf32, #tpu.memory_space<vmem>>, vector<16xf32>,
            %get3A_1723 = arith.constant 1 : i32
            %get3A_1724 = arith.index_cast %get3A_1723 : i32 to index
            %get3A_1725 = arith.index_cast %add3A_1667 : i32 to index
            %get3A_1726 = arith.constant 80 : index
            %get3A_1727 = tpu.vector_load %arg11[%get3A_1724, %get3A_1725, %get3A_1726] {strides = array<i32>} : memref<2x128x128xf32, #tpu.memory_space<vmem>>, vector<16xf32>,
            %mul3A_1728 = arith.mulf %get3A_1727, %gather3A_1663 : vector<16xf32>
            %swap3A_1729 = arith.constant 1 : i32
            %swap3A_1730 = arith.index_cast %swap3A_1729 : i32 to index
            %swap3A_1731 = arith.index_cast %add3A_1667 : i32 to index
            %swap3A_1732 = arith.constant 80 : index
            %swap3A_1733 = tpu.vector_load %arg11[%swap3A_1730, %swap3A_1731, %swap3A_1732] {strides = array<i32>} : memref<2x128x128xf32, #tpu.memory_space<vmem>>, vector<16xf32>,
            tpu.vector_store %arg11[%swap3A_1730, %swap3A_1731, %swap3A_1732], %mul3A_1728 {strides = array<i32>} : memref<2x128x128xf32, #tpu.memory_space<vmem>>, vector<16xf32>,
            %get3A_1734 = arith.constant 1 : i32
            %get3A_1735 = arith.index_cast %get3A_1734 : i32 to index
            %get3A_1736 = arith.index_cast %add3A_1667 : i32 to index
            %get3A_1737 = arith.constant 96 : index
            %get3A_1738 = tpu.vector_load %arg11[%get3A_1735, %get3A_1736, %get3A_1737] {strides = array<i32>} : memref<2x128x128xf32, #tpu.memory_space<vmem>>, vector<16xf32>,
            %mul3A_1739 = arith.mulf %get3A_1738, %gather3A_1663 : vector<16xf32>
            %swap3A_1740 = arith.constant 1 : i32
            %swap3A_1741 = arith.index_cast %swap3A_1740 : i32 to index
            %swap3A_1742 = arith.index_cast %add3A_1667 : i32 to index
            %swap3A_1743 = arith.constant 96 : index
            %swap3A_1744 = tpu.vector_load %arg11[%swap3A_1741, %swap3A_1742, %swap3A_1743] {strides = array<i32>} : memref<2x128x128xf32, #tpu.memory_space<vmem>>, vector<16xf32>,
            tpu.vector_store %arg11[%swap3A_1741, %swap3A_1742, %swap3A_1743], %mul3A_1739 {strides = array<i32>} : memref<2x128x128xf32, #tpu.memory_space<vmem>>, vector<16xf32>,
            %get3A_1745 = arith.constant 1 : i32
            %get3A_1746 = arith.index_cast %get3A_1745 : i32 to index
            %get3A_1747 = arith.index_cast %add3A_1667 : i32 to index
            %get3A_1748 = arith.constant 112 : index
            %get3A_1749 = tpu.vector_load %arg11[%get3A_1746, %get3A_1747, %get3A_1748] {strides = array<i32>} : memref<2x128x128xf32, #tpu.memory_space<vmem>>, vector<16xf32>,
            %mul3A_1750 = arith.mulf %get3A_1749, %gather3A_1663 : vector<16xf32>
            %swap3A_1751 = arith.constant 1 : i32
            %swap3A_1752 = arith.index_cast %swap3A_1751 : i32 to index
            %swap3A_1753 = arith.index_cast %add3A_1667 : i32 to index
            %swap3A_1754 = arith.constant 112 : index
            %swap3A_1755 = tpu.vector_load %arg11[%swap3A_1752, %swap3A_1753, %swap3A_1754] {strides = array<i32>} : memref<2x128x128xf32, #tpu.memory_space<vmem>>, vector<16xf32>,
            tpu.vector_store %arg11[%swap3A_1752, %swap3A_1753, %swap3A_1754], %mul3A_1750 {strides = array<i32>} : memref<2x128x128xf32, #tpu.memory_space<vmem>>, vector<16xf32>,
            %broadcast_in_dim3A_1756 = arith.constant 15 : i32
            %broadcast_in_dim3A_1757 = vector.broadcast %broadcast_in_dim3A_1756 : i32 to vector<16x1xi32>
            %gather3A_1758 = vector.shape_cast %broadcast_in_dim3A_1757 : vector<16x1xi32> to vector<16xi32>
            %gather3A_1759 = tpu.dynamic_gather %get3A_317[%gather3A_1758] in [0] : vector<16xf32>, vector<16xi32> -> vector<16xf32>
            %mul3A_1760 = arith.constant 16 : i32
            %mul3A_1761 = arith.muli %scan3A_312, %mul3A_1760 : i32
            %add3A_1762 = arith.constant 15 : i32
            %add3A_1763 = arith.addi %mul3A_1761, %add3A_1762 : i32
            %get3A_1764 = arith.constant 1 : i32
            %get3A_1765 = arith.index_cast %get3A_1764 : i32 to index
            %get3A_1766 = arith.index_cast %add3A_1763 : i32 to index
            %get3A_1767 = arith.constant 0 : index
            %get3A_1768 = tpu.vector_load %arg11[%get3A_1765, %get3A_1766, %get3A_1767] {strides = array<i32>} : memref<2x128x128xf32, #tpu.memory_space<vmem>>, vector<16xf32>,
            %mul3A_1769 = arith.mulf %get3A_1768, %gather3A_1759 : vector<16xf32>
            %swap3A_1770 = arith.constant 1 : i32
            %swap3A_1771 = arith.index_cast %swap3A_1770 : i32 to index
            %swap3A_1772 = arith.index_cast %add3A_1763 : i32 to index
            %swap3A_1773 = arith.constant 0 : index
            %swap3A_1774 = tpu.vector_load %arg11[%swap3A_1771, %swap3A_1772, %swap3A_1773] {strides = array<i32>} : memref<2x128x128xf32, #tpu.memory_space<vmem>>, vector<16xf32>,
            tpu.vector_store %arg11[%swap3A_1771, %swap3A_1772, %swap3A_1773], %mul3A_1769 {strides = array<i32>} : memref<2x128x128xf32, #tpu.memory_space<vmem>>, vector<16xf32>,
            %get3A_1775 = arith.constant 1 : i32
            %get3A_1776 = arith.index_cast %get3A_1775 : i32 to index
            %get3A_1777 = arith.index_cast %add3A_1763 : i32 to index
            %get3A_1778 = arith.constant 16 : index
            %get3A_1779 = tpu.vector_load %arg11[%get3A_1776, %get3A_1777, %get3A_1778] {strides = array<i32>} : memref<2x128x128xf32, #tpu.memory_space<vmem>>, vector<16xf32>,
            %mul3A_1780 = arith.mulf %get3A_1779, %gather3A_1759 : vector<16xf32>
            %swap3A_1781 = arith.constant 1 : i32
            %swap3A_1782 = arith.index_cast %swap3A_1781 : i32 to index
            %swap3A_1783 = arith.index_cast %add3A_1763 : i32 to index
            %swap3A_1784 = arith.constant 16 : index
            %swap3A_1785 = tpu.vector_load %arg11[%swap3A_1782, %swap3A_1783, %swap3A_1784] {strides = array<i32>} : memref<2x128x128xf32, #tpu.memory_space<vmem>>, vector<16xf32>,
            tpu.vector_store %arg11[%swap3A_1782, %swap3A_1783, %swap3A_1784], %mul3A_1780 {strides = array<i32>} : memref<2x128x128xf32, #tpu.memory_space<vmem>>, vector<16xf32>,
            %get3A_1786 = arith.constant 1 : i32
            %get3A_1787 = arith.index_cast %get3A_1786 : i32 to index
            %get3A_1788 = arith.index_cast %add3A_1763 : i32 to index
            %get3A_1789 = arith.constant 32 : index
            %get3A_1790 = tpu.vector_load %arg11[%get3A_1787, %get3A_1788, %get3A_1789] {strides = array<i32>} : memref<2x128x128xf32, #tpu.memory_space<vmem>>, vector<16xf32>,
            %mul3A_1791 = arith.mulf %get3A_1790, %gather3A_1759 : vector<16xf32>
            %swap3A_1792 = arith.constant 1 : i32
            %swap3A_1793 = arith.index_cast %swap3A_1792 : i32 to index
            %swap3A_1794 = arith.index_cast %add3A_1763 : i32 to index
            %swap3A_1795 = arith.constant 32 : index
            %swap3A_1796 = tpu.vector_load %arg11[%swap3A_1793, %swap3A_1794, %swap3A_1795] {strides = array<i32>} : memref<2x128x128xf32, #tpu.memory_space<vmem>>, vector<16xf32>,
            tpu.vector_store %arg11[%swap3A_1793, %swap3A_1794, %swap3A_1795], %mul3A_1791 {strides = array<i32>} : memref<2x128x128xf32, #tpu.memory_space<vmem>>, vector<16xf32>,
            %get3A_1797 = arith.constant 1 : i32
            %get3A_1798 = arith.index_cast %get3A_1797 : i32 to index
            %get3A_1799 = arith.index_cast %add3A_1763 : i32 to index
            %get3A_1800 = arith.constant 48 : index
            %get3A_1801 = tpu.vector_load %arg11[%get3A_1798, %get3A_1799, %get3A_1800] {strides = array<i32>} : memref<2x128x128xf32, #tpu.memory_space<vmem>>, vector<16xf32>,
            %mul3A_1802 = arith.mulf %get3A_1801, %gather3A_1759 : vector<16xf32>
            %swap3A_1803 = arith.constant 1 : i32
            %swap3A_1804 = arith.index_cast %swap3A_1803 : i32 to index
            %swap3A_1805 = arith.index_cast %add3A_1763 : i32 to index
            %swap3A_1806 = arith.constant 48 : index
            %swap3A_1807 = tpu.vector_load %arg11[%swap3A_1804, %swap3A_1805, %swap3A_1806] {strides = array<i32>} : memref<2x128x128xf32, #tpu.memory_space<vmem>>, vector<16xf32>,
            tpu.vector_store %arg11[%swap3A_1804, %swap3A_1805, %swap3A_1806], %mul3A_1802 {strides = array<i32>} : memref<2x128x128xf32, #tpu.memory_space<vmem>>, vector<16xf32>,
            %get3A_1808 = arith.constant 1 : i32
            %get3A_1809 = arith.index_cast %get3A_1808 : i32 to index
            %get3A_1810 = arith.index_cast %add3A_1763 : i32 to index
            %get3A_1811 = arith.constant 64 : index
            %get3A_1812 = tpu.vector_load %arg11[%get3A_1809, %get3A_1810, %get3A_1811] {strides = array<i32>} : memref<2x128x128xf32, #tpu.memory_space<vmem>>, vector<16xf32>,
            %mul3A_1813 = arith.mulf %get3A_1812, %gather3A_1759 : vector<16xf32>
            %swap3A_1814 = arith.constant 1 : i32
            %swap3A_1815 = arith.index_cast %swap3A_1814 : i32 to index
            %swap3A_1816 = arith.index_cast %add3A_1763 : i32 to index
            %swap3A_1817 = arith.constant 64 : index
            %swap3A_1818 = tpu.vector_load %arg11[%swap3A_1815, %swap3A_1816, %swap3A_1817] {strides = array<i32>} : memref<2x128x128xf32, #tpu.memory_space<vmem>>, vector<16xf32>,
            tpu.vector_store %arg11[%swap3A_1815, %swap3A_1816, %swap3A_1817], %mul3A_1813 {strides = array<i32>} : memref<2x128x128xf32, #tpu.memory_space<vmem>>, vector<16xf32>,
            %get3A_1819 = arith.constant 1 : i32
            %get3A_1820 = arith.index_cast %get3A_1819 : i32 to index
            %get3A_1821 = arith.index_cast %add3A_1763 : i32 to index
            %get3A_1822 = arith.constant 80 : index
            %get3A_1823 = tpu.vector_load %arg11[%get3A_1820, %get3A_1821, %get3A_1822] {strides = array<i32>} : memref<2x128x128xf32, #tpu.memory_space<vmem>>, vector<16xf32>,
            %mul3A_1824 = arith.mulf %get3A_1823, %gather3A_1759 : vector<16xf32>
            %swap3A_1825 = arith.constant 1 : i32
            %swap3A_1826 = arith.index_cast %swap3A_1825 : i32 to index
            %swap3A_1827 = arith.index_cast %add3A_1763 : i32 to index
            %swap3A_1828 = arith.constant 80 : index
            %swap3A_1829 = tpu.vector_load %arg11[%swap3A_1826, %swap3A_1827, %swap3A_1828] {strides = array<i32>} : memref<2x128x128xf32, #tpu.memory_space<vmem>>, vector<16xf32>,
            tpu.vector_store %arg11[%swap3A_1826, %swap3A_1827, %swap3A_1828], %mul3A_1824 {strides = array<i32>} : memref<2x128x128xf32, #tpu.memory_space<vmem>>, vector<16xf32>,
            %get3A_1830 = arith.constant 1 : i32
            %get3A_1831 = arith.index_cast %get3A_1830 : i32 to index
            %get3A_1832 = arith.index_cast %add3A_1763 : i32 to index
            %get3A_1833 = arith.constant 96 : index
            %get3A_1834 = tpu.vector_load %arg11[%get3A_1831, %get3A_1832, %get3A_1833] {strides = array<i32>} : memref<2x128x128xf32, #tpu.memory_space<vmem>>, vector<16xf32>,
            %mul3A_1835 = arith.mulf %get3A_1834, %gather3A_1759 : vector<16xf32>
            %swap3A_1836 = arith.constant 1 : i32
            %swap3A_1837 = arith.index_cast %swap3A_1836 : i32 to index
            %swap3A_1838 = arith.index_cast %add3A_1763 : i32 to index
            %swap3A_1839 = arith.constant 96 : index
            %swap3A_1840 = tpu.vector_load %arg11[%swap3A_1837, %swap3A_1838, %swap3A_1839] {strides = array<i32>} : memref<2x128x128xf32, #tpu.memory_space<vmem>>, vector<16xf32>,
            tpu.vector_store %arg11[%swap3A_1837, %swap3A_1838, %swap3A_1839], %mul3A_1835 {strides = array<i32>} : memref<2x128x128xf32, #tpu.memory_space<vmem>>, vector<16xf32>,
            %get3A_1841 = arith.constant 1 : i32
            %get3A_1842 = arith.index_cast %get3A_1841 : i32 to index
            %get3A_1843 = arith.index_cast %add3A_1763 : i32 to index
            %get3A_1844 = arith.constant 112 : index
            %get3A_1845 = tpu.vector_load %arg11[%get3A_1842, %get3A_1843, %get3A_1844] {strides = array<i32>} : memref<2x128x128xf32, #tpu.memory_space<vmem>>, vector<16xf32>,
            %mul3A_1846 = arith.mulf %get3A_1845, %gather3A_1759 : vector<16xf32>
            %swap3A_1847 = arith.constant 1 : i32
            %swap3A_1848 = arith.index_cast %swap3A_1847 : i32 to index
            %swap3A_1849 = arith.index_cast %add3A_1763 : i32 to index
            %swap3A_1850 = arith.constant 112 : index
            %swap3A_1851 = tpu.vector_load %arg11[%swap3A_1848, %swap3A_1849, %swap3A_1850] {strides = array<i32>} : memref<2x128x128xf32, #tpu.memory_space<vmem>>, vector<16xf32>,
            tpu.vector_store %arg11[%swap3A_1848, %swap3A_1849, %swap3A_1850], %mul3A_1846 {strides = array<i32>} : memref<2x128x128xf32, #tpu.memory_space<vmem>>, vector<16xf32>,
            %scan3A_1852 = arith.constant 0 : i32
            scf.yield %scan3A_1852 : i32
          }
          %scan3A_299 = arith.constant 8 : i32
          %dma_start3A_300 = arith.constant 1 : i32
          %dma_start3A_301 = arith.constant 0 : i32
          %dma_start3A_302 = arith.constant 0 : i32
          %dma_start3A_303 = tpu.memref_slice %arg11[%dma_start3A_300, %dma_start3A_301, %dma_start3A_302] : memref<2x128x128xf32, #tpu.memory_space<vmem>> -> memref<1x128x128xf32, #tpu.memory_space<vmem>>
          %dma_start3A_304 = tpu.memref_squeeze %dma_start3A_303 : memref<1x128x128xf32, #tpu.memory_space<vmem>> -> memref<128x128xf32, #tpu.memory_space<vmem>>
          %dma_start3A_305 = arith.constant 0 : i32
          %dma_start3A_306 = tpu.memref_slice %arg8[%add3A_232, %dma_start3A_305] : memref<32x128xi32, #tpu.memory_space<vmem>> -> memref<1x128xi32, #tpu.memory_space<vmem>>
          %dma_start3A_307 = tpu.memref_squeeze %dma_start3A_306 : memref<1x128xi32, #tpu.memory_space<vmem>> -> memref<128xi32, #tpu.memory_space<vmem>>
          %dma_start3A_308 = arith.constant 0 : i32
          %dma_start3A_309 = arith.constant 0 : i32
          %dma_start3A_310 = tpu.memref_slice %arg12[%dma_start3A_308, %dma_start3A_309] : memref<10240x128xf32, #tpu.memory_space<vmem_shared>> -> memref<10240x128xf32, #tpu.memory_space<vmem_shared>>
          tpu.enqueue_indirect_dma source(%dma_start3A_304 : memref<128x128xf32, #tpu.memory_space<vmem>>) target(%dma_start3A_310 : memref<10240x128xf32, #tpu.memory_space<vmem_shared>>) offsets(%dma_start3A_307 : memref<128xi32, #tpu.memory_space<vmem>>) semaphore(%arg22 : memref<!tpu.dma_semaphore, #tpu.memory_space<semaphore_mem>>) {add = true}
          %scan3A_311 = arith.constant 0 : i32
          scf.yield %scan3A_311 : i32
        }
        %scan3A_100 = arith.constant 16 : i32
        %dma_wait3A = arith.constant 1 : i32
        %dma_wait3A_101 = arith.constant 31 : i32
        %dma_wait3A_102 = arith.constant 0 : i32
        %dma_wait3A_103 = arith.constant 0 : i32
        %dma_wait3A_104 = tpu.memref_slice %arg11[%dma_wait3A, %dma_wait3A_102, %dma_wait3A_103] : memref<2x128x128xf32, #tpu.memory_space<vmem>> -> memref<1x128x128xf32, #tpu.memory_space<vmem>>
        %dma_wait3A_105 = tpu.memref_squeeze %dma_wait3A_104 : memref<1x128x128xf32, #tpu.memory_space<vmem>> -> memref<128x128xf32, #tpu.memory_space<vmem>>
        %dma_wait3A_106 = arith.constant 0 : i32
        %dma_wait3A_107 = tpu.memref_slice %arg8[%dma_wait3A_101, %dma_wait3A_106] : memref<32x128xi32, #tpu.memory_space<vmem>> -> memref<1x128xi32, #tpu.memory_space<vmem>>
        %dma_wait3A_108 = tpu.memref_squeeze %dma_wait3A_107 : memref<1x128xi32, #tpu.memory_space<vmem>> -> memref<128xi32, #tpu.memory_space<vmem>>
        %dma_wait3A_109 = arith.constant 0 : i32
        %dma_wait3A_110 = arith.constant 0 : i32
        %dma_wait3A_111 = tpu.memref_slice %arg12[%dma_wait3A_109, %dma_wait3A_110] : memref<10240x128xf32, #tpu.memory_space<vmem_shared>> -> memref<10240x128xf32, #tpu.memory_space<vmem_shared>>
        tpu.wait_indirect_dma semaphore(%arg22 : memref<!tpu.dma_semaphore, #tpu.memory_space<semaphore_mem>>) src(%dma_wait3A_105 : memref<128x128xf32, #tpu.memory_space<vmem>>) dst(%dma_wait3A_111 : memref<10240x128xf32, #tpu.memory_space<vmem_shared>>)
        %scan3A_112 = arith.constant 0 : i32
        scf.yield %scan3A_112 : i32
      }
      %scan3A_30 = arith.constant 5 : i32
      %barrier3A_31 = arith.constant 0 : index
      tpu.barrier barrier_id(%barrier3A_31)
      %scan3A_32 = arith.constant 0 : i32
      %scan3A_33 = arith.constant 0 : i32
      %scan3A_34 = arith.constant 5 : i32
      %scan3A_35 = arith.addi %scan3A_33, %scan3A_34 : i32
      %scan3A_36 = arith.constant 1 : i32
      %scan3A_37 = scf.for %scan3A_40 = %scan3A_33 to %scan3A_35 step %scan3A_36 iter_args(%scan3A_41 = %scan3A_32) -> (i32)  : i32 {
        %mul3A_42 = arith.constant 640 : i32
        %mul3A_43 = arith.muli %arg1, %mul3A_42 : i32
        %mul3A_44 = arith.constant 128 : i32
        %mul3A_45 = arith.muli %scan3A_40, %mul3A_44 : i32
        %add3A_46 = arith.addi %mul3A_43, %mul3A_45 : i32
        "tpu.region"() ({
          %run_scoped3A = tpu.sem_alloc : memref<!tpu.dma_semaphore, #tpu.memory_space<semaphore_mem>>
          %dma_start3A = arith.constant 0 : i32
          %dma_start3A_48 = tpu.memref_slice %arg6[%add3A, %add3A_46, %dma_start3A] : memref<12x10240x128xf32, #tpu.memory_space<hbm>> -> memref<1x128x128xf32, #tpu.memory_space<hbm>>
          %dma_start3A_49 = tpu.memref_squeeze %dma_start3A_48 : memref<1x128x128xf32, #tpu.memory_space<hbm>> -> memref<128x128xf32, #tpu.memory_space<hbm>>
          %dma_start3A_50 = arith.constant 0 : i32
          %dma_start3A_51 = tpu.memref_slice %arg12[%add3A_46, %dma_start3A_50] : memref<10240x128xf32, #tpu.memory_space<vmem_shared>> -> memref<128x128xf32, #tpu.memory_space<vmem_shared>>
          tpu.enqueue_dma source(%dma_start3A_51 : memref<128x128xf32, #tpu.memory_space<vmem_shared>>) target(%dma_start3A_49 : memref<128x128xf32, #tpu.memory_space<hbm>>) target_semaphore(%run_scoped3A : memref<!tpu.dma_semaphore, #tpu.memory_space<semaphore_mem>>)
          %dma_wait3A = arith.constant 0 : i32
          %dma_wait3A_52 = tpu.memref_slice %arg6[%add3A, %add3A_46, %dma_wait3A] : memref<12x10240x128xf32, #tpu.memory_space<hbm>> -> memref<1x128x128xf32, #tpu.memory_space<hbm>>
          %dma_wait3A_53 = tpu.memref_squeeze %dma_wait3A_52 : memref<1x128x128xf32, #tpu.memory_space<hbm>> -> memref<128x128xf32, #tpu.memory_space<hbm>>
          %dma_wait3A_54 = arith.constant 0 : i32
          %dma_wait3A_55 = tpu.memref_slice %arg12[%add3A_46, %dma_wait3A_54] : memref<10240x128xf32, #tpu.memory_space<vmem_shared>> -> memref<128x128xf32, #tpu.memory_space<vmem_shared>>
          tpu.wait_dma2 semaphore(%run_scoped3A : memref<!tpu.dma_semaphore, #tpu.memory_space<semaphore_mem>>) src(%dma_wait3A_55 : memref<128x128xf32, #tpu.memory_space<vmem_shared>>) dst(%dma_wait3A_53 : memref<128x128xf32, #tpu.memory_space<hbm>>)
          tpu.yield
        }) : () -> ()
        %scan3A_47 = arith.constant 0 : i32
        scf.yield %scan3A_47 : i32
      }
      %scan3A_38 = arith.constant 5 : i32
      %scan3A_39 = arith.constant 0 : i32
      scf.yield %scan3A_39 : i32
    }
    %scan3A_13 = arith.constant 6 : i32
    return
  }
}

module attributes {stable_mosaic.version = 14 : i64} {
  func.func @_k4_body(%arg0: i32, %arg1: memref<12x1000x128xf32, #tpu.memory_space<vmem>>, %arg2: memref<12x1000x128xf32, #tpu.memory_space<vmem>>, %arg3: memref<1000x1xf32, #tpu.memory_space<vmem>>, %arg4: memref<1x12xf32, #tpu.memory_space<vmem>>, %arg5: memref<128x64xf32, #tpu.memory_space<vmem>>, %arg6: memref<128x64xf32, #tpu.memory_space<vmem>>, %arg7: memref<128x64xf32, #tpu.memory_space<vmem>>, %arg8: memref<128x64xf32, #tpu.memory_space<vmem>>, %arg9: memref<1x64xf32, #tpu.memory_space<vmem>>, %arg10: memref<1x64xf32, #tpu.memory_space<vmem>>, %arg11: memref<1x64xf32, #tpu.memory_space<vmem>>, %arg12: memref<1x64xf32, #tpu.memory_space<vmem>>, %arg13: memref<64x1xf32, #tpu.memory_space<vmem>>, %arg14: memref<1x1xf32, #tpu.memory_space<vmem>>, %arg15: memref<1000x1xf32, #tpu.memory_space<vmem>>) attributes {dimension_semantics = [#tpu.dimension_semantics<arbitrary>], iteration_bounds = array<i64: 10>, scalar_prefetch = 0 : i64, scratch_operands = 0 : i64, tpu.core_type = #tpu.core_type<tc>, window_params = [{transform_indices = @transform_0, window_bounds = array<i64: 12, 1000, 128>}, {transform_indices = @transform_1, window_bounds = array<i64: 12, 1000, 128>}, {transform_indices = @transform_2, window_bounds = array<i64: 1000, 1>}, {pipeline_mode = #tpu.pipeline_mode<synchronous>, transform_indices = @transform_3, window_bounds = array<i64: 1, 12>}, {pipeline_mode = #tpu.pipeline_mode<synchronous>, transform_indices = @transform_4, window_bounds = array<i64: 128, 64>}, {pipeline_mode = #tpu.pipeline_mode<synchronous>, transform_indices = @transform_5, window_bounds = array<i64: 128, 64>}, {pipeline_mode = #tpu.pipeline_mode<synchronous>, transform_indices = @transform_6, window_bounds = array<i64: 128, 64>}, {pipeline_mode = #tpu.pipeline_mode<synchronous>, transform_indices = @transform_7, window_bounds = array<i64: 128, 64>}, {pipeline_mode = #tpu.pipeline_mode<synchronous>, transform_indices = @transform_8, window_bounds = array<i64: 1, 64>}, {pipeline_mode = #tpu.pipeline_mode<synchronous>, transform_indices = @transform_9, window_bounds = array<i64: 1, 64>}, {pipeline_mode = #tpu.pipeline_mode<synchronous>, transform_indices = @transform_10, window_bounds = array<i64: 1, 64>}, {pipeline_mode = #tpu.pipeline_mode<synchronous>, transform_indices = @transform_11, window_bounds = array<i64: 1, 64>}, {pipeline_mode = #tpu.pipeline_mode<synchronous>, transform_indices = @transform_12, window_bounds = array<i64: 64, 1>}, {pipeline_mode = #tpu.pipeline_mode<synchronous>, transform_indices = @transform_13, window_bounds = array<i64: 1, 1>}, {transform_indices = @transform_14, window_bounds = array<i64: 1000, 1>}]} {
    %get3A = arith.constant 0 : index
    %get3A_0 = arith.constant 0 : index
    %get3A_1 = vector.load %arg4[%get3A, %get3A_0] : memref<1x12xf32, #tpu.memory_space<vmem>>, vector<1x12xf32>
    %get3A_2 = vector.shape_cast %get3A_1 : vector<1x12xf32> to vector<12xf32>
    %reduce_max3A = vector.shape_cast %get3A_2 : vector<12xf32> to vector<1x12xf32>
    %reduce_max3A_3 = arith.constant dense<0xFF800000> : vector<1xf32>
    %reduce_max3A_4 = vector.multi_reduction <maximumf>, %reduce_max3A, %reduce_max3A_3 [1] : vector<1x12xf32> to vector<1xf32>
    %reduce_max3A_5 = vector.shape_cast %reduce_max3A_4 : vector<1xf32> to vector<1x1xf32>
    %reduce_max3A_6 = vector.extract %reduce_max3A_5[0, 0] : f32 from vector<1x1xf32>
    %max3A = arith.constant 0xFF800000 : f32
    %max3A_7 = arith.maximumf %max3A, %reduce_max3A_6 : f32
    %broadcast_in_dim3A = vector.broadcast %max3A_7 : f32 to vector<1xf32>
    %sub3A = vector.broadcast %broadcast_in_dim3A : vector<1xf32> to vector<12xf32>
    %sub3A_8 = arith.subf %get3A_2, %sub3A : vector<12xf32>
    %exp3A = math.exp %sub3A_8 : vector<12xf32>
    %reduce_sum3A = vector.shape_cast %exp3A : vector<12xf32> to vector<1x12xf32>
    %reduce_sum3A_9 = arith.constant dense<0.000000e+00> : vector<1xf32>
    %reduce_sum3A_10 = vector.multi_reduction <add>, %reduce_sum3A, %reduce_sum3A_9 [1] : vector<1x12xf32> to vector<1xf32>
    %reduce_sum3A_11 = vector.shape_cast %reduce_sum3A_10 : vector<1xf32> to vector<1x1xf32>
    %reduce_sum3A_12 = vector.extract %reduce_sum3A_11[0, 0] : f32 from vector<1x1xf32>
    %broadcast_in_dim3A_13 = vector.broadcast %reduce_sum3A_12 : f32 to vector<1xf32>
    %div3A = vector.broadcast %broadcast_in_dim3A_13 : vector<1xf32> to vector<12xf32>
    %div3A_14 = arith.divf %exp3A, %div3A : vector<12xf32>
    %get3A_15 = arith.constant 0 : index
    %get3A_16 = arith.constant 0 : index
    %get3A_17 = vector.load %arg5[%get3A_15, %get3A_16] : memref<128x64xf32, #tpu.memory_space<vmem>>, vector<128x64xf32>
    %get3A_18 = arith.constant 0 : index
    %get3A_19 = arith.constant 0 : index
    %get3A_20 = vector.load %arg7[%get3A_18, %get3A_19] : memref<128x64xf32, #tpu.memory_space<vmem>>, vector<64x64xf32>
    %dot_general3A = arith.constant dense<0.000000e+00> : vector<128x64xf32>
    %dot_general3A_21 = tpu.matmul %get3A_17, %get3A_20, %dot_general3A {dimension_numbers = #tpu.dot_dimension_numbers<[1], [0], [0], [1], [0, 0, 1, 1], [], []>, transpose_lhs_hint = false} : vector<128x64xf32>, vector<64x64xf32>, vector<128x64xf32> -> vector<128x64xf32>
    %get3A_22 = arith.constant 0 : index
    %get3A_23 = arith.constant 0 : index
    %get3A_24 = vector.load %arg6[%get3A_22, %get3A_23] : memref<128x64xf32, #tpu.memory_space<vmem>>, vector<128x64xf32>
    %get3A_25 = arith.constant 0 : index
    %get3A_26 = arith.constant 0 : index
    %get3A_27 = vector.load %arg8[%get3A_25, %get3A_26] : memref<128x64xf32, #tpu.memory_space<vmem>>, vector<64x64xf32>
    %dot_general3A_28 = arith.constant dense<0.000000e+00> : vector<128x64xf32>
    %dot_general3A_29 = tpu.matmul %get3A_24, %get3A_27, %dot_general3A_28 {dimension_numbers = #tpu.dot_dimension_numbers<[1], [0], [0], [1], [0, 0, 1, 1], [], []>, transpose_lhs_hint = false} : vector<128x64xf32>, vector<64x64xf32>, vector<128x64xf32> -> vector<128x64xf32>
    %get3A_30 = arith.constant 0 : index
    %get3A_31 = arith.constant 0 : index
    %get3A_32 = vector.load %arg9[%get3A_30, %get3A_31] : memref<1x64xf32, #tpu.memory_space<vmem>>, vector<1x64xf32>
    %get3A_33 = arith.constant 0 : index
    %get3A_34 = arith.constant 0 : index
    %get3A_35 = vector.load %arg7[%get3A_33, %get3A_34] : memref<128x64xf32, #tpu.memory_space<vmem>>, vector<64x64xf32>
    %dot_general3A_36 = arith.constant dense<0.000000e+00> : vector<1x64xf32>
    %dot_general3A_37 = tpu.matmul %get3A_32, %get3A_35, %dot_general3A_36 {dimension_numbers = #tpu.dot_dimension_numbers<[1], [0], [0], [1], [0, 0, 1, 1], [], []>, transpose_lhs_hint = false} : vector<1x64xf32>, vector<64x64xf32>, vector<1x64xf32> -> vector<1x64xf32>
    %get3A_38 = arith.constant 0 : index
    %get3A_39 = arith.constant 0 : index
    %get3A_40 = vector.load %arg11[%get3A_38, %get3A_39] : memref<1x64xf32, #tpu.memory_space<vmem>>, vector<1x64xf32>
    %add3A = arith.addf %dot_general3A_37, %get3A_40 : vector<1x64xf32>
    %get3A_41 = arith.constant 0 : index
    %get3A_42 = arith.constant 0 : index
    %get3A_43 = vector.load %arg10[%get3A_41, %get3A_42] : memref<1x64xf32, #tpu.memory_space<vmem>>, vector<1x64xf32>
    %get3A_44 = arith.constant 0 : index
    %get3A_45 = arith.constant 0 : index
    %get3A_46 = vector.load %arg8[%get3A_44, %get3A_45] : memref<128x64xf32, #tpu.memory_space<vmem>>, vector<64x64xf32>
    %dot_general3A_47 = arith.constant dense<0.000000e+00> : vector<1x64xf32>
    %dot_general3A_48 = tpu.matmul %get3A_43, %get3A_46, %dot_general3A_47 {dimension_numbers = #tpu.dot_dimension_numbers<[1], [0], [0], [1], [0, 0, 1, 1], [], []>, transpose_lhs_hint = false} : vector<1x64xf32>, vector<64x64xf32>, vector<1x64xf32> -> vector<1x64xf32>
    %get3A_49 = arith.constant 0 : index
    %get3A_50 = arith.constant 0 : index
    %get3A_51 = vector.load %arg12[%get3A_49, %get3A_50] : memref<1x64xf32, #tpu.memory_space<vmem>>, vector<1x64xf32>
    %add3A_52 = arith.addf %dot_general3A_48, %get3A_51 : vector<1x64xf32>
    %get3A_53 = arith.constant 0 : index
    %get3A_54 = arith.constant 0 : index
    %get3A_55 = vector.load %arg3[%get3A_53, %get3A_54] : memref<1000x1xf32, #tpu.memory_space<vmem>>, vector<1000x1xf32>
    %broadcast_in_dim3A_56 = arith.constant 0.000000e+00 : f32
    %broadcast_in_dim3A_57 = vector.broadcast %broadcast_in_dim3A_56 : f32 to vector<1000x64xf32>
    %get3A_58 = arith.constant 0 : index
    %get3A_59 = arith.constant 0 : index
    %get3A_60 = arith.constant 0 : index
    %get3A_61 = vector.load %arg1[%get3A_58, %get3A_59, %get3A_60] : memref<12x1000x128xf32, #tpu.memory_space<vmem>>, vector<1x1000x128xf32>
    %get3A_62 = vector.shape_cast %get3A_61 : vector<1x1000x128xf32> to vector<1000x128xf32>
    %get3A_63 = arith.constant 0 : index
    %get3A_64 = arith.constant 0 : index
    %get3A_65 = arith.constant 0 : index
    %get3A_66 = vector.load %arg2[%get3A_63, %get3A_64, %get3A_65] : memref<12x1000x128xf32, #tpu.memory_space<vmem>>, vector<1x1000x128xf32>
    %get3A_67 = vector.shape_cast %get3A_66 : vector<1x1000x128xf32> to vector<1000x128xf32>
    %mul3A = vector.broadcast %get3A_55 : vector<1000x1xf32> to vector<1000x128xf32>
    %mul3A_68 = arith.mulf %mul3A, %get3A_67 : vector<1000x128xf32>
    %add3A_69 = arith.addf %get3A_62, %mul3A_68 : vector<1000x128xf32>
    %mul3A_70 = vector.broadcast %get3A_55 : vector<1000x1xf32> to vector<1000x128xf32>
    %mul3A_71 = arith.mulf %mul3A_70, %add3A_69 : vector<1000x128xf32>
    %dot_general3A_72 = arith.constant dense<0.000000e+00> : vector<1000x64xf32>
    %dot_general3A_73 = tpu.matmul %mul3A_71, %dot_general3A_21, %dot_general3A_72 {dimension_numbers = #tpu.dot_dimension_numbers<[1], [0], [0], [1], [0, 0, 1, 1], [], []>, transpose_lhs_hint = false} : vector<1000x128xf32>, vector<128x64xf32>, vector<1000x64xf32> -> vector<1000x64xf32>
    %add3A_74 = vector.broadcast %add3A : vector<1x64xf32> to vector<1000x64xf32>
    %add3A_75 = arith.addf %dot_general3A_73, %add3A_74 : vector<1000x64xf32>
    %logistic3A = arith.negf %add3A_75 : vector<1000x64xf32>
    %logistic3A_76 = math.exp %logistic3A : vector<1000x64xf32>
    %logistic3A_77 = arith.constant 1.000000e+00 : f32
    %logistic3A_78 = vector.broadcast %logistic3A_77 : f32 to vector<1000x64xf32>
    %logistic3A_79 = arith.addf %logistic3A_78, %logistic3A_76 : vector<1000x64xf32>
    %logistic3A_80 = arith.divf %logistic3A_78, %logistic3A_79 : vector<1000x64xf32>
    %dot_general3A_81 = arith.constant dense<0.000000e+00> : vector<1000x64xf32>
    %dot_general3A_82 = tpu.matmul %mul3A_71, %dot_general3A_29, %dot_general3A_81 {dimension_numbers = #tpu.dot_dimension_numbers<[1], [0], [0], [1], [0, 0, 1, 1], [], []>, transpose_lhs_hint = false} : vector<1000x128xf32>, vector<128x64xf32>, vector<1000x64xf32> -> vector<1000x64xf32>
    %add3A_83 = vector.broadcast %add3A_52 : vector<1x64xf32> to vector<1000x64xf32>
    %add3A_84 = arith.addf %dot_general3A_82, %add3A_83 : vector<1000x64xf32>
    %tanh3A = math.tanh %add3A_84 : vector<1000x64xf32>
    %slice3A = vector.extract_strided_slice %div3A_14 {offsets = [0], sizes = [1], strides = [1]} : vector<12xf32> to vector<1xf32>
    %squeeze3A = vector.extract %slice3A[0] : f32 from vector<1xf32>
    %sub3A_85 = arith.constant 1.000000e+00 : f32
    %sub3A_86 = vector.broadcast %sub3A_85 : f32 to vector<1000x64xf32>
    %sub3A_87 = arith.subf %sub3A_86, %logistic3A_80 : vector<1000x64xf32>
    %mul3A_88 = vector.broadcast %squeeze3A : f32 to vector<1000x64xf32>
    %mul3A_89 = arith.mulf %mul3A_88, %sub3A_87 : vector<1000x64xf32>
    %mul3A_90 = arith.mulf %mul3A_89, %tanh3A : vector<1000x64xf32>
    %add3A_91 = arith.addf %broadcast_in_dim3A_57, %mul3A_90 : vector<1000x64xf32>
    %get3A_92 = arith.constant 1 : index
    %get3A_93 = arith.constant 0 : index
    %get3A_94 = arith.constant 0 : index
    %get3A_95 = vector.load %arg1[%get3A_92, %get3A_93, %get3A_94] : memref<12x1000x128xf32, #tpu.memory_space<vmem>>, vector<1x1000x128xf32>
    %get3A_96 = vector.shape_cast %get3A_95 : vector<1x1000x128xf32> to vector<1000x128xf32>
    %get3A_97 = arith.constant 1 : index
    %get3A_98 = arith.constant 0 : index
    %get3A_99 = arith.constant 0 : index
    %get3A_100 = vector.load %arg2[%get3A_97, %get3A_98, %get3A_99] : memref<12x1000x128xf32, #tpu.memory_space<vmem>>, vector<1x1000x128xf32>
    %get3A_101 = vector.shape_cast %get3A_100 : vector<1x1000x128xf32> to vector<1000x128xf32>
    %mul3A_102 = vector.broadcast %get3A_55 : vector<1000x1xf32> to vector<1000x128xf32>
    %mul3A_103 = arith.mulf %mul3A_102, %get3A_101 : vector<1000x128xf32>
    %add3A_104 = arith.addf %get3A_96, %mul3A_103 : vector<1000x128xf32>
    %mul3A_105 = vector.broadcast %get3A_55 : vector<1000x1xf32> to vector<1000x128xf32>
    %mul3A_106 = arith.mulf %mul3A_105, %add3A_104 : vector<1000x128xf32>
    %dot_general3A_107 = arith.constant dense<0.000000e+00> : vector<1000x64xf32>
    %dot_general3A_108 = tpu.matmul %mul3A_106, %dot_general3A_21, %dot_general3A_107 {dimension_numbers = #tpu.dot_dimension_numbers<[1], [0], [0], [1], [0, 0, 1, 1], [], []>, transpose_lhs_hint = false} : vector<1000x128xf32>, vector<128x64xf32>, vector<1000x64xf32> -> vector<1000x64xf32>
    %add3A_109 = vector.broadcast %add3A : vector<1x64xf32> to vector<1000x64xf32>
    %add3A_110 = arith.addf %dot_general3A_108, %add3A_109 : vector<1000x64xf32>
    %logistic3A_111 = arith.negf %add3A_110 : vector<1000x64xf32>
    %logistic3A_112 = math.exp %logistic3A_111 : vector<1000x64xf32>
    %logistic3A_113 = arith.constant 1.000000e+00 : f32
    %logistic3A_114 = vector.broadcast %logistic3A_113 : f32 to vector<1000x64xf32>
    %logistic3A_115 = arith.addf %logistic3A_114, %logistic3A_112 : vector<1000x64xf32>
    %logistic3A_116 = arith.divf %logistic3A_114, %logistic3A_115 : vector<1000x64xf32>
    %dot_general3A_117 = arith.constant dense<0.000000e+00> : vector<1000x64xf32>
    %dot_general3A_118 = tpu.matmul %mul3A_106, %dot_general3A_29, %dot_general3A_117 {dimension_numbers = #tpu.dot_dimension_numbers<[1], [0], [0], [1], [0, 0, 1, 1], [], []>, transpose_lhs_hint = false} : vector<1000x128xf32>, vector<128x64xf32>, vector<1000x64xf32> -> vector<1000x64xf32>
    %add3A_119 = vector.broadcast %add3A_52 : vector<1x64xf32> to vector<1000x64xf32>
    %add3A_120 = arith.addf %dot_general3A_118, %add3A_119 : vector<1000x64xf32>
    %tanh3A_121 = math.tanh %add3A_120 : vector<1000x64xf32>
    %slice3A_122 = vector.extract_strided_slice %div3A_14 {offsets = [1], sizes = [1], strides = [1]} : vector<12xf32> to vector<1xf32>
    %squeeze3A_123 = vector.extract %slice3A_122[0] : f32 from vector<1xf32>
    %sub3A_124 = arith.constant 1.000000e+00 : f32
    %sub3A_125 = vector.broadcast %sub3A_124 : f32 to vector<1000x64xf32>
    %sub3A_126 = arith.subf %sub3A_125, %logistic3A_116 : vector<1000x64xf32>
    %mul3A_127 = vector.broadcast %squeeze3A_123 : f32 to vector<1000x64xf32>
    %mul3A_128 = arith.mulf %mul3A_127, %sub3A_126 : vector<1000x64xf32>
    %mul3A_129 = arith.mulf %mul3A_128, %tanh3A_121 : vector<1000x64xf32>
    %add3A_130 = arith.addf %add3A_91, %mul3A_129 : vector<1000x64xf32>
    %get3A_131 = arith.constant 2 : index
    %get3A_132 = arith.constant 0 : index
    %get3A_133 = arith.constant 0 : index
    %get3A_134 = vector.load %arg1[%get3A_131, %get3A_132, %get3A_133] : memref<12x1000x128xf32, #tpu.memory_space<vmem>>, vector<1x1000x128xf32>
    %get3A_135 = vector.shape_cast %get3A_134 : vector<1x1000x128xf32> to vector<1000x128xf32>
    %get3A_136 = arith.constant 2 : index
    %get3A_137 = arith.constant 0 : index
    %get3A_138 = arith.constant 0 : index
    %get3A_139 = vector.load %arg2[%get3A_136, %get3A_137, %get3A_138] : memref<12x1000x128xf32, #tpu.memory_space<vmem>>, vector<1x1000x128xf32>
    %get3A_140 = vector.shape_cast %get3A_139 : vector<1x1000x128xf32> to vector<1000x128xf32>
    %mul3A_141 = vector.broadcast %get3A_55 : vector<1000x1xf32> to vector<1000x128xf32>
    %mul3A_142 = arith.mulf %mul3A_141, %get3A_140 : vector<1000x128xf32>
    %add3A_143 = arith.addf %get3A_135, %mul3A_142 : vector<1000x128xf32>
    %mul3A_144 = vector.broadcast %get3A_55 : vector<1000x1xf32> to vector<1000x128xf32>
    %mul3A_145 = arith.mulf %mul3A_144, %add3A_143 : vector<1000x128xf32>
    %dot_general3A_146 = arith.constant dense<0.000000e+00> : vector<1000x64xf32>
    %dot_general3A_147 = tpu.matmul %mul3A_145, %dot_general3A_21, %dot_general3A_146 {dimension_numbers = #tpu.dot_dimension_numbers<[1], [0], [0], [1], [0, 0, 1, 1], [], []>, transpose_lhs_hint = false} : vector<1000x128xf32>, vector<128x64xf32>, vector<1000x64xf32> -> vector<1000x64xf32>
    %add3A_148 = vector.broadcast %add3A : vector<1x64xf32> to vector<1000x64xf32>
    %add3A_149 = arith.addf %dot_general3A_147, %add3A_148 : vector<1000x64xf32>
    %logistic3A_150 = arith.negf %add3A_149 : vector<1000x64xf32>
    %logistic3A_151 = math.exp %logistic3A_150 : vector<1000x64xf32>
    %logistic3A_152 = arith.constant 1.000000e+00 : f32
    %logistic3A_153 = vector.broadcast %logistic3A_152 : f32 to vector<1000x64xf32>
    %logistic3A_154 = arith.addf %logistic3A_153, %logistic3A_151 : vector<1000x64xf32>
    %logistic3A_155 = arith.divf %logistic3A_153, %logistic3A_154 : vector<1000x64xf32>
    %dot_general3A_156 = arith.constant dense<0.000000e+00> : vector<1000x64xf32>
    %dot_general3A_157 = tpu.matmul %mul3A_145, %dot_general3A_29, %dot_general3A_156 {dimension_numbers = #tpu.dot_dimension_numbers<[1], [0], [0], [1], [0, 0, 1, 1], [], []>, transpose_lhs_hint = false} : vector<1000x128xf32>, vector<128x64xf32>, vector<1000x64xf32> -> vector<1000x64xf32>
    %add3A_158 = vector.broadcast %add3A_52 : vector<1x64xf32> to vector<1000x64xf32>
    %add3A_159 = arith.addf %dot_general3A_157, %add3A_158 : vector<1000x64xf32>
    %tanh3A_160 = math.tanh %add3A_159 : vector<1000x64xf32>
    %slice3A_161 = vector.extract_strided_slice %div3A_14 {offsets = [2], sizes = [1], strides = [1]} : vector<12xf32> to vector<1xf32>
    %squeeze3A_162 = vector.extract %slice3A_161[0] : f32 from vector<1xf32>
    %sub3A_163 = arith.constant 1.000000e+00 : f32
    %sub3A_164 = vector.broadcast %sub3A_163 : f32 to vector<1000x64xf32>
    %sub3A_165 = arith.subf %sub3A_164, %logistic3A_155 : vector<1000x64xf32>
    %mul3A_166 = vector.broadcast %squeeze3A_162 : f32 to vector<1000x64xf32>
    %mul3A_167 = arith.mulf %mul3A_166, %sub3A_165 : vector<1000x64xf32>
    %mul3A_168 = arith.mulf %mul3A_167, %tanh3A_160 : vector<1000x64xf32>
    %add3A_169 = arith.addf %add3A_130, %mul3A_168 : vector<1000x64xf32>
    %get3A_170 = arith.constant 3 : index
    %get3A_171 = arith.constant 0 : index
    %get3A_172 = arith.constant 0 : index
    %get3A_173 = vector.load %arg1[%get3A_170, %get3A_171, %get3A_172] : memref<12x1000x128xf32, #tpu.memory_space<vmem>>, vector<1x1000x128xf32>
    %get3A_174 = vector.shape_cast %get3A_173 : vector<1x1000x128xf32> to vector<1000x128xf32>
    %get3A_175 = arith.constant 3 : index
    %get3A_176 = arith.constant 0 : index
    %get3A_177 = arith.constant 0 : index
    %get3A_178 = vector.load %arg2[%get3A_175, %get3A_176, %get3A_177] : memref<12x1000x128xf32, #tpu.memory_space<vmem>>, vector<1x1000x128xf32>
    %get3A_179 = vector.shape_cast %get3A_178 : vector<1x1000x128xf32> to vector<1000x128xf32>
    %mul3A_180 = vector.broadcast %get3A_55 : vector<1000x1xf32> to vector<1000x128xf32>
    %mul3A_181 = arith.mulf %mul3A_180, %get3A_179 : vector<1000x128xf32>
    %add3A_182 = arith.addf %get3A_174, %mul3A_181 : vector<1000x128xf32>
    %mul3A_183 = vector.broadcast %get3A_55 : vector<1000x1xf32> to vector<1000x128xf32>
    %mul3A_184 = arith.mulf %mul3A_183, %add3A_182 : vector<1000x128xf32>
    %dot_general3A_185 = arith.constant dense<0.000000e+00> : vector<1000x64xf32>
    %dot_general3A_186 = tpu.matmul %mul3A_184, %dot_general3A_21, %dot_general3A_185 {dimension_numbers = #tpu.dot_dimension_numbers<[1], [0], [0], [1], [0, 0, 1, 1], [], []>, transpose_lhs_hint = false} : vector<1000x128xf32>, vector<128x64xf32>, vector<1000x64xf32> -> vector<1000x64xf32>
    %add3A_187 = vector.broadcast %add3A : vector<1x64xf32> to vector<1000x64xf32>
    %add3A_188 = arith.addf %dot_general3A_186, %add3A_187 : vector<1000x64xf32>
    %logistic3A_189 = arith.negf %add3A_188 : vector<1000x64xf32>
    %logistic3A_190 = math.exp %logistic3A_189 : vector<1000x64xf32>
    %logistic3A_191 = arith.constant 1.000000e+00 : f32
    %logistic3A_192 = vector.broadcast %logistic3A_191 : f32 to vector<1000x64xf32>
    %logistic3A_193 = arith.addf %logistic3A_192, %logistic3A_190 : vector<1000x64xf32>
    %logistic3A_194 = arith.divf %logistic3A_192, %logistic3A_193 : vector<1000x64xf32>
    %dot_general3A_195 = arith.constant dense<0.000000e+00> : vector<1000x64xf32>
    %dot_general3A_196 = tpu.matmul %mul3A_184, %dot_general3A_29, %dot_general3A_195 {dimension_numbers = #tpu.dot_dimension_numbers<[1], [0], [0], [1], [0, 0, 1, 1], [], []>, transpose_lhs_hint = false} : vector<1000x128xf32>, vector<128x64xf32>, vector<1000x64xf32> -> vector<1000x64xf32>
    %add3A_197 = vector.broadcast %add3A_52 : vector<1x64xf32> to vector<1000x64xf32>
    %add3A_198 = arith.addf %dot_general3A_196, %add3A_197 : vector<1000x64xf32>
    %tanh3A_199 = math.tanh %add3A_198 : vector<1000x64xf32>
    %slice3A_200 = vector.extract_strided_slice %div3A_14 {offsets = [3], sizes = [1], strides = [1]} : vector<12xf32> to vector<1xf32>
    %squeeze3A_201 = vector.extract %slice3A_200[0] : f32 from vector<1xf32>
    %sub3A_202 = arith.constant 1.000000e+00 : f32
    %sub3A_203 = vector.broadcast %sub3A_202 : f32 to vector<1000x64xf32>
    %sub3A_204 = arith.subf %sub3A_203, %logistic3A_194 : vector<1000x64xf32>
    %mul3A_205 = vector.broadcast %squeeze3A_201 : f32 to vector<1000x64xf32>
    %mul3A_206 = arith.mulf %mul3A_205, %sub3A_204 : vector<1000x64xf32>
    %mul3A_207 = arith.mulf %mul3A_206, %tanh3A_199 : vector<1000x64xf32>
    %add3A_208 = arith.addf %add3A_169, %mul3A_207 : vector<1000x64xf32>
    %get3A_209 = arith.constant 4 : index
    %get3A_210 = arith.constant 0 : index
    %get3A_211 = arith.constant 0 : index
    %get3A_212 = vector.load %arg1[%get3A_209, %get3A_210, %get3A_211] : memref<12x1000x128xf32, #tpu.memory_space<vmem>>, vector<1x1000x128xf32>
    %get3A_213 = vector.shape_cast %get3A_212 : vector<1x1000x128xf32> to vector<1000x128xf32>
    %get3A_214 = arith.constant 4 : index
    %get3A_215 = arith.constant 0 : index
    %get3A_216 = arith.constant 0 : index
    %get3A_217 = vector.load %arg2[%get3A_214, %get3A_215, %get3A_216] : memref<12x1000x128xf32, #tpu.memory_space<vmem>>, vector<1x1000x128xf32>
    %get3A_218 = vector.shape_cast %get3A_217 : vector<1x1000x128xf32> to vector<1000x128xf32>
    %mul3A_219 = vector.broadcast %get3A_55 : vector<1000x1xf32> to vector<1000x128xf32>
    %mul3A_220 = arith.mulf %mul3A_219, %get3A_218 : vector<1000x128xf32>
    %add3A_221 = arith.addf %get3A_213, %mul3A_220 : vector<1000x128xf32>
    %mul3A_222 = vector.broadcast %get3A_55 : vector<1000x1xf32> to vector<1000x128xf32>
    %mul3A_223 = arith.mulf %mul3A_222, %add3A_221 : vector<1000x128xf32>
    %dot_general3A_224 = arith.constant dense<0.000000e+00> : vector<1000x64xf32>
    %dot_general3A_225 = tpu.matmul %mul3A_223, %dot_general3A_21, %dot_general3A_224 {dimension_numbers = #tpu.dot_dimension_numbers<[1], [0], [0], [1], [0, 0, 1, 1], [], []>, transpose_lhs_hint = false} : vector<1000x128xf32>, vector<128x64xf32>, vector<1000x64xf32> -> vector<1000x64xf32>
    %add3A_226 = vector.broadcast %add3A : vector<1x64xf32> to vector<1000x64xf32>
    %add3A_227 = arith.addf %dot_general3A_225, %add3A_226 : vector<1000x64xf32>
    %logistic3A_228 = arith.negf %add3A_227 : vector<1000x64xf32>
    %logistic3A_229 = math.exp %logistic3A_228 : vector<1000x64xf32>
    %logistic3A_230 = arith.constant 1.000000e+00 : f32
    %logistic3A_231 = vector.broadcast %logistic3A_230 : f32 to vector<1000x64xf32>
    %logistic3A_232 = arith.addf %logistic3A_231, %logistic3A_229 : vector<1000x64xf32>
    %logistic3A_233 = arith.divf %logistic3A_231, %logistic3A_232 : vector<1000x64xf32>
    %dot_general3A_234 = arith.constant dense<0.000000e+00> : vector<1000x64xf32>
    %dot_general3A_235 = tpu.matmul %mul3A_223, %dot_general3A_29, %dot_general3A_234 {dimension_numbers = #tpu.dot_dimension_numbers<[1], [0], [0], [1], [0, 0, 1, 1], [], []>, transpose_lhs_hint = false} : vector<1000x128xf32>, vector<128x64xf32>, vector<1000x64xf32> -> vector<1000x64xf32>
    %add3A_236 = vector.broadcast %add3A_52 : vector<1x64xf32> to vector<1000x64xf32>
    %add3A_237 = arith.addf %dot_general3A_235, %add3A_236 : vector<1000x64xf32>
    %tanh3A_238 = math.tanh %add3A_237 : vector<1000x64xf32>
    %slice3A_239 = vector.extract_strided_slice %div3A_14 {offsets = [4], sizes = [1], strides = [1]} : vector<12xf32> to vector<1xf32>
    %squeeze3A_240 = vector.extract %slice3A_239[0] : f32 from vector<1xf32>
    %sub3A_241 = arith.constant 1.000000e+00 : f32
    %sub3A_242 = vector.broadcast %sub3A_241 : f32 to vector<1000x64xf32>
    %sub3A_243 = arith.subf %sub3A_242, %logistic3A_233 : vector<1000x64xf32>
    %mul3A_244 = vector.broadcast %squeeze3A_240 : f32 to vector<1000x64xf32>
    %mul3A_245 = arith.mulf %mul3A_244, %sub3A_243 : vector<1000x64xf32>
    %mul3A_246 = arith.mulf %mul3A_245, %tanh3A_238 : vector<1000x64xf32>
    %add3A_247 = arith.addf %add3A_208, %mul3A_246 : vector<1000x64xf32>
    %get3A_248 = arith.constant 5 : index
    %get3A_249 = arith.constant 0 : index
    %get3A_250 = arith.constant 0 : index
    %get3A_251 = vector.load %arg1[%get3A_248, %get3A_249, %get3A_250] : memref<12x1000x128xf32, #tpu.memory_space<vmem>>, vector<1x1000x128xf32>
    %get3A_252 = vector.shape_cast %get3A_251 : vector<1x1000x128xf32> to vector<1000x128xf32>
    %get3A_253 = arith.constant 5 : index
    %get3A_254 = arith.constant 0 : index
    %get3A_255 = arith.constant 0 : index
    %get3A_256 = vector.load %arg2[%get3A_253, %get3A_254, %get3A_255] : memref<12x1000x128xf32, #tpu.memory_space<vmem>>, vector<1x1000x128xf32>
    %get3A_257 = vector.shape_cast %get3A_256 : vector<1x1000x128xf32> to vector<1000x128xf32>
    %mul3A_258 = vector.broadcast %get3A_55 : vector<1000x1xf32> to vector<1000x128xf32>
    %mul3A_259 = arith.mulf %mul3A_258, %get3A_257 : vector<1000x128xf32>
    %add3A_260 = arith.addf %get3A_252, %mul3A_259 : vector<1000x128xf32>
    %mul3A_261 = vector.broadcast %get3A_55 : vector<1000x1xf32> to vector<1000x128xf32>
    %mul3A_262 = arith.mulf %mul3A_261, %add3A_260 : vector<1000x128xf32>
    %dot_general3A_263 = arith.constant dense<0.000000e+00> : vector<1000x64xf32>
    %dot_general3A_264 = tpu.matmul %mul3A_262, %dot_general3A_21, %dot_general3A_263 {dimension_numbers = #tpu.dot_dimension_numbers<[1], [0], [0], [1], [0, 0, 1, 1], [], []>, transpose_lhs_hint = false} : vector<1000x128xf32>, vector<128x64xf32>, vector<1000x64xf32> -> vector<1000x64xf32>
    %add3A_265 = vector.broadcast %add3A : vector<1x64xf32> to vector<1000x64xf32>
    %add3A_266 = arith.addf %dot_general3A_264, %add3A_265 : vector<1000x64xf32>
    %logistic3A_267 = arith.negf %add3A_266 : vector<1000x64xf32>
    %logistic3A_268 = math.exp %logistic3A_267 : vector<1000x64xf32>
    %logistic3A_269 = arith.constant 1.000000e+00 : f32
    %logistic3A_270 = vector.broadcast %logistic3A_269 : f32 to vector<1000x64xf32>
    %logistic3A_271 = arith.addf %logistic3A_270, %logistic3A_268 : vector<1000x64xf32>
    %logistic3A_272 = arith.divf %logistic3A_270, %logistic3A_271 : vector<1000x64xf32>
    %dot_general3A_273 = arith.constant dense<0.000000e+00> : vector<1000x64xf32>
    %dot_general3A_274 = tpu.matmul %mul3A_262, %dot_general3A_29, %dot_general3A_273 {dimension_numbers = #tpu.dot_dimension_numbers<[1], [0], [0], [1], [0, 0, 1, 1], [], []>, transpose_lhs_hint = false} : vector<1000x128xf32>, vector<128x64xf32>, vector<1000x64xf32> -> vector<1000x64xf32>
    %add3A_275 = vector.broadcast %add3A_52 : vector<1x64xf32> to vector<1000x64xf32>
    %add3A_276 = arith.addf %dot_general3A_274, %add3A_275 : vector<1000x64xf32>
    %tanh3A_277 = math.tanh %add3A_276 : vector<1000x64xf32>
    %slice3A_278 = vector.extract_strided_slice %div3A_14 {offsets = [5], sizes = [1], strides = [1]} : vector<12xf32> to vector<1xf32>
    %squeeze3A_279 = vector.extract %slice3A_278[0] : f32 from vector<1xf32>
    %sub3A_280 = arith.constant 1.000000e+00 : f32
    %sub3A_281 = vector.broadcast %sub3A_280 : f32 to vector<1000x64xf32>
    %sub3A_282 = arith.subf %sub3A_281, %logistic3A_272 : vector<1000x64xf32>
    %mul3A_283 = vector.broadcast %squeeze3A_279 : f32 to vector<1000x64xf32>
    %mul3A_284 = arith.mulf %mul3A_283, %sub3A_282 : vector<1000x64xf32>
    %mul3A_285 = arith.mulf %mul3A_284, %tanh3A_277 : vector<1000x64xf32>
    %add3A_286 = arith.addf %add3A_247, %mul3A_285 : vector<1000x64xf32>
    %get3A_287 = arith.constant 6 : index
    %get3A_288 = arith.constant 0 : index
    %get3A_289 = arith.constant 0 : index
    %get3A_290 = vector.load %arg1[%get3A_287, %get3A_288, %get3A_289] : memref<12x1000x128xf32, #tpu.memory_space<vmem>>, vector<1x1000x128xf32>
    %get3A_291 = vector.shape_cast %get3A_290 : vector<1x1000x128xf32> to vector<1000x128xf32>
    %get3A_292 = arith.constant 6 : index
    %get3A_293 = arith.constant 0 : index
    %get3A_294 = arith.constant 0 : index
    %get3A_295 = vector.load %arg2[%get3A_292, %get3A_293, %get3A_294] : memref<12x1000x128xf32, #tpu.memory_space<vmem>>, vector<1x1000x128xf32>
    %get3A_296 = vector.shape_cast %get3A_295 : vector<1x1000x128xf32> to vector<1000x128xf32>
    %mul3A_297 = vector.broadcast %get3A_55 : vector<1000x1xf32> to vector<1000x128xf32>
    %mul3A_298 = arith.mulf %mul3A_297, %get3A_296 : vector<1000x128xf32>
    %add3A_299 = arith.addf %get3A_291, %mul3A_298 : vector<1000x128xf32>
    %mul3A_300 = vector.broadcast %get3A_55 : vector<1000x1xf32> to vector<1000x128xf32>
    %mul3A_301 = arith.mulf %mul3A_300, %add3A_299 : vector<1000x128xf32>
    %dot_general3A_302 = arith.constant dense<0.000000e+00> : vector<1000x64xf32>
    %dot_general3A_303 = tpu.matmul %mul3A_301, %dot_general3A_21, %dot_general3A_302 {dimension_numbers = #tpu.dot_dimension_numbers<[1], [0], [0], [1], [0, 0, 1, 1], [], []>, transpose_lhs_hint = false} : vector<1000x128xf32>, vector<128x64xf32>, vector<1000x64xf32> -> vector<1000x64xf32>
    %add3A_304 = vector.broadcast %add3A : vector<1x64xf32> to vector<1000x64xf32>
    %add3A_305 = arith.addf %dot_general3A_303, %add3A_304 : vector<1000x64xf32>
    %logistic3A_306 = arith.negf %add3A_305 : vector<1000x64xf32>
    %logistic3A_307 = math.exp %logistic3A_306 : vector<1000x64xf32>
    %logistic3A_308 = arith.constant 1.000000e+00 : f32
    %logistic3A_309 = vector.broadcast %logistic3A_308 : f32 to vector<1000x64xf32>
    %logistic3A_310 = arith.addf %logistic3A_309, %logistic3A_307 : vector<1000x64xf32>
    %logistic3A_311 = arith.divf %logistic3A_309, %logistic3A_310 : vector<1000x64xf32>
    %dot_general3A_312 = arith.constant dense<0.000000e+00> : vector<1000x64xf32>
    %dot_general3A_313 = tpu.matmul %mul3A_301, %dot_general3A_29, %dot_general3A_312 {dimension_numbers = #tpu.dot_dimension_numbers<[1], [0], [0], [1], [0, 0, 1, 1], [], []>, transpose_lhs_hint = false} : vector<1000x128xf32>, vector<128x64xf32>, vector<1000x64xf32> -> vector<1000x64xf32>
    %add3A_314 = vector.broadcast %add3A_52 : vector<1x64xf32> to vector<1000x64xf32>
    %add3A_315 = arith.addf %dot_general3A_313, %add3A_314 : vector<1000x64xf32>
    %tanh3A_316 = math.tanh %add3A_315 : vector<1000x64xf32>
    %slice3A_317 = vector.extract_strided_slice %div3A_14 {offsets = [6], sizes = [1], strides = [1]} : vector<12xf32> to vector<1xf32>
    %squeeze3A_318 = vector.extract %slice3A_317[0] : f32 from vector<1xf32>
    %sub3A_319 = arith.constant 1.000000e+00 : f32
    %sub3A_320 = vector.broadcast %sub3A_319 : f32 to vector<1000x64xf32>
    %sub3A_321 = arith.subf %sub3A_320, %logistic3A_311 : vector<1000x64xf32>
    %mul3A_322 = vector.broadcast %squeeze3A_318 : f32 to vector<1000x64xf32>
    %mul3A_323 = arith.mulf %mul3A_322, %sub3A_321 : vector<1000x64xf32>
    %mul3A_324 = arith.mulf %mul3A_323, %tanh3A_316 : vector<1000x64xf32>
    %add3A_325 = arith.addf %add3A_286, %mul3A_324 : vector<1000x64xf32>
    %get3A_326 = arith.constant 7 : index
    %get3A_327 = arith.constant 0 : index
    %get3A_328 = arith.constant 0 : index
    %get3A_329 = vector.load %arg1[%get3A_326, %get3A_327, %get3A_328] : memref<12x1000x128xf32, #tpu.memory_space<vmem>>, vector<1x1000x128xf32>
    %get3A_330 = vector.shape_cast %get3A_329 : vector<1x1000x128xf32> to vector<1000x128xf32>
    %get3A_331 = arith.constant 7 : index
    %get3A_332 = arith.constant 0 : index
    %get3A_333 = arith.constant 0 : index
    %get3A_334 = vector.load %arg2[%get3A_331, %get3A_332, %get3A_333] : memref<12x1000x128xf32, #tpu.memory_space<vmem>>, vector<1x1000x128xf32>
    %get3A_335 = vector.shape_cast %get3A_334 : vector<1x1000x128xf32> to vector<1000x128xf32>
    %mul3A_336 = vector.broadcast %get3A_55 : vector<1000x1xf32> to vector<1000x128xf32>
    %mul3A_337 = arith.mulf %mul3A_336, %get3A_335 : vector<1000x128xf32>
    %add3A_338 = arith.addf %get3A_330, %mul3A_337 : vector<1000x128xf32>
    %mul3A_339 = vector.broadcast %get3A_55 : vector<1000x1xf32> to vector<1000x128xf32>
    %mul3A_340 = arith.mulf %mul3A_339, %add3A_338 : vector<1000x128xf32>
    %dot_general3A_341 = arith.constant dense<0.000000e+00> : vector<1000x64xf32>
    %dot_general3A_342 = tpu.matmul %mul3A_340, %dot_general3A_21, %dot_general3A_341 {dimension_numbers = #tpu.dot_dimension_numbers<[1], [0], [0], [1], [0, 0, 1, 1], [], []>, transpose_lhs_hint = false} : vector<1000x128xf32>, vector<128x64xf32>, vector<1000x64xf32> -> vector<1000x64xf32>
    %add3A_343 = vector.broadcast %add3A : vector<1x64xf32> to vector<1000x64xf32>
    %add3A_344 = arith.addf %dot_general3A_342, %add3A_343 : vector<1000x64xf32>
    %logistic3A_345 = arith.negf %add3A_344 : vector<1000x64xf32>
    %logistic3A_346 = math.exp %logistic3A_345 : vector<1000x64xf32>
    %logistic3A_347 = arith.constant 1.000000e+00 : f32
    %logistic3A_348 = vector.broadcast %logistic3A_347 : f32 to vector<1000x64xf32>
    %logistic3A_349 = arith.addf %logistic3A_348, %logistic3A_346 : vector<1000x64xf32>
    %logistic3A_350 = arith.divf %logistic3A_348, %logistic3A_349 : vector<1000x64xf32>
    %dot_general3A_351 = arith.constant dense<0.000000e+00> : vector<1000x64xf32>
    %dot_general3A_352 = tpu.matmul %mul3A_340, %dot_general3A_29, %dot_general3A_351 {dimension_numbers = #tpu.dot_dimension_numbers<[1], [0], [0], [1], [0, 0, 1, 1], [], []>, transpose_lhs_hint = false} : vector<1000x128xf32>, vector<128x64xf32>, vector<1000x64xf32> -> vector<1000x64xf32>
    %add3A_353 = vector.broadcast %add3A_52 : vector<1x64xf32> to vector<1000x64xf32>
    %add3A_354 = arith.addf %dot_general3A_352, %add3A_353 : vector<1000x64xf32>
    %tanh3A_355 = math.tanh %add3A_354 : vector<1000x64xf32>
    %slice3A_356 = vector.extract_strided_slice %div3A_14 {offsets = [7], sizes = [1], strides = [1]} : vector<12xf32> to vector<1xf32>
    %squeeze3A_357 = vector.extract %slice3A_356[0] : f32 from vector<1xf32>
    %sub3A_358 = arith.constant 1.000000e+00 : f32
    %sub3A_359 = vector.broadcast %sub3A_358 : f32 to vector<1000x64xf32>
    %sub3A_360 = arith.subf %sub3A_359, %logistic3A_350 : vector<1000x64xf32>
    %mul3A_361 = vector.broadcast %squeeze3A_357 : f32 to vector<1000x64xf32>
    %mul3A_362 = arith.mulf %mul3A_361, %sub3A_360 : vector<1000x64xf32>
    %mul3A_363 = arith.mulf %mul3A_362, %tanh3A_355 : vector<1000x64xf32>
    %add3A_364 = arith.addf %add3A_325, %mul3A_363 : vector<1000x64xf32>
    %get3A_365 = arith.constant 8 : index
    %get3A_366 = arith.constant 0 : index
    %get3A_367 = arith.constant 0 : index
    %get3A_368 = vector.load %arg1[%get3A_365, %get3A_366, %get3A_367] : memref<12x1000x128xf32, #tpu.memory_space<vmem>>, vector<1x1000x128xf32>
    %get3A_369 = vector.shape_cast %get3A_368 : vector<1x1000x128xf32> to vector<1000x128xf32>
    %get3A_370 = arith.constant 8 : index
    %get3A_371 = arith.constant 0 : index
    %get3A_372 = arith.constant 0 : index
    %get3A_373 = vector.load %arg2[%get3A_370, %get3A_371, %get3A_372] : memref<12x1000x128xf32, #tpu.memory_space<vmem>>, vector<1x1000x128xf32>
    %get3A_374 = vector.shape_cast %get3A_373 : vector<1x1000x128xf32> to vector<1000x128xf32>
    %mul3A_375 = vector.broadcast %get3A_55 : vector<1000x1xf32> to vector<1000x128xf32>
    %mul3A_376 = arith.mulf %mul3A_375, %get3A_374 : vector<1000x128xf32>
    %add3A_377 = arith.addf %get3A_369, %mul3A_376 : vector<1000x128xf32>
    %mul3A_378 = vector.broadcast %get3A_55 : vector<1000x1xf32> to vector<1000x128xf32>
    %mul3A_379 = arith.mulf %mul3A_378, %add3A_377 : vector<1000x128xf32>
    %dot_general3A_380 = arith.constant dense<0.000000e+00> : vector<1000x64xf32>
    %dot_general3A_381 = tpu.matmul %mul3A_379, %dot_general3A_21, %dot_general3A_380 {dimension_numbers = #tpu.dot_dimension_numbers<[1], [0], [0], [1], [0, 0, 1, 1], [], []>, transpose_lhs_hint = false} : vector<1000x128xf32>, vector<128x64xf32>, vector<1000x64xf32> -> vector<1000x64xf32>
    %add3A_382 = vector.broadcast %add3A : vector<1x64xf32> to vector<1000x64xf32>
    %add3A_383 = arith.addf %dot_general3A_381, %add3A_382 : vector<1000x64xf32>
    %logistic3A_384 = arith.negf %add3A_383 : vector<1000x64xf32>
    %logistic3A_385 = math.exp %logistic3A_384 : vector<1000x64xf32>
    %logistic3A_386 = arith.constant 1.000000e+00 : f32
    %logistic3A_387 = vector.broadcast %logistic3A_386 : f32 to vector<1000x64xf32>
    %logistic3A_388 = arith.addf %logistic3A_387, %logistic3A_385 : vector<1000x64xf32>
    %logistic3A_389 = arith.divf %logistic3A_387, %logistic3A_388 : vector<1000x64xf32>
    %dot_general3A_390 = arith.constant dense<0.000000e+00> : vector<1000x64xf32>
    %dot_general3A_391 = tpu.matmul %mul3A_379, %dot_general3A_29, %dot_general3A_390 {dimension_numbers = #tpu.dot_dimension_numbers<[1], [0], [0], [1], [0, 0, 1, 1], [], []>, transpose_lhs_hint = false} : vector<1000x128xf32>, vector<128x64xf32>, vector<1000x64xf32> -> vector<1000x64xf32>
    %add3A_392 = vector.broadcast %add3A_52 : vector<1x64xf32> to vector<1000x64xf32>
    %add3A_393 = arith.addf %dot_general3A_391, %add3A_392 : vector<1000x64xf32>
    %tanh3A_394 = math.tanh %add3A_393 : vector<1000x64xf32>
    %slice3A_395 = vector.extract_strided_slice %div3A_14 {offsets = [8], sizes = [1], strides = [1]} : vector<12xf32> to vector<1xf32>
    %squeeze3A_396 = vector.extract %slice3A_395[0] : f32 from vector<1xf32>
    %sub3A_397 = arith.constant 1.000000e+00 : f32
    %sub3A_398 = vector.broadcast %sub3A_397 : f32 to vector<1000x64xf32>
    %sub3A_399 = arith.subf %sub3A_398, %logistic3A_389 : vector<1000x64xf32>
    %mul3A_400 = vector.broadcast %squeeze3A_396 : f32 to vector<1000x64xf32>
    %mul3A_401 = arith.mulf %mul3A_400, %sub3A_399 : vector<1000x64xf32>
    %mul3A_402 = arith.mulf %mul3A_401, %tanh3A_394 : vector<1000x64xf32>
    %add3A_403 = arith.addf %add3A_364, %mul3A_402 : vector<1000x64xf32>
    %get3A_404 = arith.constant 9 : index
    %get3A_405 = arith.constant 0 : index
    %get3A_406 = arith.constant 0 : index
    %get3A_407 = vector.load %arg1[%get3A_404, %get3A_405, %get3A_406] : memref<12x1000x128xf32, #tpu.memory_space<vmem>>, vector<1x1000x128xf32>
    %get3A_408 = vector.shape_cast %get3A_407 : vector<1x1000x128xf32> to vector<1000x128xf32>
    %get3A_409 = arith.constant 9 : index
    %get3A_410 = arith.constant 0 : index
    %get3A_411 = arith.constant 0 : index
    %get3A_412 = vector.load %arg2[%get3A_409, %get3A_410, %get3A_411] : memref<12x1000x128xf32, #tpu.memory_space<vmem>>, vector<1x1000x128xf32>
    %get3A_413 = vector.shape_cast %get3A_412 : vector<1x1000x128xf32> to vector<1000x128xf32>
    %mul3A_414 = vector.broadcast %get3A_55 : vector<1000x1xf32> to vector<1000x128xf32>
    %mul3A_415 = arith.mulf %mul3A_414, %get3A_413 : vector<1000x128xf32>
    %add3A_416 = arith.addf %get3A_408, %mul3A_415 : vector<1000x128xf32>
    %mul3A_417 = vector.broadcast %get3A_55 : vector<1000x1xf32> to vector<1000x128xf32>
    %mul3A_418 = arith.mulf %mul3A_417, %add3A_416 : vector<1000x128xf32>
    %dot_general3A_419 = arith.constant dense<0.000000e+00> : vector<1000x64xf32>
    %dot_general3A_420 = tpu.matmul %mul3A_418, %dot_general3A_21, %dot_general3A_419 {dimension_numbers = #tpu.dot_dimension_numbers<[1], [0], [0], [1], [0, 0, 1, 1], [], []>, transpose_lhs_hint = false} : vector<1000x128xf32>, vector<128x64xf32>, vector<1000x64xf32> -> vector<1000x64xf32>
    %add3A_421 = vector.broadcast %add3A : vector<1x64xf32> to vector<1000x64xf32>
    %add3A_422 = arith.addf %dot_general3A_420, %add3A_421 : vector<1000x64xf32>
    %logistic3A_423 = arith.negf %add3A_422 : vector<1000x64xf32>
    %logistic3A_424 = math.exp %logistic3A_423 : vector<1000x64xf32>
    %logistic3A_425 = arith.constant 1.000000e+00 : f32
    %logistic3A_426 = vector.broadcast %logistic3A_425 : f32 to vector<1000x64xf32>
    %logistic3A_427 = arith.addf %logistic3A_426, %logistic3A_424 : vector<1000x64xf32>
    %logistic3A_428 = arith.divf %logistic3A_426, %logistic3A_427 : vector<1000x64xf32>
    %dot_general3A_429 = arith.constant dense<0.000000e+00> : vector<1000x64xf32>
    %dot_general3A_430 = tpu.matmul %mul3A_418, %dot_general3A_29, %dot_general3A_429 {dimension_numbers = #tpu.dot_dimension_numbers<[1], [0], [0], [1], [0, 0, 1, 1], [], []>, transpose_lhs_hint = false} : vector<1000x128xf32>, vector<128x64xf32>, vector<1000x64xf32> -> vector<1000x64xf32>
    %add3A_431 = vector.broadcast %add3A_52 : vector<1x64xf32> to vector<1000x64xf32>
    %add3A_432 = arith.addf %dot_general3A_430, %add3A_431 : vector<1000x64xf32>
    %tanh3A_433 = math.tanh %add3A_432 : vector<1000x64xf32>
    %slice3A_434 = vector.extract_strided_slice %div3A_14 {offsets = [9], sizes = [1], strides = [1]} : vector<12xf32> to vector<1xf32>
    %squeeze3A_435 = vector.extract %slice3A_434[0] : f32 from vector<1xf32>
    %sub3A_436 = arith.constant 1.000000e+00 : f32
    %sub3A_437 = vector.broadcast %sub3A_436 : f32 to vector<1000x64xf32>
    %sub3A_438 = arith.subf %sub3A_437, %logistic3A_428 : vector<1000x64xf32>
    %mul3A_439 = vector.broadcast %squeeze3A_435 : f32 to vector<1000x64xf32>
    %mul3A_440 = arith.mulf %mul3A_439, %sub3A_438 : vector<1000x64xf32>
    %mul3A_441 = arith.mulf %mul3A_440, %tanh3A_433 : vector<1000x64xf32>
    %add3A_442 = arith.addf %add3A_403, %mul3A_441 : vector<1000x64xf32>
    %get3A_443 = arith.constant 10 : index
    %get3A_444 = arith.constant 0 : index
    %get3A_445 = arith.constant 0 : index
    %get3A_446 = vector.load %arg1[%get3A_443, %get3A_444, %get3A_445] : memref<12x1000x128xf32, #tpu.memory_space<vmem>>, vector<1x1000x128xf32>
    %get3A_447 = vector.shape_cast %get3A_446 : vector<1x1000x128xf32> to vector<1000x128xf32>
    %get3A_448 = arith.constant 10 : index
    %get3A_449 = arith.constant 0 : index
    %get3A_450 = arith.constant 0 : index
    %get3A_451 = vector.load %arg2[%get3A_448, %get3A_449, %get3A_450] : memref<12x1000x128xf32, #tpu.memory_space<vmem>>, vector<1x1000x128xf32>
    %get3A_452 = vector.shape_cast %get3A_451 : vector<1x1000x128xf32> to vector<1000x128xf32>
    %mul3A_453 = vector.broadcast %get3A_55 : vector<1000x1xf32> to vector<1000x128xf32>
    %mul3A_454 = arith.mulf %mul3A_453, %get3A_452 : vector<1000x128xf32>
    %add3A_455 = arith.addf %get3A_447, %mul3A_454 : vector<1000x128xf32>
    %mul3A_456 = vector.broadcast %get3A_55 : vector<1000x1xf32> to vector<1000x128xf32>
    %mul3A_457 = arith.mulf %mul3A_456, %add3A_455 : vector<1000x128xf32>
    %dot_general3A_458 = arith.constant dense<0.000000e+00> : vector<1000x64xf32>
    %dot_general3A_459 = tpu.matmul %mul3A_457, %dot_general3A_21, %dot_general3A_458 {dimension_numbers = #tpu.dot_dimension_numbers<[1], [0], [0], [1], [0, 0, 1, 1], [], []>, transpose_lhs_hint = false} : vector<1000x128xf32>, vector<128x64xf32>, vector<1000x64xf32> -> vector<1000x64xf32>
    %add3A_460 = vector.broadcast %add3A : vector<1x64xf32> to vector<1000x64xf32>
    %add3A_461 = arith.addf %dot_general3A_459, %add3A_460 : vector<1000x64xf32>
    %logistic3A_462 = arith.negf %add3A_461 : vector<1000x64xf32>
    %logistic3A_463 = math.exp %logistic3A_462 : vector<1000x64xf32>
    %logistic3A_464 = arith.constant 1.000000e+00 : f32
    %logistic3A_465 = vector.broadcast %logistic3A_464 : f32 to vector<1000x64xf32>
    %logistic3A_466 = arith.addf %logistic3A_465, %logistic3A_463 : vector<1000x64xf32>
    %logistic3A_467 = arith.divf %logistic3A_465, %logistic3A_466 : vector<1000x64xf32>
    %dot_general3A_468 = arith.constant dense<0.000000e+00> : vector<1000x64xf32>
    %dot_general3A_469 = tpu.matmul %mul3A_457, %dot_general3A_29, %dot_general3A_468 {dimension_numbers = #tpu.dot_dimension_numbers<[1], [0], [0], [1], [0, 0, 1, 1], [], []>, transpose_lhs_hint = false} : vector<1000x128xf32>, vector<128x64xf32>, vector<1000x64xf32> -> vector<1000x64xf32>
    %add3A_470 = vector.broadcast %add3A_52 : vector<1x64xf32> to vector<1000x64xf32>
    %add3A_471 = arith.addf %dot_general3A_469, %add3A_470 : vector<1000x64xf32>
    %tanh3A_472 = math.tanh %add3A_471 : vector<1000x64xf32>
    %slice3A_473 = vector.extract_strided_slice %div3A_14 {offsets = [10], sizes = [1], strides = [1]} : vector<12xf32> to vector<1xf32>
    %squeeze3A_474 = vector.extract %slice3A_473[0] : f32 from vector<1xf32>
    %sub3A_475 = arith.constant 1.000000e+00 : f32
    %sub3A_476 = vector.broadcast %sub3A_475 : f32 to vector<1000x64xf32>
    %sub3A_477 = arith.subf %sub3A_476, %logistic3A_467 : vector<1000x64xf32>
    %mul3A_478 = vector.broadcast %squeeze3A_474 : f32 to vector<1000x64xf32>
    %mul3A_479 = arith.mulf %mul3A_478, %sub3A_477 : vector<1000x64xf32>
    %mul3A_480 = arith.mulf %mul3A_479, %tanh3A_472 : vector<1000x64xf32>
    %add3A_481 = arith.addf %add3A_442, %mul3A_480 : vector<1000x64xf32>
    %get3A_482 = arith.constant 11 : index
    %get3A_483 = arith.constant 0 : index
    %get3A_484 = arith.constant 0 : index
    %get3A_485 = vector.load %arg1[%get3A_482, %get3A_483, %get3A_484] : memref<12x1000x128xf32, #tpu.memory_space<vmem>>, vector<1x1000x128xf32>
    %get3A_486 = vector.shape_cast %get3A_485 : vector<1x1000x128xf32> to vector<1000x128xf32>
    %get3A_487 = arith.constant 11 : index
    %get3A_488 = arith.constant 0 : index
    %get3A_489 = arith.constant 0 : index
    %get3A_490 = vector.load %arg2[%get3A_487, %get3A_488, %get3A_489] : memref<12x1000x128xf32, #tpu.memory_space<vmem>>, vector<1x1000x128xf32>
    %get3A_491 = vector.shape_cast %get3A_490 : vector<1x1000x128xf32> to vector<1000x128xf32>
    %mul3A_492 = vector.broadcast %get3A_55 : vector<1000x1xf32> to vector<1000x128xf32>
    %mul3A_493 = arith.mulf %mul3A_492, %get3A_491 : vector<1000x128xf32>
    %add3A_494 = arith.addf %get3A_486, %mul3A_493 : vector<1000x128xf32>
    %mul3A_495 = vector.broadcast %get3A_55 : vector<1000x1xf32> to vector<1000x128xf32>
    %mul3A_496 = arith.mulf %mul3A_495, %add3A_494 : vector<1000x128xf32>
    %dot_general3A_497 = arith.constant dense<0.000000e+00> : vector<1000x64xf32>
    %dot_general3A_498 = tpu.matmul %mul3A_496, %dot_general3A_21, %dot_general3A_497 {dimension_numbers = #tpu.dot_dimension_numbers<[1], [0], [0], [1], [0, 0, 1, 1], [], []>, transpose_lhs_hint = false} : vector<1000x128xf32>, vector<128x64xf32>, vector<1000x64xf32> -> vector<1000x64xf32>
    %add3A_499 = vector.broadcast %add3A : vector<1x64xf32> to vector<1000x64xf32>
    %add3A_500 = arith.addf %dot_general3A_498, %add3A_499 : vector<1000x64xf32>
    %logistic3A_501 = arith.negf %add3A_500 : vector<1000x64xf32>
    %logistic3A_502 = math.exp %logistic3A_501 : vector<1000x64xf32>
    %logistic3A_503 = arith.constant 1.000000e+00 : f32
    %logistic3A_504 = vector.broadcast %logistic3A_503 : f32 to vector<1000x64xf32>
    %logistic3A_505 = arith.addf %logistic3A_504, %logistic3A_502 : vector<1000x64xf32>
    %logistic3A_506 = arith.divf %logistic3A_504, %logistic3A_505 : vector<1000x64xf32>
    %dot_general3A_507 = arith.constant dense<0.000000e+00> : vector<1000x64xf32>
    %dot_general3A_508 = tpu.matmul %mul3A_496, %dot_general3A_29, %dot_general3A_507 {dimension_numbers = #tpu.dot_dimension_numbers<[1], [0], [0], [1], [0, 0, 1, 1], [], []>, transpose_lhs_hint = false} : vector<1000x128xf32>, vector<128x64xf32>, vector<1000x64xf32> -> vector<1000x64xf32>
    %add3A_509 = vector.broadcast %add3A_52 : vector<1x64xf32> to vector<1000x64xf32>
    %add3A_510 = arith.addf %dot_general3A_508, %add3A_509 : vector<1000x64xf32>
    %tanh3A_511 = math.tanh %add3A_510 : vector<1000x64xf32>
    %slice3A_512 = vector.extract_strided_slice %div3A_14 {offsets = [11], sizes = [1], strides = [1]} : vector<12xf32> to vector<1xf32>
    %squeeze3A_513 = vector.extract %slice3A_512[0] : f32 from vector<1xf32>
    %sub3A_514 = arith.constant 1.000000e+00 : f32
    %sub3A_515 = vector.broadcast %sub3A_514 : f32 to vector<1000x64xf32>
    %sub3A_516 = arith.subf %sub3A_515, %logistic3A_506 : vector<1000x64xf32>
    %mul3A_517 = vector.broadcast %squeeze3A_513 : f32 to vector<1000x64xf32>
    %mul3A_518 = arith.mulf %mul3A_517, %sub3A_516 : vector<1000x64xf32>
    %mul3A_519 = arith.mulf %mul3A_518, %tanh3A_511 : vector<1000x64xf32>
    %add3A_520 = arith.addf %add3A_481, %mul3A_519 : vector<1000x64xf32>
    %max3A_521 = arith.constant 0.000000e+00 : f32
    %max3A_522 = vector.broadcast %max3A_521 : f32 to vector<1000x64xf32>
    %max3A_523 = arith.maximumf %add3A_520, %max3A_522 : vector<1000x64xf32>
    %get3A_524 = arith.constant 0 : index
    %get3A_525 = arith.constant 0 : index
    %get3A_526 = vector.load %arg13[%get3A_524, %get3A_525] : memref<64x1xf32, #tpu.memory_space<vmem>>, vector<64x1xf32>
    %dot_general3A_527 = arith.constant dense<0.000000e+00> : vector<1000x1xf32>
    %dot_general3A_528 = tpu.matmul %max3A_523, %get3A_526, %dot_general3A_527 {dimension_numbers = #tpu.dot_dimension_numbers<[1], [0], [0], [1], [0, 0, 1, 1], [], []>, transpose_lhs_hint = false} : vector<1000x64xf32>, vector<64x1xf32>, vector<1000x1xf32> -> vector<1000x1xf32>
    %get3A_529 = arith.constant 0 : index
    %get3A_530 = arith.constant 0 : index
    %get3A_531 = vector.load %arg14[%get3A_529, %get3A_530] : memref<1x1xf32, #tpu.memory_space<vmem>>, vector<1x1xf32>
    %add3A_532 = vector.broadcast %get3A_531 : vector<1x1xf32> to vector<1000x1xf32>
    %add3A_533 = arith.addf %dot_general3A_528, %add3A_532 : vector<1000x1xf32>
    %swap3A = arith.constant 0 : index
    %swap3A_534 = arith.constant 0 : index
    %swap3A_535 = vector.load %arg15[%swap3A, %swap3A_534] : memref<1000x1xf32, #tpu.memory_space<vmem>>, vector<1000x1xf32>
    tpu.vector_store %arg15[%swap3A, %swap3A_534], %add3A_533 {strides = array<i32>} : memref<1000x1xf32, #tpu.memory_space<vmem>>, vector<1000x1xf32>,
    return
  }
  func.func @transform_0(%arg0: i32) -> (i32, i32, i32) {
    %c0_i32 = arith.constant 0 : i32
    %c0_i32_0 = arith.constant 0 : i32
    %c0_i32_1 = arith.constant 0 : i32
    return %c0_i32, %arg0, %c0_i32_0 : i32, i32, i32
  }
  func.func @transform_1(%arg0: i32) -> (i32, i32, i32) {
    %c0_i32 = arith.constant 0 : i32
    %c0_i32_0 = arith.constant 0 : i32
    %c0_i32_1 = arith.constant 0 : i32
    return %c0_i32, %arg0, %c0_i32_0 : i32, i32, i32
  }
  func.func @transform_2(%arg0: i32) -> (i32, i32) {
    %c0_i32 = arith.constant 0 : i32
    %c0_i32_0 = arith.constant 0 : i32
    return %arg0, %c0_i32 : i32, i32
  }
  func.func @transform_3(%arg0: i32) -> (i32, i32) {
    %c0_i32 = arith.constant 0 : i32
    %c0_i32_0 = arith.constant 0 : i32
    %c0_i32_1 = arith.constant 0 : i32
    return %c0_i32, %c0_i32_0 : i32, i32
  }
  func.func @transform_4(%arg0: i32) -> (i32, i32) {
    %c0_i32 = arith.constant 0 : i32
    %c0_i32_0 = arith.constant 0 : i32
    %c0_i32_1 = arith.constant 0 : i32
    return %c0_i32, %c0_i32_0 : i32, i32
  }
  func.func @transform_5(%arg0: i32) -> (i32, i32) {
    %c0_i32 = arith.constant 0 : i32
    %c0_i32_0 = arith.constant 0 : i32
    %c0_i32_1 = arith.constant 0 : i32
    return %c0_i32, %c0_i32_0 : i32, i32
  }
  func.func @transform_6(%arg0: i32) -> (i32, i32) {
    %c0_i32 = arith.constant 0 : i32
    %c0_i32_0 = arith.constant 0 : i32
    %c0_i32_1 = arith.constant 0 : i32
    return %c0_i32, %c0_i32_0 : i32, i32
  }
  func.func @transform_7(%arg0: i32) -> (i32, i32) {
    %c0_i32 = arith.constant 0 : i32
    %c0_i32_0 = arith.constant 0 : i32
    %c0_i32_1 = arith.constant 0 : i32
    return %c0_i32, %c0_i32_0 : i32, i32
  }
  func.func @transform_8(%arg0: i32) -> (i32, i32) {
    %c0_i32 = arith.constant 0 : i32
    %c0_i32_0 = arith.constant 0 : i32
    %c0_i32_1 = arith.constant 0 : i32
    return %c0_i32, %c0_i32_0 : i32, i32
  }
  func.func @transform_9(%arg0: i32) -> (i32, i32) {
    %c0_i32 = arith.constant 0 : i32
    %c0_i32_0 = arith.constant 0 : i32
    %c0_i32_1 = arith.constant 0 : i32
    return %c0_i32, %c0_i32_0 : i32, i32
  }
  func.func @transform_10(%arg0: i32) -> (i32, i32) {
    %c0_i32 = arith.constant 0 : i32
    %c0_i32_0 = arith.constant 0 : i32
    %c0_i32_1 = arith.constant 0 : i32
    return %c0_i32, %c0_i32_0 : i32, i32
  }
  func.func @transform_11(%arg0: i32) -> (i32, i32) {
    %c0_i32 = arith.constant 0 : i32
    %c0_i32_0 = arith.constant 0 : i32
    %c0_i32_1 = arith.constant 0 : i32
    return %c0_i32, %c0_i32_0 : i32, i32
  }
  func.func @transform_12(%arg0: i32) -> (i32, i32) {
    %c0_i32 = arith.constant 0 : i32
    %c0_i32_0 = arith.constant 0 : i32
    %c0_i32_1 = arith.constant 0 : i32
    return %c0_i32, %c0_i32_0 : i32, i32
  }
  func.func @transform_13(%arg0: i32) -> (i32, i32) {
    %c0_i32 = arith.constant 0 : i32
    %c0_i32_0 = arith.constant 0 : i32
    %c0_i32_1 = arith.constant 0 : i32
    return %c0_i32, %c0_i32_0 : i32, i32
  }
  func.func @transform_14(%arg0: i32) -> (i32, i32) {
    %c0_i32 = arith.constant 0 : i32
    %c0_i32_0 = arith.constant 0 : i32
    return %arg0, %c0_i32 : i32, i32
  }
}

</mosaic_0001>

<sc_bundles>
// kernel: kernel.12.cloned.1.call-start
scs
__scs_entry_jumppad:
0x0: {  	(pc) =	sbr.rel $0x88, $3  }
0x1: {  	(tag) =	ssettag $0x0;
	lr =	simm.s32 $0x1  }
0x2: {  	[smem:$0x3F93] =	sst lr;
	_ =	strace $0xD0000000  }
0x3: {  	_ = 	snop  }
0x4: {  	_ = 	snop  }
0x5: {  	_ = 	snop  }
0x6: {  	_ = 	snop  }
0x7: {  	_ = 	snop  }
__scs_overlays_trampoline_lowered:
0x8: {  	[smem:$0x3FA2] =	sst s0  }
0x9: {  	[smem:$0x3FA3] =	sst s1  }
0xa: {  	[smem:$0x3FA4] =	sst s2  }
0xb: {  	[smem:$0x3FA5] =	sst s3  }
0xc: {  	[smem:$0x3FA6] =	sst s4  }
0xd: {  	[smem:$0x3FA7] =	sst s5  }
0xe: {  	[smem:$0x3FA8] =	sst s6  }
0xf: {  	[smem:$0x3FA9] =	sst s7  }
0x10: {  	[smem:$0x3FAA] =	sst s8  }
0x11: {  	[smem:$0x3FAB] =	sst s9;
	s0 =	simm.s32 @!p0 $0x0  }
0x12: {  	s1 =	sld [smem:$0x3F91];
	s0 =	simm.s32 @p0 $0x1  }
0x13: {  	[smem:$0x3FAC] =	sst s0;
	s0 =	simm.s32 @!p1 $0x0  }
0x14: {  	s2 =	sld [smem:$0x3F90];
	s0 =	simm.s32 @p1 $0x1  }
0x15: {  	[smem:$0x3FAD] =	sst s0;
	s0 =	simm.s32 @!p2 $0x0  }
0x16: {  	s3 =	sld [smem:$0x3FDB];
	s0 =	simm.s32 @p2 $0x1  }
0x17: {  	s4 =	simm.s32 $0x1BF5;
	[smem:$0x3FAF] =	sst s0  }
0x18: {  	s0 =	sld [smem:$0x3F92];
	_ =	swait.ge [sflag:s4], $0x0  }
0x19: {  	s7 =	sld [smem:$0x3F93]  }
0x1a: {  	s8 =	sadd.s32 $0xFFFFE003, lr  }
0x1b: {  	s9 =	sadd.s32 $0xFFFFFEF7, lr;
	s5 =	simm.s32 $0xFFFFFFFF;
	p2 =	slt.u32 s8, $0xFFFFF086  }
0x1c: {  	p1 =	slt.u32 s9, $0xF7A;
	s5 =	simm.s32 @!p2 $0x0  }
0x1d: {  	s5 =	simm.s32 @p1 $0x1;
	p0 =	seq.s32 s7, s2  }
0x1e: {  	s7 =	smul.u32 @!p0 $0xF7A, s2;
	p2 =	seq.s32 @!p0 s5, $0x0  }
0x1f: {  	s9 =	smul.u32 $0xF7A, s1;
	s8 =	simm.s32 @!p0 $0x1BF5;
	p2 =	por !p2, p0  }
0x20: {  	[sflag:s8] =	ssyncset.s32 @!p0 $0xFFFFF086;
	s6 =	sadd.s32 @!p0 s3, s7;
	s7 =	simm.s32 @!p0 $0x108  }
0x21: {  	s3 =	sadd.s32 s3, s9;
	s6 =	sadd.s32 @!p0 $0x88, s6;
	s7 =	simm.s32 @p2 $0x1082  }
0x22: {  	[simem:s7], [sflag:s8] =	dma.local @!p0 [hbm:s6], $0xF7A  }
0x23: {  	s9 =	sor.u32 $0xD0000000, s2;
	s6 =	simm.s32 $0x108;
	_ =	swait.ge @!p0 [sflag:s8], $0x0  }
0x24: {  	s3 =	sadd.s32 $0x88, s3;
	s6 =	simm.s32 @!p1 $0x1082;
	[sflag:s4] =	ssyncset.s32 $0xFFFFF086  }
0x25: {  	[simem:s6], [sflag:s4] =	dma.local [hbm:s3], $0xF7A  }
0x26: {  	[smem:$0x3F93] =	sst s1;
	(tag) =	ssettag s2;
	_ =	strace s9  }
0x27: {  	s1 =	sld [smem:$0x3FA3]  }
0x28: {  	s2 =	sld [smem:$0x3FA4]  }
0x29: {  	s4 =	sld [smem:$0x3FA6]  }
0x2a: {  	p0 =	seq.s32 s5, $0x0;
	s5 =	sld [smem:$0x3FA7]  }
0x2b: {  	s6 =	sld [smem:$0x3FA8]  }
0x2c: {  	s7 =	sld [smem:$0x3FA9]  }
0x2d: {  	s3 =	simm.s32 $0x108;
	s8 =	sld [smem:$0x3FAA]  }
0x2e: {  	s3 =	simm.s32 @!p0 $0x1082;
	s9 =	sld [smem:$0x3FAB]  }
0x2f: {  	lr =	sadd.s32 s0, s3;
	s0 =	sld [smem:$0x3FA2]  }
0x30: {  	s3 =	sld [smem:$0x3FA5]  }
0x31: {  	[smem:$0x3FAE] =	sst s10  }
0x32: {  	s10 =	sld [smem:$0x3FAC];
	_ =	sdelay $0x3  }
0x33: {  	p0 =	seq.s32 s10, $0x1;
	s10 =	sld [smem:$0x3FAE];
	_ =	sdelay $0x3  }
0x34: {  	[smem:$0x3FAE] =	sst s10  }
0x35: {  	s10 =	sld [smem:$0x3FAD];
	_ =	sdelay $0x3  }
0x36: {  	p1 =	seq.s32 s10, $0x1;
	s10 =	sld [smem:$0x3FAE];
	_ =	sdelay $0x3  }
0x37: {  	[smem:$0x3FAE] =	sst s10  }
0x38: {  	s10 =	sld [smem:$0x3FAF]  }
0x39: {  	_ = 	snop;
	(pc) =	sbr.ind lr, $3  }
0x3a: {  	_ = 	snop  }
0x3b: {  	_ = 	snop  }
0x3c: {  	p2 =	seq.s32 s10, $0x1;
	s10 =	sld [smem:$0x3FAE]  }
0x3d: {  	_ =	shalt  }
0x3e: {  	_ =	shalt  }
0x3f: {  	_ =	shalt  }
0x40: {  	_ =	shalt  }
0x41: {  	_ =	shalt  }
0x42: {  	_ =	shalt  }
0x43: {  	_ =	shalt  }
0x44: {  	_ =	shalt  }
0x45: {  	_ =	shalt  }
0x46: {  	_ =	shalt  }
0x47: {  	_ =	shalt  }
0x48: {  	_ =	shalt  }
0x49: {  	_ =	shalt  }
0x4a: {  	_ =	shalt  }
0x4b: {  	_ =	shalt  }
0x4c: {  	_ =	shalt  }
0x4d: {  	_ =	shalt  }
0x4e: {  	_ =	shalt  }
0x4f: {  	_ =	shalt  }
0x50: {  	_ =	shalt  }
0x51: {  	_ =	shalt  }
0x52: {  	_ =	shalt  }
0x53: {  	_ =	shalt  }
0x54: {  	_ =	shalt  }
0x55: {  	_ =	shalt  }
0x56: {  	_ =	shalt  }
0x57: {  	_ =	shalt  }
0x58: {  	_ =	shalt  }
0x59: {  	_ =	shalt  }
0x5a: {  	_ =	shalt  }
0x5b: {  	_ =	shalt  }
0x5c: {  	_ =	shalt  }
0x5d: {  	_ =	shalt  }
0x5e: {  	_ =	shalt  }
0x5f: {  	_ =	shalt  }
0x60: {  	_ =	shalt  }
0x61: {  	_ =	shalt  }
0x62: {  	_ =	shalt  }
0x63: {  	_ =	shalt  }
0x64: {  	_ =	shalt  }
0x65: {  	_ =	shalt  }
0x66: {  	_ =	shalt  }
0x67: {  	_ =	shalt  }
0x68: {  	_ =	shalt  }
0x69: {  	_ =	shalt  }
0x6a: {  	_ =	shalt  }
0x6b: {  	_ =	shalt  }
0x6c: {  	_ =	shalt  }
0x6d: {  	_ =	shalt  }
0x6e: {  	_ =	shalt  }
0x6f: {  	_ =	shalt  }
0x70: {  	_ =	shalt  }
0x71: {  	_ =	shalt  }
0x72: {  	_ =	shalt  }
0x73: {  	_ =	shalt  }
0x74: {  	_ =	shalt  }
0x75: {  	_ =	shalt  }
0x76: {  	_ =	shalt  }
0x77: {  	_ =	shalt  }
0x78: {  	_ =	shalt  }
0x79: {  	_ =	shalt  }
0x7a: {  	_ =	shalt  }
0x7b: {  	_ =	shalt  }
0x7c: {  	_ =	shalt  }
0x7d: {  	_ =	shalt  }
0x7e: {  	_ =	shalt  }
0x7f: {  	_ =	shalt  }
0x80: {  	_ =	shalt  }
0x81: {  	_ =	shalt  }
0x82: {  	_ =	shalt  }
0x83: {  	_ =	shalt  }
0x84: {  	_ =	shalt  }
0x85: {  	_ =	shalt  }
0x86: {  	_ =	shalt  }
0x87: {  	_ =	shalt  }
.Lfunc_end0:
.L_simem_size_0:
called_computation.2_lowered:
.L_overlay_start_0:
0x88: {  	s2 =	sld [smem:$0x3FD9]  }
0x89: {  	s3 =	sld [smem:$0x3FFE];
	_ =	sdelay $0x1  }
0x8a: {  	s1 =	srdreg.scid  }
0x8b: {  	s0 =	sand.u32 $0x1, s1  }
0x8c: {  	s17 =	sshll.u32 s0, $0xA;
	s2 =	sadd.s32 s3, s2  }
0x8d: {  	s2 =	sadd.s32 s2, s17  }
0x8e: {  	[smem:$0x3FBA] =	sst s2  }
0x8f: {  	_ = 	snop  }
0x90: {  	s2 =	sld [smem:$0x3FC9];
	(tm) =	ssettm $0x1  }
0x91: {  	s18 =	sld [smem:$0x3FFB];
	_ =	sdelay $0x3  }
0x92: {  	_ =	strace s18  }
0x93: {  	s3 =	sld [smem:$0x3FFC];
	_ =	sdelay $0x3  }
0x94: {  	_ =	strace s3  }
0x95: {  	s3 =	sld [smem:$0x3FFD];
	_ =	sdelay $0x3  }
0x96: {  	_ =	strace s3  }
0x97: {  	_ =	strace $0x8FFFFFFF  }
0x98: {  	s19 =	sld [smem:$0x3FDB];
	_ =	sdelay $0x1  }
0x99: {  	s4 =	simm.s32 $_scs_section_size  }
0x9a: {  	s5 =	simm.s32 $_size__tile_overlayer_lowered;
	s6 =	simm.s32 $_tile_overlayer_lowered  }
0x9b: {  	s22 =	simm.s32 $0x1BFF;
	s21 =	sshll.u32 s6, $0x1;
	s3 =	sadd.s32 s4, s19  }
0x9c: {  	s7 =	simm.s32 $0x0;
	s20 =	sshll.u32 s5, $0x1;
	s5 =	sadd.s32 s21, s3  }
0x9d: {  	[timem:s7], [sflag:s22] =	dma.local [hbm:s5], s20  }
0x9e: {  	_ =	swait.ge [sflag:s22], s20  }
0x9f: {  	s4 =	ssub.s32 $0x0, s20;
	[sflag:s22] =	ssyncset.done $0x0  }
0xa0: {  	[sflag:s22] =	ssyncadd.s32 s4;
	_ =	sdelay $0x1  }
0xa1: {  	s23 =	simm.s32 $0x1B8B  }
0xa2: {  	_ =	swait.ge [sflag:s23], $0x1  }
0xa3: {  	[sflag:s23] =	ssyncset.done $0x0  }
0xa4: {  	s25 =	simm.s32 $0x1B8E;
	s24 =	sld [smem:$0x3FFE];
	[sflag:s23] =	ssyncadd.s32 $0xFFFFFFFF  }
0xa5: {  	s26 =	simm.s32 $execute0_lowered;
	[smem:$0x3FD2] =	sst s25  }
0xa6: {  	s5 =	sshll.u32 s26, $0x1;
	_ =	strace $0x8000004C;
	[dreg:$0x1] =	wrdreg $0xFFFFFFFF  }
0xa7: {  	s28 =	simm.s32 $_size_execute0_lowered;
	s3 =	sadd.s32 s3, s5;
	[dreg:$0x0] =	wrdreg $0x0  }
0xa8: {  	s5 =	sshll.u32 s28, $0x1;
	[dreg:$0x2] =	wrdreg s3  }
0xa9: {  	[dreg:$0x3] =	wrdreg s5  }
0xaa: {  	[dreg:$0x4] =	wrdreg $0xC0  }
0xab: {  	_ =	task [dreg:s7], $0x5FFFF  }
0xac: {  	[dreg:$0x1] =	wrdreg $0xFFFFFFFF  }
0xad: {  	[dreg:$0x0] =	wrdreg $0x60  }
0xae: {  	[dreg:$0x2] =	wrdreg s2  }
0xaf: {  	[dreg:$0x3] =	wrdreg s24  }
0xb0: {  	[dreg:$0x4] =	wrdreg $0xB8000  }
0xb1: {  	[dreg:$0x5] =	wrdreg $0x9  }
0xb2: {  	_ =	task.clear_ibuf [dreg:s7], $0x6FFFF;
	_ =	strace $0x9000004C  }
0xb3: {  	s29 =	simm.s32 $0x9;
	_ =	strace $0x8000004E  }
0xb4: {  	_ =	swait.ge [sflag:s29], $0x1  }
0xb5: {  	[sflag:s29] =	ssyncadd.s32 $0xFFFFFFFF  }
0xb6: {  	_ =	strace $0x9000004E  }
0xb7: {  	_ =	sfence  }
0xb8: {  	s30 =	sld [smem:$0x0];
	_ =	sdelay $0x2  }
0xb9: {  	s31 =	sshll.u32 s1, $0xD;
	s1 =	sshrl.u32 s1, $0x2  }
0xba: {  	s3 =	sand.u32 $0x4000, s31;
	s1 =	sadd.s32 s1, s30  }
0xbb: {  	s0 =	sor.u32 s3, s0;
	s1 =	sshll.u32 s1, $0x11  }
0xbc: {  	s0 =	sor.u32 s1, s0  }
0xbd: {  	s0 =	sadd.s32 $0x8F2B, s0  }
0xbe: {  	[sflag:s0] =	ssyncadd.remote.s32 $0x1  }
0xbf: {  	_ =	sfence.sel $0xFFFF  }
0xc0: {  	[dreg:$0x0] =	wrdreg $0xFFFFFFFF;
	(pc) =	sbr.abs _section_cstart, $3  }
0xc1: {  	[dreg:$0x1] =	wrdreg $0xFFFFFFFF  }
0xc2: {  	_ =	task.clear_ibuf [dreg:s7], $0x2FFFF;
	_ =	strace $0x9FFFFFFF  }
0xc3: {  	(tm) =	ssettm $0x7FFFFFFF  }
tec
execute0_lowered:
.L_overlay_start_1:
0x0: {  	(tag) =	ssettag $0x1  }
0x1: {  	s1 =	rddreg [dreg:$0x0]  }
0x2: {  	s0 =	rddreg [dreg:$0x1]  }
0x3: {  	s2 =	rddreg [dreg:$0x2];
	s7 =	simm.s32 $0x0;
	s3 =	srdreg.scid  }
0x4: {  	s8 =	stileid.u32;
	s28 =	simm.s32 $0x3800;
	s10 =	simm.s32 $0x3  }
0x5: {  	s12 =	simm.s32 $0x7800;
	s30 =	simm.s32 $0x0;
	[smem:$0x7FF] =	sst s7  }
0x6: {  	s4 =	sadd.s32 $0x2A000, s0;
	s3 =	sand.u32 $0x1, s3;
	s15 =	sadd.s32 $0x15A00, s0  }
0x7: {  	s5 =	smul.u32 $0x50000, s8;
	_ =	strace $0x8000004D;
	[dreg:$0x5] =	wrdreg s4  }
0x8: {  	s6 =	sadd.s32 $0x20000, s0;
	s9 =	smul.u32 $0x14000, s8;
	[dreg:$0x6] =	wrdreg s15  }
0x9: {  	s0 =	sadd.s32 $0xA2000, s0;
	s21 =	smul.u32 $0x5000, s8;
	[dreg:$0x7] =	wrdreg s6  }
0xa: {  	s8 =	simm.s32 $0x4;
	s16 =	ssub.s32 $0x2, s3;
	[dreg:$0x9] =	wrdreg s0  }
0xb: {  	s3 =	smul.u32 $0x6, s3;
	s15 =	simm.s32 $0x8800;
	s17 =	sshrl.u32 s16, $0x1  }
0xc: {  	s19 =	sshrl.u32 s5, $0x2;
	s20 =	sadd.s32 $0x4000, s9;
	[dreg:$0xc] =	wrdreg s21  }
0xd: {  	s23 =	sadd.s32 $0x8000, s9;
	s24 =	sadd.s32 $0xC000, s9;
	[dreg:$0x8] =	wrdreg s9  }
0xe: {  	s25 =	sadd.s32 $0x10000, s9;
	s9 =	simm.s32 $0x8;
	[dreg:$0xa] =	wrdreg s3  }
0xf: {  	s21 =	simm.s32 $0xA;
	s18 =	ssub.s32 s16, s17;
	[dreg:$0xb] =	wrdreg s20  }
0x10: {  	s11 =	sadd.s32 s19, s2;
	s22 =	sadd.s32 s20, s2;
	[dreg:$0xe] =	wrdreg s23  }
0x11: {  	s3 =	sadd.s32 s23, s2;
	[dreg:$0xf] =	wrdreg s24;
	s4 =	sadd.s32 s24, s2  }
0x12: {  	[dreg:$0x10] =	wrdreg s25;
	s5 =	sadd.s32 s25, s2;
	s19 =	simm.s32 $0xB  }
0x13: {  	s16 =	simm.s32 $0x9800;
	s17 =	simm.s32 $0xA800;
	s23 =	simm.s32 $0x5  }
0x14: {  	v0 =	vimm.f32 $0.0e+00;
	v1 =	vimm.s32 $0x0;
	s24 =	simm.s32 $0x6;
	s25 =	simm.s32 $0x7;
	s0 =	smax.u32 s18, $0x1  }
0x15: {  	v2 =	vimm.s32 $0x1;
	v3 =	vimm.s32 $0x2;
	v4 =	vimm.s32 $0x3;
	s20 =	simm.s32 $0x9;
	s26 =	sshrl.u32 s3, $0x3;
	[dreg:$0xd] =	wrdreg s0  }
0x16: {  	v5 =	vimm.s32 $0x4;
	v6 =	vimm.s32 $0x5;
	v7 =	vimm.s32 $0x6;
	s18 =	simm.s32 $0x3000;
	s29 =	sshrl.u32 s4, $0x3;
	[dreg:$0x12] =	wrdreg s26  }
0x17: {  	v8 =	vimm.s32 $0x7;
	v9 =	vimm.s32 $0x8;
	v10 =	vimm.s32 $0x9;
	s31 =	sshrl.u32 s5, $0x3;
	s3 =	simm.s32 $0x1;
	[dreg:$0x13] =	wrdreg s29  }
0x18: {  	v11 =	vimm.s32 $0xA;
	v12 =	vimm.s32 $0xB;
	v13 =	vimm.s32 $0xC;
	s4 =	simm.s32 $0x2;
	s0 =	sshrl.u32 s22, $0x3;
	[dreg:$0x14] =	wrdreg s31  }
0x19: {  	v14 =	vimm.s32 $0xD;
	v15 =	vimm.s32 $0xE;
	v16 =	vimm.s32 $0xF;
	s26 =	simm.s32 $0x20;
	s22 =	simm.s32 $0x80;
	[dreg:$0x11] =	wrdreg s0  }
.LBB2_1:
0x1a: {  	[dreg:$0x4] =	wrdreg s7;
	s0 =	simm.s32 $0x0;
	s5 =	simm.s32 $0x200  }
.LBB2_2:
0x1b: {  	p0 =	sne.s32 s5, $0x1E00;
	[tilespmem:s0+$0x3070] =	vst v0  }
0x1c: {  	[tilespmem:s0+$0x3000] =	vst v0  }
0x1d: {  	[tilespmem:s0+$0x3010] =	vst v0  }
.Ltmp0:
0x1e: {  	[tilespmem:s0+$0x3020] =	vst v0;
	(pc) =	sbr.rel @p0 .LBB2_2-.Ltmp0, $4  }
0x1f: {  	[tilespmem:s0+$0x3030] =	vst v0  }
0x20: {  	[tilespmem:s0+$0x3040] =	vst v0  }
0x21: {  	[tilespmem:s0+$0x3050] =	vst v0  }
0x22: {  	[tilespmem:s0+$0x3060] =	vst v0;
	s0 =	sshra.s32 s5, $0x2;
	s5 =	sadd.s32 $0x200, s5  }
0x23: {  	[tilespmem:s0+$0x3070] =	vst v0  }
0x24: {  	[tilespmem:s0+$0x3000] =	vst v0  }
0x25: {  	[tilespmem:s0+$0x3010] =	vst v0  }
0x26: {  	[tilespmem:s0+$0x3020] =	vst v0  }
0x27: {  	[tilespmem:s0+$0x3030] =	vst v0  }
0x28: {  	[tilespmem:s0+$0x3040] =	vst v0  }
0x29: {  	[tilespmem:s0+$0x3050] =	vst v0  }
0x2a: {  	s6 =	simm.s32 $0x0;
	[tilespmem:s0+$0x3060] =	vst v0  }
.LBB2_4:
0x2b: {  	s0 =	sadd.s32 $0x0, s11  }
0x2c: {  	[spmem:s0] =	stream.linear.scatter [tilespmem:s18], [sflag:$0xB], $0x800, $0x38;
	[tilespmem:$0x1F800] =	vst v63  }
0x2d: {  	s0 =	simm.s32 $0x2000;
	_ =	swait.ge [sflag:s19], $0x800  }
.LBB2_5:
0x2e: {  	s5 =	sshra.s32 s0, $0x2;
	[sflag:s19] =	ssyncset.done $0x0;
	p0 =	sne.s32 s0, $0x4E000  }
.Ltmp1:
0x2f: {  	s5 =	sadd.s32 s5, s11;
	[sflag:s19] =	ssyncadd.s32 $0xFFFFF800;
	(pc) =	sbr.rel @p0 .LBB2_5-.Ltmp1, $3  }
0x30: {  	[spmem:s5] =	stream.linear.scatter [tilespmem:s18], [sflag:$0xB], $0x800, $0x38;
	[tilespmem:$0x1F800] =	vst v63  }
0x31: {  	s0 =	sadd.s32 $0x2000, s0;
	_ =	sdelay $0x1  }
0x32: {  	_ =	swait.ge [sflag:s19], $0x800  }
0x33: {  	[sflag:s19] =	ssyncset.done $0x0;
	s0 =	rddreg [dreg:$0xa]  }
0x34: {  	[dreg:$0x15] =	wrdreg s6;
	[sflag:s19] =	ssyncadd.s32 $0xFFFFF800  }
0x35: {  	s0 =	sadd.s32 s0, s6;
	[bflag:$0x0] =	sbarrier.arrive $0xFFFF  }
0x36: {  	s31 =	simm.s32 $0x0;
	s29 =	smul.u32 $0x50000, s0;
	[dreg:$0x16] =	wrdreg s0  }
.LBB2_7:
0x37: {  	s0 =	sshll.u32 s31, $0xC;
	s5 =	rddreg [dreg:$0xc]  }
0x38: {  	s0 =	sadd.s32 s5, s0  }
0x39: {  	s5 =	sadd.s32 s29, s0  }
0x3a: {  	s6 =	rddreg [dreg:$0x5];
	s5 =	sshrl.u32 s5, $0x3  }
0x3b: {  	s5 =	sadd.s32 s6, s5  }
0x3c: {  	[tilespmem:s30], [sflag:$0xB] =	stream.linear.gather [hbm4b:s5+s30], $0x1000, $0x38;
	[tilespmem:$0x1F800] =	vst v63  }
0x3d: {  	_ =	swait.ge [sflag:s19], $0x1000  }
0x3e: {  	s0 =	sshrl.u32 s0, $0x3;
	[sflag:s19] =	ssyncset.done $0x0;
	s6 =	rddreg [dreg:$0x6]  }
0x3f: {  	s7 =	simm.s32 $0x1000;
	[sflag:s19] =	ssyncadd.s32 $0xFFFFF000;
	s5 =	sadd.s32 s6, s0  }
0x40: {  	[tilespmem:s7], [sflag:$0xB] =	stream.linear.gather [hbm4b:s5+s30], $0x1000, $0x38;
	[tilespmem:$0x1F800] =	vst v63  }
0x41: {  	_ =	swait.ge [sflag:s19], $0x1000  }
0x42: {  	[sflag:s19] =	ssyncset.done $0x0;
	s13 =	rddreg [dreg:$0x7]  }
0x43: {  	s14 =	simm.s32 $0x2000;
	[sflag:s19] =	ssyncadd.s32 $0xFFFFF000;
	s0 =	sadd.s32 s13, s0  }
0x44: {  	[tilespmem:s14], [sflag:$0xB] =	stream.linear.gather [hbm4b:s0+s30], $0x1000, $0x38;
	[tilespmem:$0x1F800] =	vst v63  }
0x45: {  	_ =	swait.ge [sflag:s19], $0x1000  }
0x46: {  	[sflag:s19] =	ssyncset.done $0x0  }
0x47: {  	[sflag:s19] =	ssyncadd.s32 $0xFFFFF000  }
0x48: {  	[tilespmem:s28], [sflag:$0x1] =	stream.indirect.gather [hbm4b:s1+s26], $0x80, s30, s26, $0xb8;
	[tilespmem:$0x1F800] =	vst v63  }
0x49: {  	s5 =	simm.s32 $0x4800  }
0x4a: {  	[tilespmem:s5], [sflag:$0x2] =	stream.indirect.gather [hbm4b:s1+s26], $0x80, s26, s26, $0xb8;
	[tilespmem:$0x1F800] =	vst v63  }
0x4b: {  	s6 =	simm.s32 $0x40;
	s7 =	simm.s32 $0x5800  }
0x4c: {  	[tilespmem:s7], [sflag:$0x3] =	stream.indirect.gather [hbm4b:s1+s26], $0x80, s6, s26, $0xb8;
	[tilespmem:$0x1F800] =	vst v63  }
0x4d: {  	s13 =	simm.s32 $0x60;
	s14 =	simm.s32 $0x6800;
	s0 =	simm.s32 $0x0  }
0x4e: {  	[tilespmem:s14], [sflag:$0x4] =	stream.indirect.gather [hbm4b:s1+s26], $0x80, s13, s26, $0xb8;
	[tilespmem:$0x1F800] =	vst v63  }
.LBB2_8:
0x4f: {  	_ =	swait.ge [sflag:s3], $0x1000  }
0x50: {  	[sflag:s3] =	ssyncset.done $0x0  }
0x51: {  	[sflag:s3] =	ssyncadd.s32 $0xFFFFF000  }
0x52: {  	_ =	swait.ge [sflag:s4], $0x1000  }
0x53: {  	[sflag:s4] =	ssyncset.done $0x0  }
0x54: {  	[sflag:s4] =	ssyncadd.s32 $0xFFFFF000  }
0x55: {  	_ =	swait.ge [sflag:s10], $0x1000  }
0x56: {  	[sflag:s10] =	ssyncset.done $0x0  }
0x57: {  	[sflag:s10] =	ssyncadd.s32 $0xFFFFF000  }
0x58: {  	_ =	swait.ge [sflag:s8], $0x1000  }
0x59: {  	p0 =	seq.s32 s0, $0x0;
	[sflag:s8] =	ssyncset.done $0x0  }
0x5a: {  	s6 =	simm.s32 @!p0 $0xA;
	[sflag:s8] =	ssyncadd.s32 $0xFFFFF000  }
0x5b: {  	_ =	swait.ge @!p0 [sflag:s6], $0x4000  }
0x5c: {  	s5 =	sshll.u32 s0, $0x8;
	[sflag:s6] =	ssyncset.done @!p0 $0x0  }
0x5d: {  	s14 =	sor.u32 $0x80, s5;
	[sflag:s6] =	ssyncadd.s32 @!p0 $0xFFFFC000  }
0x5e: {  	[tilespmem:s12], [sflag:$0x5] =	stream.indirect.gather [hbm4b:s1+s26], $0x80, s14, s26, $0xb8;
	[tilespmem:$0x1F800] =	vst v63  }
0x5f: {  	s7 =	sor.u32 $0xA0, s5  }
0x60: {  	[tilespmem:s15], [sflag:$0x6] =	stream.indirect.gather [hbm4b:s1+s26], $0x80, s7, s26, $0xb8;
	[tilespmem:$0x1F800] =	vst v63  }
0x61: {  	s13 =	sor.u32 $0xC0, s5  }
0x62: {  	[tilespmem:s16], [sflag:$0x7] =	stream.indirect.gather [hbm4b:s1+s26], $0x80, s13, s26, $0xb8;
	[tilespmem:$0x1F800] =	vst v63  }
0x63: {  	s13 =	sshll.u32 s0, $0xA  }
0x64: {  	s6 =	sshrl.u32 s13, $0x2  }
0x65: {  	s13 =	sadd.s32 $0x2000, s6  }
0x66: {  	s7 =	sor.u32 $0xE0, s5;
	v17 =	vmov s13  }
0x67: {  	[tilespmem:s17], [sflag:$0x8] =	stream.indirect.gather [hbm4b:s1+s26], $0x80, s7, s26, $0xb8;
	[tilespmem:$0x1F800] =	vst v63  }
0x68: {  	s7 =	simm.s32 $0x0  }
.LBB2_9:
0x69: {  	s13 =	sshll.u32 s7, $0x4  }
0x6a: {  	s13 =	sand.u32 $0x3FFFFFF0, s13  }
0x6b: {  	v18 =	vld.idx.msk [tilespmem:v17+s13+$0x0 ss:$0x1], $0xffff;
	s13 =	sshll.u32 s7, $0xB  }
0x6c: {  	s13 =	sand.u32 $0x3FFFF800, s13  }
0x6d: {  	v19 =	vld [tilespmem:s13+$0x3800]  }
0x6e: {  	v20 =	vld [tilespmem:s13+$0x3810]  }
0x6f: {  	v21 =	vld [tilespmem:s13+$0x3820]  }
0x70: {  	v23 =	vld [tilespmem:s13+$0x3830];
	v22 =	vperm.xlane v18, v1  }
0x71: {  	v24 =	vld [tilespmem:s13+$0x3840]  }
0x72: {  	v25 =	vld [tilespmem:s13+$0x3850];
	v19 =	vmul.f32 v19, v22  }
0x73: {  	v26 =	vld [tilespmem:s13+$0x3860];
	v20 =	vmul.f32 v20, v22  }
0x74: {  	v43 =	vld [tilespmem:s13+$0x3870];
	[tilespmem:s13+$0x3800] =	vst v19;
	v19 =	vmul.f32 v21, v22  }
0x75: {  	v45 =	vld [tilespmem:s13+$0x3880];
	v44 =	vmul.f32 v23, v22;
	[tilespmem:s13+$0x3810] =	vst v20  }
0x76: {  	v46 =	vld [tilespmem:s13+$0x3890];
	[tilespmem:s13+$0x3820] =	vst v19;
	v19 =	vmul.f32 v24, v22  }
0x77: {  	v48 =	vld [tilespmem:s13+$0x38A0];
	v47 =	vmul.f32 v25, v22;
	[tilespmem:s13+$0x3830] =	vst v44  }
0x78: {  	v27 =	vld [tilespmem:s13+$0x38B0];
	v49 =	vperm.xlane v18, v2;
	[tilespmem:s13+$0x3840] =	vst v19;
	v19 =	vmul.f32 v26, v22  }
0x79: {  	v51 =	vld [tilespmem:s13+$0x38C0];
	v50 =	vmul.f32 v43, v22;
	[tilespmem:s13+$0x3850] =	vst v47  }
0x7a: {  	v52 =	vld [tilespmem:s13+$0x38D0];
	[tilespmem:s13+$0x3860] =	vst v19;
	v19 =	vmul.f32 v45, v49  }
0x7b: {  	v54 =	vld [tilespmem:s13+$0x38E0];
	v53 =	vmul.f32 v46, v49;
	[tilespmem:s13+$0x3870] =	vst v50  }
0x7c: {  	v55 =	vld [tilespmem:s13+$0x38F0];
	[tilespmem:s13+$0x3880] =	vst v19;
	v19 =	vmul.f32 v48, v49  }
0x7d: {  	v57 =	vld [tilespmem:s13+$0x3900];
	v56 =	vmul.f32 v27, v49;
	[tilespmem:s13+$0x3890] =	vst v53  }
0x7e: {  	v58 =	vld [tilespmem:s13+$0x3910];
	[tilespmem:s13+$0x38A0] =	vst v19;
	v19 =	vmul.f32 v51, v49  }
0x7f: {  	v60 =	vld [tilespmem:s13+$0x3920];
	v59 =	vmul.f32 v52, v49;
	[tilespmem:s13+$0x38B0] =	vst v56  }
0x80: {  	v62 =	vld [tilespmem:s13+$0x3930];
	v61 =	vperm.xlane v18, v3;
	[tilespmem:s13+$0x38C0] =	vst v19;
	v19 =	vmul.f32 v54, v49  }
0x81: {  	v28 =	vld [tilespmem:s13+$0x3940];
	v63 =	vmul.f32 v55, v49;
	[tilespmem:s13+$0x38D0] =	vst v59  }
0x82: {  	v29 =	vld [tilespmem:s13+$0x3950];
	[tilespmem:s13+$0x38E0] =	vst v19;
	v19 =	vmul.f32 v57, v61  }
0x83: {  	v31 =	vld [tilespmem:s13+$0x3960];
	v30 =	vmul.f32 v58, v61;
	[tilespmem:s13+$0x38F0] =	vst v63  }
0x84: {  	v32 =	vld [tilespmem:s13+$0x3970];
	[tilespmem:s13+$0x3900] =	vst v19;
	v19 =	vmul.f32 v60, v61  }
0x85: {  	v34 =	vld [tilespmem:s13+$0x3980];
	v33 =	vmul.f32 v62, v61;
	[tilespmem:s13+$0x3910] =	vst v30  }
0x86: {  	v35 =	vld [tilespmem:s13+$0x3990];
	[tilespmem:s13+$0x3920] =	vst v19;
	v19 =	vmul.f32 v28, v61  }
0x87: {  	v37 =	vld [tilespmem:s13+$0x39A0];
	v36 =	vmul.f32 v29, v61;
	[tilespmem:s13+$0x3930] =	vst v33  }
0x88: {  	v39 =	vld [tilespmem:s13+$0x39B0];
	v38 =	vperm.xlane v18, v4;
	[tilespmem:s13+$0x3940] =	vst v19;
	v19 =	vmul.f32 v31, v61  }
0x89: {  	v41 =	vld [tilespmem:s13+$0x39C0];
	v40 =	vmul.f32 v32, v61;
	[tilespmem:s13+$0x3950] =	vst v36  }
0x8a: {  	v45 =	vld [tilespmem:s13+$0x39F0];
	[tilespmem:s13+$0x3960] =	vst v19;
	v19 =	vmul.f32 v34, v38  }
0x8b: {  	v43 =	vmul.f32 v35, v38;
	[tilespmem:s13+$0x3970] =	vst v40;
	v44 =	vld [tilespmem:s13+$0x39E0]  }
0x8c: {  	v42 =	vld [tilespmem:s13+$0x39D0];
	[tilespmem:s13+$0x3980] =	vst v19;
	v19 =	vmul.f32 v37, v38  }
0x8d: {  	v46 =	vmul.f32 v39, v38;
	[tilespmem:s13+$0x3990] =	vst v43;
	v47 =	vld [tilespmem:s13+$0x3A00]  }
0x8e: {  	v52 =	vld [tilespmem:s13+$0x3A30];
	[tilespmem:s13+$0x39A0] =	vst v19;
	v19 =	vmul.f32 v41, v38  }
0x8f: {  	[tilespmem:s13+$0x39B0] =	vst v46;
	v50 =	vld [tilespmem:s13+$0x3A20];
	v53 =	vmul.f32 v45, v38  }
0x90: {  	v55 =	vld [tilespmem:s13+$0x3A50];
	v51 =	vperm.xlane v18, v5;
	[tilespmem:s13+$0x39C0] =	vst v19;
	v19 =	vmul.f32 v44, v38  }
0x91: {  	v49 =	vmul.f32 v42, v38;
	v54 =	vld [tilespmem:s13+$0x3A40];
	[tilespmem:s13+$0x39F0] =	vst v53  }
0x92: {  	v58 =	vld [tilespmem:s13+$0x3A70];
	[tilespmem:s13+$0x39E0] =	vst v19;
	v19 =	vmul.f32 v47, v51  }
0x93: {  	v59 =	vmul.f32 v52, v51;
	[tilespmem:s13+$0x39D0] =	vst v49;
	v57 =	vld [tilespmem:s13+$0x3A60]  }
0x94: {  	v48 =	vld [tilespmem:s13+$0x3A10];
	[tilespmem:s13+$0x3A00] =	vst v19;
	v19 =	vmul.f32 v50, v51  }
0x95: {  	v62 =	vmul.f32 v55, v51;
	[tilespmem:s13+$0x3A30] =	vst v59;
	v60 =	vld [tilespmem:s13+$0x3A80]  }
0x96: {  	v40 =	vld [tilespmem:s13+$0x3B10];
	[tilespmem:s13+$0x3A20] =	vst v19;
	v19 =	vmul.f32 v54, v51  }
0x97: {  	v63 =	vld [tilespmem:s13+$0x3AA0];
	v32 =	vmul.f32 v58, v51;
	[tilespmem:s13+$0x3A50] =	vst v62  }
0x98: {  	v30 =	vperm.xlane v18, v6;
	v61 =	vld [tilespmem:s13+$0x3A90];
	[tilespmem:s13+$0x3A40] =	vst v19;
	v19 =	vmul.f32 v57, v51  }
0x99: {  	v33 =	vld [tilespmem:s13+$0x3AC0];
	v43 =	vperm.xlane v18, v7;
	v56 =	vmul.f32 v48, v51;
	[tilespmem:s13+$0x3A70] =	vst v32  }
0x9a: {  	v53 =	vld [tilespmem:s13+$0x3B90];
	[tilespmem:s13+$0x3A60] =	vst v19;
	v19 =	vmul.f32 v60, v30  }
0x9b: {  	v36 =	vld [tilespmem:s13+$0x3AE0];
	v48 =	vmul.f32 v40, v43;
	[tilespmem:s13+$0x3A10] =	vst v56  }
0x9c: {  	v31 =	vld [tilespmem:s13+$0x3AB0];
	[tilespmem:s13+$0x3A80] =	vst v19;
	v19 =	vmul.f32 v63, v30  }
0x9d: {  	v39 =	vld [tilespmem:s13+$0x3B00];
	[tilespmem:s13+$0x3B10] =	vst v48;
	v56 =	vperm.xlane v18, v8;
	v35 =	vmul.f32 v61, v30  }
0x9e: {  	v34 =	vld [tilespmem:s13+$0x3AD0];
	[tilespmem:s13+$0x3AA0] =	vst v19;
	v19 =	vmul.f32 v33, v30  }
0x9f: {  	v42 =	vld [tilespmem:s13+$0x3B20];
	v61 =	vmul.f32 v53, v56;
	[tilespmem:s13+$0x3A90] =	vst v35  }
0xa0: {  	v37 =	vld [tilespmem:s13+$0x3AF0];
	[tilespmem:s13+$0x3AC0] =	vst v19;
	v19 =	vmul.f32 v36, v30  }
0xa1: {  	v46 =	vld [tilespmem:s13+$0x3B40];
	[tilespmem:s13+$0x3B90] =	vst v61;
	v38 =	vmul.f32 v31, v30  }
0xa2: {  	v47 =	vld [tilespmem:s13+$0x3B50];
	[tilespmem:s13+$0x3AE0] =	vst v19;
	v19 =	vmul.f32 v39, v43  }
0xa3: {  	v49 =	vld [tilespmem:s13+$0x3B60];
	v41 =	vmul.f32 v34, v30;
	[tilespmem:s13+$0x3AB0] =	vst v38  }
0xa4: {  	v38 =	vld [tilespmem:s13+$0x3C50];
	[tilespmem:s13+$0x3B00] =	vst v19;
	v19 =	vmul.f32 v42, v43  }
0xa5: {  	v52 =	vld [tilespmem:s13+$0x3B80];
	[tilespmem:s13+$0x3AD0] =	vst v41;
	v45 =	vmul.f32 v37, v30  }
0xa6: {  	v44 =	vld [tilespmem:s13+$0x3B30];
	[tilespmem:s13+$0x3B20] =	vst v19;
	v19 =	vmul.f32 v46, v43  }
0xa7: {  	v55 =	vld [tilespmem:s13+$0x3BA0];
	v34 =	vperm.xlane v18, v9;
	[tilespmem:s13+$0x3AF0] =	vst v45;
	v54 =	vmul.f32 v47, v43  }
0xa8: {  	v50 =	vld [tilespmem:s13+$0x3B70];
	[tilespmem:s13+$0x3B40] =	vst v19;
	v19 =	vmul.f32 v49, v43  }
0xa9: {  	v59 =	vld [tilespmem:s13+$0x3BC0];
	v45 =	vmul.f32 v38, v34;
	[tilespmem:s13+$0x3B50] =	vst v54  }
0xaa: {  	v57 =	vld [tilespmem:s13+$0x3BB0];
	[tilespmem:s13+$0x3B60] =	vst v19;
	v19 =	vmul.f32 v52, v56  }
0xab: {  	v62 =	vld [tilespmem:s13+$0x3BE0];
	v51 =	vmul.f32 v44, v43;
	[tilespmem:s13+$0x3C50] =	vst v45  }
0xac: {  	v60 =	vld [tilespmem:s13+$0x3BD0];
	[tilespmem:s13+$0x3B80] =	vst v19;
	v19 =	vmul.f32 v55, v56  }
0xad: {  	v58 =	vmul.f32 v50, v43;
	[tilespmem:s13+$0x3B30] =	vst v51;
	v30 =	vld [tilespmem:s13+$0x3C00]  }
0xae: {  	v51 =	vld [tilespmem:s13+$0x3CD0];
	[tilespmem:s13+$0x3BA0] =	vst v19;
	v19 =	vmul.f32 v59, v56  }
0xaf: {  	[tilespmem:s13+$0x3B70] =	vst v58;
	v29 =	vmul.f32 v57, v56;
	v33 =	vld [tilespmem:s13+$0x3C20]  }
0xb0: {  	v63 =	vld [tilespmem:s13+$0x3BF0];
	[tilespmem:s13+$0x3BC0] =	vst v19;
	v19 =	vmul.f32 v62, v56  }
0xb1: {  	v37 =	vld [tilespmem:s13+$0x3C40];
	v47 =	vperm.xlane v18, v10;
	[tilespmem:s13+$0x3BB0] =	vst v29;
	v32 =	vmul.f32 v60, v56  }
0xb2: {  	v61 =	vld [tilespmem:s13+$0x3D30];
	[tilespmem:s13+$0x3BE0] =	vst v19;
	v19 =	vmul.f32 v30, v34  }
0xb3: {  	v40 =	vld [tilespmem:s13+$0x3C60];
	v58 =	vmul.f32 v51, v47;
	[tilespmem:s13+$0x3BD0] =	vst v32  }
0xb4: {  	v31 =	vld [tilespmem:s13+$0x3C10];
	[tilespmem:s13+$0x3C00] =	vst v19;
	v19 =	vmul.f32 v33, v34  }
0xb5: {  	v60 =	vperm.xlane v18, v11;
	v36 =	vmul.f32 v63, v56;
	[tilespmem:s13+$0x3CD0] =	vst v58;
	v43 =	vld [tilespmem:s13+$0x3C80]  }
0xb6: {  	v57 =	vld [tilespmem:s13+$0x3D10];
	[tilespmem:s13+$0x3C20] =	vst v19;
	v19 =	vmul.f32 v37, v34  }
0xb7: {  	v32 =	vmul.f32 v61, v60;
	[tilespmem:s13+$0x3BF0] =	vst v36;
	v46 =	vld [tilespmem:s13+$0x3CA0]  }
0xb8: {  	v35 =	vld [tilespmem:s13+$0x3C30];
	[tilespmem:s13+$0x3C40] =	vst v19;
	v19 =	vmul.f32 v40, v34  }
0xb9: {  	v50 =	vld [tilespmem:s13+$0x3CC0];
	v39 =	vmul.f32 v31, v34;
	[tilespmem:s13+$0x3D30] =	vst v32  }
0xba: {  	v28 =	vld [tilespmem:s13+$0x3D50];
	[tilespmem:s13+$0x3C60] =	vst v19;
	v19 =	vmul.f32 v43, v47  }
0xbb: {  	v53 =	vld [tilespmem:s13+$0x3CE0];
	v29 =	vmul.f32 v57, v60;
	[tilespmem:s13+$0x3C10] =	vst v39  }
0xbc: {  	v31 =	vld [tilespmem:s13+$0x3D70];
	[tilespmem:s13+$0x3C80] =	vst v19;
	v19 =	vmul.f32 v46, v47  }
0xbd: {  	v42 =	vmul.f32 v35, v34;
	[tilespmem:s13+$0x3D10] =	vst v29;
	v56 =	vld [tilespmem:s13+$0x3D00]  }
0xbe: {  	v41 =	vld [tilespmem:s13+$0x3C70];
	[tilespmem:s13+$0x3CA0] =	vst v19;
	v19 =	vmul.f32 v50, v47  }
0xbf: {  	v35 =	vmul.f32 v28, v60;
	[tilespmem:s13+$0x3C30] =	vst v42;
	v59 =	vld [tilespmem:s13+$0x3D20]  }
0xc0: {  	v44 =	vld [tilespmem:s13+$0x3C90];
	[tilespmem:s13+$0x3CC0] =	vst v19;
	v19 =	vmul.f32 v53, v47  }
0xc1: {  	v63 =	vld [tilespmem:s13+$0x3D40];
	[tilespmem:s13+$0x3D50] =	vst v35;
	v39 =	vmul.f32 v31, v60  }
0xc2: {  	v48 =	vld [tilespmem:s13+$0x3CB0];
	[tilespmem:s13+$0x3CE0] =	vst v19;
	v19 =	vmul.f32 v56, v60  }
0xc3: {  	v49 =	vmul.f32 v41, v34;
	[tilespmem:s13+$0x3D70] =	vst v39;
	v30 =	vld [tilespmem:s13+$0x3D60]  }
0xc4: {  	v54 =	vld [tilespmem:s13+$0x3CF0];
	[tilespmem:s13+$0x3D00] =	vst v19;
	v19 =	vmul.f32 v59, v60  }
0xc5: {  	[tilespmem:s13+$0x3C70] =	vst v49;
	v52 =	vmul.f32 v44, v47;
	v33 =	vld [tilespmem:s13+$0x3D80]  }
0xc6: {  	v38 =	vld [tilespmem:s13+$0x3DB0];
	[tilespmem:s13+$0x3D20] =	vst v19;
	v19 =	vmul.f32 v63, v60  }
0xc7: {  	v36 =	vld [tilespmem:s13+$0x3DA0];
	[tilespmem:s13+$0x3C90] =	vst v52;
	v55 =	vmul.f32 v48, v47  }
0xc8: {  	v41 =	vld [tilespmem:s13+$0x3DD0];
	v37 =	vperm.xlane v18, v12;
	[tilespmem:s13+$0x3D40] =	vst v19;
	v19 =	vmul.f32 v30, v60  }
0xc9: {  	[tilespmem:s13+$0x3CB0] =	vst v55;
	v62 =	vmul.f32 v54, v47;
	v40 =	vld [tilespmem:s13+$0x3DC0]  }
0xca: {  	v44 =	vld [tilespmem:s13+$0x3DF0];
	[tilespmem:s13+$0x3D60] =	vst v19;
	v19 =	vmul.f32 v33, v37  }
0xcb: {  	[tilespmem:s13+$0x3CF0] =	vst v62;
	v45 =	vmul.f32 v38, v37;
	v43 =	vld [tilespmem:s13+$0x3DE0]  }
0xcc: {  	v34 =	vld [tilespmem:s13+$0x3D90];
	[tilespmem:s13+$0x3D80] =	vst v19;
	v19 =	vmul.f32 v36, v37  }
0xcd: {  	v48 =	vmul.f32 v41, v37;
	[tilespmem:s13+$0x3DB0] =	vst v45;
	v46 =	vld [tilespmem:s13+$0x3E00]  }
0xce: {  	v51 =	vld [tilespmem:s13+$0x3E30];
	[tilespmem:s13+$0x3DA0] =	vst v19;
	v19 =	vmul.f32 v40, v37  }
0xcf: {  	v49 =	vld [tilespmem:s13+$0x3E20];
	v52 =	vmul.f32 v44, v37;
	[tilespmem:s13+$0x3DD0] =	vst v48  }
0xd0: {  	v54 =	vld [tilespmem:s13+$0x3E50];
	v50 =	vperm.xlane v18, v13;
	[tilespmem:s13+$0x3DC0] =	vst v19;
	v19 =	vmul.f32 v43, v37  }
0xd1: {  	[tilespmem:s13+$0x3DF0] =	vst v52;
	v42 =	vmul.f32 v34, v37;
	v53 =	vld [tilespmem:s13+$0x3E40]  }
0xd2: {  	v57 =	vld [tilespmem:s13+$0x3E70];
	[tilespmem:s13+$0x3DE0] =	vst v19;
	v19 =	vmul.f32 v46, v50  }
0xd3: {  	[tilespmem:s13+$0x3D90] =	vst v42;
	v58 =	vmul.f32 v51, v50;
	v56 =	vld [tilespmem:s13+$0x3E60]  }
0xd4: {  	v47 =	vld [tilespmem:s13+$0x3E10];
	[tilespmem:s13+$0x3E00] =	vst v19;
	v19 =	vmul.f32 v49, v50  }
0xd5: {  	v61 =	vmul.f32 v54, v50;
	[tilespmem:s13+$0x3E30] =	vst v58;
	v59 =	vld [tilespmem:s13+$0x3E80]  }
0xd6: {  	v39 =	vld [tilespmem:s13+$0x3F10];
	[tilespmem:s13+$0x3E20] =	vst v19;
	v19 =	vmul.f32 v53, v50  }
0xd7: {  	v62 =	vld [tilespmem:s13+$0x3EA0];
	v31 =	vmul.f32 v57, v50;
	[tilespmem:s13+$0x3E50] =	vst v61  }
0xd8: {  	v63 =	vperm.xlane v18, v14;
	v60 =	vld [tilespmem:s13+$0x3E90];
	[tilespmem:s13+$0x3E40] =	vst v19;
	v19 =	vmul.f32 v56, v50  }
0xd9: {  	v32 =	vld [tilespmem:s13+$0x3EC0];
	v42 =	vperm.xlane v18, v15;
	[tilespmem:s13+$0x3E70] =	vst v31;
	v55 =	vmul.f32 v47, v50  }
0xda: {  	v33 =	vld [tilespmem:s13+$0x3ED0];
	[tilespmem:s13+$0x3E60] =	vst v19;
	v19 =	vmul.f32 v59, v63  }
0xdb: {  	v35 =	vld [tilespmem:s13+$0x3EE0];
	v47 =	vmul.f32 v39, v42;
	[tilespmem:s13+$0x3E10] =	vst v55  }
0xdc: {  	v30 =	vld [tilespmem:s13+$0x3EB0];
	[tilespmem:s13+$0x3E80] =	vst v19;
	v19 =	vmul.f32 v62, v63  }
0xdd: {  	v38 =	vld [tilespmem:s13+$0x3F00];
	[tilespmem:s13+$0x3F10] =	vst v47;
	v34 =	vmul.f32 v60, v63  }
0xde: {  	v36 =	vld [tilespmem:s13+$0x3EF0];
	[tilespmem:s13+$0x3EA0] =	vst v19;
	v19 =	vmul.f32 v32, v63  }
0xdf: {  	v41 =	vld [tilespmem:s13+$0x3F20];
	[tilespmem:s13+$0x3E90] =	vst v34;
	v40 =	vmul.f32 v33, v63  }
0xe0: {  	v46 =	vld [tilespmem:s13+$0x3F50];
	[tilespmem:s13+$0x3EC0] =	vst v19;
	v19 =	vmul.f32 v35, v63  }
0xe1: {  	v45 =	vld [tilespmem:s13+$0x3F40];
	v37 =	vmul.f32 v30, v63;
	[tilespmem:s13+$0x3ED0] =	vst v40  }
0xe2: {  	v43 =	vld [tilespmem:s13+$0x3F30];
	[tilespmem:s13+$0x3EE0] =	vst v19;
	v19 =	vmul.f32 v38, v42  }
0xe3: {  	v48 =	vld [tilespmem:s13+$0x3F60];
	v44 =	vmul.f32 v36, v63;
	[tilespmem:s13+$0x3EB0] =	vst v37  }
0xe4: {  	v49 =	vld [tilespmem:s13+$0x3F70];
	[tilespmem:s13+$0x3F00] =	vst v19;
	v19 =	vmul.f32 v41, v42  }
0xe5: {  	v51 =	vld [tilespmem:s13+$0x3F80];
	[tilespmem:s13+$0x3EF0] =	vst v44;
	v53 =	vmul.f32 v46, v42  }
0xe6: {  	v52 =	vld [tilespmem:s13+$0x3F90];
	[tilespmem:s13+$0x3F20] =	vst v19;
	v19 =	vmul.f32 v45, v42  }
0xe7: {  	v54 =	vld [tilespmem:s13+$0x3FA0];
	v50 =	vmul.f32 v43, v42;
	[tilespmem:s13+$0x3F50] =	vst v53  }
0xe8: {  	v18 =	vperm.xlane v18, v16;
	v55 =	vld [tilespmem:s13+$0x3FB0];
	[tilespmem:s13+$0x3F40] =	vst v19;
	v19 =	vmul.f32 v48, v42  }
0xe9: {  	v57 =	vld [tilespmem:s13+$0x3FC0];
	v56 =	vmul.f32 v49, v42;
	[tilespmem:s13+$0x3F30] =	vst v50  }
0xea: {  	v58 =	vld [tilespmem:s13+$0x3FD0];
	[tilespmem:s13+$0x3F60] =	vst v19;
	v19 =	vmul.f32 v51, v18  }
0xeb: {  	v60 =	vld [tilespmem:s13+$0x3FE0];
	v59 =	vmul.f32 v52, v18;
	[tilespmem:s13+$0x3F70] =	vst v56  }
0xec: {  	v61 =	vld [tilespmem:s13+$0x3FF0];
	[tilespmem:s13+$0x3F80] =	vst v19;
	v19 =	vmul.f32 v54, v18  }
0xed: {  	[tilespmem:s13+$0x3F90] =	vst v59;
	v62 =	vmul.f32 v55, v18  }
0xee: {  	p0 =	sne.s32 s7, $0x7;
	[tilespmem:s13+$0x3FA0] =	vst v19;
	v19 =	vmul.f32 v57, v18  }
.Ltmp2:
0xef: {  	[tilespmem:s13+$0x3FB0] =	vst v62;
	v63 =	vmul.f32 v58, v18;
	(pc) =	sbr.rel @p0 .LBB2_9-.Ltmp2, $4  }
0xf0: {  	[tilespmem:s13+$0x3FC0] =	vst v19;
	v19 =	vmul.f32 v60, v18  }
0xf1: {  	[tilespmem:s13+$0x3FD0] =	vst v63;
	v18 =	vmul.f32 v61, v18  }
0xf2: {  	[tilespmem:s13+$0x3FE0] =	vst v19  }
0xf3: {  	s7 =	sadd.s32 $0x1, s7;
	[tilespmem:s13+$0x3FF0] =	vst v18  }
0xf4: {  	s6 =	sadd.s32 $0x1000, s6  }
0xf5: {  	[spmem:s2] =	stream.indirect.scatter.add.f32 [tilespmem:s28], [sflag:$0x9], $0x80, s6, s22, $0xb8;
	[tilespmem:$0x1F800] =	vst v63  }
0xf6: {  	_ =	swait.ge [sflag:s23], $0x1000  }
0xf7: {  	[sflag:s23] =	ssyncset.done $0x0  }
0xf8: {  	[sflag:s23] =	ssyncadd.s32 $0xFFFFF000  }
0xf9: {  	_ =	swait.ge [sflag:s24], $0x1000  }
0xfa: {  	[sflag:s24] =	ssyncset.done $0x0  }
0xfb: {  	[sflag:s24] =	ssyncadd.s32 $0xFFFFF000  }
0xfc: {  	_ =	swait.ge [sflag:s25], $0x1000  }
0xfd: {  	[sflag:s25] =	ssyncset.done $0x0  }
0xfe: {  	[sflag:s25] =	ssyncadd.s32 $0xFFFFF000  }
0xff: {  	_ =	swait.ge [sflag:s9], $0x1000  }
0x100: {  	[sflag:s9] =	ssyncset.done $0x0  }
0x101: {  	[sflag:s9] =	ssyncadd.s32 $0xFFFFF000  }
0x102: {  	p0 =	seq.s32 s0, $0xF;
	_ =	swait.ge [sflag:s20], $0x4000  }
0x103: {  	s6 =	sadd.s32 @!p0 $0x100, s5;
	[sflag:s20] =	ssyncset.done $0x0  }
0x104: {  	s7 =	simm.s32 @!p0 $0x20;
	s13 =	simm.s32 @!p0 $0x3800;
	[sflag:s20] =	ssyncadd.s32 $0xFFFFC000  }
0x105: {  	[tilespmem:s13], [sflag:$0x1] =	stream.indirect.gather @!p0 [hbm4b:s1+s7], $0x80, s6, s7, $0xb8;
	[tilespmem:$0x1F800] =	vst v63  }
0x106: {  	s6 =	sadd.s32 @!p0 $0x120, s5;
	s13 =	simm.s32 @!p0 $0x4800  }
0x107: {  	[tilespmem:s13], [sflag:$0x2] =	stream.indirect.gather @!p0 [hbm4b:s1+s7], $0x80, s6, s7, $0xb8;
	[tilespmem:$0x1F800] =	vst v63  }
0x108: {  	s6 =	sadd.s32 @!p0 $0x140, s5;
	s13 =	simm.s32 @!p0 $0x5800  }
0x109: {  	[tilespmem:s13], [sflag:$0x3] =	stream.indirect.gather @!p0 [hbm4b:s1+s7], $0x80, s6, s7, $0xb8;
	[tilespmem:$0x1F800] =	vst v63  }
0x10a: {  	s13 =	sadd.s32 $0x2000, s14  }
0x10b: {  	s5 =	sadd.s32 @!p0 $0x160, s5;
	s6 =	simm.s32 @!p0 $0x6800;
	v17 =	vmov s13  }
0x10c: {  	[tilespmem:s6], [sflag:$0x4] =	stream.indirect.gather @!p0 [hbm4b:s1+s7], $0x80, s5, s7, $0xb8;
	[tilespmem:$0x1F800] =	vst v63  }
0x10d: {  	s5 =	simm.s32 $0x0  }
.LBB2_11:
0x10e: {  	s6 =	sshll.u32 s5, $0x4  }
0x10f: {  	s6 =	sand.u32 $0x3FFFFFF0, s6  }
0x110: {  	s13 =	sshll.u32 s5, $0xB;
	v18 =	vld.idx.msk [tilespmem:v17+s6+$0x0 ss:$0x1], $0xffff  }
0x111: {  	s6 =	sand.u32 $0x3FFFF800, s13  }
0x112: {  	v19 =	vld [tilespmem:s6+$0x7800]  }
0x113: {  	v20 =	vld [tilespmem:s6+$0x7810]  }
0x114: {  	v21 =	vld [tilespmem:s6+$0x7820]  }
0x115: {  	v23 =	vld [tilespmem:s6+$0x7830];
	v22 =	vperm.xlane v18, v1  }
0x116: {  	v24 =	vld [tilespmem:s6+$0x7840]  }
0x117: {  	v25 =	vld [tilespmem:s6+$0x7850];
	v19 =	vmul.f32 v19, v22  }
0x118: {  	v26 =	vld [tilespmem:s6+$0x7860];
	v20 =	vmul.f32 v20, v22  }
0x119: {  	v43 =	vld [tilespmem:s6+$0x7870];
	[tilespmem:s6+$0x7800] =	vst v19;
	v19 =	vmul.f32 v21, v22  }
0x11a: {  	v45 =	vld [tilespmem:s6+$0x7880];
	v44 =	vmul.f32 v23, v22;
	[tilespmem:s6+$0x7810] =	vst v20  }
0x11b: {  	v46 =	vld [tilespmem:s6+$0x7890];
	[tilespmem:s6+$0x7820] =	vst v19;
	v19 =	vmul.f32 v24, v22  }
0x11c: {  	v48 =	vld [tilespmem:s6+$0x78A0];
	v47 =	vmul.f32 v25, v22;
	[tilespmem:s6+$0x7830] =	vst v44  }
0x11d: {  	v27 =	vld [tilespmem:s6+$0x78B0];
	v49 =	vperm.xlane v18, v2;
	[tilespmem:s6+$0x7840] =	vst v19;
	v19 =	vmul.f32 v26, v22  }
0x11e: {  	v51 =	vld [tilespmem:s6+$0x78C0];
	v50 =	vmul.f32 v43, v22;
	[tilespmem:s6+$0x7850] =	vst v47  }
0x11f: {  	v52 =	vld [tilespmem:s6+$0x78D0];
	[tilespmem:s6+$0x7860] =	vst v19;
	v19 =	vmul.f32 v45, v49  }
0x120: {  	v54 =	vld [tilespmem:s6+$0x78E0];
	v53 =	vmul.f32 v46, v49;
	[tilespmem:s6+$0x7870] =	vst v50  }
0x121: {  	v55 =	vld [tilespmem:s6+$0x78F0];
	[tilespmem:s6+$0x7880] =	vst v19;
	v19 =	vmul.f32 v48, v49  }
0x122: {  	v57 =	vld [tilespmem:s6+$0x7900];
	v56 =	vmul.f32 v27, v49;
	[tilespmem:s6+$0x7890] =	vst v53  }
0x123: {  	v58 =	vld [tilespmem:s6+$0x7910];
	[tilespmem:s6+$0x78A0] =	vst v19;
	v19 =	vmul.f32 v51, v49  }
0x124: {  	v60 =	vld [tilespmem:s6+$0x7920];
	v59 =	vmul.f32 v52, v49;
	[tilespmem:s6+$0x78B0] =	vst v56  }
0x125: {  	v62 =	vld [tilespmem:s6+$0x7930];
	v61 =	vperm.xlane v18, v3;
	[tilespmem:s6+$0x78C0] =	vst v19;
	v19 =	vmul.f32 v54, v49  }
0x126: {  	v28 =	vld [tilespmem:s6+$0x7940];
	v63 =	vmul.f32 v55, v49;
	[tilespmem:s6+$0x78D0] =	vst v59  }
0x127: {  	v29 =	vld [tilespmem:s6+$0x7950];
	[tilespmem:s6+$0x78E0] =	vst v19;
	v19 =	vmul.f32 v57, v61  }
0x128: {  	v31 =	vld [tilespmem:s6+$0x7960];
	v30 =	vmul.f32 v58, v61;
	[tilespmem:s6+$0x78F0] =	vst v63  }
0x129: {  	v32 =	vld [tilespmem:s6+$0x7970];
	[tilespmem:s6+$0x7900] =	vst v19;
	v19 =	vmul.f32 v60, v61  }
0x12a: {  	v34 =	vld [tilespmem:s6+$0x7980];
	v33 =	vmul.f32 v62, v61;
	[tilespmem:s6+$0x7910] =	vst v30  }
0x12b: {  	v35 =	vld [tilespmem:s6+$0x7990];
	[tilespmem:s6+$0x7920] =	vst v19;
	v19 =	vmul.f32 v28, v61  }
0x12c: {  	v37 =	vld [tilespmem:s6+$0x79A0];
	v36 =	vmul.f32 v29, v61;
	[tilespmem:s6+$0x7930] =	vst v33  }
0x12d: {  	v39 =	vld [tilespmem:s6+$0x79B0];
	v38 =	vperm.xlane v18, v4;
	[tilespmem:s6+$0x7940] =	vst v19;
	v19 =	vmul.f32 v31, v61  }
0x12e: {  	v41 =	vld [tilespmem:s6+$0x79C0];
	v40 =	vmul.f32 v32, v61;
	[tilespmem:s6+$0x7950] =	vst v36  }
0x12f: {  	v45 =	vld [tilespmem:s6+$0x79F0];
	[tilespmem:s6+$0x7960] =	vst v19;
	v19 =	vmul.f32 v34, v38  }
0x130: {  	v43 =	vmul.f32 v35, v38;
	[tilespmem:s6+$0x7970] =	vst v40;
	v44 =	vld [tilespmem:s6+$0x79E0]  }
0x131: {  	v42 =	vld [tilespmem:s6+$0x79D0];
	[tilespmem:s6+$0x7980] =	vst v19;
	v19 =	vmul.f32 v37, v38  }
0x132: {  	v46 =	vmul.f32 v39, v38;
	[tilespmem:s6+$0x7990] =	vst v43;
	v47 =	vld [tilespmem:s6+$0x7A00]  }
0x133: {  	v52 =	vld [tilespmem:s6+$0x7A30];
	[tilespmem:s6+$0x79A0] =	vst v19;
	v19 =	vmul.f32 v41, v38  }
0x134: {  	[tilespmem:s6+$0x79B0] =	vst v46;
	v50 =	vld [tilespmem:s6+$0x7A20];
	v53 =	vmul.f32 v45, v38  }
0x135: {  	v55 =	vld [tilespmem:s6+$0x7A50];
	v51 =	vperm.xlane v18, v5;
	[tilespmem:s6+$0x79C0] =	vst v19;
	v19 =	vmul.f32 v44, v38  }
0x136: {  	v49 =	vmul.f32 v42, v38;
	v54 =	vld [tilespmem:s6+$0x7A40];
	[tilespmem:s6+$0x79F0] =	vst v53  }
0x137: {  	v58 =	vld [tilespmem:s6+$0x7A70];
	[tilespmem:s6+$0x79E0] =	vst v19;
	v19 =	vmul.f32 v47, v51  }
0x138: {  	v59 =	vmul.f32 v52, v51;
	[tilespmem:s6+$0x79D0] =	vst v49;
	v57 =	vld [tilespmem:s6+$0x7A60]  }
0x139: {  	v48 =	vld [tilespmem:s6+$0x7A10];
	[tilespmem:s6+$0x7A00] =	vst v19;
	v19 =	vmul.f32 v50, v51  }
0x13a: {  	v62 =	vmul.f32 v55, v51;
	[tilespmem:s6+$0x7A30] =	vst v59;
	v60 =	vld [tilespmem:s6+$0x7A80]  }
0x13b: {  	v40 =	vld [tilespmem:s6+$0x7B10];
	[tilespmem:s6+$0x7A20] =	vst v19;
	v19 =	vmul.f32 v54, v51  }
0x13c: {  	v63 =	vld [tilespmem:s6+$0x7AA0];
	v32 =	vmul.f32 v58, v51;
	[tilespmem:s6+$0x7A50] =	vst v62  }
0x13d: {  	v30 =	vperm.xlane v18, v6;
	v61 =	vld [tilespmem:s6+$0x7A90];
	[tilespmem:s6+$0x7A40] =	vst v19;
	v19 =	vmul.f32 v57, v51  }
0x13e: {  	v33 =	vld [tilespmem:s6+$0x7AC0];
	v43 =	vperm.xlane v18, v7;
	v56 =	vmul.f32 v48, v51;
	[tilespmem:s6+$0x7A70] =	vst v32  }
0x13f: {  	v53 =	vld [tilespmem:s6+$0x7B90];
	[tilespmem:s6+$0x7A60] =	vst v19;
	v19 =	vmul.f32 v60, v30  }
0x140: {  	v36 =	vld [tilespmem:s6+$0x7AE0];
	v48 =	vmul.f32 v40, v43;
	[tilespmem:s6+$0x7A10] =	vst v56  }
0x141: {  	v31 =	vld [tilespmem:s6+$0x7AB0];
	[tilespmem:s6+$0x7A80] =	vst v19;
	v19 =	vmul.f32 v63, v30  }
0x142: {  	v39 =	vld [tilespmem:s6+$0x7B00];
	[tilespmem:s6+$0x7B10] =	vst v48;
	v56 =	vperm.xlane v18, v8;
	v35 =	vmul.f32 v61, v30  }
0x143: {  	v34 =	vld [tilespmem:s6+$0x7AD0];
	[tilespmem:s6+$0x7AA0] =	vst v19;
	v19 =	vmul.f32 v33, v30  }
0x144: {  	v42 =	vld [tilespmem:s6+$0x7B20];
	v61 =	vmul.f32 v53, v56;
	[tilespmem:s6+$0x7A90] =	vst v35  }
0x145: {  	v37 =	vld [tilespmem:s6+$0x7AF0];
	[tilespmem:s6+$0x7AC0] =	vst v19;
	v19 =	vmul.f32 v36, v30  }
0x146: {  	v46 =	vld [tilespmem:s6+$0x7B40];
	[tilespmem:s6+$0x7B90] =	vst v61;
	v38 =	vmul.f32 v31, v30  }
0x147: {  	v47 =	vld [tilespmem:s6+$0x7B50];
	[tilespmem:s6+$0x7AE0] =	vst v19;
	v19 =	vmul.f32 v39, v43  }
0x148: {  	v49 =	vld [tilespmem:s6+$0x7B60];
	v41 =	vmul.f32 v34, v30;
	[tilespmem:s6+$0x7AB0] =	vst v38  }
0x149: {  	v38 =	vld [tilespmem:s6+$0x7C50];
	[tilespmem:s6+$0x7B00] =	vst v19;
	v19 =	vmul.f32 v42, v43  }
0x14a: {  	v52 =	vld [tilespmem:s6+$0x7B80];
	[tilespmem:s6+$0x7AD0] =	vst v41;
	v45 =	vmul.f32 v37, v30  }
0x14b: {  	v44 =	vld [tilespmem:s6+$0x7B30];
	[tilespmem:s6+$0x7B20] =	vst v19;
	v19 =	vmul.f32 v46, v43  }
0x14c: {  	v55 =	vld [tilespmem:s6+$0x7BA0];
	v34 =	vperm.xlane v18, v9;
	[tilespmem:s6+$0x7AF0] =	vst v45;
	v54 =	vmul.f32 v47, v43  }
0x14d: {  	v50 =	vld [tilespmem:s6+$0x7B70];
	[tilespmem:s6+$0x7B40] =	vst v19;
	v19 =	vmul.f32 v49, v43  }
0x14e: {  	v59 =	vld [tilespmem:s6+$0x7BC0];
	v45 =	vmul.f32 v38, v34;
	[tilespmem:s6+$0x7B50] =	vst v54  }
0x14f: {  	v57 =	vld [tilespmem:s6+$0x7BB0];
	[tilespmem:s6+$0x7B60] =	vst v19;
	v19 =	vmul.f32 v52, v56  }
0x150: {  	v62 =	vld [tilespmem:s6+$0x7BE0];
	v51 =	vmul.f32 v44, v43;
	[tilespmem:s6+$0x7C50] =	vst v45  }
0x151: {  	v60 =	vld [tilespmem:s6+$0x7BD0];
	[tilespmem:s6+$0x7B80] =	vst v19;
	v19 =	vmul.f32 v55, v56  }
0x152: {  	v58 =	vmul.f32 v50, v43;
	[tilespmem:s6+$0x7B30] =	vst v51;
	v30 =	vld [tilespmem:s6+$0x7C00]  }
0x153: {  	v51 =	vld [tilespmem:s6+$0x7CD0];
	[tilespmem:s6+$0x7BA0] =	vst v19;
	v19 =	vmul.f32 v59, v56  }
0x154: {  	[tilespmem:s6+$0x7B70] =	vst v58;
	v29 =	vmul.f32 v57, v56;
	v33 =	vld [tilespmem:s6+$0x7C20]  }
0x155: {  	v63 =	vld [tilespmem:s6+$0x7BF0];
	[tilespmem:s6+$0x7BC0] =	vst v19;
	v19 =	vmul.f32 v62, v56  }
0x156: {  	v37 =	vld [tilespmem:s6+$0x7C40];
	v47 =	vperm.xlane v18, v10;
	[tilespmem:s6+$0x7BB0] =	vst v29;
	v32 =	vmul.f32 v60, v56  }
0x157: {  	v61 =	vld [tilespmem:s6+$0x7D30];
	[tilespmem:s6+$0x7BE0] =	vst v19;
	v19 =	vmul.f32 v30, v34  }
0x158: {  	v40 =	vld [tilespmem:s6+$0x7C60];
	v58 =	vmul.f32 v51, v47;
	[tilespmem:s6+$0x7BD0] =	vst v32  }
0x159: {  	v31 =	vld [tilespmem:s6+$0x7C10];
	[tilespmem:s6+$0x7C00] =	vst v19;
	v19 =	vmul.f32 v33, v34  }
0x15a: {  	v60 =	vperm.xlane v18, v11;
	v36 =	vmul.f32 v63, v56;
	[tilespmem:s6+$0x7CD0] =	vst v58;
	v43 =	vld [tilespmem:s6+$0x7C80]  }
0x15b: {  	v57 =	vld [tilespmem:s6+$0x7D10];
	[tilespmem:s6+$0x7C20] =	vst v19;
	v19 =	vmul.f32 v37, v34  }
0x15c: {  	v32 =	vmul.f32 v61, v60;
	[tilespmem:s6+$0x7BF0] =	vst v36;
	v46 =	vld [tilespmem:s6+$0x7CA0]  }
0x15d: {  	v35 =	vld [tilespmem:s6+$0x7C30];
	[tilespmem:s6+$0x7C40] =	vst v19;
	v19 =	vmul.f32 v40, v34  }
0x15e: {  	v50 =	vld [tilespmem:s6+$0x7CC0];
	v39 =	vmul.f32 v31, v34;
	[tilespmem:s6+$0x7D30] =	vst v32  }
0x15f: {  	v28 =	vld [tilespmem:s6+$0x7D50];
	[tilespmem:s6+$0x7C60] =	vst v19;
	v19 =	vmul.f32 v43, v47  }
0x160: {  	v53 =	vld [tilespmem:s6+$0x7CE0];
	v29 =	vmul.f32 v57, v60;
	[tilespmem:s6+$0x7C10] =	vst v39  }
0x161: {  	v31 =	vld [tilespmem:s6+$0x7D70];
	[tilespmem:s6+$0x7C80] =	vst v19;
	v19 =	vmul.f32 v46, v47  }
0x162: {  	v42 =	vmul.f32 v35, v34;
	[tilespmem:s6+$0x7D10] =	vst v29;
	v56 =	vld [tilespmem:s6+$0x7D00]  }
0x163: {  	v41 =	vld [tilespmem:s6+$0x7C70];
	[tilespmem:s6+$0x7CA0] =	vst v19;
	v19 =	vmul.f32 v50, v47  }
0x164: {  	v35 =	vmul.f32 v28, v60;
	[tilespmem:s6+$0x7C30] =	vst v42;
	v59 =	vld [tilespmem:s6+$0x7D20]  }
0x165: {  	v44 =	vld [tilespmem:s6+$0x7C90];
	[tilespmem:s6+$0x7CC0] =	vst v19;
	v19 =	vmul.f32 v53, v47  }
0x166: {  	v63 =	vld [tilespmem:s6+$0x7D40];
	[tilespmem:s6+$0x7D50] =	vst v35;
	v39 =	vmul.f32 v31, v60  }
0x167: {  	v48 =	vld [tilespmem:s6+$0x7CB0];
	[tilespmem:s6+$0x7CE0] =	vst v19;
	v19 =	vmul.f32 v56, v60  }
0x168: {  	v49 =	vmul.f32 v41, v34;
	[tilespmem:s6+$0x7D70] =	vst v39;
	v30 =	vld [tilespmem:s6+$0x7D60]  }
0x169: {  	v54 =	vld [tilespmem:s6+$0x7CF0];
	[tilespmem:s6+$0x7D00] =	vst v19;
	v19 =	vmul.f32 v59, v60  }
0x16a: {  	[tilespmem:s6+$0x7C70] =	vst v49;
	v52 =	vmul.f32 v44, v47;
	v33 =	vld [tilespmem:s6+$0x7D80]  }
0x16b: {  	v38 =	vld [tilespmem:s6+$0x7DB0];
	[tilespmem:s6+$0x7D20] =	vst v19;
	v19 =	vmul.f32 v63, v60  }
0x16c: {  	v36 =	vld [tilespmem:s6+$0x7DA0];
	[tilespmem:s6+$0x7C90] =	vst v52;
	v55 =	vmul.f32 v48, v47  }
0x16d: {  	v41 =	vld [tilespmem:s6+$0x7DD0];
	v37 =	vperm.xlane v18, v12;
	[tilespmem:s6+$0x7D40] =	vst v19;
	v19 =	vmul.f32 v30, v60  }
0x16e: {  	[tilespmem:s6+$0x7CB0] =	vst v55;
	v62 =	vmul.f32 v54, v47;
	v40 =	vld [tilespmem:s6+$0x7DC0]  }
0x16f: {  	v44 =	vld [tilespmem:s6+$0x7DF0];
	[tilespmem:s6+$0x7D60] =	vst v19;
	v19 =	vmul.f32 v33, v37  }
0x170: {  	[tilespmem:s6+$0x7CF0] =	vst v62;
	v45 =	vmul.f32 v38, v37;
	v43 =	vld [tilespmem:s6+$0x7DE0]  }
0x171: {  	v34 =	vld [tilespmem:s6+$0x7D90];
	[tilespmem:s6+$0x7D80] =	vst v19;
	v19 =	vmul.f32 v36, v37  }
0x172: {  	v48 =	vmul.f32 v41, v37;
	[tilespmem:s6+$0x7DB0] =	vst v45;
	v46 =	vld [tilespmem:s6+$0x7E00]  }
0x173: {  	v51 =	vld [tilespmem:s6+$0x7E30];
	[tilespmem:s6+$0x7DA0] =	vst v19;
	v19 =	vmul.f32 v40, v37  }
0x174: {  	v49 =	vld [tilespmem:s6+$0x7E20];
	v52 =	vmul.f32 v44, v37;
	[tilespmem:s6+$0x7DD0] =	vst v48  }
0x175: {  	v54 =	vld [tilespmem:s6+$0x7E50];
	v50 =	vperm.xlane v18, v13;
	[tilespmem:s6+$0x7DC0] =	vst v19;
	v19 =	vmul.f32 v43, v37  }
0x176: {  	[tilespmem:s6+$0x7DF0] =	vst v52;
	v42 =	vmul.f32 v34, v37;
	v53 =	vld [tilespmem:s6+$0x7E40]  }
0x177: {  	v57 =	vld [tilespmem:s6+$0x7E70];
	[tilespmem:s6+$0x7DE0] =	vst v19;
	v19 =	vmul.f32 v46, v50  }
0x178: {  	[tilespmem:s6+$0x7D90] =	vst v42;
	v58 =	vmul.f32 v51, v50;
	v56 =	vld [tilespmem:s6+$0x7E60]  }
0x179: {  	v47 =	vld [tilespmem:s6+$0x7E10];
	[tilespmem:s6+$0x7E00] =	vst v19;
	v19 =	vmul.f32 v49, v50  }
0x17a: {  	v61 =	vmul.f32 v54, v50;
	[tilespmem:s6+$0x7E30] =	vst v58;
	v59 =	vld [tilespmem:s6+$0x7E80]  }
0x17b: {  	v39 =	vld [tilespmem:s6+$0x7F10];
	[tilespmem:s6+$0x7E20] =	vst v19;
	v19 =	vmul.f32 v53, v50  }
0x17c: {  	v62 =	vld [tilespmem:s6+$0x7EA0];
	v31 =	vmul.f32 v57, v50;
	[tilespmem:s6+$0x7E50] =	vst v61  }
0x17d: {  	v63 =	vperm.xlane v18, v14;
	v60 =	vld [tilespmem:s6+$0x7E90];
	[tilespmem:s6+$0x7E40] =	vst v19;
	v19 =	vmul.f32 v56, v50  }
0x17e: {  	v32 =	vld [tilespmem:s6+$0x7EC0];
	v42 =	vperm.xlane v18, v15;
	[tilespmem:s6+$0x7E70] =	vst v31;
	v55 =	vmul.f32 v47, v50  }
0x17f: {  	v33 =	vld [tilespmem:s6+$0x7ED0];
	[tilespmem:s6+$0x7E60] =	vst v19;
	v19 =	vmul.f32 v59, v63  }
0x180: {  	v35 =	vld [tilespmem:s6+$0x7EE0];
	v47 =	vmul.f32 v39, v42;
	[tilespmem:s6+$0x7E10] =	vst v55  }
0x181: {  	v30 =	vld [tilespmem:s6+$0x7EB0];
	[tilespmem:s6+$0x7E80] =	vst v19;
	v19 =	vmul.f32 v62, v63  }
0x182: {  	v38 =	vld [tilespmem:s6+$0x7F00];
	[tilespmem:s6+$0x7F10] =	vst v47;
	v34 =	vmul.f32 v60, v63  }
0x183: {  	v36 =	vld [tilespmem:s6+$0x7EF0];
	[tilespmem:s6+$0x7EA0] =	vst v19;
	v19 =	vmul.f32 v32, v63  }
0x184: {  	v41 =	vld [tilespmem:s6+$0x7F20];
	[tilespmem:s6+$0x7E90] =	vst v34;
	v40 =	vmul.f32 v33, v63  }
0x185: {  	v46 =	vld [tilespmem:s6+$0x7F50];
	[tilespmem:s6+$0x7EC0] =	vst v19;
	v19 =	vmul.f32 v35, v63  }
0x186: {  	v45 =	vld [tilespmem:s6+$0x7F40];
	v37 =	vmul.f32 v30, v63;
	[tilespmem:s6+$0x7ED0] =	vst v40  }
0x187: {  	v43 =	vld [tilespmem:s6+$0x7F30];
	[tilespmem:s6+$0x7EE0] =	vst v19;
	v19 =	vmul.f32 v38, v42  }
0x188: {  	v48 =	vld [tilespmem:s6+$0x7F60];
	v44 =	vmul.f32 v36, v63;
	[tilespmem:s6+$0x7EB0] =	vst v37  }
0x189: {  	v49 =	vld [tilespmem:s6+$0x7F70];
	[tilespmem:s6+$0x7F00] =	vst v19;
	v19 =	vmul.f32 v41, v42  }
0x18a: {  	v51 =	vld [tilespmem:s6+$0x7F80];
	[tilespmem:s6+$0x7EF0] =	vst v44;
	v53 =	vmul.f32 v46, v42  }
0x18b: {  	v52 =	vld [tilespmem:s6+$0x7F90];
	[tilespmem:s6+$0x7F20] =	vst v19;
	v19 =	vmul.f32 v45, v42  }
0x18c: {  	v54 =	vld [tilespmem:s6+$0x7FA0];
	v50 =	vmul.f32 v43, v42;
	[tilespmem:s6+$0x7F50] =	vst v53  }
0x18d: {  	v18 =	vperm.xlane v18, v16;
	v55 =	vld [tilespmem:s6+$0x7FB0];
	[tilespmem:s6+$0x7F40] =	vst v19;
	v19 =	vmul.f32 v48, v42  }
0x18e: {  	v57 =	vld [tilespmem:s6+$0x7FC0];
	v56 =	vmul.f32 v49, v42;
	[tilespmem:s6+$0x7F30] =	vst v50  }
0x18f: {  	v58 =	vld [tilespmem:s6+$0x7FD0];
	[tilespmem:s6+$0x7F60] =	vst v19;
	v19 =	vmul.f32 v51, v18  }
0x190: {  	v60 =	vld [tilespmem:s6+$0x7FE0];
	v59 =	vmul.f32 v52, v18;
	[tilespmem:s6+$0x7F70] =	vst v56  }
0x191: {  	v61 =	vld [tilespmem:s6+$0x7FF0];
	[tilespmem:s6+$0x7F80] =	vst v19;
	v19 =	vmul.f32 v54, v18  }
0x192: {  	[tilespmem:s6+$0x7F90] =	vst v59;
	v62 =	vmul.f32 v55, v18  }
0x193: {  	p0 =	sne.s32 s5, $0x7;
	[tilespmem:s6+$0x7FA0] =	vst v19;
	v19 =	vmul.f32 v57, v18  }
.Ltmp3:
0x194: {  	[tilespmem:s6+$0x7FB0] =	vst v62;
	v63 =	vmul.f32 v58, v18;
	(pc) =	sbr.rel @p0 .LBB2_11-.Ltmp3, $4  }
0x195: {  	[tilespmem:s6+$0x7FC0] =	vst v19;
	v19 =	vmul.f32 v60, v18  }
0x196: {  	[tilespmem:s6+$0x7FD0] =	vst v63;
	v18 =	vmul.f32 v61, v18  }
0x197: {  	[tilespmem:s6+$0x7FE0] =	vst v19  }
0x198: {  	s5 =	sadd.s32 $0x1, s5;
	[tilespmem:s6+$0x7FF0] =	vst v18  }
0x199: {  	s0 =	sadd.s32 $0x1, s0  }
0x19a: {  	p0 =	sne.s32 s0, $0x10  }
.Ltmp4:
0x19b: {  	_ = 	snop;
	(pc) =	sbr.rel @p0 .LBB2_8-.Ltmp4, $3  }
0x19c: {  	_ =	sdelay $0x1  }
0x19d: {  	s5 =	sadd.s32 $0x1000, s14  }
0x19e: {  	[spmem:s2] =	stream.indirect.scatter.add.f32 [tilespmem:s12], [sflag:$0xA], $0x80, s5, s22, $0xb8;
	[tilespmem:$0x1F800] =	vst v63  }
0x19f: {  	s31 =	sadd.s32 $0x1, s31  }
0x1a0: {  	p0 =	sne.s32 s31, $0x5  }
.Ltmp5:
0x1a1: {  	_ = 	snop;
	(pc) =	sbr.rel @p0 .LBB2_7-.Ltmp5, $4  }
0x1a2: {  	_ = 	snop  }
0x1a3: {  	_ =	swait.ge [sflag:s21], $0x4000  }
0x1a4: {  	[sflag:s21] =	ssyncset.done $0x0  }
0x1a5: {  	[sflag:s21] =	ssyncadd.s32 $0xFFFFC000  }
0x1a6: {  	s0 =	rddreg [dreg:$0x16]  }
0x1a7: {  	s0 =	smul.u32 $0x140000, s0  }
0x1a8: {  	s5 =	rddreg [dreg:$0x8]  }
0x1a9: {  	[bflag:$0x0] =	sbarrier.arrive $0xFFFF;
	s6 =	stileid.u32;
	s5 =	sadd.s32 s0, s5  }
0x1aa: {  	s6 =	sshll.u32 s6, $0x6;
	s13 =	rddreg [dreg:$0x9];
	s5 =	sshrl.u32 s5, $0x3  }
0x1ab: {  	s7 =	sshrl.u32 s11, $0x3;
	s6 =	sor.u32 $0x1C0B, s6;
	s5 =	sadd.s32 s13, s5  }
0x1ac: {  	[hbm:s5], [sflag:s6] =	dma.local [spmem:s7], $0x800  }
0x1ad: {  	_ =	swait.ge [sflag:s19], $0x800  }
0x1ae: {  	s29 =	rddreg [dreg:$0xb]  }
0x1af: {  	s5 =	sadd.s32 s0, s29  }
0x1b0: {  	[sflag:s19] =	ssyncset.done $0x0;
	s5 =	sshrl.u32 s5, $0x3  }
0x1b1: {  	s31 =	rddreg [dreg:$0x11];
	[sflag:s19] =	ssyncadd.s32 $0xFFFFF800;
	s5 =	sadd.s32 s13, s5  }
0x1b2: {  	[hbm:s5], [sflag:s6] =	dma.local [spmem:s31], $0x800  }
0x1b3: {  	_ =	swait.ge [sflag:s19], $0x800  }
0x1b4: {  	s7 =	rddreg [dreg:$0xe]  }
0x1b5: {  	s5 =	sadd.s32 s0, s7  }
0x1b6: {  	[sflag:s19] =	ssyncset.done $0x0;
	s5 =	sshrl.u32 s5, $0x3  }
0x1b7: {  	s14 =	rddreg [dreg:$0x12];
	[sflag:s19] =	ssyncadd.s32 $0xFFFFF800;
	s5 =	sadd.s32 s13, s5  }
0x1b8: {  	[hbm:s5], [sflag:s6] =	dma.local [spmem:s14], $0x800  }
0x1b9: {  	_ =	swait.ge [sflag:s19], $0x800  }
0x1ba: {  	s29 =	rddreg [dreg:$0xf]  }
0x1bb: {  	s5 =	sadd.s32 s0, s29  }
0x1bc: {  	[sflag:s19] =	ssyncset.done $0x0;
	s5 =	sshrl.u32 s5, $0x3  }
0x1bd: {  	s31 =	rddreg [dreg:$0x13];
	[sflag:s19] =	ssyncadd.s32 $0xFFFFF800;
	s5 =	sadd.s32 s13, s5  }
0x1be: {  	[hbm:s5], [sflag:s6] =	dma.local [spmem:s31], $0x800  }
0x1bf: {  	_ =	swait.ge [sflag:s19], $0x800  }
0x1c0: {  	s14 =	rddreg [dreg:$0x10]  }
0x1c1: {  	s0 =	sadd.s32 s0, s14  }
0x1c2: {  	[sflag:s19] =	ssyncset.done $0x0;
	s0 =	sshrl.u32 s0, $0x3  }
0x1c3: {  	s29 =	rddreg [dreg:$0x14];
	[sflag:s19] =	ssyncadd.s32 $0xFFFFF800;
	s0 =	sadd.s32 s13, s0  }
0x1c4: {  	[hbm:s0], [sflag:s6] =	dma.local [spmem:s29], $0x800  }
0x1c5: {  	_ =	swait.ge [sflag:s19], $0x800  }
0x1c6: {  	s31 =	rddreg [dreg:$0x15]  }
0x1c7: {  	s6 =	sadd.s32 $0x1, s31  }
0x1c8: {  	p0 =	sne.s32 s6, $0x6  }
.Ltmp6:
0x1c9: {  	_ = 	snop;
	(pc) =	sbr.rel @p0 .LBB2_4-.Ltmp6, $3  }
0x1ca: {  	_ =	sdelay $0x1  }
0x1cb: {  	[sflag:s19] =	ssyncset.done $0x0  }
0x1cc: {  	[sflag:s19] =	ssyncadd.s32 $0xFFFFF800  }
0x1cd: {  	s7 =	rddreg [dreg:$0x4]  }
0x1ce: {  	s0 =	rddreg [dreg:$0xd];
	s7 =	sadd.s32 $0x1, s7  }
0x1cf: {  	p0 =	sne.s32 s7, s0  }
.Ltmp7:
0x1d0: {  	_ = 	snop;
	(pc) =	sbr.rel @p0 .LBB2_1-.Ltmp7, $1  }
0x1d1: {  	_ =	sdelay $0x3  }
0x1d2: {  	_ =	sfence.sel $0x180000  }
0x1d3: {  	[bflag:$0x0] =	sbarrier.arrive $0xFFFF  }
0x1d4: {  	_ =	strace $0x9000004D  }
0x1d5: {  	s0 =	stileid.u32;
	[bflag:$0x2] =	sbarrier.arrive $0xFFFF  }
0x1d6: {  	p0 =	sne.s32 s0, $0x0;
	s0 =	rddreg [dreg:$0x3]  }
0x1d7: {  	s0 =	sadd.s32 @!p0 $0x100000, s0  }
0x1d8: {  	[sflag:s0] =	ssyncadd.tile.s32 @!p0 $0x1;
	_ =	shalt  }
.Lfunc_end2:
_tile_overlayer_lowered:
.L_overlay_start_2:
0x1d9: {  	(tag) =	ssettag $0x2  }
0x1da: {  	s0 =	rddreg [dreg:$0x0];
	s2 =	stileid.u32  }
0x1db: {  	s1 =	rddreg [dreg:$0x1];
	p0 =	sne.s32 s2, $0x0  }
0x1dc: {  	s3 =	rddreg [dreg:$0x2];
	[bflag:$0x3] =	sbarrier.arrive $0xFFFF;
	s2 =	simm.s32 @!p0 $0x1C0B  }
0x1dd: {  	[timem:s3], [sflag:s2] =	dma.local @!p0 [hbm:s0], s1  }
0x1de: {  	s0 =	simm.s32 @!p0 $0xB  }
0x1df: {  	_ =	swait.ge @!p0 [sflag:s0], s1  }
0x1e0: {  	s1 =	ssub.s32 @!p0 $0x0, s1;
	[sflag:s0] =	ssyncset.done @!p0 $0x0  }
0x1e1: {  	[sflag:s0] =	ssyncadd.s32 @!p0 s1  }
0x1e2: {  	[bflag:$0x3] =	sbarrier.arrive $0xFFFF  }
0x1e3: {  	_ =	shalt  }

// kernel: kernel.6.cloned.1.call-start
scs
__scs_entry_jumppad:
0x0: {  	(pc) =	sbr.rel $0x88, $3  }
0x1: {  	(tag) =	ssettag $0x0;
	lr =	simm.s32 $0x1  }
0x2: {  	[smem:$0x3F93] =	sst lr;
	_ =	strace $0xD0000000  }
0x3: {  	_ = 	snop  }
0x4: {  	_ = 	snop  }
0x5: {  	_ = 	snop  }
0x6: {  	_ = 	snop  }
0x7: {  	_ = 	snop  }
__scs_overlays_trampoline_lowered:
0x8: {  	[smem:$0x3FA2] =	sst s0  }
0x9: {  	[smem:$0x3FA3] =	sst s1  }
0xa: {  	[smem:$0x3FA4] =	sst s2  }
0xb: {  	[smem:$0x3FA5] =	sst s3  }
0xc: {  	[smem:$0x3FA6] =	sst s4  }
0xd: {  	[smem:$0x3FA7] =	sst s5  }
0xe: {  	[smem:$0x3FA8] =	sst s6  }
0xf: {  	[smem:$0x3FA9] =	sst s7  }
0x10: {  	[smem:$0x3FAA] =	sst s8  }
0x11: {  	[smem:$0x3FAB] =	sst s9;
	s0 =	simm.s32 @!p0 $0x0  }
0x12: {  	s1 =	sld [smem:$0x3F91];
	s0 =	simm.s32 @p0 $0x1  }
0x13: {  	[smem:$0x3FAC] =	sst s0;
	s0 =	simm.s32 @!p1 $0x0  }
0x14: {  	s2 =	sld [smem:$0x3F90];
	s0 =	simm.s32 @p1 $0x1  }
0x15: {  	[smem:$0x3FAD] =	sst s0;
	s0 =	simm.s32 @!p2 $0x0  }
0x16: {  	s3 =	sld [smem:$0x3FDB];
	s0 =	simm.s32 @p2 $0x1  }
0x17: {  	s4 =	simm.s32 $0x1BF5;
	[smem:$0x3FAF] =	sst s0  }
0x18: {  	s0 =	sld [smem:$0x3F92];
	_ =	swait.ge [sflag:s4], $0x0  }
0x19: {  	s7 =	sld [smem:$0x3F93]  }
0x1a: {  	s8 =	sadd.s32 $0xFFFFE003, lr  }
0x1b: {  	s9 =	sadd.s32 $0xFFFFFEF7, lr;
	s5 =	simm.s32 $0xFFFFFFFF;
	p2 =	slt.u32 s8, $0xFFFFF086  }
0x1c: {  	p1 =	slt.u32 s9, $0xF7A;
	s5 =	simm.s32 @!p2 $0x0  }
0x1d: {  	s5 =	simm.s32 @p1 $0x1;
	p0 =	seq.s32 s7, s2  }
0x1e: {  	s7 =	smul.u32 @!p0 $0xF7A, s2;
	p2 =	seq.s32 @!p0 s5, $0x0  }
0x1f: {  	s9 =	smul.u32 $0xF7A, s1;
	s8 =	simm.s32 @!p0 $0x1BF5;
	p2 =	por !p2, p0  }
0x20: {  	[sflag:s8] =	ssyncset.s32 @!p0 $0xFFFFF086;
	s6 =	sadd.s32 @!p0 s3, s7;
	s7 =	simm.s32 @!p0 $0x108  }
0x21: {  	s3 =	sadd.s32 s3, s9;
	s6 =	sadd.s32 @!p0 $0x88, s6;
	s7 =	simm.s32 @p2 $0x1082  }
0x22: {  	[simem:s7], [sflag:s8] =	dma.local @!p0 [hbm:s6], $0xF7A  }
0x23: {  	s9 =	sor.u32 $0xD0000000, s2;
	s6 =	simm.s32 $0x108;
	_ =	swait.ge @!p0 [sflag:s8], $0x0  }
0x24: {  	s3 =	sadd.s32 $0x88, s3;
	s6 =	simm.s32 @!p1 $0x1082;
	[sflag:s4] =	ssyncset.s32 $0xFFFFF086  }
0x25: {  	[simem:s6], [sflag:s4] =	dma.local [hbm:s3], $0xF7A  }
0x26: {  	[smem:$0x3F93] =	sst s1;
	(tag) =	ssettag s2;
	_ =	strace s9  }
0x27: {  	s1 =	sld [smem:$0x3FA3]  }
0x28: {  	s2 =	sld [smem:$0x3FA4]  }
0x29: {  	s4 =	sld [smem:$0x3FA6]  }
0x2a: {  	p0 =	seq.s32 s5, $0x0;
	s5 =	sld [smem:$0x3FA7]  }
0x2b: {  	s6 =	sld [smem:$0x3FA8]  }
0x2c: {  	s7 =	sld [smem:$0x3FA9]  }
0x2d: {  	s3 =	simm.s32 $0x108;
	s8 =	sld [smem:$0x3FAA]  }
0x2e: {  	s3 =	simm.s32 @!p0 $0x1082;
	s9 =	sld [smem:$0x3FAB]  }
0x2f: {  	lr =	sadd.s32 s0, s3;
	s0 =	sld [smem:$0x3FA2]  }
0x30: {  	s3 =	sld [smem:$0x3FA5]  }
0x31: {  	[smem:$0x3FAE] =	sst s10  }
0x32: {  	s10 =	sld [smem:$0x3FAC];
	_ =	sdelay $0x3  }
0x33: {  	p0 =	seq.s32 s10, $0x1;
	s10 =	sld [smem:$0x3FAE];
	_ =	sdelay $0x3  }
0x34: {  	[smem:$0x3FAE] =	sst s10  }
0x35: {  	s10 =	sld [smem:$0x3FAD];
	_ =	sdelay $0x3  }
0x36: {  	p1 =	seq.s32 s10, $0x1;
	s10 =	sld [smem:$0x3FAE];
	_ =	sdelay $0x3  }
0x37: {  	[smem:$0x3FAE] =	sst s10  }
0x38: {  	s10 =	sld [smem:$0x3FAF]  }
0x39: {  	_ = 	snop;
	(pc) =	sbr.ind lr, $3  }
0x3a: {  	_ = 	snop  }
0x3b: {  	_ = 	snop  }
0x3c: {  	p2 =	seq.s32 s10, $0x1;
	s10 =	sld [smem:$0x3FAE]  }
0x3d: {  	_ =	shalt  }
0x3e: {  	_ =	shalt  }
0x3f: {  	_ =	shalt  }
0x40: {  	_ =	shalt  }
0x41: {  	_ =	shalt  }
0x42: {  	_ =	shalt  }
0x43: {  	_ =	shalt  }
0x44: {  	_ =	shalt  }
0x45: {  	_ =	shalt  }
0x46: {  	_ =	shalt  }
0x47: {  	_ =	shalt  }
0x48: {  	_ =	shalt  }
0x49: {  	_ =	shalt  }
0x4a: {  	_ =	shalt  }
0x4b: {  	_ =	shalt  }
0x4c: {  	_ =	shalt  }
0x4d: {  	_ =	shalt  }
0x4e: {  	_ =	shalt  }
0x4f: {  	_ =	shalt  }
0x50: {  	_ =	shalt  }
0x51: {  	_ =	shalt  }
0x52: {  	_ =	shalt  }
0x53: {  	_ =	shalt  }
0x54: {  	_ =	shalt  }
0x55: {  	_ =	shalt  }
0x56: {  	_ =	shalt  }
0x57: {  	_ =	shalt  }
0x58: {  	_ =	shalt  }
0x59: {  	_ =	shalt  }
0x5a: {  	_ =	shalt  }
0x5b: {  	_ =	shalt  }
0x5c: {  	_ =	shalt  }
0x5d: {  	_ =	shalt  }
0x5e: {  	_ =	shalt  }
0x5f: {  	_ =	shalt  }
0x60: {  	_ =	shalt  }
0x61: {  	_ =	shalt  }
0x62: {  	_ =	shalt  }
0x63: {  	_ =	shalt  }
0x64: {  	_ =	shalt  }
0x65: {  	_ =	shalt  }
0x66: {  	_ =	shalt  }
0x67: {  	_ =	shalt  }
0x68: {  	_ =	shalt  }
0x69: {  	_ =	shalt  }
0x6a: {  	_ =	shalt  }
0x6b: {  	_ =	shalt  }
0x6c: {  	_ =	shalt  }
0x6d: {  	_ =	shalt  }
0x6e: {  	_ =	shalt  }
0x6f: {  	_ =	shalt  }
0x70: {  	_ =	shalt  }
0x71: {  	_ =	shalt  }
0x72: {  	_ =	shalt  }
0x73: {  	_ =	shalt  }
0x74: {  	_ =	shalt  }
0x75: {  	_ =	shalt  }
0x76: {  	_ =	shalt  }
0x77: {  	_ =	shalt  }
0x78: {  	_ =	shalt  }
0x79: {  	_ =	shalt  }
0x7a: {  	_ =	shalt  }
0x7b: {  	_ =	shalt  }
0x7c: {  	_ =	shalt  }
0x7d: {  	_ =	shalt  }
0x7e: {  	_ =	shalt  }
0x7f: {  	_ =	shalt  }
0x80: {  	_ =	shalt  }
0x81: {  	_ =	shalt  }
0x82: {  	_ =	shalt  }
0x83: {  	_ =	shalt  }
0x84: {  	_ =	shalt  }
0x85: {  	_ =	shalt  }
0x86: {  	_ =	shalt  }
0x87: {  	_ =	shalt  }
.Lfunc_end0:
.L_simem_size_0:
called_computation_lowered:
.L_overlay_start_0:
0x88: {  	s2 =	sld [smem:$0x3FD9]  }
0x89: {  	s3 =	sld [smem:$0x3FFE];
	_ =	sdelay $0x1  }
0x8a: {  	s1 =	srdreg.scid  }
0x8b: {  	s0 =	sand.u32 $0x1, s1  }
0x8c: {  	s16 =	sshll.u32 s0, $0xA;
	s2 =	sadd.s32 s3, s2  }
0x8d: {  	s2 =	sadd.s32 s2, s16  }
0x8e: {  	[smem:$0x3FBA] =	sst s2  }
0x8f: {  	_ = 	snop  }
0x90: {  	(tm) =	ssettm $0x1  }
0x91: {  	s17 =	sld [smem:$0x3FFB];
	_ =	sdelay $0x3  }
0x92: {  	_ =	strace s17  }
0x93: {  	s2 =	sld [smem:$0x3FFC];
	_ =	sdelay $0x3  }
0x94: {  	_ =	strace s2  }
0x95: {  	s2 =	sld [smem:$0x3FFD];
	_ =	sdelay $0x3  }
0x96: {  	_ =	strace s2  }
0x97: {  	_ =	strace $0x8FFFFFFF  }
0x98: {  	s18 =	sld [smem:$0x3FDB];
	_ =	sdelay $0x1  }
0x99: {  	s19 =	simm.s32 $_scs_section_size  }
0x9a: {  	s4 =	simm.s32 $_size__tile_overlayer_lowered;
	s5 =	simm.s32 $_tile_overlayer_lowered  }
0x9b: {  	s22 =	simm.s32 $0x1BFF;
	s21 =	sshll.u32 s5, $0x1;
	s2 =	sadd.s32 s19, s18  }
0x9c: {  	s6 =	simm.s32 $0x0;
	s20 =	sshll.u32 s4, $0x1;
	s4 =	sadd.s32 s21, s2  }
0x9d: {  	[timem:s6], [sflag:s22] =	dma.local [hbm:s4], s20  }
0x9e: {  	_ =	swait.ge [sflag:s22], s20  }
0x9f: {  	s3 =	ssub.s32 $0x0, s20;
	[sflag:s22] =	ssyncset.done $0x0  }
0xa0: {  	[sflag:s22] =	ssyncadd.s32 s3;
	_ =	sdelay $0x1  }
0xa1: {  	s23 =	simm.s32 $0x1B8B  }
0xa2: {  	_ =	swait.ge [sflag:s23], $0x1  }
0xa3: {  	[sflag:s23] =	ssyncset.done $0x0  }
0xa4: {  	s25 =	simm.s32 $0x1B8E;
	s24 =	sld [smem:$0x3FFE];
	[sflag:s23] =	ssyncadd.s32 $0xFFFFFFFF  }
0xa5: {  	s26 =	simm.s32 $execute0_lowered;
	[smem:$0x3FD2] =	sst s25  }
0xa6: {  	s4 =	sshll.u32 s26, $0x1;
	_ =	strace $0x80000046;
	[dreg:$0x1] =	wrdreg $0xFFFFFFFF  }
0xa7: {  	s28 =	simm.s32 $_size_execute0_lowered;
	s2 =	sadd.s32 s2, s4;
	[dreg:$0x0] =	wrdreg $0x0  }
0xa8: {  	s4 =	sshll.u32 s28, $0x1;
	[dreg:$0x2] =	wrdreg s2  }
0xa9: {  	[dreg:$0x3] =	wrdreg s4  }
0xaa: {  	[dreg:$0x4] =	wrdreg $0xC0  }
0xab: {  	_ =	task [dreg:s6], $0x5FFFF  }
0xac: {  	[dreg:$0x1] =	wrdreg $0xFFFFFFFF  }
0xad: {  	[dreg:$0x0] =	wrdreg $0x60  }
0xae: {  	[dreg:$0x2] =	wrdreg s24  }
0xaf: {  	[dreg:$0x3] =	wrdreg $0x52800  }
0xb0: {  	[dreg:$0x4] =	wrdreg $0x9  }
0xb1: {  	_ =	task.clear_ibuf [dreg:s6], $0x5FFFF;
	_ =	strace $0x90000046  }
0xb2: {  	s29 =	simm.s32 $0x9;
	_ =	strace $0x80000048  }
0xb3: {  	_ =	swait.ge [sflag:s29], $0x1  }
0xb4: {  	[sflag:s29] =	ssyncadd.s32 $0xFFFFFFFF  }
0xb5: {  	_ =	strace $0x90000048  }
0xb6: {  	_ =	sfence  }
0xb7: {  	s30 =	sld [smem:$0x0];
	_ =	sdelay $0x2  }
0xb8: {  	s31 =	sshll.u32 s1, $0xD;
	s1 =	sshrl.u32 s1, $0x2  }
0xb9: {  	s3 =	sand.u32 $0x4000, s31;
	s1 =	sadd.s32 s1, s30  }
0xba: {  	s0 =	sor.u32 s3, s0;
	s1 =	sshll.u32 s1, $0x11  }
0xbb: {  	s0 =	sor.u32 s1, s0  }
0xbc: {  	s0 =	sadd.s32 $0x8F2B, s0  }
0xbd: {  	[sflag:s0] =	ssyncadd.remote.s32 $0x1  }
0xbe: {  	_ =	sfence.sel $0xFFFF  }
0xbf: {  	[dreg:$0x0] =	wrdreg $0xFFFFFFFF;
	(pc) =	sbr.abs _section_cstart, $3  }
0xc0: {  	[dreg:$0x1] =	wrdreg $0xFFFFFFFF  }
0xc1: {  	_ =	task.clear_ibuf [dreg:s6], $0x2FFFF;
	_ =	strace $0x9FFFFFFF  }
0xc2: {  	(tm) =	ssettm $0x7FFFFFFF  }
0xc3: {  	_ =	shalt  }
tec
execute0_lowered:
.L_overlay_start_1:
0x0: {  	(tag) =	ssettag $0x1  }
0x1: {  	s4 =	rddreg [dreg:$0x0]  }
0x2: {  	s0 =	srdreg.scid;
	s2 =	rddreg [dreg:$0x1]  }
0x3: {  	s1 =	rddreg [dreg:$0x2];
	s3 =	simm.s32 $0x0;
	s10 =	simm.s32 $0x2800  }
0x4: {  	s11 =	simm.s32 $0x5000;
	s12 =	simm.s32 $0x80;
	s5 =	sand.u32 $0x1, s0  }
0x5: {  	s15 =	simm.s32 $0x20;
	s0 =	stileid.u32;
	s6 =	smul.u32 $0x500, s5  }
0x6: {  	s16 =	simm.s32 $0x10;
	[smem:$0x7FF] =	sst s3;
	s7 =	smul.u32 $0x50, s0  }
0x7: {  	s17 =	simm.s32 $0x0;
	s30 =	smul.u32 $0x500, s0;
	_ =	strace $0x80000047  }
0x8: {  	s8 =	sshll.u32 s5, $0x7;
	s5 =	ssub.s32 $0x2, s5;
	s31 =	smul.u32 $0xA00, s0  }
0x9: {  	s13 =	sshll.u32 s0, $0x6;
	s9 =	sshrl.u32 s5, $0x1;
	s6 =	sadd.s32 s7, s6  }
0xa: {  	s13 =	sor.u32 $0x1C01, s13;
	s7 =	sor.u32 s8, s30;
	s6 =	sshll.u32 s6, $0x4  }
0xb: {  	s9 =	ssub.s32 s5, s9;
	s7 =	sshrl.u32 s7, $0x3;
	s6 =	sadd.s32 s6, s4  }
0xc: {  	s8 =	sshrl.u32 s31, $0x2;
	s7 =	sadd.s32 s7, s4;
	s4 =	sadd.s32 $0x15A00, s6  }
0xd: {  	s5 =	sadd.s32 $0x1A00, s6;
	s6 =	sadd.s32 s8, s2;
	s7 =	sadd.s32 $0x1FA00, s7  }
0xe: {  	v0 =	vimm.f32 $0.0e+00;
	s8 =	smax.u32 s9, $0x1;
	s9 =	simm.s32 $0x1;
	s14 =	sshrl.u32 s6, $0x3  }
.LBB2_1:
0xf: {  	[tilespmem:s3], [sflag:$0x1] =	stream.linear.gather [hbm4b:s4+s3], $0x2800, $0x38;
	[tilespmem:$0x5500] =	vst v63  }
0x10: {  	_ =	swait.ge [sflag:s9], $0x2800  }
0x11: {  	[sflag:s9] =	ssyncset.done $0x0  }
0x12: {  	[sflag:s9] =	ssyncadd.s32 $0xFFFFD800  }
0x13: {  	[tilespmem:s10], [sflag:$0x1] =	stream.linear.gather [hbm4b:s5+s3], $0x2800, $0x38;
	[tilespmem:$0x5500] =	vst v63  }
0x14: {  	_ =	swait.ge [sflag:s9], $0x2800  }
0x15: {  	[sflag:s9] =	ssyncset.done $0x0  }
0x16: {  	[sflag:s9] =	ssyncadd.s32 $0xFFFFD800  }
0x17: {  	[tilespmem:$0x5000] =	vst v0  }
0x18: {  	[tilespmem:$0x5010] =	vst v0  }
0x19: {  	[tilespmem:$0x5020] =	vst v0  }
0x1a: {  	[tilespmem:$0x5030] =	vst v0  }
0x1b: {  	[tilespmem:$0x5040] =	vst v0  }
0x1c: {  	[tilespmem:$0x5050] =	vst v0  }
0x1d: {  	[tilespmem:$0x5060] =	vst v0  }
0x1e: {  	[tilespmem:$0x5070] =	vst v0  }
0x1f: {  	[tilespmem:$0x5080] =	vst v0  }
0x20: {  	[tilespmem:$0x5090] =	vst v0  }
0x21: {  	[tilespmem:$0x50A0] =	vst v0  }
0x22: {  	[tilespmem:$0x50B0] =	vst v0  }
0x23: {  	[tilespmem:$0x50C0] =	vst v0  }
0x24: {  	[tilespmem:$0x50D0] =	vst v0  }
0x25: {  	[tilespmem:$0x50E0] =	vst v0  }
0x26: {  	[tilespmem:$0x50F0] =	vst v0  }
0x27: {  	[tilespmem:$0x5100] =	vst v0  }
0x28: {  	[tilespmem:$0x5110] =	vst v0  }
0x29: {  	[tilespmem:$0x5120] =	vst v0  }
0x2a: {  	[tilespmem:$0x5130] =	vst v0  }
0x2b: {  	[tilespmem:$0x5140] =	vst v0  }
0x2c: {  	[tilespmem:$0x5150] =	vst v0  }
0x2d: {  	[tilespmem:$0x5160] =	vst v0  }
0x2e: {  	[tilespmem:$0x5170] =	vst v0  }
0x2f: {  	[tilespmem:$0x5180] =	vst v0  }
0x30: {  	[tilespmem:$0x5190] =	vst v0  }
0x31: {  	[tilespmem:$0x51A0] =	vst v0  }
0x32: {  	[tilespmem:$0x51B0] =	vst v0  }
0x33: {  	[tilespmem:$0x51C0] =	vst v0  }
0x34: {  	[tilespmem:$0x51D0] =	vst v0  }
0x35: {  	[tilespmem:$0x51E0] =	vst v0  }
0x36: {  	[tilespmem:$0x51F0] =	vst v0  }
0x37: {  	[tilespmem:$0x5200] =	vst v0  }
0x38: {  	[tilespmem:$0x5210] =	vst v0  }
0x39: {  	[tilespmem:$0x5220] =	vst v0  }
0x3a: {  	[tilespmem:$0x5230] =	vst v0  }
0x3b: {  	[tilespmem:$0x5240] =	vst v0  }
0x3c: {  	[tilespmem:$0x5250] =	vst v0  }
0x3d: {  	[tilespmem:$0x5260] =	vst v0  }
0x3e: {  	[tilespmem:$0x5270] =	vst v0  }
0x3f: {  	[spmem:s6] =	stream.linear.scatter [tilespmem:s11], [sflag:$0x1], $0x280, $0x38;
	[tilespmem:$0x5500] =	vst v63  }
0x40: {  	_ =	swait.ge [sflag:s9], $0x280  }
0x41: {  	[sflag:s9] =	ssyncset.done $0x0  }
0x42: {  	[sflag:s9] =	ssyncadd.s32 $0xFFFFFD80  }
0x43: {  	s18 =	simm.s32 $0x0;
	s19 =	simm.s32 $0x2800;
	[bflag:$0x0] =	sbarrier.arrive $0xFFFF  }
0x44: {  	[spmem:s2] =	stream.indirect.scatter.add.f32 [tilespmem:s19], [sflag:$0x1], $0x1, s18, s12, $0xb8;
	[tilespmem:$0x5500] =	vst v63  }
0x45: {  	s18 =	simm.s32 $0x200;
	_ =	swait.ge [sflag:s9], $0x80  }
.LBB2_2:
0x46: {  	s19 =	sshra.s32 s18, $0x2;
	[sflag:s9] =	ssyncset.done $0x0;
	p0 =	sne.s32 s18, $0x9E00  }
.Ltmp0:
0x47: {  	s20 =	sadd.s32 $0x2800, s19;
	[sflag:s9] =	ssyncadd.s32 $0xFFFFFF80;
	(pc) =	sbr.rel @p0 .LBB2_2-.Ltmp0, $3  }
0x48: {  	[spmem:s2] =	stream.indirect.scatter.add.f32 [tilespmem:s20], [sflag:$0x1], $0x1, s19, s12, $0xb8;
	[tilespmem:$0x5500] =	vst v63  }
0x49: {  	s18 =	sadd.s32 $0x200, s18;
	_ =	sdelay $0x1  }
0x4a: {  	_ =	swait.ge [sflag:s9], $0x80  }
0x4b: {  	[sflag:s9] =	ssyncset.done $0x0;
	s17 =	sadd.s32 $0x1, s17  }
0x4c: {  	[sflag:s9] =	ssyncadd.s32 $0xFFFFFF80;
	p0 =	sne.s32 s17, s8  }
.Ltmp1:
0x4d: {  	[bflag:$0x0] =	sbarrier.arrive $0xFFFF;
	(pc) =	sbr.rel @p0 .LBB2_1-.Ltmp1, $4  }
0x4e: {  	[hbm:s7@s15], [sflag:s13] =	dma.strided [spmem:s14@s16], $0x50, s9, $0x10   }
0x4f: {  	_ =	swait.ge [sflag:s9], $0x50  }
0x50: {  	[sflag:s9] =	ssyncset.done $0x0  }
0x51: {  	[sflag:s9] =	ssyncadd.s32 $0xFFFFFFB0  }
0x52: {  	_ =	sfence.sel $0x180000  }
0x53: {  	[bflag:$0x0] =	sbarrier.arrive $0xFFFF  }
0x54: {  	p0 =	sne.s32 s0, $0x0;
	_ =	strace $0x90000047  }
0x55: {  	s0 =	sadd.s32 @!p0 $0x100000, s1;
	[bflag:$0x2] =	sbarrier.arrive $0xFFFF  }
0x56: {  	[sflag:s0] =	ssyncadd.tile.s32 @!p0 $0x1;
	_ =	shalt  }
.Lfunc_end2:
_tile_overlayer_lowered:
.L_overlay_start_2:
0x57: {  	(tag) =	ssettag $0x2  }
0x58: {  	s0 =	rddreg [dreg:$0x0];
	s2 =	stileid.u32  }
0x59: {  	s1 =	rddreg [dreg:$0x1];
	p0 =	sne.s32 s2, $0x0  }
0x5a: {  	s3 =	rddreg [dreg:$0x2];
	[bflag:$0x3] =	sbarrier.arrive $0xFFFF;
	s2 =	simm.s32 @!p0 $0x1C01  }
0x5b: {  	[timem:s3], [sflag:s2] =	dma.local @!p0 [hbm:s0], s1  }
0x5c: {  	s0 =	simm.s32 @!p0 $0x1  }
0x5d: {  	_ =	swait.ge @!p0 [sflag:s0], s1  }
0x5e: {  	s1 =	ssub.s32 @!p0 $0x0, s1;
	[sflag:s0] =	ssyncset.done @!p0 $0x0  }
0x5f: {  	[sflag:s0] =	ssyncadd.s32 @!p0 s1  }
0x60: {  	[bflag:$0x3] =	sbarrier.arrive $0xFFFF  }
0x61: {  	_ =	shalt  }

// kernel: kernel.9.cloned.1.call-start
scs
__scs_entry_jumppad:
0x0: {  	(pc) =	sbr.rel $0x88, $3  }
0x1: {  	(tag) =	ssettag $0x0;
	lr =	simm.s32 $0x1  }
0x2: {  	[smem:$0x3F93] =	sst lr;
	_ =	strace $0xD0000000  }
0x3: {  	_ = 	snop  }
0x4: {  	_ = 	snop  }
0x5: {  	_ = 	snop  }
0x6: {  	_ = 	snop  }
0x7: {  	_ = 	snop  }
__scs_overlays_trampoline_lowered:
0x8: {  	[smem:$0x3FA2] =	sst s0  }
0x9: {  	[smem:$0x3FA3] =	sst s1  }
0xa: {  	[smem:$0x3FA4] =	sst s2  }
0xb: {  	[smem:$0x3FA5] =	sst s3  }
0xc: {  	[smem:$0x3FA6] =	sst s4  }
0xd: {  	[smem:$0x3FA7] =	sst s5  }
0xe: {  	[smem:$0x3FA8] =	sst s6  }
0xf: {  	[smem:$0x3FA9] =	sst s7  }
0x10: {  	[smem:$0x3FAA] =	sst s8  }
0x11: {  	[smem:$0x3FAB] =	sst s9;
	s0 =	simm.s32 @!p0 $0x0  }
0x12: {  	s1 =	sld [smem:$0x3F91];
	s0 =	simm.s32 @p0 $0x1  }
0x13: {  	[smem:$0x3FAC] =	sst s0;
	s0 =	simm.s32 @!p1 $0x0  }
0x14: {  	s2 =	sld [smem:$0x3F90];
	s0 =	simm.s32 @p1 $0x1  }
0x15: {  	[smem:$0x3FAD] =	sst s0;
	s0 =	simm.s32 @!p2 $0x0  }
0x16: {  	s3 =	sld [smem:$0x3FDB];
	s0 =	simm.s32 @p2 $0x1  }
0x17: {  	s4 =	simm.s32 $0x1BF5;
	[smem:$0x3FAF] =	sst s0  }
0x18: {  	s0 =	sld [smem:$0x3F92];
	_ =	swait.ge [sflag:s4], $0x0  }
0x19: {  	s7 =	sld [smem:$0x3F93]  }
0x1a: {  	s8 =	sadd.s32 $0xFFFFE003, lr  }
0x1b: {  	s9 =	sadd.s32 $0xFFFFFEF7, lr;
	s5 =	simm.s32 $0xFFFFFFFF;
	p2 =	slt.u32 s8, $0xFFFFF086  }
0x1c: {  	p1 =	slt.u32 s9, $0xF7A;
	s5 =	simm.s32 @!p2 $0x0  }
0x1d: {  	s5 =	simm.s32 @p1 $0x1;
	p0 =	seq.s32 s7, s2  }
0x1e: {  	s7 =	smul.u32 @!p0 $0xF7A, s2;
	p2 =	seq.s32 @!p0 s5, $0x0  }
0x1f: {  	s9 =	smul.u32 $0xF7A, s1;
	s8 =	simm.s32 @!p0 $0x1BF5;
	p2 =	por !p2, p0  }
0x20: {  	[sflag:s8] =	ssyncset.s32 @!p0 $0xFFFFF086;
	s6 =	sadd.s32 @!p0 s3, s7;
	s7 =	simm.s32 @!p0 $0x108  }
0x21: {  	s3 =	sadd.s32 s3, s9;
	s6 =	sadd.s32 @!p0 $0x88, s6;
	s7 =	simm.s32 @p2 $0x1082  }
0x22: {  	[simem:s7], [sflag:s8] =	dma.local @!p0 [hbm:s6], $0xF7A  }
0x23: {  	s9 =	sor.u32 $0xD0000000, s2;
	s6 =	simm.s32 $0x108;
	_ =	swait.ge @!p0 [sflag:s8], $0x0  }
0x24: {  	s3 =	sadd.s32 $0x88, s3;
	s6 =	simm.s32 @!p1 $0x1082;
	[sflag:s4] =	ssyncset.s32 $0xFFFFF086  }
0x25: {  	[simem:s6], [sflag:s4] =	dma.local [hbm:s3], $0xF7A  }
0x26: {  	[smem:$0x3F93] =	sst s1;
	(tag) =	ssettag s2;
	_ =	strace s9  }
0x27: {  	s1 =	sld [smem:$0x3FA3]  }
0x28: {  	s2 =	sld [smem:$0x3FA4]  }
0x29: {  	s4 =	sld [smem:$0x3FA6]  }
0x2a: {  	p0 =	seq.s32 s5, $0x0;
	s5 =	sld [smem:$0x3FA7]  }
0x2b: {  	s6 =	sld [smem:$0x3FA8]  }
0x2c: {  	s7 =	sld [smem:$0x3FA9]  }
0x2d: {  	s3 =	simm.s32 $0x108;
	s8 =	sld [smem:$0x3FAA]  }
0x2e: {  	s3 =	simm.s32 @!p0 $0x1082;
	s9 =	sld [smem:$0x3FAB]  }
0x2f: {  	lr =	sadd.s32 s0, s3;
	s0 =	sld [smem:$0x3FA2]  }
0x30: {  	s3 =	sld [smem:$0x3FA5]  }
0x31: {  	[smem:$0x3FAE] =	sst s10  }
0x32: {  	s10 =	sld [smem:$0x3FAC];
	_ =	sdelay $0x3  }
0x33: {  	p0 =	seq.s32 s10, $0x1;
	s10 =	sld [smem:$0x3FAE];
	_ =	sdelay $0x3  }
0x34: {  	[smem:$0x3FAE] =	sst s10  }
0x35: {  	s10 =	sld [smem:$0x3FAD];
	_ =	sdelay $0x3  }
0x36: {  	p1 =	seq.s32 s10, $0x1;
	s10 =	sld [smem:$0x3FAE];
	_ =	sdelay $0x3  }
0x37: {  	[smem:$0x3FAE] =	sst s10  }
0x38: {  	s10 =	sld [smem:$0x3FAF]  }
0x39: {  	_ = 	snop;
	(pc) =	sbr.ind lr, $3  }
0x3a: {  	_ = 	snop  }
0x3b: {  	_ = 	snop  }
0x3c: {  	p2 =	seq.s32 s10, $0x1;
	s10 =	sld [smem:$0x3FAE]  }
0x3d: {  	_ =	shalt  }
0x3e: {  	_ =	shalt  }
0x3f: {  	_ =	shalt  }
0x40: {  	_ =	shalt  }
0x41: {  	_ =	shalt  }
0x42: {  	_ =	shalt  }
0x43: {  	_ =	shalt  }
0x44: {  	_ =	shalt  }
0x45: {  	_ =	shalt  }
0x46: {  	_ =	shalt  }
0x47: {  	_ =	shalt  }
0x48: {  	_ =	shalt  }
0x49: {  	_ =	shalt  }
0x4a: {  	_ =	shalt  }
0x4b: {  	_ =	shalt  }
0x4c: {  	_ =	shalt  }
0x4d: {  	_ =	shalt  }
0x4e: {  	_ =	shalt  }
0x4f: {  	_ =	shalt  }
0x50: {  	_ =	shalt  }
0x51: {  	_ =	shalt  }
0x52: {  	_ =	shalt  }
0x53: {  	_ =	shalt  }
0x54: {  	_ =	shalt  }
0x55: {  	_ =	shalt  }
0x56: {  	_ =	shalt  }
0x57: {  	_ =	shalt  }
0x58: {  	_ =	shalt  }
0x59: {  	_ =	shalt  }
0x5a: {  	_ =	shalt  }
0x5b: {  	_ =	shalt  }
0x5c: {  	_ =	shalt  }
0x5d: {  	_ =	shalt  }
0x5e: {  	_ =	shalt  }
0x5f: {  	_ =	shalt  }
0x60: {  	_ =	shalt  }
0x61: {  	_ =	shalt  }
0x62: {  	_ =	shalt  }
0x63: {  	_ =	shalt  }
0x64: {  	_ =	shalt  }
0x65: {  	_ =	shalt  }
0x66: {  	_ =	shalt  }
0x67: {  	_ =	shalt  }
0x68: {  	_ =	shalt  }
0x69: {  	_ =	shalt  }
0x6a: {  	_ =	shalt  }
0x6b: {  	_ =	shalt  }
0x6c: {  	_ =	shalt  }
0x6d: {  	_ =	shalt  }
0x6e: {  	_ =	shalt  }
0x6f: {  	_ =	shalt  }
0x70: {  	_ =	shalt  }
0x71: {  	_ =	shalt  }
0x72: {  	_ =	shalt  }
0x73: {  	_ =	shalt  }
0x74: {  	_ =	shalt  }
0x75: {  	_ =	shalt  }
0x76: {  	_ =	shalt  }
0x77: {  	_ =	shalt  }
0x78: {  	_ =	shalt  }
0x79: {  	_ =	shalt  }
0x7a: {  	_ =	shalt  }
0x7b: {  	_ =	shalt  }
0x7c: {  	_ =	shalt  }
0x7d: {  	_ =	shalt  }
0x7e: {  	_ =	shalt  }
0x7f: {  	_ =	shalt  }
0x80: {  	_ =	shalt  }
0x81: {  	_ =	shalt  }
0x82: {  	_ =	shalt  }
0x83: {  	_ =	shalt  }
0x84: {  	_ =	shalt  }
0x85: {  	_ =	shalt  }
0x86: {  	_ =	shalt  }
0x87: {  	_ =	shalt  }
.Lfunc_end0:
.L_simem_size_0:
called_computation.1_lowered:
.L_overlay_start_0:
0x88: {  	s2 =	sld [smem:$0x3FD9]  }
0x89: {  	s3 =	sld [smem:$0x3FFE];
	_ =	sdelay $0x1  }
0x8a: {  	s1 =	srdreg.scid  }
0x8b: {  	s0 =	sand.u32 $0x1, s1  }
0x8c: {  	s16 =	sshll.u32 s0, $0xA;
	s2 =	sadd.s32 s3, s2  }
0x8d: {  	s2 =	sadd.s32 s2, s16  }
0x8e: {  	[smem:$0x3FBA] =	sst s2  }
0x8f: {  	_ = 	snop  }
0x90: {  	(tm) =	ssettm $0x1  }
0x91: {  	s17 =	sld [smem:$0x3FFB];
	_ =	sdelay $0x3  }
0x92: {  	_ =	strace s17  }
0x93: {  	s2 =	sld [smem:$0x3FFC];
	_ =	sdelay $0x3  }
0x94: {  	_ =	strace s2  }
0x95: {  	s2 =	sld [smem:$0x3FFD];
	_ =	sdelay $0x3  }
0x96: {  	_ =	strace s2  }
0x97: {  	_ =	strace $0x8FFFFFFF  }
0x98: {  	s18 =	sld [smem:$0x3FDB];
	_ =	sdelay $0x1  }
0x99: {  	s19 =	simm.s32 $_scs_section_size  }
0x9a: {  	s4 =	simm.s32 $_size__tile_overlayer_lowered;
	s5 =	simm.s32 $_tile_overlayer_lowered  }
0x9b: {  	s22 =	simm.s32 $0x1BFF;
	s21 =	sshll.u32 s5, $0x1;
	s2 =	sadd.s32 s19, s18  }
0x9c: {  	s6 =	simm.s32 $0x0;
	s20 =	sshll.u32 s4, $0x1;
	s4 =	sadd.s32 s21, s2  }
0x9d: {  	[timem:s6], [sflag:s22] =	dma.local [hbm:s4], s20  }
0x9e: {  	_ =	swait.ge [sflag:s22], s20  }
0x9f: {  	s3 =	ssub.s32 $0x0, s20;
	[sflag:s22] =	ssyncset.done $0x0  }
0xa0: {  	[sflag:s22] =	ssyncadd.s32 s3;
	_ =	sdelay $0x1  }
0xa1: {  	s23 =	simm.s32 $0x1B8B  }
0xa2: {  	_ =	swait.ge [sflag:s23], $0x1  }
0xa3: {  	[sflag:s23] =	ssyncset.done $0x0  }
0xa4: {  	s25 =	simm.s32 $0x1B8E;
	s24 =	sld [smem:$0x3FFE];
	[sflag:s23] =	ssyncadd.s32 $0xFFFFFFFF  }
0xa5: {  	s26 =	simm.s32 $execute0_lowered;
	[smem:$0x3FD2] =	sst s25  }
0xa6: {  	s4 =	sshll.u32 s26, $0x1;
	_ =	strace $0x80000049;
	[dreg:$0x1] =	wrdreg $0xFFFFFFFF  }
0xa7: {  	s28 =	simm.s32 $_size_execute0_lowered;
	s2 =	sadd.s32 s2, s4;
	[dreg:$0x0] =	wrdreg $0x0  }
0xa8: {  	s4 =	sshll.u32 s28, $0x1;
	[dreg:$0x2] =	wrdreg s2  }
0xa9: {  	[dreg:$0x3] =	wrdreg s4  }
0xaa: {  	[dreg:$0x4] =	wrdreg $0xC0  }
0xab: {  	_ =	task [dreg:s6], $0x5FFFF  }
0xac: {  	[dreg:$0x1] =	wrdreg $0xFFFFFFFF  }
0xad: {  	[dreg:$0x0] =	wrdreg $0x60  }
0xae: {  	[dreg:$0x2] =	wrdreg s24  }
0xaf: {  	[dreg:$0x3] =	wrdreg $0x9  }
0xb0: {  	_ =	task.clear_ibuf [dreg:s6], $0x4FFFF;
	_ =	strace $0x90000049  }
0xb1: {  	s29 =	simm.s32 $0x9;
	_ =	strace $0x8000004B  }
0xb2: {  	_ =	swait.ge [sflag:s29], $0x1  }
0xb3: {  	[sflag:s29] =	ssyncadd.s32 $0xFFFFFFFF  }
0xb4: {  	_ =	strace $0x9000004B  }
0xb5: {  	_ =	sfence  }
0xb6: {  	s30 =	sld [smem:$0x0];
	_ =	sdelay $0x2  }
0xb7: {  	s31 =	sshll.u32 s1, $0xD;
	s1 =	sshrl.u32 s1, $0x2  }
0xb8: {  	s3 =	sand.u32 $0x4000, s31;
	s1 =	sadd.s32 s1, s30  }
0xb9: {  	s0 =	sor.u32 s3, s0;
	s1 =	sshll.u32 s1, $0x11  }
0xba: {  	s0 =	sor.u32 s1, s0  }
0xbb: {  	s0 =	sadd.s32 $0x8F2B, s0  }
0xbc: {  	[sflag:s0] =	ssyncadd.remote.s32 $0x1  }
0xbd: {  	_ =	sfence.sel $0xFFFF  }
0xbe: {  	[dreg:$0x0] =	wrdreg $0xFFFFFFFF;
	(pc) =	sbr.abs _section_cstart, $3  }
0xbf: {  	[dreg:$0x1] =	wrdreg $0xFFFFFFFF  }
0xc0: {  	_ =	task.clear_ibuf [dreg:s6], $0x2FFFF;
	_ =	strace $0x9FFFFFFF  }
0xc1: {  	(tm) =	ssettm $0x7FFFFFFF  }
tec
execute0_lowered:
.L_overlay_start_1:
0x0: {  	(tag) =	ssettag $0x1  }
0x1: {  	s0 =	srdreg.scid  }
0x2: {  	s4 =	rddreg [dreg:$0x0];
	s3 =	sand.u32 $0x1, s0  }
0x3: {  	s1 =	stileid.u32;
	s2 =	simm.s32 $0x0;
	s5 =	sshll.u32 s3, $0x4  }
0x4: {  	s9 =	simm.s32 $0x2800;
	s10 =	simm.s32 $0x5000;
	s5 =	sor.u32 s1, s5  }
0x5: {  	s11 =	simm.s32 $0x0;
	[smem:$0x7FF] =	sst s2;
	s5 =	smul.u32 $0x500, s5  }
0x6: {  	s0 =	rddreg [dreg:$0x1];
	_ =	strace $0x8000004A;
	s6 =	ssub.s32 $0x2, s3  }
0x7: {  	s3 =	sadd.s32 $0x1FA00, s4;
	s31 =	sshrl.u32 s6, $0x1;
	s7 =	sadd.s32 s5, s4  }
0x8: {  	s8 =	ssub.s32 s6, s31;
	s4 =	sadd.s32 $0xBA00, s7;
	s5 =	sadd.s32 $0x1A00, s7  }
0x9: {  	s6 =	sadd.s32 $0x20000, s7;
	s7 =	smax.u32 s8, $0x1;
	s8 =	simm.s32 $0x1  }
.LBB2_1:
0xa: {  	[tilespmem:s2], [sflag:$0x1] =	stream.linear.gather [hbm4b:s4+s2], $0x2800, $0x38;
	[tilespmem:$0x7800] =	vst v63  }
0xb: {  	_ =	swait.ge [sflag:s8], $0x2800  }
0xc: {  	[sflag:s8] =	ssyncset.done $0x0  }
0xd: {  	[sflag:s8] =	ssyncadd.s32 $0xFFFFD800  }
0xe: {  	[tilespmem:s9], [sflag:$0x1] =	stream.linear.gather [hbm4b:s5+s2], $0x2800, $0x38;
	[tilespmem:$0x7800] =	vst v63  }
0xf: {  	_ =	swait.ge [sflag:s8], $0x2800  }
0x10: {  	[sflag:s8] =	ssyncset.done $0x0  }
0x11: {  	[sflag:s8] =	ssyncadd.s32 $0xFFFFD800  }
0x12: {  	[tilespmem:s10], [sflag:$0x1] =	stream.linear.gather [hbm4b:s3+s2], $0x2800, $0x38;
	[tilespmem:$0x7800] =	vst v63  }
0x13: {  	_ =	swait.ge [sflag:s8], $0x2800  }
0x14: {  	[sflag:s8] =	ssyncset.done $0x0  }
0x15: {  	s12 =	simm.s32 $0x0;
	[sflag:s8] =	ssyncadd.s32 $0xFFFFD800  }
0x16: {  	v0 =	vld [tilespmem:s12+$0x0];
	_ =	sdelay $0x5  }
0x17: {  	v1 =	vld [tilespmem:s12+$0x10]  }
0x18: {  	v2 =	vld [tilespmem:s12+$0x2800]  }
0x19: {  	v0 =	vld.idx.msk [tilespmem:v0+s10+$0x0], $0xffff;
	_ =	sdelay $0x4  }
0x1a: {  	v0 =	vmul.f32 v2, v0;
	_ =	sdelay $0x1  }
0x1b: {  	v2 =	vld [tilespmem:s12+$0x20];
	[tilespmem:s12+$0x2800] =	vst v0  }
0x1c: {  	v0 =	vld.idx.msk [tilespmem:v1+s10+$0x0], $0xffff  }
0x1d: {  	v1 =	vld [tilespmem:s12+$0x2810];
	_ =	sdelay $0x4  }
0x1e: {  	v0 =	vmul.f32 v1, v0;
	_ =	sdelay $0x1  }
0x1f: {  	[tilespmem:s12+$0x2810] =	vst v0;
	v0 =	vld [tilespmem:s12+$0x30]  }
0x20: {  	v1 =	vld.idx.msk [tilespmem:v2+s10+$0x0], $0xffff  }
0x21: {  	v2 =	vld [tilespmem:s12+$0x2820];
	_ =	sdelay $0x4  }
0x22: {  	v1 =	vmul.f32 v2, v1  }
0x23: {  	v2 =	vld [tilespmem:s12+$0x40]  }
0x24: {  	[tilespmem:s12+$0x2820] =	vst v1;
	v1 =	vld [tilespmem:s12+$0x2830]  }
0x25: {  	v0 =	vld.idx.msk [tilespmem:v0+s10+$0x0], $0xffff;
	_ =	sdelay $0x4  }
0x26: {  	v0 =	vmul.f32 v1, v0;
	_ =	sdelay $0x1  }
0x27: {  	[tilespmem:s12+$0x2830] =	vst v0;
	v0 =	vld [tilespmem:s12+$0x50]  }
0x28: {  	v1 =	vld.idx.msk [tilespmem:v2+s10+$0x0], $0xffff  }
0x29: {  	v2 =	vld [tilespmem:s12+$0x2840];
	_ =	sdelay $0x4  }
0x2a: {  	v1 =	vmul.f32 v2, v1  }
0x2b: {  	v2 =	vld [tilespmem:s12+$0x60]  }
0x2c: {  	[tilespmem:s12+$0x2840] =	vst v1;
	v1 =	vld [tilespmem:s12+$0x2850]  }
0x2d: {  	v0 =	vld.idx.msk [tilespmem:v0+s10+$0x0], $0xffff;
	_ =	sdelay $0x4  }
0x2e: {  	v0 =	vmul.f32 v1, v0;
	_ =	sdelay $0x1  }
0x2f: {  	v1 =	vld [tilespmem:s12+$0x70];
	[tilespmem:s12+$0x2850] =	vst v0  }
0x30: {  	v0 =	vld.idx.msk [tilespmem:v2+s10+$0x0], $0xffff  }
0x31: {  	v2 =	vld [tilespmem:s12+$0x2860];
	_ =	sdelay $0x4  }
0x32: {  	v2 =	vmul.f32 v2, v0  }
0x33: {  	s14 =	simm.s32 $0x80  }
0x34: {  	v0 =	vld [tilespmem:s14+$0x0];
	[tilespmem:s12+$0x2860] =	vst v2  }
0x35: {  	s13 =	simm.s32 $0x400;
	v1 =	vld.idx.msk [tilespmem:v1+s10+$0x0], $0xffff  }
.LBB2_2:
0x36: {  	p0 =	sne.s32 s13, $0x9E00;
	v2 =	vld [tilespmem:s12+$0x2870];
	_ =	sdelay $0x4  }
0x37: {  	v1 =	vmul.f32 v2, v1;
	_ =	sdelay $0x1  }
0x38: {  	v2 =	vld [tilespmem:s14+$0x10];
	[tilespmem:s12+$0x2870] =	vst v1;
	s12 =	smov.u32 s14  }
0x39: {  	v0 =	vld.idx.msk [tilespmem:v0+s10+$0x0], $0xffff  }
0x3a: {  	v1 =	vld [tilespmem:s12+$0x2800];
	_ =	sdelay $0x4  }
0x3b: {  	v0 =	vmul.f32 v1, v0;
	_ =	sdelay $0x1  }
0x3c: {  	[tilespmem:s12+$0x2800] =	vst v0;
	v0 =	vld [tilespmem:s12+$0x20]  }
0x3d: {  	v1 =	vld.idx.msk [tilespmem:v2+s10+$0x0], $0xffff  }
0x3e: {  	v2 =	vld [tilespmem:s12+$0x2810];
	_ =	sdelay $0x4  }
0x3f: {  	v1 =	vmul.f32 v2, v1;
	_ =	sdelay $0x1  }
0x40: {  	[tilespmem:s12+$0x2810] =	vst v1;
	v1 =	vld [tilespmem:s12+$0x30]  }
0x41: {  	v0 =	vld.idx.msk [tilespmem:v0+s10+$0x0], $0xffff  }
0x42: {  	v2 =	vld [tilespmem:s12+$0x2820];
	_ =	sdelay $0x4  }
0x43: {  	v0 =	vmul.f32 v2, v0;
	_ =	sdelay $0x1  }
0x44: {  	[tilespmem:s12+$0x2820] =	vst v0;
	v0 =	vld [tilespmem:s12+$0x40]  }
0x45: {  	v1 =	vld.idx.msk [tilespmem:v1+s10+$0x0], $0xffff  }
0x46: {  	v2 =	vld [tilespmem:s12+$0x2830];
	_ =	sdelay $0x4  }
0x47: {  	v1 =	vmul.f32 v2, v1;
	_ =	sdelay $0x1  }
0x48: {  	[tilespmem:s12+$0x2830] =	vst v1;
	v1 =	vld [tilespmem:s12+$0x50]  }
0x49: {  	v0 =	vld.idx.msk [tilespmem:v0+s10+$0x0], $0xffff  }
0x4a: {  	v2 =	vld [tilespmem:s12+$0x2840];
	_ =	sdelay $0x4  }
0x4b: {  	v0 =	vmul.f32 v2, v0;
	_ =	sdelay $0x1  }
0x4c: {  	[tilespmem:s12+$0x2840] =	vst v0;
	v0 =	vld [tilespmem:s12+$0x60]  }
0x4d: {  	v1 =	vld.idx.msk [tilespmem:v1+s10+$0x0], $0xffff  }
0x4e: {  	v2 =	vld [tilespmem:s12+$0x2850];
	_ =	sdelay $0x4  }
0x4f: {  	v1 =	vmul.f32 v2, v1;
	_ =	sdelay $0x1  }
0x50: {  	[tilespmem:s12+$0x2850] =	vst v1;
	v1 =	vld [tilespmem:s12+$0x70]  }
0x51: {  	v0 =	vld.idx.msk [tilespmem:v0+s10+$0x0], $0xffff  }
0x52: {  	v2 =	vld [tilespmem:s12+$0x2860];
	_ =	sdelay $0x3  }
.Ltmp0:
0x53: {  	(pc) =	sbr.rel @p0 .LBB2_2-.Ltmp0, $4  }
0x54: {  	v2 =	vmul.f32 v2, v0  }
0x55: {  	s14 =	sshra.s32 s13, $0x2  }
0x56: {  	v0 =	vld [tilespmem:s14+$0x0];
	[tilespmem:s12+$0x2860] =	vst v2  }
0x57: {  	s13 =	sadd.s32 $0x200, s13;
	v1 =	vld.idx.msk [tilespmem:v1+s10+$0x0], $0xffff  }
0x58: {  	v2 =	vld [tilespmem:s12+$0x2870];
	_ =	sdelay $0x4  }
0x59: {  	v1 =	vmul.f32 v2, v1;
	_ =	sdelay $0x1  }
0x5a: {  	v47 =	vld [tilespmem:s14+$0x10];
	[tilespmem:s12+$0x2870] =	vst v1  }
0x5b: {  	v0 =	vld.idx.msk [tilespmem:v0+s10+$0x0], $0xffff  }
0x5c: {  	v1 =	vld [tilespmem:s14+$0x2800];
	_ =	sdelay $0x4  }
0x5d: {  	v0 =	vmul.f32 v1, v0  }
0x5e: {  	v48 =	vld [tilespmem:s14+$0x2810]  }
0x5f: {  	v49 =	vld [tilespmem:s14+$0x20];
	[tilespmem:s14+$0x2800] =	vst v0  }
0x60: {  	v0 =	vld.idx.msk [tilespmem:v47+s10+$0x0], $0xffff;
	_ =	sdelay $0x4  }
0x61: {  	v0 =	vmul.f32 v48, v0  }
0x62: {  	v50 =	vld [tilespmem:s14+$0x30]  }
0x63: {  	v52 =	vld [tilespmem:s14+$0x2820];
	[tilespmem:s14+$0x2810] =	vst v0  }
0x64: {  	v51 =	vld.idx.msk [tilespmem:v49+s10+$0x0], $0xffff;
	_ =	sdelay $0x4  }
0x65: {  	v1 =	vmul.f32 v52, v51  }
0x66: {  	v53 =	vld [tilespmem:s14+$0x2830]  }
0x67: {  	v54 =	vld [tilespmem:s14+$0x40];
	[tilespmem:s14+$0x2820] =	vst v1  }
0x68: {  	v0 =	vld.idx.msk [tilespmem:v50+s10+$0x0], $0xffff;
	_ =	sdelay $0x4  }
0x69: {  	v0 =	vmul.f32 v53, v0  }
0x6a: {  	v55 =	vld [tilespmem:s14+$0x50]  }
0x6b: {  	v57 =	vld [tilespmem:s14+$0x2840];
	[tilespmem:s14+$0x2830] =	vst v0  }
0x6c: {  	v56 =	vld.idx.msk [tilespmem:v54+s10+$0x0], $0xffff;
	_ =	sdelay $0x4  }
0x6d: {  	v1 =	vmul.f32 v57, v56  }
0x6e: {  	v58 =	vld [tilespmem:s14+$0x2850]  }
0x6f: {  	v59 =	vld [tilespmem:s14+$0x60];
	[tilespmem:s14+$0x2840] =	vst v1  }
0x70: {  	v0 =	vld.idx.msk [tilespmem:v55+s10+$0x0], $0xffff;
	_ =	sdelay $0x4  }
0x71: {  	v0 =	vmul.f32 v58, v0  }
0x72: {  	v60 =	vld [tilespmem:s14+$0x70]  }
0x73: {  	v62 =	vld [tilespmem:s14+$0x2860];
	[tilespmem:s14+$0x2850] =	vst v0  }
0x74: {  	v61 =	vld.idx.msk [tilespmem:v59+s10+$0x0], $0xffff;
	_ =	sdelay $0x4  }
0x75: {  	v1 =	vmul.f32 v62, v61;
	_ =	sdelay $0x1  }
0x76: {  	v63 =	vld [tilespmem:s14+$0x2870];
	[tilespmem:s14+$0x2860] =	vst v1  }
0x77: {  	v0 =	vld.idx.msk [tilespmem:v60+s10+$0x0], $0xffff;
	_ =	sdelay $0x4  }
0x78: {  	s11 =	sadd.s32 $0x1, s11;
	v0 =	vmul.f32 v63, v0  }
0x79: {  	p0 =	sne.s32 s11, s7  }
.Ltmp1:
0x7a: {  	[tilespmem:s14+$0x2870] =	vst v0;
	(pc) =	sbr.rel @p0 .LBB2_1-.Ltmp1, $4  }
0x7b: {  	[hbm4b:s6+s2] =	stream.linear.scatter [tilespmem:s9], [sflag:$0x1], $0x2800, $0x38;
	[tilespmem:$0x7800] =	vst v63  }
0x7c: {  	_ =	swait.ge [sflag:s8], $0x2800  }
0x7d: {  	[sflag:s8] =	ssyncset.done $0x0  }
0x7e: {  	[sflag:s8] =	ssyncadd.s32 $0xFFFFD800  }
0x7f: {  	_ =	sfence.sel $0x180000  }
0x80: {  	[bflag:$0x0] =	sbarrier.arrive $0xFFFF  }
0x81: {  	p0 =	sne.s32 s1, $0x0;
	_ =	strace $0x9000004A  }
0x82: {  	s0 =	sadd.s32 @!p0 $0x100000, s0;
	[bflag:$0x2] =	sbarrier.arrive $0xFFFF  }
0x83: {  	[sflag:s0] =	ssyncadd.tile.s32 @!p0 $0x1;
	_ =	shalt  }
.Lfunc_end2:
_tile_overlayer_lowered:
.L_overlay_start_2:
0x84: {  	(tag) =	ssettag $0x2  }
0x85: {  	s0 =	rddreg [dreg:$0x0];
	s2 =	stileid.u32  }
0x86: {  	s1 =	rddreg [dreg:$0x1];
	p0 =	sne.s32 s2, $0x0  }
0x87: {  	s3 =	rddreg [dreg:$0x2];
	[bflag:$0x3] =	sbarrier.arrive $0xFFFF;
	s2 =	simm.s32 @!p0 $0x1C01  }
0x88: {  	[timem:s3], [sflag:s2] =	dma.local @!p0 [hbm:s0], s1  }
0x89: {  	s0 =	simm.s32 @!p0 $0x1  }
0x8a: {  	_ =	swait.ge @!p0 [sflag:s0], s1  }
0x8b: {  	s1 =	ssub.s32 @!p0 $0x0, s1;
	[sflag:s0] =	ssyncset.done @!p0 $0x0  }
0x8c: {  	[sflag:s0] =	ssyncadd.s32 @!p0 s1  }
0x8d: {  	[bflag:$0x3] =	sbarrier.arrive $0xFFFF  }
0x8e: {  	_ =	shalt  }

</sc_bundles>
